<compile_context>
chip_gen: v7x
topology: tpu7x:2x2x1
jax: 0.10.2.dev20260603
libtpu: 0.0.44.dev20260713+nightly
codegen_flags: <defaults>
</compile_context>

<pallas_src>
import functools

import jax
import jax.numpy as jnp
from jax import lax
from jax.experimental import pallas as pl
from jax.experimental.pallas import tpu as pltpu
from jax.experimental.pallas import tpu_sc as plsc

NC = 2
NS = 16
NW = NC * NS

XB = 16
NBUF = 4


def _make_sc_kernel(B, S, D, dtype):
    rows_per_w = S // NW
    nsub = rows_per_w // XB
    nblocks = nsub * B
    mesh = plsc.VectorSubcoreMesh(core_axis_name="c", subcore_axis_name="s")

    @functools.partial(
        pl.kernel,
        mesh=mesh,
        out_type=jax.ShapeDtypeStruct((B, S, D), dtype),
        scratch_types=[
            pltpu.VMEM((2 * XB, D), dtype),
            pltpu.VMEM((XB, D), dtype),
            pltpu.VMEM((XB, D), dtype),
            pltpu.VMEM((XB, D), dtype),
            pltpu.VMEM((XB, D), dtype),
            pltpu.SemaphoreType.DMA,
            pltpu.SemaphoreType.DMA,
            pltpu.SemaphoreType.DMA,
            pltpu.SemaphoreType.DMA,
            pltpu.SemaphoreType.DMA,
            pltpu.SemaphoreType.DMA,
            pltpu.SemaphoreType.DMA,
            pltpu.SemaphoreType.DMA,
            pltpu.SemaphoreType.DMA,
        ],
    )
    def k(x_hbm, pos_hbm, out_hbm, pos_buf, xb0, xb1, xb2, xb3,
          psem, ls0, ls1, ls2, ls3, ss0, ss1, ss2, ss3):
        xbufs = (xb0, xb1, xb2, xb3)
        lsems = (ls0, ls1, ls2, ls3)
        ssems = (ss0, ss1, ss2, ss3)
        wid = lax.axis_index("s") * NC + lax.axis_index("c")
        s0 = wid * rows_per_w

        def compute_block(xbuf, h):
            @plsc.parallel_loop(0, XB, step=1, unroll=4)
            def row_body(r):
                pr = h + r
                for u in range(D // 16):
                    v = pos_buf[pr, pl.ds(u * 16, 16)]
                    plsc.addupdate(xbuf.at[r, pl.ds(u * 16, 16)], v)

        def wait_pos():
            pltpu.make_async_copy(
                pos_hbm.at[pl.ds(0, XB), :],
                pos_buf.at[pl.ds(0, XB), :], psem,
            ).wait()

        pltpu.async_copy(
            pos_hbm.at[pl.ds(s0, XB), :], pos_buf.at[pl.ds(0, XB), :], psem
        )
        for g in range(2):
            pltpu.async_copy(
                x_hbm.at[g, pl.ds(s0, XB), :], xbufs[g], lsems[g]
            )

        def sub_body(sub, _):
            h = (sub & 1) * XB
            rows = s0 + sub * XB
            wait_pos()

            def pos_prefetch():
                nxt = sub + 1
                pltpu.async_copy(
                    pos_hbm.at[pl.ds(s0 + nxt * XB, XB), :],
                    pos_buf.at[pl.ds((nxt & 1) * XB, XB), :], psem,
                )

            pl.when(sub + 1 < nsub)(pos_prefetch)

            for p in range(B):
                g = sub * B + p
                q = (p + 2) % NBUF

                pltpu.make_async_copy(
                    x_hbm.at[0, pl.ds(0, XB), :], xbufs[p], lsems[p]
                ).wait()

                def prefetch(g=g, q=q):
                    g2 = g + 2
                    b2 = g2 & (B - 1)
                    rows2 = s0 + (g2 >> 2) * XB

                    def wait_store(q=q):
                        pltpu.make_async_copy(
                            xbufs[q], out_hbm.at[0, pl.ds(0, XB), :], ssems[q]
                        ).wait()

                    pl.when(g >= 2)(wait_store)
                    pltpu.async_copy(
                        x_hbm.at[b2, pl.ds(rows2, XB), :], xbufs[q], lsems[q]
                    )

                pl.when(g + 2 < nblocks)(prefetch)

                compute_block(xbufs[p], h)
                pltpu.async_copy(
                    xbufs[p], out_hbm.at[p, pl.ds(rows, XB), :], ssems[p]
                )
            return 0

        lax.fori_loop(0, nsub, sub_body, 0)

        for p in range(NBUF):
            pltpu.make_async_copy(
                xbufs[p], out_hbm.at[0, pl.ds(0, XB), :], ssems[p]
            ).wait()

    return k


def kernel(x, pos_table):
    B, S, D = x.shape
    pos = pos_table[:S]
    return _make_sc_kernel(B, S, D, x.dtype)(x, pos)

# --- scband reference (transcript-rebuilt; emitter-appended) ---
"""Pipeline reference for scband-learnable-positional-encoding-55482387529930 (READ-ONLY COPY).

The authoritative reference and input builder live on the scoring server;
editing this copy changes nothing except your own understanding.
"""

import jax, jax.numpy as jnp
import numpy as np

NUM_EMBEDDING = 8192
D_MODEL = 1024
B, S = 4, 8192

def setup_inputs(seed: int = 0) -> dict:
    key = jax.random.key(seed)
    k1, k2 = jax.random.split(key)
    x = jax.random.normal(k1, (B, S, D_MODEL), dtype=jnp.float32)
    # nn.Embedding default init: N(0, 1)
    pos_table = jax.random.normal(k2, (NUM_EMBEDDING, D_MODEL), dtype=jnp.float32)
    return {"x": x, "pos_table": pos_table}

def reference(x, pos_table):
    batch_size, seq_len, _ = x.shape
    positions = jnp.arange(seq_len)
    positions = jnp.broadcast_to(positions[None, :], (batch_size, seq_len))
    pos_enc = jnp.take(pos_table, positions, axis=0)  # [B, S, d_model]
    return x + pos_enc

if __name__ == "__main__":
    import jax
    _d = setup_inputs()
    print(jax.jit(kernel)(*tuple(_d.values())))

</pallas_src>

<mosaic_0001>
#map = affine_map<(d0, d1) -> (0, 0, 0)>
#map1 = affine_map<(d0, d1) -> (0, 0)>
module attributes {stable_mosaic.version = 14 : i64} {
  func.func @k(%arg0: i32, %arg1: i32, %arg2: memref<4x8192x1024xf32, #tpu.memory_space<hbm>>, %arg3: memref<8192x1024xf32, #tpu.memory_space<hbm>>, %arg4: memref<4x8192x1024xf32, #tpu.memory_space<hbm>>, %arg5: memref<32x1024xf32, #tpu.memory_space<vmem>>, %arg6: memref<16x1024xf32, #tpu.memory_space<vmem>>, %arg7: memref<16x1024xf32, #tpu.memory_space<vmem>>, %arg8: memref<16x1024xf32, #tpu.memory_space<vmem>>, %arg9: memref<16x1024xf32, #tpu.memory_space<vmem>>, %arg10: memref<!tpu.dma_semaphore, #tpu.memory_space<semaphore_mem>>, %arg11: memref<!tpu.dma_semaphore, #tpu.memory_space<semaphore_mem>>, %arg12: memref<!tpu.dma_semaphore, #tpu.memory_space<semaphore_mem>>, %arg13: memref<!tpu.dma_semaphore, #tpu.memory_space<semaphore_mem>>, %arg14: memref<!tpu.dma_semaphore, #tpu.memory_space<semaphore_mem>>, %arg15: memref<!tpu.dma_semaphore, #tpu.memory_space<semaphore_mem>>, %arg16: memref<!tpu.dma_semaphore, #tpu.memory_space<semaphore_mem>>, %arg17: memref<!tpu.dma_semaphore, #tpu.memory_space<semaphore_mem>>, %arg18: memref<!tpu.dma_semaphore, #tpu.memory_space<semaphore_mem>>) attributes {dimension_semantics = [#tpu.dimension_semantics<core_parallel>, #tpu.dimension_semantics<subcore_parallel>], iteration_bounds = array<i64: 2, 16>, scalar_prefetch = 0 : i64, scratch_operands = 14 : i64, tpu.core_type = #tpu.core_type<sc_vector_subcore>, window_params = [{transform_indices = #map}, {transform_indices = #map1}, {transform_indices = #map}]} {
    %mul3A = arith.constant 2 : i32
    %mul3A_0 = arith.muli %arg1, %mul3A : i32
    %add3A = arith.addi %mul3A_0, %arg0 : i32
    %mul3A_1 = arith.constant 256 : i32
    %mul3A_2 = arith.muli %add3A, %mul3A_1 : i32
    %dma_start3A = arith.constant 0 : i32
    %dma_start3A_3 = arith.constant 0 : i32
    %dma_start3A_4 = tpu.memref_slice %arg5[%dma_start3A, %dma_start3A_3] : memref<32x1024xf32, #tpu.memory_space<vmem>> -> memref<16x1024xf32, #tpu.memory_space<vmem>>
    %dma_start3A_5 = arith.constant 0 : i32
    %dma_start3A_6 = tpu.memref_slice %arg3[%mul3A_2, %dma_start3A_5] : memref<8192x1024xf32, #tpu.memory_space<hbm>> -> memref<16x1024xf32, #tpu.memory_space<hbm>>
    %dma_start3A_7 = arith.constant 0 : i32
    %dma_start3A_8 = arith.constant 0 : i32
    %dma_start3A_9 = tpu.memref_slice %arg5[%dma_start3A_7, %dma_start3A_8] : memref<32x1024xf32, #tpu.memory_space<vmem>> -> memref<16x1024xf32, #tpu.memory_space<vmem>>
    %dma_start3A_10 = arith.constant 0 : i32
    %dma_start3A_11 = tpu.memref_slice %arg3[%mul3A_2, %dma_start3A_10] : memref<8192x1024xf32, #tpu.memory_space<hbm>> -> memref<16x1024xf32, #tpu.memory_space<hbm>>
    tpu.enqueue_dma source(%dma_start3A_11 : memref<16x1024xf32, #tpu.memory_space<hbm>>) target(%dma_start3A_9 : memref<16x1024xf32, #tpu.memory_space<vmem>>) target_semaphore(%arg10 : memref<!tpu.dma_semaphore, #tpu.memory_space<semaphore_mem>>)
    %dma_start3A_12 = arith.constant 0 : i32
    %dma_start3A_13 = arith.constant 0 : i32
    %dma_start3A_14 = tpu.memref_slice %arg2[%dma_start3A_12, %mul3A_2, %dma_start3A_13] : memref<4x8192x1024xf32, #tpu.memory_space<hbm>> -> memref<1x16x1024xf32, #tpu.memory_space<hbm>>
    %dma_start3A_15 = tpu.memref_squeeze %dma_start3A_14 : memref<1x16x1024xf32, #tpu.memory_space<hbm>> -> memref<16x1024xf32, #tpu.memory_space<hbm>>
    %dma_start3A_16 = arith.constant 0 : i32
    %dma_start3A_17 = tpu.memref_slice %arg2[%dma_start3A_12, %mul3A_2, %dma_start3A_16] : memref<4x8192x1024xf32, #tpu.memory_space<hbm>> -> memref<1x16x1024xf32, #tpu.memory_space<hbm>>
    %dma_start3A_18 = tpu.memref_squeeze %dma_start3A_17 : memref<1x16x1024xf32, #tpu.memory_space<hbm>> -> memref<16x1024xf32, #tpu.memory_space<hbm>>
    tpu.enqueue_dma source(%dma_start3A_18 : memref<16x1024xf32, #tpu.memory_space<hbm>>) target(%arg6 : memref<16x1024xf32, #tpu.memory_space<vmem>>) target_semaphore(%arg11 : memref<!tpu.dma_semaphore, #tpu.memory_space<semaphore_mem>>)
    %dma_start3A_19 = arith.constant 1 : i32
    %dma_start3A_20 = arith.constant 0 : i32
    %dma_start3A_21 = tpu.memref_slice %arg2[%dma_start3A_19, %mul3A_2, %dma_start3A_20] : memref<4x8192x1024xf32, #tpu.memory_space<hbm>> -> memref<1x16x1024xf32, #tpu.memory_space<hbm>>
    %dma_start3A_22 = tpu.memref_squeeze %dma_start3A_21 : memref<1x16x1024xf32, #tpu.memory_space<hbm>> -> memref<16x1024xf32, #tpu.memory_space<hbm>>
    %dma_start3A_23 = arith.constant 0 : i32
    %dma_start3A_24 = tpu.memref_slice %arg2[%dma_start3A_19, %mul3A_2, %dma_start3A_23] : memref<4x8192x1024xf32, #tpu.memory_space<hbm>> -> memref<1x16x1024xf32, #tpu.memory_space<hbm>>
    %dma_start3A_25 = tpu.memref_squeeze %dma_start3A_24 : memref<1x16x1024xf32, #tpu.memory_space<hbm>> -> memref<16x1024xf32, #tpu.memory_space<hbm>>
    tpu.enqueue_dma source(%dma_start3A_25 : memref<16x1024xf32, #tpu.memory_space<hbm>>) target(%arg7 : memref<16x1024xf32, #tpu.memory_space<vmem>>) target_semaphore(%arg12 : memref<!tpu.dma_semaphore, #tpu.memory_space<semaphore_mem>>)
    %scan3A = arith.constant 0 : i32
    %scan3A_26 = arith.constant 0 : i32
    %scan3A_27 = arith.constant 16 : i32
    %scan3A_28 = arith.addi %scan3A_26, %scan3A_27 : i32
    %scan3A_29 = arith.constant 1 : i32
    %scan3A_30 = scf.for %scan3A_67 = %scan3A_26 to %scan3A_28 step %scan3A_29 iter_args(%scan3A_68 = %scan3A) -> (i32)  : i32 {
      %and3A = arith.constant 1 : i32
      %and3A_69 = arith.andi %scan3A_67, %and3A : i32
      %mul3A_70 = arith.constant 16 : i32
      %mul3A_71 = arith.muli %and3A_69, %mul3A_70 : i32
      %mul3A_72 = arith.constant 16 : i32
      %mul3A_73 = arith.muli %scan3A_67, %mul3A_72 : i32
      %add3A_74 = arith.addi %mul3A_2, %mul3A_73 : i32
      %dma_wait3A_75 = arith.constant 0 : i32
      %dma_wait3A_76 = arith.constant 0 : i32
      %dma_wait3A_77 = tpu.memref_slice %arg5[%dma_wait3A_75, %dma_wait3A_76] : memref<32x1024xf32, #tpu.memory_space<vmem>> -> memref<16x1024xf32, #tpu.memory_space<vmem>>
      %dma_wait3A_78 = arith.constant 0 : i32
      %dma_wait3A_79 = arith.constant 0 : i32
      %dma_wait3A_80 = tpu.memref_slice %arg3[%dma_wait3A_78, %dma_wait3A_79] : memref<8192x1024xf32, #tpu.memory_space<hbm>> -> memref<16x1024xf32, #tpu.memory_space<hbm>>
      %dma_wait3A_81 = arith.constant 0 : i32
      %dma_wait3A_82 = arith.constant 0 : i32
      %dma_wait3A_83 = tpu.memref_slice %arg5[%dma_wait3A_81, %dma_wait3A_82] : memref<32x1024xf32, #tpu.memory_space<vmem>> -> memref<16x1024xf32, #tpu.memory_space<vmem>>
      %dma_wait3A_84 = arith.constant 0 : i32
      %dma_wait3A_85 = arith.constant 0 : i32
      %dma_wait3A_86 = tpu.memref_slice %arg3[%dma_wait3A_84, %dma_wait3A_85] : memref<8192x1024xf32, #tpu.memory_space<hbm>> -> memref<16x1024xf32, #tpu.memory_space<hbm>>
      tpu.wait_dma2 semaphore(%arg10 : memref<!tpu.dma_semaphore, #tpu.memory_space<semaphore_mem>>) src(%dma_wait3A_86 : memref<16x1024xf32, #tpu.memory_space<hbm>>) dst(%dma_wait3A_83 : memref<16x1024xf32, #tpu.memory_space<vmem>>)
      %add3A_87 = arith.constant 1 : i32
      %add3A_88 = arith.addi %scan3A_67, %add3A_87 : i32
      %lt3A = arith.constant 16 : i32
      %lt3A_89 = arith.cmpi slt, %add3A_88, %lt3A : i32
      %convert_element_type3A = arith.extui %lt3A_89 : i1 to i32
      %cond3A = arith.constant 0 : i32
      %cond3A_90 = arith.cmpi ne, %convert_element_type3A, %cond3A : i32
      scf.if %cond3A_90 {
        %add3A_211 = arith.constant 1 : i32
        %add3A_212 = arith.addi %scan3A_67, %add3A_211 : i32
        %mul3A_213 = arith.constant 16 : i32
        %mul3A_214 = arith.muli %add3A_212, %mul3A_213 : i32
        %add3A_215 = arith.addi %mul3A_2, %mul3A_214 : i32
        %and3A_216 = arith.constant 1 : i32
        %and3A_217 = arith.andi %add3A_212, %and3A_216 : i32
        %mul3A_218 = arith.constant 16 : i32
        %mul3A_219 = arith.muli %and3A_217, %mul3A_218 : i32
        %dma_start3A_220 = arith.constant 0 : i32
        %dma_start3A_221 = tpu.memref_slice %arg5[%mul3A_219, %dma_start3A_220] : memref<32x1024xf32, #tpu.memory_space<vmem>> -> memref<16x1024xf32, #tpu.memory_space<vmem>>
        %dma_start3A_222 = arith.constant 0 : i32
        %dma_start3A_223 = tpu.memref_slice %arg3[%add3A_215, %dma_start3A_222] : memref<8192x1024xf32, #tpu.memory_space<hbm>> -> memref<16x1024xf32, #tpu.memory_space<hbm>>
        %dma_start3A_224 = arith.constant 0 : i32
        %dma_start3A_225 = tpu.memref_slice %arg5[%mul3A_219, %dma_start3A_224] : memref<32x1024xf32, #tpu.memory_space<vmem>> -> memref<16x1024xf32, #tpu.memory_space<vmem>>
        %dma_start3A_226 = arith.constant 0 : i32
        %dma_start3A_227 = tpu.memref_slice %arg3[%add3A_215, %dma_start3A_226] : memref<8192x1024xf32, #tpu.memory_space<hbm>> -> memref<16x1024xf32, #tpu.memory_space<hbm>>
        tpu.enqueue_dma source(%dma_start3A_227 : memref<16x1024xf32, #tpu.memory_space<hbm>>) target(%dma_start3A_225 : memref<16x1024xf32, #tpu.memory_space<vmem>>) target_semaphore(%arg10 : memref<!tpu.dma_semaphore, #tpu.memory_space<semaphore_mem>>)
      } else {
      }
      %mul3A_91 = arith.constant 4 : i32
      %mul3A_92 = arith.muli %scan3A_67, %mul3A_91 : i32
      %add3A_93 = arith.constant 0 : i32
      %add3A_94 = arith.addi %mul3A_92, %add3A_93 : i32
      %dma_wait3A_95 = arith.constant 0 : i32
      %dma_wait3A_96 = arith.constant 0 : i32
      %dma_wait3A_97 = arith.constant 0 : i32
      %dma_wait3A_98 = tpu.memref_slice %arg2[%dma_wait3A_95, %dma_wait3A_96, %dma_wait3A_97] : memref<4x8192x1024xf32, #tpu.memory_space<hbm>> -> memref<1x16x1024xf32, #tpu.memory_space<hbm>>
      %dma_wait3A_99 = tpu.memref_squeeze %dma_wait3A_98 : memref<1x16x1024xf32, #tpu.memory_space<hbm>> -> memref<16x1024xf32, #tpu.memory_space<hbm>>
      %dma_wait3A_100 = arith.constant 0 : i32
      %dma_wait3A_101 = arith.constant 0 : i32
      %dma_wait3A_102 = tpu.memref_slice %arg2[%dma_wait3A_95, %dma_wait3A_100, %dma_wait3A_101] : memref<4x8192x1024xf32, #tpu.memory_space<hbm>> -> memref<1x16x1024xf32, #tpu.memory_space<hbm>>
      %dma_wait3A_103 = tpu.memref_squeeze %dma_wait3A_102 : memref<1x16x1024xf32, #tpu.memory_space<hbm>> -> memref<16x1024xf32, #tpu.memory_space<hbm>>
      tpu.wait_dma2 semaphore(%arg11 : memref<!tpu.dma_semaphore, #tpu.memory_space<semaphore_mem>>) src(%dma_wait3A_103 : memref<16x1024xf32, #tpu.memory_space<hbm>>) dst(%arg6 : memref<16x1024xf32, #tpu.memory_space<vmem>>)
      %add3A_104 = arith.constant 2 : i32
      %add3A_105 = arith.addi %add3A_94, %add3A_104 : i32
      %lt3A_106 = arith.constant 64 : i32
      %lt3A_107 = arith.cmpi slt, %add3A_105, %lt3A_106 : i32
      %convert_element_type3A_108 = arith.extui %lt3A_107 : i1 to i32
      %cond3A_109 = arith.constant 0 : i32
      %cond3A_110 = arith.cmpi ne, %convert_element_type3A_108, %cond3A_109 : i32
      scf.if %cond3A_110 {
        %add3A_211 = arith.constant 2 : i32
        %add3A_212 = arith.addi %add3A_94, %add3A_211 : i32
        %and3A_213 = arith.constant 3 : i32
        %and3A_214 = arith.andi %add3A_212, %and3A_213 : i32
        %shift_right_arithmetic3A = arith.constant 2 : i32
        %shift_right_arithmetic3A_215 = arith.shrsi %add3A_212, %shift_right_arithmetic3A : i32
        %mul3A_216 = arith.constant 16 : i32
        %mul3A_217 = arith.muli %shift_right_arithmetic3A_215, %mul3A_216 : i32
        %add3A_218 = arith.addi %mul3A_2, %mul3A_217 : i32
        %ge3A = arith.constant 2 : i32
        %ge3A_219 = arith.cmpi sge, %add3A_94, %ge3A : i32
        %convert_element_type3A_220 = arith.extui %ge3A_219 : i1 to i32
        %cond3A_221 = arith.constant 0 : i32
        %cond3A_222 = arith.cmpi ne, %convert_element_type3A_220, %cond3A_221 : i32
        scf.if %cond3A_222 {
          %dma_wait3A_229 = arith.constant 0 : i32
          %dma_wait3A_230 = arith.constant 0 : i32
          %dma_wait3A_231 = arith.constant 0 : i32
          %dma_wait3A_232 = tpu.memref_slice %arg4[%dma_wait3A_229, %dma_wait3A_230, %dma_wait3A_231] : memref<4x8192x1024xf32, #tpu.memory_space<hbm>> -> memref<1x16x1024xf32, #tpu.memory_space<hbm>>
          %dma_wait3A_233 = tpu.memref_squeeze %dma_wait3A_232 : memref<1x16x1024xf32, #tpu.memory_space<hbm>> -> memref<16x1024xf32, #tpu.memory_space<hbm>>
          %dma_wait3A_234 = arith.constant 0 : i32
          %dma_wait3A_235 = arith.constant 0 : i32
          %dma_wait3A_236 = tpu.memref_slice %arg4[%dma_wait3A_229, %dma_wait3A_234, %dma_wait3A_235] : memref<4x8192x1024xf32, #tpu.memory_space<hbm>> -> memref<1x16x1024xf32, #tpu.memory_space<hbm>>
          %dma_wait3A_237 = tpu.memref_squeeze %dma_wait3A_236 : memref<1x16x1024xf32, #tpu.memory_space<hbm>> -> memref<16x1024xf32, #tpu.memory_space<hbm>>
          tpu.wait_dma2 semaphore(%arg17 : memref<!tpu.dma_semaphore, #tpu.memory_space<semaphore_mem>>) src(%arg8 : memref<16x1024xf32, #tpu.memory_space<vmem>>) dst(%dma_wait3A_237 : memref<16x1024xf32, #tpu.memory_space<hbm>>)
        } else {
        }
        %dma_start3A_223 = arith.constant 0 : i32
        %dma_start3A_224 = tpu.memref_slice %arg2[%and3A_214, %add3A_218, %dma_start3A_223] : memref<4x8192x1024xf32, #tpu.memory_space<hbm>> -> memref<1x16x1024xf32, #tpu.memory_space<hbm>>
        %dma_start3A_225 = tpu.memref_squeeze %dma_start3A_224 : memref<1x16x1024xf32, #tpu.memory_space<hbm>> -> memref<16x1024xf32, #tpu.memory_space<hbm>>
        %dma_start3A_226 = arith.constant 0 : i32
        %dma_start3A_227 = tpu.memref_slice %arg2[%and3A_214, %add3A_218, %dma_start3A_226] : memref<4x8192x1024xf32, #tpu.memory_space<hbm>> -> memref<1x16x1024xf32, #tpu.memory_space<hbm>>
        %dma_start3A_228 = tpu.memref_squeeze %dma_start3A_227 : memref<1x16x1024xf32, #tpu.memory_space<hbm>> -> memref<16x1024xf32, #tpu.memory_space<hbm>>
        tpu.enqueue_dma source(%dma_start3A_228 : memref<16x1024xf32, #tpu.memory_space<hbm>>) target(%arg8 : memref<16x1024xf32, #tpu.memory_space<vmem>>) target_semaphore(%arg13 : memref<!tpu.dma_semaphore, #tpu.memory_space<semaphore_mem>>)
      } else {
      }
      %parallel_loop3A = arith.constant 0 : i32
      %parallel_loop3A_111 = arith.constant 16 : i32
      %parallel_loop3A_112 = arith.constant 1 : i32
      scf.for %parallel_loop3A_211 = %parallel_loop3A to %parallel_loop3A_111 step %parallel_loop3A_112  : i32 {
        %parallel_loop3A_212 = arith.addi %mul3A_71, %parallel_loop3A_211 : i32
        %parallel_loop3A_213 = arith.index_cast %parallel_loop3A_212 : i32 to index
        %parallel_loop3A_214 = arith.constant 0 : index
        %parallel_loop3A_215 = tpu.vector_load %arg5[%parallel_loop3A_213, %parallel_loop3A_214] {strides = array<i32>} : memref<32x1024xf32, #tpu.memory_space<vmem>>, vector<1x16xf32>,
        %parallel_loop3A_216 = vector.shape_cast %parallel_loop3A_215 : vector<1x16xf32> to vector<16xf32>
        %parallel_loop3A_217 = arith.index_cast %parallel_loop3A_211 : i32 to index
        %parallel_loop3A_218 = arith.constant 0 : index
        %parallel_loop3A_219 = tpu.vector_load %arg6[%parallel_loop3A_217, %parallel_loop3A_218] {strides = array<i32>} : memref<16x1024xf32, #tpu.memory_space<vmem>>, vector<1x16xf32>,
        %parallel_loop3A_220 = vector.shape_cast %parallel_loop3A_219 : vector<1x16xf32> to vector<16xf32>
        %parallel_loop3A_221 = vector.shape_cast %parallel_loop3A_216 : vector<16xf32> to vector<1x16xf32>
        tpu.vector_store %arg6[%parallel_loop3A_217, %parallel_loop3A_218], %parallel_loop3A_221 {add = true, strides = array<i32>} : memref<16x1024xf32, #tpu.memory_space<vmem>>, vector<1x16xf32>,
        %parallel_loop3A_222 = arith.index_cast %parallel_loop3A_212 : i32 to index
        %parallel_loop3A_223 = arith.constant 16 : index
        %parallel_loop3A_224 = tpu.vector_load %arg5[%parallel_loop3A_222, %parallel_loop3A_223] {strides = array<i32>} : memref<32x1024xf32, #tpu.memory_space<vmem>>, vector<1x16xf32>,
        %parallel_loop3A_225 = vector.shape_cast %parallel_loop3A_224 : vector<1x16xf32> to vector<16xf32>
        %parallel_loop3A_226 = arith.index_cast %parallel_loop3A_211 : i32 to index
        %parallel_loop3A_227 = arith.constant 16 : index
        %parallel_loop3A_228 = tpu.vector_load %arg6[%parallel_loop3A_226, %parallel_loop3A_227] {strides = array<i32>} : memref<16x1024xf32, #tpu.memory_space<vmem>>, vector<1x16xf32>,
        %parallel_loop3A_229 = vector.shape_cast %parallel_loop3A_228 : vector<1x16xf32> to vector<16xf32>
        %parallel_loop3A_230 = vector.shape_cast %parallel_loop3A_225 : vector<16xf32> to vector<1x16xf32>
        tpu.vector_store %arg6[%parallel_loop3A_226, %parallel_loop3A_227], %parallel_loop3A_230 {add = true, strides = array<i32>} : memref<16x1024xf32, #tpu.memory_space<vmem>>, vector<1x16xf32>,
        %parallel_loop3A_231 = arith.index_cast %parallel_loop3A_212 : i32 to index
        %parallel_loop3A_232 = arith.constant 32 : index
        %parallel_loop3A_233 = tpu.vector_load %arg5[%parallel_loop3A_231, %parallel_loop3A_232] {strides = array<i32>} : memref<32x1024xf32, #tpu.memory_space<vmem>>, vector<1x16xf32>,
        %parallel_loop3A_234 = vector.shape_cast %parallel_loop3A_233 : vector<1x16xf32> to vector<16xf32>
        %parallel_loop3A_235 = arith.index_cast %parallel_loop3A_211 : i32 to index
        %parallel_loop3A_236 = arith.constant 32 : index
        %parallel_loop3A_237 = tpu.vector_load %arg6[%parallel_loop3A_235, %parallel_loop3A_236] {strides = array<i32>} : memref<16x1024xf32, #tpu.memory_space<vmem>>, vector<1x16xf32>,
        %parallel_loop3A_238 = vector.shape_cast %parallel_loop3A_237 : vector<1x16xf32> to vector<16xf32>
        %parallel_loop3A_239 = vector.shape_cast %parallel_loop3A_234 : vector<16xf32> to vector<1x16xf32>
        tpu.vector_store %arg6[%parallel_loop3A_235, %parallel_loop3A_236], %parallel_loop3A_239 {add = true, strides = array<i32>} : memref<16x1024xf32, #tpu.memory_space<vmem>>, vector<1x16xf32>,
        %parallel_loop3A_240 = arith.index_cast %parallel_loop3A_212 : i32 to index
        %parallel_loop3A_241 = arith.constant 48 : index
        %parallel_loop3A_242 = tpu.vector_load %arg5[%parallel_loop3A_240, %parallel_loop3A_241] {strides = array<i32>} : memref<32x1024xf32, #tpu.memory_space<vmem>>, vector<1x16xf32>,
        %parallel_loop3A_243 = vector.shape_cast %parallel_loop3A_242 : vector<1x16xf32> to vector<16xf32>
        %parallel_loop3A_244 = arith.index_cast %parallel_loop3A_211 : i32 to index
        %parallel_loop3A_245 = arith.constant 48 : index
        %parallel_loop3A_246 = tpu.vector_load %arg6[%parallel_loop3A_244, %parallel_loop3A_245] {strides = array<i32>} : memref<16x1024xf32, #tpu.memory_space<vmem>>, vector<1x16xf32>,
        %parallel_loop3A_247 = vector.shape_cast %parallel_loop3A_246 : vector<1x16xf32> to vector<16xf32>
        %parallel_loop3A_248 = vector.shape_cast %parallel_loop3A_243 : vector<16xf32> to vector<1x16xf32>
        tpu.vector_store %arg6[%parallel_loop3A_244, %parallel_loop3A_245], %parallel_loop3A_248 {add = true, strides = array<i32>} : memref<16x1024xf32, #tpu.memory_space<vmem>>, vector<1x16xf32>,
        %parallel_loop3A_249 = arith.index_cast %parallel_loop3A_212 : i32 to index
        %parallel_loop3A_250 = arith.constant 64 : index
        %parallel_loop3A_251 = tpu.vector_load %arg5[%parallel_loop3A_249, %parallel_loop3A_250] {strides = array<i32>} : memref<32x1024xf32, #tpu.memory_space<vmem>>, vector<1x16xf32>,
        %parallel_loop3A_252 = vector.shape_cast %parallel_loop3A_251 : vector<1x16xf32> to vector<16xf32>
        %parallel_loop3A_253 = arith.index_cast %parallel_loop3A_211 : i32 to index
        %parallel_loop3A_254 = arith.constant 64 : index
        %parallel_loop3A_255 = tpu.vector_load %arg6[%parallel_loop3A_253, %parallel_loop3A_254] {strides = array<i32>} : memref<16x1024xf32, #tpu.memory_space<vmem>>, vector<1x16xf32>,
        %parallel_loop3A_256 = vector.shape_cast %parallel_loop3A_255 : vector<1x16xf32> to vector<16xf32>
        %parallel_loop3A_257 = vector.shape_cast %parallel_loop3A_252 : vector<16xf32> to vector<1x16xf32>
        tpu.vector_store %arg6[%parallel_loop3A_253, %parallel_loop3A_254], %parallel_loop3A_257 {add = true, strides = array<i32>} : memref<16x1024xf32, #tpu.memory_space<vmem>>, vector<1x16xf32>,
        %parallel_loop3A_258 = arith.index_cast %parallel_loop3A_212 : i32 to index
        %parallel_loop3A_259 = arith.constant 80 : index
        %parallel_loop3A_260 = tpu.vector_load %arg5[%parallel_loop3A_258, %parallel_loop3A_259] {strides = array<i32>} : memref<32x1024xf32, #tpu.memory_space<vmem>>, vector<1x16xf32>,
        %parallel_loop3A_261 = vector.shape_cast %parallel_loop3A_260 : vector<1x16xf32> to vector<16xf32>
        %parallel_loop3A_262 = arith.index_cast %parallel_loop3A_211 : i32 to index
        %parallel_loop3A_263 = arith.constant 80 : index
        %parallel_loop3A_264 = tpu.vector_load %arg6[%parallel_loop3A_262, %parallel_loop3A_263] {strides = array<i32>} : memref<16x1024xf32, #tpu.memory_space<vmem>>, vector<1x16xf32>,
        %parallel_loop3A_265 = vector.shape_cast %parallel_loop3A_264 : vector<1x16xf32> to vector<16xf32>
        %parallel_loop3A_266 = vector.shape_cast %parallel_loop3A_261 : vector<16xf32> to vector<1x16xf32>
        tpu.vector_store %arg6[%parallel_loop3A_262, %parallel_loop3A_263], %parallel_loop3A_266 {add = true, strides = array<i32>} : memref<16x1024xf32, #tpu.memory_space<vmem>>, vector<1x16xf32>,
        %parallel_loop3A_267 = arith.index_cast %parallel_loop3A_212 : i32 to index
        %parallel_loop3A_268 = arith.constant 96 : index
        %parallel_loop3A_269 = tpu.vector_load %arg5[%parallel_loop3A_267, %parallel_loop3A_268] {strides = array<i32>} : memref<32x1024xf32, #tpu.memory_space<vmem>>, vector<1x16xf32>,
        %parallel_loop3A_270 = vector.shape_cast %parallel_loop3A_269 : vector<1x16xf32> to vector<16xf32>
        %parallel_loop3A_271 = arith.index_cast %parallel_loop3A_211 : i32 to index
        %parallel_loop3A_272 = arith.constant 96 : index
        %parallel_loop3A_273 = tpu.vector_load %arg6[%parallel_loop3A_271, %parallel_loop3A_272] {strides = array<i32>} : memref<16x1024xf32, #tpu.memory_space<vmem>>, vector<1x16xf32>,
        %parallel_loop3A_274 = vector.shape_cast %parallel_loop3A_273 : vector<1x16xf32> to vector<16xf32>
        %parallel_loop3A_275 = vector.shape_cast %parallel_loop3A_270 : vector<16xf32> to vector<1x16xf32>
        tpu.vector_store %arg6[%parallel_loop3A_271, %parallel_loop3A_272], %parallel_loop3A_275 {add = true, strides = array<i32>} : memref<16x1024xf32, #tpu.memory_space<vmem>>, vector<1x16xf32>,
        %parallel_loop3A_276 = arith.index_cast %parallel_loop3A_212 : i32 to index
        %parallel_loop3A_277 = arith.constant 112 : index
        %parallel_loop3A_278 = tpu.vector_load %arg5[%parallel_loop3A_276, %parallel_loop3A_277] {strides = array<i32>} : memref<32x1024xf32, #tpu.memory_space<vmem>>, vector<1x16xf32>,
        %parallel_loop3A_279 = vector.shape_cast %parallel_loop3A_278 : vector<1x16xf32> to vector<16xf32>
        %parallel_loop3A_280 = arith.index_cast %parallel_loop3A_211 : i32 to index
        %parallel_loop3A_281 = arith.constant 112 : index
        %parallel_loop3A_282 = tpu.vector_load %arg6[%parallel_loop3A_280, %parallel_loop3A_281] {strides = array<i32>} : memref<16x1024xf32, #tpu.memory_space<vmem>>, vector<1x16xf32>,
        %parallel_loop3A_283 = vector.shape_cast %parallel_loop3A_282 : vector<1x16xf32> to vector<16xf32>
        %parallel_loop3A_284 = vector.shape_cast %parallel_loop3A_279 : vector<16xf32> to vector<1x16xf32>
        tpu.vector_store %arg6[%parallel_loop3A_280, %parallel_loop3A_281], %parallel_loop3A_284 {add = true, strides = array<i32>} : memref<16x1024xf32, #tpu.memory_space<vmem>>, vector<1x16xf32>,
        %parallel_loop3A_285 = arith.index_cast %parallel_loop3A_212 : i32 to index
        %parallel_loop3A_286 = arith.constant 128 : index
        %parallel_loop3A_287 = tpu.vector_load %arg5[%parallel_loop3A_285, %parallel_loop3A_286] {strides = array<i32>} : memref<32x1024xf32, #tpu.memory_space<vmem>>, vector<1x16xf32>,
        %parallel_loop3A_288 = vector.shape_cast %parallel_loop3A_287 : vector<1x16xf32> to vector<16xf32>
        %parallel_loop3A_289 = arith.index_cast %parallel_loop3A_211 : i32 to index
        %parallel_loop3A_290 = arith.constant 128 : index
        %parallel_loop3A_291 = tpu.vector_load %arg6[%parallel_loop3A_289, %parallel_loop3A_290] {strides = array<i32>} : memref<16x1024xf32, #tpu.memory_space<vmem>>, vector<1x16xf32>,
        %parallel_loop3A_292 = vector.shape_cast %parallel_loop3A_291 : vector<1x16xf32> to vector<16xf32>
        %parallel_loop3A_293 = vector.shape_cast %parallel_loop3A_288 : vector<16xf32> to vector<1x16xf32>
        tpu.vector_store %arg6[%parallel_loop3A_289, %parallel_loop3A_290], %parallel_loop3A_293 {add = true, strides = array<i32>} : memref<16x1024xf32, #tpu.memory_space<vmem>>, vector<1x16xf32>,
        %parallel_loop3A_294 = arith.index_cast %parallel_loop3A_212 : i32 to index
        %parallel_loop3A_295 = arith.constant 144 : index
        %parallel_loop3A_296 = tpu.vector_load %arg5[%parallel_loop3A_294, %parallel_loop3A_295] {strides = array<i32>} : memref<32x1024xf32, #tpu.memory_space<vmem>>, vector<1x16xf32>,
        %parallel_loop3A_297 = vector.shape_cast %parallel_loop3A_296 : vector<1x16xf32> to vector<16xf32>
        %parallel_loop3A_298 = arith.index_cast %parallel_loop3A_211 : i32 to index
        %parallel_loop3A_299 = arith.constant 144 : index
        %parallel_loop3A_300 = tpu.vector_load %arg6[%parallel_loop3A_298, %parallel_loop3A_299] {strides = array<i32>} : memref<16x1024xf32, #tpu.memory_space<vmem>>, vector<1x16xf32>,
        %parallel_loop3A_301 = vector.shape_cast %parallel_loop3A_300 : vector<1x16xf32> to vector<16xf32>
        %parallel_loop3A_302 = vector.shape_cast %parallel_loop3A_297 : vector<16xf32> to vector<1x16xf32>
        tpu.vector_store %arg6[%parallel_loop3A_298, %parallel_loop3A_299], %parallel_loop3A_302 {add = true, strides = array<i32>} : memref<16x1024xf32, #tpu.memory_space<vmem>>, vector<1x16xf32>,
        %parallel_loop3A_303 = arith.index_cast %parallel_loop3A_212 : i32 to index
        %parallel_loop3A_304 = arith.constant 160 : index
        %parallel_loop3A_305 = tpu.vector_load %arg5[%parallel_loop3A_303, %parallel_loop3A_304] {strides = array<i32>} : memref<32x1024xf32, #tpu.memory_space<vmem>>, vector<1x16xf32>,
        %parallel_loop3A_306 = vector.shape_cast %parallel_loop3A_305 : vector<1x16xf32> to vector<16xf32>
        %parallel_loop3A_307 = arith.index_cast %parallel_loop3A_211 : i32 to index
        %parallel_loop3A_308 = arith.constant 160 : index
        %parallel_loop3A_309 = tpu.vector_load %arg6[%parallel_loop3A_307, %parallel_loop3A_308] {strides = array<i32>} : memref<16x1024xf32, #tpu.memory_space<vmem>>, vector<1x16xf32>,
        %parallel_loop3A_310 = vector.shape_cast %parallel_loop3A_309 : vector<1x16xf32> to vector<16xf32>
        %parallel_loop3A_311 = vector.shape_cast %parallel_loop3A_306 : vector<16xf32> to vector<1x16xf32>
        tpu.vector_store %arg6[%parallel_loop3A_307, %parallel_loop3A_308], %parallel_loop3A_311 {add = true, strides = array<i32>} : memref<16x1024xf32, #tpu.memory_space<vmem>>, vector<1x16xf32>,
        %parallel_loop3A_312 = arith.index_cast %parallel_loop3A_212 : i32 to index
        %parallel_loop3A_313 = arith.constant 176 : index
        %parallel_loop3A_314 = tpu.vector_load %arg5[%parallel_loop3A_312, %parallel_loop3A_313] {strides = array<i32>} : memref<32x1024xf32, #tpu.memory_space<vmem>>, vector<1x16xf32>,
        %parallel_loop3A_315 = vector.shape_cast %parallel_loop3A_314 : vector<1x16xf32> to vector<16xf32>
        %parallel_loop3A_316 = arith.index_cast %parallel_loop3A_211 : i32 to index
        %parallel_loop3A_317 = arith.constant 176 : index
        %parallel_loop3A_318 = tpu.vector_load %arg6[%parallel_loop3A_316, %parallel_loop3A_317] {strides = array<i32>} : memref<16x1024xf32, #tpu.memory_space<vmem>>, vector<1x16xf32>,
        %parallel_loop3A_319 = vector.shape_cast %parallel_loop3A_318 : vector<1x16xf32> to vector<16xf32>
        %parallel_loop3A_320 = vector.shape_cast %parallel_loop3A_315 : vector<16xf32> to vector<1x16xf32>
        tpu.vector_store %arg6[%parallel_loop3A_316, %parallel_loop3A_317], %parallel_loop3A_320 {add = true, strides = array<i32>} : memref<16x1024xf32, #tpu.memory_space<vmem>>, vector<1x16xf32>,
        %parallel_loop3A_321 = arith.index_cast %parallel_loop3A_212 : i32 to index
        %parallel_loop3A_322 = arith.constant 192 : index
        %parallel_loop3A_323 = tpu.vector_load %arg5[%parallel_loop3A_321, %parallel_loop3A_322] {strides = array<i32>} : memref<32x1024xf32, #tpu.memory_space<vmem>>, vector<1x16xf32>,
        %parallel_loop3A_324 = vector.shape_cast %parallel_loop3A_323 : vector<1x16xf32> to vector<16xf32>
        %parallel_loop3A_325 = arith.index_cast %parallel_loop3A_211 : i32 to index
        %parallel_loop3A_326 = arith.constant 192 : index
        %parallel_loop3A_327 = tpu.vector_load %arg6[%parallel_loop3A_325, %parallel_loop3A_326] {strides = array<i32>} : memref<16x1024xf32, #tpu.memory_space<vmem>>, vector<1x16xf32>,
        %parallel_loop3A_328 = vector.shape_cast %parallel_loop3A_327 : vector<1x16xf32> to vector<16xf32>
        %parallel_loop3A_329 = vector.shape_cast %parallel_loop3A_324 : vector<16xf32> to vector<1x16xf32>
        tpu.vector_store %arg6[%parallel_loop3A_325, %parallel_loop3A_326], %parallel_loop3A_329 {add = true, strides = array<i32>} : memref<16x1024xf32, #tpu.memory_space<vmem>>, vector<1x16xf32>,
        %parallel_loop3A_330 = arith.index_cast %parallel_loop3A_212 : i32 to index
        %parallel_loop3A_331 = arith.constant 208 : index
        %parallel_loop3A_332 = tpu.vector_load %arg5[%parallel_loop3A_330, %parallel_loop3A_331] {strides = array<i32>} : memref<32x1024xf32, #tpu.memory_space<vmem>>, vector<1x16xf32>,
        %parallel_loop3A_333 = vector.shape_cast %parallel_loop3A_332 : vector<1x16xf32> to vector<16xf32>
        %parallel_loop3A_334 = arith.index_cast %parallel_loop3A_211 : i32 to index
        %parallel_loop3A_335 = arith.constant 208 : index
        %parallel_loop3A_336 = tpu.vector_load %arg6[%parallel_loop3A_334, %parallel_loop3A_335] {strides = array<i32>} : memref<16x1024xf32, #tpu.memory_space<vmem>>, vector<1x16xf32>,
        %parallel_loop3A_337 = vector.shape_cast %parallel_loop3A_336 : vector<1x16xf32> to vector<16xf32>
        %parallel_loop3A_338 = vector.shape_cast %parallel_loop3A_333 : vector<16xf32> to vector<1x16xf32>
        tpu.vector_store %arg6[%parallel_loop3A_334, %parallel_loop3A_335], %parallel_loop3A_338 {add = true, strides = array<i32>} : memref<16x1024xf32, #tpu.memory_space<vmem>>, vector<1x16xf32>,
        %parallel_loop3A_339 = arith.index_cast %parallel_loop3A_212 : i32 to index
        %parallel_loop3A_340 = arith.constant 224 : index
        %parallel_loop3A_341 = tpu.vector_load %arg5[%parallel_loop3A_339, %parallel_loop3A_340] {strides = array<i32>} : memref<32x1024xf32, #tpu.memory_space<vmem>>, vector<1x16xf32>,
        %parallel_loop3A_342 = vector.shape_cast %parallel_loop3A_341 : vector<1x16xf32> to vector<16xf32>
        %parallel_loop3A_343 = arith.index_cast %parallel_loop3A_211 : i32 to index
        %parallel_loop3A_344 = arith.constant 224 : index
        %parallel_loop3A_345 = tpu.vector_load %arg6[%parallel_loop3A_343, %parallel_loop3A_344] {strides = array<i32>} : memref<16x1024xf32, #tpu.memory_space<vmem>>, vector<1x16xf32>,
        %parallel_loop3A_346 = vector.shape_cast %parallel_loop3A_345 : vector<1x16xf32> to vector<16xf32>
        %parallel_loop3A_347 = vector.shape_cast %parallel_loop3A_342 : vector<16xf32> to vector<1x16xf32>
        tpu.vector_store %arg6[%parallel_loop3A_343, %parallel_loop3A_344], %parallel_loop3A_347 {add = true, strides = array<i32>} : memref<16x1024xf32, #tpu.memory_space<vmem>>, vector<1x16xf32>,
        %parallel_loop3A_348 = arith.index_cast %parallel_loop3A_212 : i32 to index
        %parallel_loop3A_349 = arith.constant 240 : index
        %parallel_loop3A_350 = tpu.vector_load %arg5[%parallel_loop3A_348, %parallel_loop3A_349] {strides = array<i32>} : memref<32x1024xf32, #tpu.memory_space<vmem>>, vector<1x16xf32>,
        %parallel_loop3A_351 = vector.shape_cast %parallel_loop3A_350 : vector<1x16xf32> to vector<16xf32>
        %parallel_loop3A_352 = arith.index_cast %parallel_loop3A_211 : i32 to index
        %parallel_loop3A_353 = arith.constant 240 : index
        %parallel_loop3A_354 = tpu.vector_load %arg6[%parallel_loop3A_352, %parallel_loop3A_353] {strides = array<i32>} : memref<16x1024xf32, #tpu.memory_space<vmem>>, vector<1x16xf32>,
        %parallel_loop3A_355 = vector.shape_cast %parallel_loop3A_354 : vector<1x16xf32> to vector<16xf32>
        %parallel_loop3A_356 = vector.shape_cast %parallel_loop3A_351 : vector<16xf32> to vector<1x16xf32>
        tpu.vector_store %arg6[%parallel_loop3A_352, %parallel_loop3A_353], %parallel_loop3A_356 {add = true, strides = array<i32>} : memref<16x1024xf32, #tpu.memory_space<vmem>>, vector<1x16xf32>,
        %parallel_loop3A_357 = arith.index_cast %parallel_loop3A_212 : i32 to index
        %parallel_loop3A_358 = arith.constant 256 : index
        %parallel_loop3A_359 = tpu.vector_load %arg5[%parallel_loop3A_357, %parallel_loop3A_358] {strides = array<i32>} : memref<32x1024xf32, #tpu.memory_space<vmem>>, vector<1x16xf32>,
        %parallel_loop3A_360 = vector.shape_cast %parallel_loop3A_359 : vector<1x16xf32> to vector<16xf32>
        %parallel_loop3A_361 = arith.index_cast %parallel_loop3A_211 : i32 to index
        %parallel_loop3A_362 = arith.constant 256 : index
        %parallel_loop3A_363 = tpu.vector_load %arg6[%parallel_loop3A_361, %parallel_loop3A_362] {strides = array<i32>} : memref<16x1024xf32, #tpu.memory_space<vmem>>, vector<1x16xf32>,
        %parallel_loop3A_364 = vector.shape_cast %parallel_loop3A_363 : vector<1x16xf32> to vector<16xf32>
        %parallel_loop3A_365 = vector.shape_cast %parallel_loop3A_360 : vector<16xf32> to vector<1x16xf32>
        tpu.vector_store %arg6[%parallel_loop3A_361, %parallel_loop3A_362], %parallel_loop3A_365 {add = true, strides = array<i32>} : memref<16x1024xf32, #tpu.memory_space<vmem>>, vector<1x16xf32>,
        %parallel_loop3A_366 = arith.index_cast %parallel_loop3A_212 : i32 to index
        %parallel_loop3A_367 = arith.constant 272 : index
        %parallel_loop3A_368 = tpu.vector_load %arg5[%parallel_loop3A_366, %parallel_loop3A_367] {strides = array<i32>} : memref<32x1024xf32, #tpu.memory_space<vmem>>, vector<1x16xf32>,
        %parallel_loop3A_369 = vector.shape_cast %parallel_loop3A_368 : vector<1x16xf32> to vector<16xf32>
        %parallel_loop3A_370 = arith.index_cast %parallel_loop3A_211 : i32 to index
        %parallel_loop3A_371 = arith.constant 272 : index
        %parallel_loop3A_372 = tpu.vector_load %arg6[%parallel_loop3A_370, %parallel_loop3A_371] {strides = array<i32>} : memref<16x1024xf32, #tpu.memory_space<vmem>>, vector<1x16xf32>,
        %parallel_loop3A_373 = vector.shape_cast %parallel_loop3A_372 : vector<1x16xf32> to vector<16xf32>
        %parallel_loop3A_374 = vector.shape_cast %parallel_loop3A_369 : vector<16xf32> to vector<1x16xf32>
        tpu.vector_store %arg6[%parallel_loop3A_370, %parallel_loop3A_371], %parallel_loop3A_374 {add = true, strides = array<i32>} : memref<16x1024xf32, #tpu.memory_space<vmem>>, vector<1x16xf32>,
        %parallel_loop3A_375 = arith.index_cast %parallel_loop3A_212 : i32 to index
        %parallel_loop3A_376 = arith.constant 288 : index
        %parallel_loop3A_377 = tpu.vector_load %arg5[%parallel_loop3A_375, %parallel_loop3A_376] {strides = array<i32>} : memref<32x1024xf32, #tpu.memory_space<vmem>>, vector<1x16xf32>,
        %parallel_loop3A_378 = vector.shape_cast %parallel_loop3A_377 : vector<1x16xf32> to vector<16xf32>
        %parallel_loop3A_379 = arith.index_cast %parallel_loop3A_211 : i32 to index
        %parallel_loop3A_380 = arith.constant 288 : index
        %parallel_loop3A_381 = tpu.vector_load %arg6[%parallel_loop3A_379, %parallel_loop3A_380] {strides = array<i32>} : memref<16x1024xf32, #tpu.memory_space<vmem>>, vector<1x16xf32>,
        %parallel_loop3A_382 = vector.shape_cast %parallel_loop3A_381 : vector<1x16xf32> to vector<16xf32>
        %parallel_loop3A_383 = vector.shape_cast %parallel_loop3A_378 : vector<16xf32> to vector<1x16xf32>
        tpu.vector_store %arg6[%parallel_loop3A_379, %parallel_loop3A_380], %parallel_loop3A_383 {add = true, strides = array<i32>} : memref<16x1024xf32, #tpu.memory_space<vmem>>, vector<1x16xf32>,
        %parallel_loop3A_384 = arith.index_cast %parallel_loop3A_212 : i32 to index
        %parallel_loop3A_385 = arith.constant 304 : index
        %parallel_loop3A_386 = tpu.vector_load %arg5[%parallel_loop3A_384, %parallel_loop3A_385] {strides = array<i32>} : memref<32x1024xf32, #tpu.memory_space<vmem>>, vector<1x16xf32>,
        %parallel_loop3A_387 = vector.shape_cast %parallel_loop3A_386 : vector<1x16xf32> to vector<16xf32>
        %parallel_loop3A_388 = arith.index_cast %parallel_loop3A_211 : i32 to index
        %parallel_loop3A_389 = arith.constant 304 : index
        %parallel_loop3A_390 = tpu.vector_load %arg6[%parallel_loop3A_388, %parallel_loop3A_389] {strides = array<i32>} : memref<16x1024xf32, #tpu.memory_space<vmem>>, vector<1x16xf32>,
        %parallel_loop3A_391 = vector.shape_cast %parallel_loop3A_390 : vector<1x16xf32> to vector<16xf32>
        %parallel_loop3A_392 = vector.shape_cast %parallel_loop3A_387 : vector<16xf32> to vector<1x16xf32>
        tpu.vector_store %arg6[%parallel_loop3A_388, %parallel_loop3A_389], %parallel_loop3A_392 {add = true, strides = array<i32>} : memref<16x1024xf32, #tpu.memory_space<vmem>>, vector<1x16xf32>,
        %parallel_loop3A_393 = arith.index_cast %parallel_loop3A_212 : i32 to index
        %parallel_loop3A_394 = arith.constant 320 : index
        %parallel_loop3A_395 = tpu.vector_load %arg5[%parallel_loop3A_393, %parallel_loop3A_394] {strides = array<i32>} : memref<32x1024xf32, #tpu.memory_space<vmem>>, vector<1x16xf32>,
        %parallel_loop3A_396 = vector.shape_cast %parallel_loop3A_395 : vector<1x16xf32> to vector<16xf32>
        %parallel_loop3A_397 = arith.index_cast %parallel_loop3A_211 : i32 to index
        %parallel_loop3A_398 = arith.constant 320 : index
        %parallel_loop3A_399 = tpu.vector_load %arg6[%parallel_loop3A_397, %parallel_loop3A_398] {strides = array<i32>} : memref<16x1024xf32, #tpu.memory_space<vmem>>, vector<1x16xf32>,
        %parallel_loop3A_400 = vector.shape_cast %parallel_loop3A_399 : vector<1x16xf32> to vector<16xf32>
        %parallel_loop3A_401 = vector.shape_cast %parallel_loop3A_396 : vector<16xf32> to vector<1x16xf32>
        tpu.vector_store %arg6[%parallel_loop3A_397, %parallel_loop3A_398], %parallel_loop3A_401 {add = true, strides = array<i32>} : memref<16x1024xf32, #tpu.memory_space<vmem>>, vector<1x16xf32>,
        %parallel_loop3A_402 = arith.index_cast %parallel_loop3A_212 : i32 to index
        %parallel_loop3A_403 = arith.constant 336 : index
        %parallel_loop3A_404 = tpu.vector_load %arg5[%parallel_loop3A_402, %parallel_loop3A_403] {strides = array<i32>} : memref<32x1024xf32, #tpu.memory_space<vmem>>, vector<1x16xf32>,
        %parallel_loop3A_405 = vector.shape_cast %parallel_loop3A_404 : vector<1x16xf32> to vector<16xf32>
        %parallel_loop3A_406 = arith.index_cast %parallel_loop3A_211 : i32 to index
        %parallel_loop3A_407 = arith.constant 336 : index
        %parallel_loop3A_408 = tpu.vector_load %arg6[%parallel_loop3A_406, %parallel_loop3A_407] {strides = array<i32>} : memref<16x1024xf32, #tpu.memory_space<vmem>>, vector<1x16xf32>,
        %parallel_loop3A_409 = vector.shape_cast %parallel_loop3A_408 : vector<1x16xf32> to vector<16xf32>
        %parallel_loop3A_410 = vector.shape_cast %parallel_loop3A_405 : vector<16xf32> to vector<1x16xf32>
        tpu.vector_store %arg6[%parallel_loop3A_406, %parallel_loop3A_407], %parallel_loop3A_410 {add = true, strides = array<i32>} : memref<16x1024xf32, #tpu.memory_space<vmem>>, vector<1x16xf32>,
        %parallel_loop3A_411 = arith.index_cast %parallel_loop3A_212 : i32 to index
        %parallel_loop3A_412 = arith.constant 352 : index
        %parallel_loop3A_413 = tpu.vector_load %arg5[%parallel_loop3A_411, %parallel_loop3A_412] {strides = array<i32>} : memref<32x1024xf32, #tpu.memory_space<vmem>>, vector<1x16xf32>,
        %parallel_loop3A_414 = vector.shape_cast %parallel_loop3A_413 : vector<1x16xf32> to vector<16xf32>
        %parallel_loop3A_415 = arith.index_cast %parallel_loop3A_211 : i32 to index
        %parallel_loop3A_416 = arith.constant 352 : index
        %parallel_loop3A_417 = tpu.vector_load %arg6[%parallel_loop3A_415, %parallel_loop3A_416] {strides = array<i32>} : memref<16x1024xf32, #tpu.memory_space<vmem>>, vector<1x16xf32>,
        %parallel_loop3A_418 = vector.shape_cast %parallel_loop3A_417 : vector<1x16xf32> to vector<16xf32>
        %parallel_loop3A_419 = vector.shape_cast %parallel_loop3A_414 : vector<16xf32> to vector<1x16xf32>
        tpu.vector_store %arg6[%parallel_loop3A_415, %parallel_loop3A_416], %parallel_loop3A_419 {add = true, strides = array<i32>} : memref<16x1024xf32, #tpu.memory_space<vmem>>, vector<1x16xf32>,
        %parallel_loop3A_420 = arith.index_cast %parallel_loop3A_212 : i32 to index
        %parallel_loop3A_421 = arith.constant 368 : index
        %parallel_loop3A_422 = tpu.vector_load %arg5[%parallel_loop3A_420, %parallel_loop3A_421] {strides = array<i32>} : memref<32x1024xf32, #tpu.memory_space<vmem>>, vector<1x16xf32>,
        %parallel_loop3A_423 = vector.shape_cast %parallel_loop3A_422 : vector<1x16xf32> to vector<16xf32>
        %parallel_loop3A_424 = arith.index_cast %parallel_loop3A_211 : i32 to index
        %parallel_loop3A_425 = arith.constant 368 : index
        %parallel_loop3A_426 = tpu.vector_load %arg6[%parallel_loop3A_424, %parallel_loop3A_425] {strides = array<i32>} : memref<16x1024xf32, #tpu.memory_space<vmem>>, vector<1x16xf32>,
        %parallel_loop3A_427 = vector.shape_cast %parallel_loop3A_426 : vector<1x16xf32> to vector<16xf32>
        %parallel_loop3A_428 = vector.shape_cast %parallel_loop3A_423 : vector<16xf32> to vector<1x16xf32>
        tpu.vector_store %arg6[%parallel_loop3A_424, %parallel_loop3A_425], %parallel_loop3A_428 {add = true, strides = array<i32>} : memref<16x1024xf32, #tpu.memory_space<vmem>>, vector<1x16xf32>,
        %parallel_loop3A_429 = arith.index_cast %parallel_loop3A_212 : i32 to index
        %parallel_loop3A_430 = arith.constant 384 : index
        %parallel_loop3A_431 = tpu.vector_load %arg5[%parallel_loop3A_429, %parallel_loop3A_430] {strides = array<i32>} : memref<32x1024xf32, #tpu.memory_space<vmem>>, vector<1x16xf32>,
        %parallel_loop3A_432 = vector.shape_cast %parallel_loop3A_431 : vector<1x16xf32> to vector<16xf32>
        %parallel_loop3A_433 = arith.index_cast %parallel_loop3A_211 : i32 to index
        %parallel_loop3A_434 = arith.constant 384 : index
        %parallel_loop3A_435 = tpu.vector_load %arg6[%parallel_loop3A_433, %parallel_loop3A_434] {strides = array<i32>} : memref<16x1024xf32, #tpu.memory_space<vmem>>, vector<1x16xf32>,
        %parallel_loop3A_436 = vector.shape_cast %parallel_loop3A_435 : vector<1x16xf32> to vector<16xf32>
        %parallel_loop3A_437 = vector.shape_cast %parallel_loop3A_432 : vector<16xf32> to vector<1x16xf32>
        tpu.vector_store %arg6[%parallel_loop3A_433, %parallel_loop3A_434], %parallel_loop3A_437 {add = true, strides = array<i32>} : memref<16x1024xf32, #tpu.memory_space<vmem>>, vector<1x16xf32>,
        %parallel_loop3A_438 = arith.index_cast %parallel_loop3A_212 : i32 to index
        %parallel_loop3A_439 = arith.constant 400 : index
        %parallel_loop3A_440 = tpu.vector_load %arg5[%parallel_loop3A_438, %parallel_loop3A_439] {strides = array<i32>} : memref<32x1024xf32, #tpu.memory_space<vmem>>, vector<1x16xf32>,
        %parallel_loop3A_441 = vector.shape_cast %parallel_loop3A_440 : vector<1x16xf32> to vector<16xf32>
        %parallel_loop3A_442 = arith.index_cast %parallel_loop3A_211 : i32 to index
        %parallel_loop3A_443 = arith.constant 400 : index
        %parallel_loop3A_444 = tpu.vector_load %arg6[%parallel_loop3A_442, %parallel_loop3A_443] {strides = array<i32>} : memref<16x1024xf32, #tpu.memory_space<vmem>>, vector<1x16xf32>,
        %parallel_loop3A_445 = vector.shape_cast %parallel_loop3A_444 : vector<1x16xf32> to vector<16xf32>
        %parallel_loop3A_446 = vector.shape_cast %parallel_loop3A_441 : vector<16xf32> to vector<1x16xf32>
        tpu.vector_store %arg6[%parallel_loop3A_442, %parallel_loop3A_443], %parallel_loop3A_446 {add = true, strides = array<i32>} : memref<16x1024xf32, #tpu.memory_space<vmem>>, vector<1x16xf32>,
        %parallel_loop3A_447 = arith.index_cast %parallel_loop3A_212 : i32 to index
        %parallel_loop3A_448 = arith.constant 416 : index
        %parallel_loop3A_449 = tpu.vector_load %arg5[%parallel_loop3A_447, %parallel_loop3A_448] {strides = array<i32>} : memref<32x1024xf32, #tpu.memory_space<vmem>>, vector<1x16xf32>,
        %parallel_loop3A_450 = vector.shape_cast %parallel_loop3A_449 : vector<1x16xf32> to vector<16xf32>
        %parallel_loop3A_451 = arith.index_cast %parallel_loop3A_211 : i32 to index
        %parallel_loop3A_452 = arith.constant 416 : index
        %parallel_loop3A_453 = tpu.vector_load %arg6[%parallel_loop3A_451, %parallel_loop3A_452] {strides = array<i32>} : memref<16x1024xf32, #tpu.memory_space<vmem>>, vector<1x16xf32>,
        %parallel_loop3A_454 = vector.shape_cast %parallel_loop3A_453 : vector<1x16xf32> to vector<16xf32>
        %parallel_loop3A_455 = vector.shape_cast %parallel_loop3A_450 : vector<16xf32> to vector<1x16xf32>
        tpu.vector_store %arg6[%parallel_loop3A_451, %parallel_loop3A_452], %parallel_loop3A_455 {add = true, strides = array<i32>} : memref<16x1024xf32, #tpu.memory_space<vmem>>, vector<1x16xf32>,
        %parallel_loop3A_456 = arith.index_cast %parallel_loop3A_212 : i32 to index
        %parallel_loop3A_457 = arith.constant 432 : index
        %parallel_loop3A_458 = tpu.vector_load %arg5[%parallel_loop3A_456, %parallel_loop3A_457] {strides = array<i32>} : memref<32x1024xf32, #tpu.memory_space<vmem>>, vector<1x16xf32>,
        %parallel_loop3A_459 = vector.shape_cast %parallel_loop3A_458 : vector<1x16xf32> to vector<16xf32>
        %parallel_loop3A_460 = arith.index_cast %parallel_loop3A_211 : i32 to index
        %parallel_loop3A_461 = arith.constant 432 : index
        %parallel_loop3A_462 = tpu.vector_load %arg6[%parallel_loop3A_460, %parallel_loop3A_461] {strides = array<i32>} : memref<16x1024xf32, #tpu.memory_space<vmem>>, vector<1x16xf32>,
        %parallel_loop3A_463 = vector.shape_cast %parallel_loop3A_462 : vector<1x16xf32> to vector<16xf32>
        %parallel_loop3A_464 = vector.shape_cast %parallel_loop3A_459 : vector<16xf32> to vector<1x16xf32>
        tpu.vector_store %arg6[%parallel_loop3A_460, %parallel_loop3A_461], %parallel_loop3A_464 {add = true, strides = array<i32>} : memref<16x1024xf32, #tpu.memory_space<vmem>>, vector<1x16xf32>,
        %parallel_loop3A_465 = arith.index_cast %parallel_loop3A_212 : i32 to index
        %parallel_loop3A_466 = arith.constant 448 : index
        %parallel_loop3A_467 = tpu.vector_load %arg5[%parallel_loop3A_465, %parallel_loop3A_466] {strides = array<i32>} : memref<32x1024xf32, #tpu.memory_space<vmem>>, vector<1x16xf32>,
        %parallel_loop3A_468 = vector.shape_cast %parallel_loop3A_467 : vector<1x16xf32> to vector<16xf32>
        %parallel_loop3A_469 = arith.index_cast %parallel_loop3A_211 : i32 to index
        %parallel_loop3A_470 = arith.constant 448 : index
        %parallel_loop3A_471 = tpu.vector_load %arg6[%parallel_loop3A_469, %parallel_loop3A_470] {strides = array<i32>} : memref<16x1024xf32, #tpu.memory_space<vmem>>, vector<1x16xf32>,
        %parallel_loop3A_472 = vector.shape_cast %parallel_loop3A_471 : vector<1x16xf32> to vector<16xf32>
        %parallel_loop3A_473 = vector.shape_cast %parallel_loop3A_468 : vector<16xf32> to vector<1x16xf32>
        tpu.vector_store %arg6[%parallel_loop3A_469, %parallel_loop3A_470], %parallel_loop3A_473 {add = true, strides = array<i32>} : memref<16x1024xf32, #tpu.memory_space<vmem>>, vector<1x16xf32>,
        %parallel_loop3A_474 = arith.index_cast %parallel_loop3A_212 : i32 to index
        %parallel_loop3A_475 = arith.constant 464 : index
        %parallel_loop3A_476 = tpu.vector_load %arg5[%parallel_loop3A_474, %parallel_loop3A_475] {strides = array<i32>} : memref<32x1024xf32, #tpu.memory_space<vmem>>, vector<1x16xf32>,
        %parallel_loop3A_477 = vector.shape_cast %parallel_loop3A_476 : vector<1x16xf32> to vector<16xf32>
        %parallel_loop3A_478 = arith.index_cast %parallel_loop3A_211 : i32 to index
        %parallel_loop3A_479 = arith.constant 464 : index
        %parallel_loop3A_480 = tpu.vector_load %arg6[%parallel_loop3A_478, %parallel_loop3A_479] {strides = array<i32>} : memref<16x1024xf32, #tpu.memory_space<vmem>>, vector<1x16xf32>,
        %parallel_loop3A_481 = vector.shape_cast %parallel_loop3A_480 : vector<1x16xf32> to vector<16xf32>
        %parallel_loop3A_482 = vector.shape_cast %parallel_loop3A_477 : vector<16xf32> to vector<1x16xf32>
        tpu.vector_store %arg6[%parallel_loop3A_478, %parallel_loop3A_479], %parallel_loop3A_482 {add = true, strides = array<i32>} : memref<16x1024xf32, #tpu.memory_space<vmem>>, vector<1x16xf32>,
        %parallel_loop3A_483 = arith.index_cast %parallel_loop3A_212 : i32 to index
        %parallel_loop3A_484 = arith.constant 480 : index
        %parallel_loop3A_485 = tpu.vector_load %arg5[%parallel_loop3A_483, %parallel_loop3A_484] {strides = array<i32>} : memref<32x1024xf32, #tpu.memory_space<vmem>>, vector<1x16xf32>,
        %parallel_loop3A_486 = vector.shape_cast %parallel_loop3A_485 : vector<1x16xf32> to vector<16xf32>
        %parallel_loop3A_487 = arith.index_cast %parallel_loop3A_211 : i32 to index
        %parallel_loop3A_488 = arith.constant 480 : index
        %parallel_loop3A_489 = tpu.vector_load %arg6[%parallel_loop3A_487, %parallel_loop3A_488] {strides = array<i32>} : memref<16x1024xf32, #tpu.memory_space<vmem>>, vector<1x16xf32>,
        %parallel_loop3A_490 = vector.shape_cast %parallel_loop3A_489 : vector<1x16xf32> to vector<16xf32>
        %parallel_loop3A_491 = vector.shape_cast %parallel_loop3A_486 : vector<16xf32> to vector<1x16xf32>
        tpu.vector_store %arg6[%parallel_loop3A_487, %parallel_loop3A_488], %parallel_loop3A_491 {add = true, strides = array<i32>} : memref<16x1024xf32, #tpu.memory_space<vmem>>, vector<1x16xf32>,
        %parallel_loop3A_492 = arith.index_cast %parallel_loop3A_212 : i32 to index
        %parallel_loop3A_493 = arith.constant 496 : index
        %parallel_loop3A_494 = tpu.vector_load %arg5[%parallel_loop3A_492, %parallel_loop3A_493] {strides = array<i32>} : memref<32x1024xf32, #tpu.memory_space<vmem>>, vector<1x16xf32>,
        %parallel_loop3A_495 = vector.shape_cast %parallel_loop3A_494 : vector<1x16xf32> to vector<16xf32>
        %parallel_loop3A_496 = arith.index_cast %parallel_loop3A_211 : i32 to index
        %parallel_loop3A_497 = arith.constant 496 : index
        %parallel_loop3A_498 = tpu.vector_load %arg6[%parallel_loop3A_496, %parallel_loop3A_497] {strides = array<i32>} : memref<16x1024xf32, #tpu.memory_space<vmem>>, vector<1x16xf32>,
        %parallel_loop3A_499 = vector.shape_cast %parallel_loop3A_498 : vector<1x16xf32> to vector<16xf32>
        %parallel_loop3A_500 = vector.shape_cast %parallel_loop3A_495 : vector<16xf32> to vector<1x16xf32>
        tpu.vector_store %arg6[%parallel_loop3A_496, %parallel_loop3A_497], %parallel_loop3A_500 {add = true, strides = array<i32>} : memref<16x1024xf32, #tpu.memory_space<vmem>>, vector<1x16xf32>,
        %parallel_loop3A_501 = arith.index_cast %parallel_loop3A_212 : i32 to index
        %parallel_loop3A_502 = arith.constant 512 : index
        %parallel_loop3A_503 = tpu.vector_load %arg5[%parallel_loop3A_501, %parallel_loop3A_502] {strides = array<i32>} : memref<32x1024xf32, #tpu.memory_space<vmem>>, vector<1x16xf32>,
        %parallel_loop3A_504 = vector.shape_cast %parallel_loop3A_503 : vector<1x16xf32> to vector<16xf32>
        %parallel_loop3A_505 = arith.index_cast %parallel_loop3A_211 : i32 to index
        %parallel_loop3A_506 = arith.constant 512 : index
        %parallel_loop3A_507 = tpu.vector_load %arg6[%parallel_loop3A_505, %parallel_loop3A_506] {strides = array<i32>} : memref<16x1024xf32, #tpu.memory_space<vmem>>, vector<1x16xf32>,
        %parallel_loop3A_508 = vector.shape_cast %parallel_loop3A_507 : vector<1x16xf32> to vector<16xf32>
        %parallel_loop3A_509 = vector.shape_cast %parallel_loop3A_504 : vector<16xf32> to vector<1x16xf32>
        tpu.vector_store %arg6[%parallel_loop3A_505, %parallel_loop3A_506], %parallel_loop3A_509 {add = true, strides = array<i32>} : memref<16x1024xf32, #tpu.memory_space<vmem>>, vector<1x16xf32>,
        %parallel_loop3A_510 = arith.index_cast %parallel_loop3A_212 : i32 to index
        %parallel_loop3A_511 = arith.constant 528 : index
        %parallel_loop3A_512 = tpu.vector_load %arg5[%parallel_loop3A_510, %parallel_loop3A_511] {strides = array<i32>} : memref<32x1024xf32, #tpu.memory_space<vmem>>, vector<1x16xf32>,
        %parallel_loop3A_513 = vector.shape_cast %parallel_loop3A_512 : vector<1x16xf32> to vector<16xf32>
        %parallel_loop3A_514 = arith.index_cast %parallel_loop3A_211 : i32 to index
        %parallel_loop3A_515 = arith.constant 528 : index
        %parallel_loop3A_516 = tpu.vector_load %arg6[%parallel_loop3A_514, %parallel_loop3A_515] {strides = array<i32>} : memref<16x1024xf32, #tpu.memory_space<vmem>>, vector<1x16xf32>,
        %parallel_loop3A_517 = vector.shape_cast %parallel_loop3A_516 : vector<1x16xf32> to vector<16xf32>
        %parallel_loop3A_518 = vector.shape_cast %parallel_loop3A_513 : vector<16xf32> to vector<1x16xf32>
        tpu.vector_store %arg6[%parallel_loop3A_514, %parallel_loop3A_515], %parallel_loop3A_518 {add = true, strides = array<i32>} : memref<16x1024xf32, #tpu.memory_space<vmem>>, vector<1x16xf32>,
        %parallel_loop3A_519 = arith.index_cast %parallel_loop3A_212 : i32 to index
        %parallel_loop3A_520 = arith.constant 544 : index
        %parallel_loop3A_521 = tpu.vector_load %arg5[%parallel_loop3A_519, %parallel_loop3A_520] {strides = array<i32>} : memref<32x1024xf32, #tpu.memory_space<vmem>>, vector<1x16xf32>,
        %parallel_loop3A_522 = vector.shape_cast %parallel_loop3A_521 : vector<1x16xf32> to vector<16xf32>
        %parallel_loop3A_523 = arith.index_cast %parallel_loop3A_211 : i32 to index
        %parallel_loop3A_524 = arith.constant 544 : index
        %parallel_loop3A_525 = tpu.vector_load %arg6[%parallel_loop3A_523, %parallel_loop3A_524] {strides = array<i32>} : memref<16x1024xf32, #tpu.memory_space<vmem>>, vector<1x16xf32>,
        %parallel_loop3A_526 = vector.shape_cast %parallel_loop3A_525 : vector<1x16xf32> to vector<16xf32>
        %parallel_loop3A_527 = vector.shape_cast %parallel_loop3A_522 : vector<16xf32> to vector<1x16xf32>
        tpu.vector_store %arg6[%parallel_loop3A_523, %parallel_loop3A_524], %parallel_loop3A_527 {add = true, strides = array<i32>} : memref<16x1024xf32, #tpu.memory_space<vmem>>, vector<1x16xf32>,
        %parallel_loop3A_528 = arith.index_cast %parallel_loop3A_212 : i32 to index
        %parallel_loop3A_529 = arith.constant 560 : index
        %parallel_loop3A_530 = tpu.vector_load %arg5[%parallel_loop3A_528, %parallel_loop3A_529] {strides = array<i32>} : memref<32x1024xf32, #tpu.memory_space<vmem>>, vector<1x16xf32>,
        %parallel_loop3A_531 = vector.shape_cast %parallel_loop3A_530 : vector<1x16xf32> to vector<16xf32>
        %parallel_loop3A_532 = arith.index_cast %parallel_loop3A_211 : i32 to index
        %parallel_loop3A_533 = arith.constant 560 : index
        %parallel_loop3A_534 = tpu.vector_load %arg6[%parallel_loop3A_532, %parallel_loop3A_533] {strides = array<i32>} : memref<16x1024xf32, #tpu.memory_space<vmem>>, vector<1x16xf32>,
        %parallel_loop3A_535 = vector.shape_cast %parallel_loop3A_534 : vector<1x16xf32> to vector<16xf32>
        %parallel_loop3A_536 = vector.shape_cast %parallel_loop3A_531 : vector<16xf32> to vector<1x16xf32>
        tpu.vector_store %arg6[%parallel_loop3A_532, %parallel_loop3A_533], %parallel_loop3A_536 {add = true, strides = array<i32>} : memref<16x1024xf32, #tpu.memory_space<vmem>>, vector<1x16xf32>,
        %parallel_loop3A_537 = arith.index_cast %parallel_loop3A_212 : i32 to index
        %parallel_loop3A_538 = arith.constant 576 : index
        %parallel_loop3A_539 = tpu.vector_load %arg5[%parallel_loop3A_537, %parallel_loop3A_538] {strides = array<i32>} : memref<32x1024xf32, #tpu.memory_space<vmem>>, vector<1x16xf32>,
        %parallel_loop3A_540 = vector.shape_cast %parallel_loop3A_539 : vector<1x16xf32> to vector<16xf32>
        %parallel_loop3A_541 = arith.index_cast %parallel_loop3A_211 : i32 to index
        %parallel_loop3A_542 = arith.constant 576 : index
        %parallel_loop3A_543 = tpu.vector_load %arg6[%parallel_loop3A_541, %parallel_loop3A_542] {strides = array<i32>} : memref<16x1024xf32, #tpu.memory_space<vmem>>, vector<1x16xf32>,
        %parallel_loop3A_544 = vector.shape_cast %parallel_loop3A_543 : vector<1x16xf32> to vector<16xf32>
        %parallel_loop3A_545 = vector.shape_cast %parallel_loop3A_540 : vector<16xf32> to vector<1x16xf32>
        tpu.vector_store %arg6[%parallel_loop3A_541, %parallel_loop3A_542], %parallel_loop3A_545 {add = true, strides = array<i32>} : memref<16x1024xf32, #tpu.memory_space<vmem>>, vector<1x16xf32>,
        %parallel_loop3A_546 = arith.index_cast %parallel_loop3A_212 : i32 to index
        %parallel_loop3A_547 = arith.constant 592 : index
        %parallel_loop3A_548 = tpu.vector_load %arg5[%parallel_loop3A_546, %parallel_loop3A_547] {strides = array<i32>} : memref<32x1024xf32, #tpu.memory_space<vmem>>, vector<1x16xf32>,
        %parallel_loop3A_549 = vector.shape_cast %parallel_loop3A_548 : vector<1x16xf32> to vector<16xf32>
        %parallel_loop3A_550 = arith.index_cast %parallel_loop3A_211 : i32 to index
        %parallel_loop3A_551 = arith.constant 592 : index
        %parallel_loop3A_552 = tpu.vector_load %arg6[%parallel_loop3A_550, %parallel_loop3A_551] {strides = array<i32>} : memref<16x1024xf32, #tpu.memory_space<vmem>>, vector<1x16xf32>,
        %parallel_loop3A_553 = vector.shape_cast %parallel_loop3A_552 : vector<1x16xf32> to vector<16xf32>
        %parallel_loop3A_554 = vector.shape_cast %parallel_loop3A_549 : vector<16xf32> to vector<1x16xf32>
        tpu.vector_store %arg6[%parallel_loop3A_550, %parallel_loop3A_551], %parallel_loop3A_554 {add = true, strides = array<i32>} : memref<16x1024xf32, #tpu.memory_space<vmem>>, vector<1x16xf32>,
        %parallel_loop3A_555 = arith.index_cast %parallel_loop3A_212 : i32 to index
        %parallel_loop3A_556 = arith.constant 608 : index
        %parallel_loop3A_557 = tpu.vector_load %arg5[%parallel_loop3A_555, %parallel_loop3A_556] {strides = array<i32>} : memref<32x1024xf32, #tpu.memory_space<vmem>>, vector<1x16xf32>,
        %parallel_loop3A_558 = vector.shape_cast %parallel_loop3A_557 : vector<1x16xf32> to vector<16xf32>
        %parallel_loop3A_559 = arith.index_cast %parallel_loop3A_211 : i32 to index
        %parallel_loop3A_560 = arith.constant 608 : index
        %parallel_loop3A_561 = tpu.vector_load %arg6[%parallel_loop3A_559, %parallel_loop3A_560] {strides = array<i32>} : memref<16x1024xf32, #tpu.memory_space<vmem>>, vector<1x16xf32>,
        %parallel_loop3A_562 = vector.shape_cast %parallel_loop3A_561 : vector<1x16xf32> to vector<16xf32>
        %parallel_loop3A_563 = vector.shape_cast %parallel_loop3A_558 : vector<16xf32> to vector<1x16xf32>
        tpu.vector_store %arg6[%parallel_loop3A_559, %parallel_loop3A_560], %parallel_loop3A_563 {add = true, strides = array<i32>} : memref<16x1024xf32, #tpu.memory_space<vmem>>, vector<1x16xf32>,
        %parallel_loop3A_564 = arith.index_cast %parallel_loop3A_212 : i32 to index
        %parallel_loop3A_565 = arith.constant 624 : index
        %parallel_loop3A_566 = tpu.vector_load %arg5[%parallel_loop3A_564, %parallel_loop3A_565] {strides = array<i32>} : memref<32x1024xf32, #tpu.memory_space<vmem>>, vector<1x16xf32>,
        %parallel_loop3A_567 = vector.shape_cast %parallel_loop3A_566 : vector<1x16xf32> to vector<16xf32>
        %parallel_loop3A_568 = arith.index_cast %parallel_loop3A_211 : i32 to index
        %parallel_loop3A_569 = arith.constant 624 : index
        %parallel_loop3A_570 = tpu.vector_load %arg6[%parallel_loop3A_568, %parallel_loop3A_569] {strides = array<i32>} : memref<16x1024xf32, #tpu.memory_space<vmem>>, vector<1x16xf32>,
        %parallel_loop3A_571 = vector.shape_cast %parallel_loop3A_570 : vector<1x16xf32> to vector<16xf32>
        %parallel_loop3A_572 = vector.shape_cast %parallel_loop3A_567 : vector<16xf32> to vector<1x16xf32>
        tpu.vector_store %arg6[%parallel_loop3A_568, %parallel_loop3A_569], %parallel_loop3A_572 {add = true, strides = array<i32>} : memref<16x1024xf32, #tpu.memory_space<vmem>>, vector<1x16xf32>,
        %parallel_loop3A_573 = arith.index_cast %parallel_loop3A_212 : i32 to index
        %parallel_loop3A_574 = arith.constant 640 : index
        %parallel_loop3A_575 = tpu.vector_load %arg5[%parallel_loop3A_573, %parallel_loop3A_574] {strides = array<i32>} : memref<32x1024xf32, #tpu.memory_space<vmem>>, vector<1x16xf32>,
        %parallel_loop3A_576 = vector.shape_cast %parallel_loop3A_575 : vector<1x16xf32> to vector<16xf32>
        %parallel_loop3A_577 = arith.index_cast %parallel_loop3A_211 : i32 to index
        %parallel_loop3A_578 = arith.constant 640 : index
        %parallel_loop3A_579 = tpu.vector_load %arg6[%parallel_loop3A_577, %parallel_loop3A_578] {strides = array<i32>} : memref<16x1024xf32, #tpu.memory_space<vmem>>, vector<1x16xf32>,
        %parallel_loop3A_580 = vector.shape_cast %parallel_loop3A_579 : vector<1x16xf32> to vector<16xf32>
        %parallel_loop3A_581 = vector.shape_cast %parallel_loop3A_576 : vector<16xf32> to vector<1x16xf32>
        tpu.vector_store %arg6[%parallel_loop3A_577, %parallel_loop3A_578], %parallel_loop3A_581 {add = true, strides = array<i32>} : memref<16x1024xf32, #tpu.memory_space<vmem>>, vector<1x16xf32>,
        %parallel_loop3A_582 = arith.index_cast %parallel_loop3A_212 : i32 to index
        %parallel_loop3A_583 = arith.constant 656 : index
        %parallel_loop3A_584 = tpu.vector_load %arg5[%parallel_loop3A_582, %parallel_loop3A_583] {strides = array<i32>} : memref<32x1024xf32, #tpu.memory_space<vmem>>, vector<1x16xf32>,
        %parallel_loop3A_585 = vector.shape_cast %parallel_loop3A_584 : vector<1x16xf32> to vector<16xf32>
        %parallel_loop3A_586 = arith.index_cast %parallel_loop3A_211 : i32 to index
        %parallel_loop3A_587 = arith.constant 656 : index
        %parallel_loop3A_588 = tpu.vector_load %arg6[%parallel_loop3A_586, %parallel_loop3A_587] {strides = array<i32>} : memref<16x1024xf32, #tpu.memory_space<vmem>>, vector<1x16xf32>,
        %parallel_loop3A_589 = vector.shape_cast %parallel_loop3A_588 : vector<1x16xf32> to vector<16xf32>
        %parallel_loop3A_590 = vector.shape_cast %parallel_loop3A_585 : vector<16xf32> to vector<1x16xf32>
        tpu.vector_store %arg6[%parallel_loop3A_586, %parallel_loop3A_587], %parallel_loop3A_590 {add = true, strides = array<i32>} : memref<16x1024xf32, #tpu.memory_space<vmem>>, vector<1x16xf32>,
        %parallel_loop3A_591 = arith.index_cast %parallel_loop3A_212 : i32 to index
        %parallel_loop3A_592 = arith.constant 672 : index
        %parallel_loop3A_593 = tpu.vector_load %arg5[%parallel_loop3A_591, %parallel_loop3A_592] {strides = array<i32>} : memref<32x1024xf32, #tpu.memory_space<vmem>>, vector<1x16xf32>,
        %parallel_loop3A_594 = vector.shape_cast %parallel_loop3A_593 : vector<1x16xf32> to vector<16xf32>
        %parallel_loop3A_595 = arith.index_cast %parallel_loop3A_211 : i32 to index
        %parallel_loop3A_596 = arith.constant 672 : index
        %parallel_loop3A_597 = tpu.vector_load %arg6[%parallel_loop3A_595, %parallel_loop3A_596] {strides = array<i32>} : memref<16x1024xf32, #tpu.memory_space<vmem>>, vector<1x16xf32>,
        %parallel_loop3A_598 = vector.shape_cast %parallel_loop3A_597 : vector<1x16xf32> to vector<16xf32>
        %parallel_loop3A_599 = vector.shape_cast %parallel_loop3A_594 : vector<16xf32> to vector<1x16xf32>
        tpu.vector_store %arg6[%parallel_loop3A_595, %parallel_loop3A_596], %parallel_loop3A_599 {add = true, strides = array<i32>} : memref<16x1024xf32, #tpu.memory_space<vmem>>, vector<1x16xf32>,
        %parallel_loop3A_600 = arith.index_cast %parallel_loop3A_212 : i32 to index
        %parallel_loop3A_601 = arith.constant 688 : index
        %parallel_loop3A_602 = tpu.vector_load %arg5[%parallel_loop3A_600, %parallel_loop3A_601] {strides = array<i32>} : memref<32x1024xf32, #tpu.memory_space<vmem>>, vector<1x16xf32>,
        %parallel_loop3A_603 = vector.shape_cast %parallel_loop3A_602 : vector<1x16xf32> to vector<16xf32>
        %parallel_loop3A_604 = arith.index_cast %parallel_loop3A_211 : i32 to index
        %parallel_loop3A_605 = arith.constant 688 : index
        %parallel_loop3A_606 = tpu.vector_load %arg6[%parallel_loop3A_604, %parallel_loop3A_605] {strides = array<i32>} : memref<16x1024xf32, #tpu.memory_space<vmem>>, vector<1x16xf32>,
        %parallel_loop3A_607 = vector.shape_cast %parallel_loop3A_606 : vector<1x16xf32> to vector<16xf32>
        %parallel_loop3A_608 = vector.shape_cast %parallel_loop3A_603 : vector<16xf32> to vector<1x16xf32>
        tpu.vector_store %arg6[%parallel_loop3A_604, %parallel_loop3A_605], %parallel_loop3A_608 {add = true, strides = array<i32>} : memref<16x1024xf32, #tpu.memory_space<vmem>>, vector<1x16xf32>,
        %parallel_loop3A_609 = arith.index_cast %parallel_loop3A_212 : i32 to index
        %parallel_loop3A_610 = arith.constant 704 : index
        %parallel_loop3A_611 = tpu.vector_load %arg5[%parallel_loop3A_609, %parallel_loop3A_610] {strides = array<i32>} : memref<32x1024xf32, #tpu.memory_space<vmem>>, vector<1x16xf32>,
        %parallel_loop3A_612 = vector.shape_cast %parallel_loop3A_611 : vector<1x16xf32> to vector<16xf32>
        %parallel_loop3A_613 = arith.index_cast %parallel_loop3A_211 : i32 to index
        %parallel_loop3A_614 = arith.constant 704 : index
        %parallel_loop3A_615 = tpu.vector_load %arg6[%parallel_loop3A_613, %parallel_loop3A_614] {strides = array<i32>} : memref<16x1024xf32, #tpu.memory_space<vmem>>, vector<1x16xf32>,
        %parallel_loop3A_616 = vector.shape_cast %parallel_loop3A_615 : vector<1x16xf32> to vector<16xf32>
        %parallel_loop3A_617 = vector.shape_cast %parallel_loop3A_612 : vector<16xf32> to vector<1x16xf32>
        tpu.vector_store %arg6[%parallel_loop3A_613, %parallel_loop3A_614], %parallel_loop3A_617 {add = true, strides = array<i32>} : memref<16x1024xf32, #tpu.memory_space<vmem>>, vector<1x16xf32>,
        %parallel_loop3A_618 = arith.index_cast %parallel_loop3A_212 : i32 to index
        %parallel_loop3A_619 = arith.constant 720 : index
        %parallel_loop3A_620 = tpu.vector_load %arg5[%parallel_loop3A_618, %parallel_loop3A_619] {strides = array<i32>} : memref<32x1024xf32, #tpu.memory_space<vmem>>, vector<1x16xf32>,
        %parallel_loop3A_621 = vector.shape_cast %parallel_loop3A_620 : vector<1x16xf32> to vector<16xf32>
        %parallel_loop3A_622 = arith.index_cast %parallel_loop3A_211 : i32 to index
        %parallel_loop3A_623 = arith.constant 720 : index
        %parallel_loop3A_624 = tpu.vector_load %arg6[%parallel_loop3A_622, %parallel_loop3A_623] {strides = array<i32>} : memref<16x1024xf32, #tpu.memory_space<vmem>>, vector<1x16xf32>,
        %parallel_loop3A_625 = vector.shape_cast %parallel_loop3A_624 : vector<1x16xf32> to vector<16xf32>
        %parallel_loop3A_626 = vector.shape_cast %parallel_loop3A_621 : vector<16xf32> to vector<1x16xf32>
        tpu.vector_store %arg6[%parallel_loop3A_622, %parallel_loop3A_623], %parallel_loop3A_626 {add = true, strides = array<i32>} : memref<16x1024xf32, #tpu.memory_space<vmem>>, vector<1x16xf32>,
        %parallel_loop3A_627 = arith.index_cast %parallel_loop3A_212 : i32 to index
        %parallel_loop3A_628 = arith.constant 736 : index
        %parallel_loop3A_629 = tpu.vector_load %arg5[%parallel_loop3A_627, %parallel_loop3A_628] {strides = array<i32>} : memref<32x1024xf32, #tpu.memory_space<vmem>>, vector<1x16xf32>,
        %parallel_loop3A_630 = vector.shape_cast %parallel_loop3A_629 : vector<1x16xf32> to vector<16xf32>
        %parallel_loop3A_631 = arith.index_cast %parallel_loop3A_211 : i32 to index
        %parallel_loop3A_632 = arith.constant 736 : index
        %parallel_loop3A_633 = tpu.vector_load %arg6[%parallel_loop3A_631, %parallel_loop3A_632] {strides = array<i32>} : memref<16x1024xf32, #tpu.memory_space<vmem>>, vector<1x16xf32>,
        %parallel_loop3A_634 = vector.shape_cast %parallel_loop3A_633 : vector<1x16xf32> to vector<16xf32>
        %parallel_loop3A_635 = vector.shape_cast %parallel_loop3A_630 : vector<16xf32> to vector<1x16xf32>
        tpu.vector_store %arg6[%parallel_loop3A_631, %parallel_loop3A_632], %parallel_loop3A_635 {add = true, strides = array<i32>} : memref<16x1024xf32, #tpu.memory_space<vmem>>, vector<1x16xf32>,
        %parallel_loop3A_636 = arith.index_cast %parallel_loop3A_212 : i32 to index
        %parallel_loop3A_637 = arith.constant 752 : index
        %parallel_loop3A_638 = tpu.vector_load %arg5[%parallel_loop3A_636, %parallel_loop3A_637] {strides = array<i32>} : memref<32x1024xf32, #tpu.memory_space<vmem>>, vector<1x16xf32>,
        %parallel_loop3A_639 = vector.shape_cast %parallel_loop3A_638 : vector<1x16xf32> to vector<16xf32>
        %parallel_loop3A_640 = arith.index_cast %parallel_loop3A_211 : i32 to index
        %parallel_loop3A_641 = arith.constant 752 : index
        %parallel_loop3A_642 = tpu.vector_load %arg6[%parallel_loop3A_640, %parallel_loop3A_641] {strides = array<i32>} : memref<16x1024xf32, #tpu.memory_space<vmem>>, vector<1x16xf32>,
        %parallel_loop3A_643 = vector.shape_cast %parallel_loop3A_642 : vector<1x16xf32> to vector<16xf32>
        %parallel_loop3A_644 = vector.shape_cast %parallel_loop3A_639 : vector<16xf32> to vector<1x16xf32>
        tpu.vector_store %arg6[%parallel_loop3A_640, %parallel_loop3A_641], %parallel_loop3A_644 {add = true, strides = array<i32>} : memref<16x1024xf32, #tpu.memory_space<vmem>>, vector<1x16xf32>,
        %parallel_loop3A_645 = arith.index_cast %parallel_loop3A_212 : i32 to index
        %parallel_loop3A_646 = arith.constant 768 : index
        %parallel_loop3A_647 = tpu.vector_load %arg5[%parallel_loop3A_645, %parallel_loop3A_646] {strides = array<i32>} : memref<32x1024xf32, #tpu.memory_space<vmem>>, vector<1x16xf32>,
        %parallel_loop3A_648 = vector.shape_cast %parallel_loop3A_647 : vector<1x16xf32> to vector<16xf32>
        %parallel_loop3A_649 = arith.index_cast %parallel_loop3A_211 : i32 to index
        %parallel_loop3A_650 = arith.constant 768 : index
        %parallel_loop3A_651 = tpu.vector_load %arg6[%parallel_loop3A_649, %parallel_loop3A_650] {strides = array<i32>} : memref<16x1024xf32, #tpu.memory_space<vmem>>, vector<1x16xf32>,
        %parallel_loop3A_652 = vector.shape_cast %parallel_loop3A_651 : vector<1x16xf32> to vector<16xf32>
        %parallel_loop3A_653 = vector.shape_cast %parallel_loop3A_648 : vector<16xf32> to vector<1x16xf32>
        tpu.vector_store %arg6[%parallel_loop3A_649, %parallel_loop3A_650], %parallel_loop3A_653 {add = true, strides = array<i32>} : memref<16x1024xf32, #tpu.memory_space<vmem>>, vector<1x16xf32>,
        %parallel_loop3A_654 = arith.index_cast %parallel_loop3A_212 : i32 to index
        %parallel_loop3A_655 = arith.constant 784 : index
        %parallel_loop3A_656 = tpu.vector_load %arg5[%parallel_loop3A_654, %parallel_loop3A_655] {strides = array<i32>} : memref<32x1024xf32, #tpu.memory_space<vmem>>, vector<1x16xf32>,
        %parallel_loop3A_657 = vector.shape_cast %parallel_loop3A_656 : vector<1x16xf32> to vector<16xf32>
        %parallel_loop3A_658 = arith.index_cast %parallel_loop3A_211 : i32 to index
        %parallel_loop3A_659 = arith.constant 784 : index
        %parallel_loop3A_660 = tpu.vector_load %arg6[%parallel_loop3A_658, %parallel_loop3A_659] {strides = array<i32>} : memref<16x1024xf32, #tpu.memory_space<vmem>>, vector<1x16xf32>,
        %parallel_loop3A_661 = vector.shape_cast %parallel_loop3A_660 : vector<1x16xf32> to vector<16xf32>
        %parallel_loop3A_662 = vector.shape_cast %parallel_loop3A_657 : vector<16xf32> to vector<1x16xf32>
        tpu.vector_store %arg6[%parallel_loop3A_658, %parallel_loop3A_659], %parallel_loop3A_662 {add = true, strides = array<i32>} : memref<16x1024xf32, #tpu.memory_space<vmem>>, vector<1x16xf32>,
        %parallel_loop3A_663 = arith.index_cast %parallel_loop3A_212 : i32 to index
        %parallel_loop3A_664 = arith.constant 800 : index
        %parallel_loop3A_665 = tpu.vector_load %arg5[%parallel_loop3A_663, %parallel_loop3A_664] {strides = array<i32>} : memref<32x1024xf32, #tpu.memory_space<vmem>>, vector<1x16xf32>,
        %parallel_loop3A_666 = vector.shape_cast %parallel_loop3A_665 : vector<1x16xf32> to vector<16xf32>
        %parallel_loop3A_667 = arith.index_cast %parallel_loop3A_211 : i32 to index
        %parallel_loop3A_668 = arith.constant 800 : index
        %parallel_loop3A_669 = tpu.vector_load %arg6[%parallel_loop3A_667, %parallel_loop3A_668] {strides = array<i32>} : memref<16x1024xf32, #tpu.memory_space<vmem>>, vector<1x16xf32>,
        %parallel_loop3A_670 = vector.shape_cast %parallel_loop3A_669 : vector<1x16xf32> to vector<16xf32>
        %parallel_loop3A_671 = vector.shape_cast %parallel_loop3A_666 : vector<16xf32> to vector<1x16xf32>
        tpu.vector_store %arg6[%parallel_loop3A_667, %parallel_loop3A_668], %parallel_loop3A_671 {add = true, strides = array<i32>} : memref<16x1024xf32, #tpu.memory_space<vmem>>, vector<1x16xf32>,
        %parallel_loop3A_672 = arith.index_cast %parallel_loop3A_212 : i32 to index
        %parallel_loop3A_673 = arith.constant 816 : index
        %parallel_loop3A_674 = tpu.vector_load %arg5[%parallel_loop3A_672, %parallel_loop3A_673] {strides = array<i32>} : memref<32x1024xf32, #tpu.memory_space<vmem>>, vector<1x16xf32>,
        %parallel_loop3A_675 = vector.shape_cast %parallel_loop3A_674 : vector<1x16xf32> to vector<16xf32>
        %parallel_loop3A_676 = arith.index_cast %parallel_loop3A_211 : i32 to index
        %parallel_loop3A_677 = arith.constant 816 : index
        %parallel_loop3A_678 = tpu.vector_load %arg6[%parallel_loop3A_676, %parallel_loop3A_677] {strides = array<i32>} : memref<16x1024xf32, #tpu.memory_space<vmem>>, vector<1x16xf32>,
        %parallel_loop3A_679 = vector.shape_cast %parallel_loop3A_678 : vector<1x16xf32> to vector<16xf32>
        %parallel_loop3A_680 = vector.shape_cast %parallel_loop3A_675 : vector<16xf32> to vector<1x16xf32>
        tpu.vector_store %arg6[%parallel_loop3A_676, %parallel_loop3A_677], %parallel_loop3A_680 {add = true, strides = array<i32>} : memref<16x1024xf32, #tpu.memory_space<vmem>>, vector<1x16xf32>,
        %parallel_loop3A_681 = arith.index_cast %parallel_loop3A_212 : i32 to index
        %parallel_loop3A_682 = arith.constant 832 : index
        %parallel_loop3A_683 = tpu.vector_load %arg5[%parallel_loop3A_681, %parallel_loop3A_682] {strides = array<i32>} : memref<32x1024xf32, #tpu.memory_space<vmem>>, vector<1x16xf32>,
        %parallel_loop3A_684 = vector.shape_cast %parallel_loop3A_683 : vector<1x16xf32> to vector<16xf32>
        %parallel_loop3A_685 = arith.index_cast %parallel_loop3A_211 : i32 to index
        %parallel_loop3A_686 = arith.constant 832 : index
        %parallel_loop3A_687 = tpu.vector_load %arg6[%parallel_loop3A_685, %parallel_loop3A_686] {strides = array<i32>} : memref<16x1024xf32, #tpu.memory_space<vmem>>, vector<1x16xf32>,
        %parallel_loop3A_688 = vector.shape_cast %parallel_loop3A_687 : vector<1x16xf32> to vector<16xf32>
        %parallel_loop3A_689 = vector.shape_cast %parallel_loop3A_684 : vector<16xf32> to vector<1x16xf32>
        tpu.vector_store %arg6[%parallel_loop3A_685, %parallel_loop3A_686], %parallel_loop3A_689 {add = true, strides = array<i32>} : memref<16x1024xf32, #tpu.memory_space<vmem>>, vector<1x16xf32>,
        %parallel_loop3A_690 = arith.index_cast %parallel_loop3A_212 : i32 to index
        %parallel_loop3A_691 = arith.constant 848 : index
        %parallel_loop3A_692 = tpu.vector_load %arg5[%parallel_loop3A_690, %parallel_loop3A_691] {strides = array<i32>} : memref<32x1024xf32, #tpu.memory_space<vmem>>, vector<1x16xf32>,
        %parallel_loop3A_693 = vector.shape_cast %parallel_loop3A_692 : vector<1x16xf32> to vector<16xf32>
        %parallel_loop3A_694 = arith.index_cast %parallel_loop3A_211 : i32 to index
        %parallel_loop3A_695 = arith.constant 848 : index
        %parallel_loop3A_696 = tpu.vector_load %arg6[%parallel_loop3A_694, %parallel_loop3A_695] {strides = array<i32>} : memref<16x1024xf32, #tpu.memory_space<vmem>>, vector<1x16xf32>,
        %parallel_loop3A_697 = vector.shape_cast %parallel_loop3A_696 : vector<1x16xf32> to vector<16xf32>
        %parallel_loop3A_698 = vector.shape_cast %parallel_loop3A_693 : vector<16xf32> to vector<1x16xf32>
        tpu.vector_store %arg6[%parallel_loop3A_694, %parallel_loop3A_695], %parallel_loop3A_698 {add = true, strides = array<i32>} : memref<16x1024xf32, #tpu.memory_space<vmem>>, vector<1x16xf32>,
        %parallel_loop3A_699 = arith.index_cast %parallel_loop3A_212 : i32 to index
        %parallel_loop3A_700 = arith.constant 864 : index
        %parallel_loop3A_701 = tpu.vector_load %arg5[%parallel_loop3A_699, %parallel_loop3A_700] {strides = array<i32>} : memref<32x1024xf32, #tpu.memory_space<vmem>>, vector<1x16xf32>,
        %parallel_loop3A_702 = vector.shape_cast %parallel_loop3A_701 : vector<1x16xf32> to vector<16xf32>
        %parallel_loop3A_703 = arith.index_cast %parallel_loop3A_211 : i32 to index
        %parallel_loop3A_704 = arith.constant 864 : index
        %parallel_loop3A_705 = tpu.vector_load %arg6[%parallel_loop3A_703, %parallel_loop3A_704] {strides = array<i32>} : memref<16x1024xf32, #tpu.memory_space<vmem>>, vector<1x16xf32>,
        %parallel_loop3A_706 = vector.shape_cast %parallel_loop3A_705 : vector<1x16xf32> to vector<16xf32>
        %parallel_loop3A_707 = vector.shape_cast %parallel_loop3A_702 : vector<16xf32> to vector<1x16xf32>
        tpu.vector_store %arg6[%parallel_loop3A_703, %parallel_loop3A_704], %parallel_loop3A_707 {add = true, strides = array<i32>} : memref<16x1024xf32, #tpu.memory_space<vmem>>, vector<1x16xf32>,
        %parallel_loop3A_708 = arith.index_cast %parallel_loop3A_212 : i32 to index
        %parallel_loop3A_709 = arith.constant 880 : index
        %parallel_loop3A_710 = tpu.vector_load %arg5[%parallel_loop3A_708, %parallel_loop3A_709] {strides = array<i32>} : memref<32x1024xf32, #tpu.memory_space<vmem>>, vector<1x16xf32>,
        %parallel_loop3A_711 = vector.shape_cast %parallel_loop3A_710 : vector<1x16xf32> to vector<16xf32>
        %parallel_loop3A_712 = arith.index_cast %parallel_loop3A_211 : i32 to index
        %parallel_loop3A_713 = arith.constant 880 : index
        %parallel_loop3A_714 = tpu.vector_load %arg6[%parallel_loop3A_712, %parallel_loop3A_713] {strides = array<i32>} : memref<16x1024xf32, #tpu.memory_space<vmem>>, vector<1x16xf32>,
        %parallel_loop3A_715 = vector.shape_cast %parallel_loop3A_714 : vector<1x16xf32> to vector<16xf32>
        %parallel_loop3A_716 = vector.shape_cast %parallel_loop3A_711 : vector<16xf32> to vector<1x16xf32>
        tpu.vector_store %arg6[%parallel_loop3A_712, %parallel_loop3A_713], %parallel_loop3A_716 {add = true, strides = array<i32>} : memref<16x1024xf32, #tpu.memory_space<vmem>>, vector<1x16xf32>,
        %parallel_loop3A_717 = arith.index_cast %parallel_loop3A_212 : i32 to index
        %parallel_loop3A_718 = arith.constant 896 : index
        %parallel_loop3A_719 = tpu.vector_load %arg5[%parallel_loop3A_717, %parallel_loop3A_718] {strides = array<i32>} : memref<32x1024xf32, #tpu.memory_space<vmem>>, vector<1x16xf32>,
        %parallel_loop3A_720 = vector.shape_cast %parallel_loop3A_719 : vector<1x16xf32> to vector<16xf32>
        %parallel_loop3A_721 = arith.index_cast %parallel_loop3A_211 : i32 to index
        %parallel_loop3A_722 = arith.constant 896 : index
        %parallel_loop3A_723 = tpu.vector_load %arg6[%parallel_loop3A_721, %parallel_loop3A_722] {strides = array<i32>} : memref<16x1024xf32, #tpu.memory_space<vmem>>, vector<1x16xf32>,
        %parallel_loop3A_724 = vector.shape_cast %parallel_loop3A_723 : vector<1x16xf32> to vector<16xf32>
        %parallel_loop3A_725 = vector.shape_cast %parallel_loop3A_720 : vector<16xf32> to vector<1x16xf32>
        tpu.vector_store %arg6[%parallel_loop3A_721, %parallel_loop3A_722], %parallel_loop3A_725 {add = true, strides = array<i32>} : memref<16x1024xf32, #tpu.memory_space<vmem>>, vector<1x16xf32>,
        %parallel_loop3A_726 = arith.index_cast %parallel_loop3A_212 : i32 to index
        %parallel_loop3A_727 = arith.constant 912 : index
        %parallel_loop3A_728 = tpu.vector_load %arg5[%parallel_loop3A_726, %parallel_loop3A_727] {strides = array<i32>} : memref<32x1024xf32, #tpu.memory_space<vmem>>, vector<1x16xf32>,
        %parallel_loop3A_729 = vector.shape_cast %parallel_loop3A_728 : vector<1x16xf32> to vector<16xf32>
        %parallel_loop3A_730 = arith.index_cast %parallel_loop3A_211 : i32 to index
        %parallel_loop3A_731 = arith.constant 912 : index
        %parallel_loop3A_732 = tpu.vector_load %arg6[%parallel_loop3A_730, %parallel_loop3A_731] {strides = array<i32>} : memref<16x1024xf32, #tpu.memory_space<vmem>>, vector<1x16xf32>,
        %parallel_loop3A_733 = vector.shape_cast %parallel_loop3A_732 : vector<1x16xf32> to vector<16xf32>
        %parallel_loop3A_734 = vector.shape_cast %parallel_loop3A_729 : vector<16xf32> to vector<1x16xf32>
        tpu.vector_store %arg6[%parallel_loop3A_730, %parallel_loop3A_731], %parallel_loop3A_734 {add = true, strides = array<i32>} : memref<16x1024xf32, #tpu.memory_space<vmem>>, vector<1x16xf32>,
        %parallel_loop3A_735 = arith.index_cast %parallel_loop3A_212 : i32 to index
        %parallel_loop3A_736 = arith.constant 928 : index
        %parallel_loop3A_737 = tpu.vector_load %arg5[%parallel_loop3A_735, %parallel_loop3A_736] {strides = array<i32>} : memref<32x1024xf32, #tpu.memory_space<vmem>>, vector<1x16xf32>,
        %parallel_loop3A_738 = vector.shape_cast %parallel_loop3A_737 : vector<1x16xf32> to vector<16xf32>
        %parallel_loop3A_739 = arith.index_cast %parallel_loop3A_211 : i32 to index
        %parallel_loop3A_740 = arith.constant 928 : index
        %parallel_loop3A_741 = tpu.vector_load %arg6[%parallel_loop3A_739, %parallel_loop3A_740] {strides = array<i32>} : memref<16x1024xf32, #tpu.memory_space<vmem>>, vector<1x16xf32>,
        %parallel_loop3A_742 = vector.shape_cast %parallel_loop3A_741 : vector<1x16xf32> to vector<16xf32>
        %parallel_loop3A_743 = vector.shape_cast %parallel_loop3A_738 : vector<16xf32> to vector<1x16xf32>
        tpu.vector_store %arg6[%parallel_loop3A_739, %parallel_loop3A_740], %parallel_loop3A_743 {add = true, strides = array<i32>} : memref<16x1024xf32, #tpu.memory_space<vmem>>, vector<1x16xf32>,
        %parallel_loop3A_744 = arith.index_cast %parallel_loop3A_212 : i32 to index
        %parallel_loop3A_745 = arith.constant 944 : index
        %parallel_loop3A_746 = tpu.vector_load %arg5[%parallel_loop3A_744, %parallel_loop3A_745] {strides = array<i32>} : memref<32x1024xf32, #tpu.memory_space<vmem>>, vector<1x16xf32>,
        %parallel_loop3A_747 = vector.shape_cast %parallel_loop3A_746 : vector<1x16xf32> to vector<16xf32>
        %parallel_loop3A_748 = arith.index_cast %parallel_loop3A_211 : i32 to index
        %parallel_loop3A_749 = arith.constant 944 : index
        %parallel_loop3A_750 = tpu.vector_load %arg6[%parallel_loop3A_748, %parallel_loop3A_749] {strides = array<i32>} : memref<16x1024xf32, #tpu.memory_space<vmem>>, vector<1x16xf32>,
        %parallel_loop3A_751 = vector.shape_cast %parallel_loop3A_750 : vector<1x16xf32> to vector<16xf32>
        %parallel_loop3A_752 = vector.shape_cast %parallel_loop3A_747 : vector<16xf32> to vector<1x16xf32>
        tpu.vector_store %arg6[%parallel_loop3A_748, %parallel_loop3A_749], %parallel_loop3A_752 {add = true, strides = array<i32>} : memref<16x1024xf32, #tpu.memory_space<vmem>>, vector<1x16xf32>,
        %parallel_loop3A_753 = arith.index_cast %parallel_loop3A_212 : i32 to index
        %parallel_loop3A_754 = arith.constant 960 : index
        %parallel_loop3A_755 = tpu.vector_load %arg5[%parallel_loop3A_753, %parallel_loop3A_754] {strides = array<i32>} : memref<32x1024xf32, #tpu.memory_space<vmem>>, vector<1x16xf32>,
        %parallel_loop3A_756 = vector.shape_cast %parallel_loop3A_755 : vector<1x16xf32> to vector<16xf32>
        %parallel_loop3A_757 = arith.index_cast %parallel_loop3A_211 : i32 to index
        %parallel_loop3A_758 = arith.constant 960 : index
        %parallel_loop3A_759 = tpu.vector_load %arg6[%parallel_loop3A_757, %parallel_loop3A_758] {strides = array<i32>} : memref<16x1024xf32, #tpu.memory_space<vmem>>, vector<1x16xf32>,
        %parallel_loop3A_760 = vector.shape_cast %parallel_loop3A_759 : vector<1x16xf32> to vector<16xf32>
        %parallel_loop3A_761 = vector.shape_cast %parallel_loop3A_756 : vector<16xf32> to vector<1x16xf32>
        tpu.vector_store %arg6[%parallel_loop3A_757, %parallel_loop3A_758], %parallel_loop3A_761 {add = true, strides = array<i32>} : memref<16x1024xf32, #tpu.memory_space<vmem>>, vector<1x16xf32>,
        %parallel_loop3A_762 = arith.index_cast %parallel_loop3A_212 : i32 to index
        %parallel_loop3A_763 = arith.constant 976 : index
        %parallel_loop3A_764 = tpu.vector_load %arg5[%parallel_loop3A_762, %parallel_loop3A_763] {strides = array<i32>} : memref<32x1024xf32, #tpu.memory_space<vmem>>, vector<1x16xf32>,
        %parallel_loop3A_765 = vector.shape_cast %parallel_loop3A_764 : vector<1x16xf32> to vector<16xf32>
        %parallel_loop3A_766 = arith.index_cast %parallel_loop3A_211 : i32 to index
        %parallel_loop3A_767 = arith.constant 976 : index
        %parallel_loop3A_768 = tpu.vector_load %arg6[%parallel_loop3A_766, %parallel_loop3A_767] {strides = array<i32>} : memref<16x1024xf32, #tpu.memory_space<vmem>>, vector<1x16xf32>,
        %parallel_loop3A_769 = vector.shape_cast %parallel_loop3A_768 : vector<1x16xf32> to vector<16xf32>
        %parallel_loop3A_770 = vector.shape_cast %parallel_loop3A_765 : vector<16xf32> to vector<1x16xf32>
        tpu.vector_store %arg6[%parallel_loop3A_766, %parallel_loop3A_767], %parallel_loop3A_770 {add = true, strides = array<i32>} : memref<16x1024xf32, #tpu.memory_space<vmem>>, vector<1x16xf32>,
        %parallel_loop3A_771 = arith.index_cast %parallel_loop3A_212 : i32 to index
        %parallel_loop3A_772 = arith.constant 992 : index
        %parallel_loop3A_773 = tpu.vector_load %arg5[%parallel_loop3A_771, %parallel_loop3A_772] {strides = array<i32>} : memref<32x1024xf32, #tpu.memory_space<vmem>>, vector<1x16xf32>,
        %parallel_loop3A_774 = vector.shape_cast %parallel_loop3A_773 : vector<1x16xf32> to vector<16xf32>
        %parallel_loop3A_775 = arith.index_cast %parallel_loop3A_211 : i32 to index
        %parallel_loop3A_776 = arith.constant 992 : index
        %parallel_loop3A_777 = tpu.vector_load %arg6[%parallel_loop3A_775, %parallel_loop3A_776] {strides = array<i32>} : memref<16x1024xf32, #tpu.memory_space<vmem>>, vector<1x16xf32>,
        %parallel_loop3A_778 = vector.shape_cast %parallel_loop3A_777 : vector<1x16xf32> to vector<16xf32>
        %parallel_loop3A_779 = vector.shape_cast %parallel_loop3A_774 : vector<16xf32> to vector<1x16xf32>
        tpu.vector_store %arg6[%parallel_loop3A_775, %parallel_loop3A_776], %parallel_loop3A_779 {add = true, strides = array<i32>} : memref<16x1024xf32, #tpu.memory_space<vmem>>, vector<1x16xf32>,
        %parallel_loop3A_780 = arith.index_cast %parallel_loop3A_212 : i32 to index
        %parallel_loop3A_781 = arith.constant 1008 : index
        %parallel_loop3A_782 = tpu.vector_load %arg5[%parallel_loop3A_780, %parallel_loop3A_781] {strides = array<i32>} : memref<32x1024xf32, #tpu.memory_space<vmem>>, vector<1x16xf32>,
        %parallel_loop3A_783 = vector.shape_cast %parallel_loop3A_782 : vector<1x16xf32> to vector<16xf32>
        %parallel_loop3A_784 = arith.index_cast %parallel_loop3A_211 : i32 to index
        %parallel_loop3A_785 = arith.constant 1008 : index
        %parallel_loop3A_786 = tpu.vector_load %arg6[%parallel_loop3A_784, %parallel_loop3A_785] {strides = array<i32>} : memref<16x1024xf32, #tpu.memory_space<vmem>>, vector<1x16xf32>,
        %parallel_loop3A_787 = vector.shape_cast %parallel_loop3A_786 : vector<1x16xf32> to vector<16xf32>
        %parallel_loop3A_788 = vector.shape_cast %parallel_loop3A_783 : vector<16xf32> to vector<1x16xf32>
        tpu.vector_store %arg6[%parallel_loop3A_784, %parallel_loop3A_785], %parallel_loop3A_788 {add = true, strides = array<i32>} : memref<16x1024xf32, #tpu.memory_space<vmem>>, vector<1x16xf32>,
      } {sc.loop_unroll_factor = 4 : i64, sc.parallel_access}
      %dma_start3A_113 = arith.constant 0 : i32
      %dma_start3A_114 = arith.constant 0 : i32
      %dma_start3A_115 = tpu.memref_slice %arg4[%dma_start3A_113, %add3A_74, %dma_start3A_114] : memref<4x8192x1024xf32, #tpu.memory_space<hbm>> -> memref<1x16x1024xf32, #tpu.memory_space<hbm>>
      %dma_start3A_116 = tpu.memref_squeeze %dma_start3A_115 : memref<1x16x1024xf32, #tpu.memory_space<hbm>> -> memref<16x1024xf32, #tpu.memory_space<hbm>>
      %dma_start3A_117 = arith.constant 0 : i32
      %dma_start3A_118 = tpu.memref_slice %arg4[%dma_start3A_113, %add3A_74, %dma_start3A_117] : memref<4x8192x1024xf32, #tpu.memory_space<hbm>> -> memref<1x16x1024xf32, #tpu.memory_space<hbm>>
      %dma_start3A_119 = tpu.memref_squeeze %dma_start3A_118 : memref<1x16x1024xf32, #tpu.memory_space<hbm>> -> memref<16x1024xf32, #tpu.memory_space<hbm>>
      tpu.enqueue_dma source(%arg6 : memref<16x1024xf32, #tpu.memory_space<vmem>>) target(%dma_start3A_119 : memref<16x1024xf32, #tpu.memory_space<hbm>>) target_semaphore(%arg15 : memref<!tpu.dma_semaphore, #tpu.memory_space<semaphore_mem>>)
      %mul3A_120 = arith.constant 4 : i32
      %mul3A_121 = arith.muli %scan3A_67, %mul3A_120 : i32
      %add3A_122 = arith.constant 1 : i32
      %add3A_123 = arith.addi %mul3A_121, %add3A_122 : i32
      %dma_wait3A_124 = arith.constant 0 : i32
      %dma_wait3A_125 = arith.constant 0 : i32
      %dma_wait3A_126 = arith.constant 0 : i32
      %dma_wait3A_127 = tpu.memref_slice %arg2[%dma_wait3A_124, %dma_wait3A_125, %dma_wait3A_126] : memref<4x8192x1024xf32, #tpu.memory_space<hbm>> -> memref<1x16x1024xf32, #tpu.memory_space<hbm>>
      %dma_wait3A_128 = tpu.memref_squeeze %dma_wait3A_127 : memref<1x16x1024xf32, #tpu.memory_space<hbm>> -> memref<16x1024xf32, #tpu.memory_space<hbm>>
      %dma_wait3A_129 = arith.constant 0 : i32
      %dma_wait3A_130 = arith.constant 0 : i32
      %dma_wait3A_131 = tpu.memref_slice %arg2[%dma_wait3A_124, %dma_wait3A_129, %dma_wait3A_130] : memref<4x8192x1024xf32, #tpu.memory_space<hbm>> -> memref<1x16x1024xf32, #tpu.memory_space<hbm>>
      %dma_wait3A_132 = tpu.memref_squeeze %dma_wait3A_131 : memref<1x16x1024xf32, #tpu.memory_space<hbm>> -> memref<16x1024xf32, #tpu.memory_space<hbm>>
      tpu.wait_dma2 semaphore(%arg12 : memref<!tpu.dma_semaphore, #tpu.memory_space<semaphore_mem>>) src(%dma_wait3A_132 : memref<16x1024xf32, #tpu.memory_space<hbm>>) dst(%arg7 : memref<16x1024xf32, #tpu.memory_space<vmem>>)
      %add3A_133 = arith.constant 2 : i32
      %add3A_134 = arith.addi %add3A_123, %add3A_133 : i32
      %lt3A_135 = arith.constant 64 : i32
      %lt3A_136 = arith.cmpi slt, %add3A_134, %lt3A_135 : i32
      %convert_element_type3A_137 = arith.extui %lt3A_136 : i1 to i32
      %cond3A_138 = arith.constant 0 : i32
      %cond3A_139 = arith.cmpi ne, %convert_element_type3A_137, %cond3A_138 : i32
      scf.if %cond3A_139 {
        %add3A_211 = arith.constant 2 : i32
        %add3A_212 = arith.addi %add3A_123, %add3A_211 : i32
        %and3A_213 = arith.constant 3 : i32
        %and3A_214 = arith.andi %add3A_212, %and3A_213 : i32
        %shift_right_arithmetic3A = arith.constant 2 : i32
        %shift_right_arithmetic3A_215 = arith.shrsi %add3A_212, %shift_right_arithmetic3A : i32
        %mul3A_216 = arith.constant 16 : i32
        %mul3A_217 = arith.muli %shift_right_arithmetic3A_215, %mul3A_216 : i32
        %add3A_218 = arith.addi %mul3A_2, %mul3A_217 : i32
        %ge3A = arith.constant 2 : i32
        %ge3A_219 = arith.cmpi sge, %add3A_123, %ge3A : i32
        %convert_element_type3A_220 = arith.extui %ge3A_219 : i1 to i32
        %cond3A_221 = arith.constant 0 : i32
        %cond3A_222 = arith.cmpi ne, %convert_element_type3A_220, %cond3A_221 : i32
        scf.if %cond3A_222 {
          %dma_wait3A_229 = arith.constant 0 : i32
          %dma_wait3A_230 = arith.constant 0 : i32
          %dma_wait3A_231 = arith.constant 0 : i32
          %dma_wait3A_232 = tpu.memref_slice %arg4[%dma_wait3A_229, %dma_wait3A_230, %dma_wait3A_231] : memref<4x8192x1024xf32, #tpu.memory_space<hbm>> -> memref<1x16x1024xf32, #tpu.memory_space<hbm>>
          %dma_wait3A_233 = tpu.memref_squeeze %dma_wait3A_232 : memref<1x16x1024xf32, #tpu.memory_space<hbm>> -> memref<16x1024xf32, #tpu.memory_space<hbm>>
          %dma_wait3A_234 = arith.constant 0 : i32
          %dma_wait3A_235 = arith.constant 0 : i32
          %dma_wait3A_236 = tpu.memref_slice %arg4[%dma_wait3A_229, %dma_wait3A_234, %dma_wait3A_235] : memref<4x8192x1024xf32, #tpu.memory_space<hbm>> -> memref<1x16x1024xf32, #tpu.memory_space<hbm>>
          %dma_wait3A_237 = tpu.memref_squeeze %dma_wait3A_236 : memref<1x16x1024xf32, #tpu.memory_space<hbm>> -> memref<16x1024xf32, #tpu.memory_space<hbm>>
          tpu.wait_dma2 semaphore(%arg18 : memref<!tpu.dma_semaphore, #tpu.memory_space<semaphore_mem>>) src(%arg9 : memref<16x1024xf32, #tpu.memory_space<vmem>>) dst(%dma_wait3A_237 : memref<16x1024xf32, #tpu.memory_space<hbm>>)
        } else {
        }
        %dma_start3A_223 = arith.constant 0 : i32
        %dma_start3A_224 = tpu.memref_slice %arg2[%and3A_214, %add3A_218, %dma_start3A_223] : memref<4x8192x1024xf32, #tpu.memory_space<hbm>> -> memref<1x16x1024xf32, #tpu.memory_space<hbm>>
        %dma_start3A_225 = tpu.memref_squeeze %dma_start3A_224 : memref<1x16x1024xf32, #tpu.memory_space<hbm>> -> memref<16x1024xf32, #tpu.memory_space<hbm>>
        %dma_start3A_226 = arith.constant 0 : i32
        %dma_start3A_227 = tpu.memref_slice %arg2[%and3A_214, %add3A_218, %dma_start3A_226] : memref<4x8192x1024xf32, #tpu.memory_space<hbm>> -> memref<1x16x1024xf32, #tpu.memory_space<hbm>>
        %dma_start3A_228 = tpu.memref_squeeze %dma_start3A_227 : memref<1x16x1024xf32, #tpu.memory_space<hbm>> -> memref<16x1024xf32, #tpu.memory_space<hbm>>
        tpu.enqueue_dma source(%dma_start3A_228 : memref<16x1024xf32, #tpu.memory_space<hbm>>) target(%arg9 : memref<16x1024xf32, #tpu.memory_space<vmem>>) target_semaphore(%arg14 : memref<!tpu.dma_semaphore, #tpu.memory_space<semaphore_mem>>)
      } else {
      }
      %parallel_loop3A_140 = arith.constant 0 : i32
      %parallel_loop3A_141 = arith.constant 16 : i32
      %parallel_loop3A_142 = arith.constant 1 : i32
      scf.for %parallel_loop3A_211 = %parallel_loop3A_140 to %parallel_loop3A_141 step %parallel_loop3A_142  : i32 {
        %parallel_loop3A_212 = arith.addi %mul3A_71, %parallel_loop3A_211 : i32
        %parallel_loop3A_213 = arith.index_cast %parallel_loop3A_212 : i32 to index
        %parallel_loop3A_214 = arith.constant 0 : index
        %parallel_loop3A_215 = tpu.vector_load %arg5[%parallel_loop3A_213, %parallel_loop3A_214] {strides = array<i32>} : memref<32x1024xf32, #tpu.memory_space<vmem>>, vector<1x16xf32>,
        %parallel_loop3A_216 = vector.shape_cast %parallel_loop3A_215 : vector<1x16xf32> to vector<16xf32>
        %parallel_loop3A_217 = arith.index_cast %parallel_loop3A_211 : i32 to index
        %parallel_loop3A_218 = arith.constant 0 : index
        %parallel_loop3A_219 = tpu.vector_load %arg7[%parallel_loop3A_217, %parallel_loop3A_218] {strides = array<i32>} : memref<16x1024xf32, #tpu.memory_space<vmem>>, vector<1x16xf32>,
        %parallel_loop3A_220 = vector.shape_cast %parallel_loop3A_219 : vector<1x16xf32> to vector<16xf32>
        %parallel_loop3A_221 = vector.shape_cast %parallel_loop3A_216 : vector<16xf32> to vector<1x16xf32>
        tpu.vector_store %arg7[%parallel_loop3A_217, %parallel_loop3A_218], %parallel_loop3A_221 {add = true, strides = array<i32>} : memref<16x1024xf32, #tpu.memory_space<vmem>>, vector<1x16xf32>,
        %parallel_loop3A_222 = arith.index_cast %parallel_loop3A_212 : i32 to index
        %parallel_loop3A_223 = arith.constant 16 : index
        %parallel_loop3A_224 = tpu.vector_load %arg5[%parallel_loop3A_222, %parallel_loop3A_223] {strides = array<i32>} : memref<32x1024xf32, #tpu.memory_space<vmem>>, vector<1x16xf32>,
        %parallel_loop3A_225 = vector.shape_cast %parallel_loop3A_224 : vector<1x16xf32> to vector<16xf32>
        %parallel_loop3A_226 = arith.index_cast %parallel_loop3A_211 : i32 to index
        %parallel_loop3A_227 = arith.constant 16 : index
        %parallel_loop3A_228 = tpu.vector_load %arg7[%parallel_loop3A_226, %parallel_loop3A_227] {strides = array<i32>} : memref<16x1024xf32, #tpu.memory_space<vmem>>, vector<1x16xf32>,
        %parallel_loop3A_229 = vector.shape_cast %parallel_loop3A_228 : vector<1x16xf32> to vector<16xf32>
        %parallel_loop3A_230 = vector.shape_cast %parallel_loop3A_225 : vector<16xf32> to vector<1x16xf32>
        tpu.vector_store %arg7[%parallel_loop3A_226, %parallel_loop3A_227], %parallel_loop3A_230 {add = true, strides = array<i32>} : memref<16x1024xf32, #tpu.memory_space<vmem>>, vector<1x16xf32>,
        %parallel_loop3A_231 = arith.index_cast %parallel_loop3A_212 : i32 to index
        %parallel_loop3A_232 = arith.constant 32 : index
        %parallel_loop3A_233 = tpu.vector_load %arg5[%parallel_loop3A_231, %parallel_loop3A_232] {strides = array<i32>} : memref<32x1024xf32, #tpu.memory_space<vmem>>, vector<1x16xf32>,
        %parallel_loop3A_234 = vector.shape_cast %parallel_loop3A_233 : vector<1x16xf32> to vector<16xf32>
        %parallel_loop3A_235 = arith.index_cast %parallel_loop3A_211 : i32 to index
        %parallel_loop3A_236 = arith.constant 32 : index
        %parallel_loop3A_237 = tpu.vector_load %arg7[%parallel_loop3A_235, %parallel_loop3A_236] {strides = array<i32>} : memref<16x1024xf32, #tpu.memory_space<vmem>>, vector<1x16xf32>,
        %parallel_loop3A_238 = vector.shape_cast %parallel_loop3A_237 : vector<1x16xf32> to vector<16xf32>
        %parallel_loop3A_239 = vector.shape_cast %parallel_loop3A_234 : vector<16xf32> to vector<1x16xf32>
        tpu.vector_store %arg7[%parallel_loop3A_235, %parallel_loop3A_236], %parallel_loop3A_239 {add = true, strides = array<i32>} : memref<16x1024xf32, #tpu.memory_space<vmem>>, vector<1x16xf32>,
        %parallel_loop3A_240 = arith.index_cast %parallel_loop3A_212 : i32 to index
        %parallel_loop3A_241 = arith.constant 48 : index
        %parallel_loop3A_242 = tpu.vector_load %arg5[%parallel_loop3A_240, %parallel_loop3A_241] {strides = array<i32>} : memref<32x1024xf32, #tpu.memory_space<vmem>>, vector<1x16xf32>,
        %parallel_loop3A_243 = vector.shape_cast %parallel_loop3A_242 : vector<1x16xf32> to vector<16xf32>
        %parallel_loop3A_244 = arith.index_cast %parallel_loop3A_211 : i32 to index
        %parallel_loop3A_245 = arith.constant 48 : index
        %parallel_loop3A_246 = tpu.vector_load %arg7[%parallel_loop3A_244, %parallel_loop3A_245] {strides = array<i32>} : memref<16x1024xf32, #tpu.memory_space<vmem>>, vector<1x16xf32>,
        %parallel_loop3A_247 = vector.shape_cast %parallel_loop3A_246 : vector<1x16xf32> to vector<16xf32>
        %parallel_loop3A_248 = vector.shape_cast %parallel_loop3A_243 : vector<16xf32> to vector<1x16xf32>
        tpu.vector_store %arg7[%parallel_loop3A_244, %parallel_loop3A_245], %parallel_loop3A_248 {add = true, strides = array<i32>} : memref<16x1024xf32, #tpu.memory_space<vmem>>, vector<1x16xf32>,
        %parallel_loop3A_249 = arith.index_cast %parallel_loop3A_212 : i32 to index
        %parallel_loop3A_250 = arith.constant 64 : index
        %parallel_loop3A_251 = tpu.vector_load %arg5[%parallel_loop3A_249, %parallel_loop3A_250] {strides = array<i32>} : memref<32x1024xf32, #tpu.memory_space<vmem>>, vector<1x16xf32>,
        %parallel_loop3A_252 = vector.shape_cast %parallel_loop3A_251 : vector<1x16xf32> to vector<16xf32>
        %parallel_loop3A_253 = arith.index_cast %parallel_loop3A_211 : i32 to index
        %parallel_loop3A_254 = arith.constant 64 : index
        %parallel_loop3A_255 = tpu.vector_load %arg7[%parallel_loop3A_253, %parallel_loop3A_254] {strides = array<i32>} : memref<16x1024xf32, #tpu.memory_space<vmem>>, vector<1x16xf32>,
        %parallel_loop3A_256 = vector.shape_cast %parallel_loop3A_255 : vector<1x16xf32> to vector<16xf32>
        %parallel_loop3A_257 = vector.shape_cast %parallel_loop3A_252 : vector<16xf32> to vector<1x16xf32>
        tpu.vector_store %arg7[%parallel_loop3A_253, %parallel_loop3A_254], %parallel_loop3A_257 {add = true, strides = array<i32>} : memref<16x1024xf32, #tpu.memory_space<vmem>>, vector<1x16xf32>,
        %parallel_loop3A_258 = arith.index_cast %parallel_loop3A_212 : i32 to index
        %parallel_loop3A_259 = arith.constant 80 : index
        %parallel_loop3A_260 = tpu.vector_load %arg5[%parallel_loop3A_258, %parallel_loop3A_259] {strides = array<i32>} : memref<32x1024xf32, #tpu.memory_space<vmem>>, vector<1x16xf32>,
        %parallel_loop3A_261 = vector.shape_cast %parallel_loop3A_260 : vector<1x16xf32> to vector<16xf32>
        %parallel_loop3A_262 = arith.index_cast %parallel_loop3A_211 : i32 to index
        %parallel_loop3A_263 = arith.constant 80 : index
        %parallel_loop3A_264 = tpu.vector_load %arg7[%parallel_loop3A_262, %parallel_loop3A_263] {strides = array<i32>} : memref<16x1024xf32, #tpu.memory_space<vmem>>, vector<1x16xf32>,
        %parallel_loop3A_265 = vector.shape_cast %parallel_loop3A_264 : vector<1x16xf32> to vector<16xf32>
        %parallel_loop3A_266 = vector.shape_cast %parallel_loop3A_261 : vector<16xf32> to vector<1x16xf32>
        tpu.vector_store %arg7[%parallel_loop3A_262, %parallel_loop3A_263], %parallel_loop3A_266 {add = true, strides = array<i32>} : memref<16x1024xf32, #tpu.memory_space<vmem>>, vector<1x16xf32>,
        %parallel_loop3A_267 = arith.index_cast %parallel_loop3A_212 : i32 to index
        %parallel_loop3A_268 = arith.constant 96 : index
        %parallel_loop3A_269 = tpu.vector_load %arg5[%parallel_loop3A_267, %parallel_loop3A_268] {strides = array<i32>} : memref<32x1024xf32, #tpu.memory_space<vmem>>, vector<1x16xf32>,
        %parallel_loop3A_270 = vector.shape_cast %parallel_loop3A_269 : vector<1x16xf32> to vector<16xf32>
        %parallel_loop3A_271 = arith.index_cast %parallel_loop3A_211 : i32 to index
        %parallel_loop3A_272 = arith.constant 96 : index
        %parallel_loop3A_273 = tpu.vector_load %arg7[%parallel_loop3A_271, %parallel_loop3A_272] {strides = array<i32>} : memref<16x1024xf32, #tpu.memory_space<vmem>>, vector<1x16xf32>,
        %parallel_loop3A_274 = vector.shape_cast %parallel_loop3A_273 : vector<1x16xf32> to vector<16xf32>
        %parallel_loop3A_275 = vector.shape_cast %parallel_loop3A_270 : vector<16xf32> to vector<1x16xf32>
        tpu.vector_store %arg7[%parallel_loop3A_271, %parallel_loop3A_272], %parallel_loop3A_275 {add = true, strides = array<i32>} : memref<16x1024xf32, #tpu.memory_space<vmem>>, vector<1x16xf32>,
        %parallel_loop3A_276 = arith.index_cast %parallel_loop3A_212 : i32 to index
        %parallel_loop3A_277 = arith.constant 112 : index
        %parallel_loop3A_278 = tpu.vector_load %arg5[%parallel_loop3A_276, %parallel_loop3A_277] {strides = array<i32>} : memref<32x1024xf32, #tpu.memory_space<vmem>>, vector<1x16xf32>,
        %parallel_loop3A_279 = vector.shape_cast %parallel_loop3A_278 : vector<1x16xf32> to vector<16xf32>
        %parallel_loop3A_280 = arith.index_cast %parallel_loop3A_211 : i32 to index
        %parallel_loop3A_281 = arith.constant 112 : index
        %parallel_loop3A_282 = tpu.vector_load %arg7[%parallel_loop3A_280, %parallel_loop3A_281] {strides = array<i32>} : memref<16x1024xf32, #tpu.memory_space<vmem>>, vector<1x16xf32>,
        %parallel_loop3A_283 = vector.shape_cast %parallel_loop3A_282 : vector<1x16xf32> to vector<16xf32>
        %parallel_loop3A_284 = vector.shape_cast %parallel_loop3A_279 : vector<16xf32> to vector<1x16xf32>
        tpu.vector_store %arg7[%parallel_loop3A_280, %parallel_loop3A_281], %parallel_loop3A_284 {add = true, strides = array<i32>} : memref<16x1024xf32, #tpu.memory_space<vmem>>, vector<1x16xf32>,
        %parallel_loop3A_285 = arith.index_cast %parallel_loop3A_212 : i32 to index
        %parallel_loop3A_286 = arith.constant 128 : index
        %parallel_loop3A_287 = tpu.vector_load %arg5[%parallel_loop3A_285, %parallel_loop3A_286] {strides = array<i32>} : memref<32x1024xf32, #tpu.memory_space<vmem>>, vector<1x16xf32>,
        %parallel_loop3A_288 = vector.shape_cast %parallel_loop3A_287 : vector<1x16xf32> to vector<16xf32>
        %parallel_loop3A_289 = arith.index_cast %parallel_loop3A_211 : i32 to index
        %parallel_loop3A_290 = arith.constant 128 : index
        %parallel_loop3A_291 = tpu.vector_load %arg7[%parallel_loop3A_289, %parallel_loop3A_290] {strides = array<i32>} : memref<16x1024xf32, #tpu.memory_space<vmem>>, vector<1x16xf32>,
        %parallel_loop3A_292 = vector.shape_cast %parallel_loop3A_291 : vector<1x16xf32> to vector<16xf32>
        %parallel_loop3A_293 = vector.shape_cast %parallel_loop3A_288 : vector<16xf32> to vector<1x16xf32>
        tpu.vector_store %arg7[%parallel_loop3A_289, %parallel_loop3A_290], %parallel_loop3A_293 {add = true, strides = array<i32>} : memref<16x1024xf32, #tpu.memory_space<vmem>>, vector<1x16xf32>,
        %parallel_loop3A_294 = arith.index_cast %parallel_loop3A_212 : i32 to index
        %parallel_loop3A_295 = arith.constant 144 : index
        %parallel_loop3A_296 = tpu.vector_load %arg5[%parallel_loop3A_294, %parallel_loop3A_295] {strides = array<i32>} : memref<32x1024xf32, #tpu.memory_space<vmem>>, vector<1x16xf32>,
        %parallel_loop3A_297 = vector.shape_cast %parallel_loop3A_296 : vector<1x16xf32> to vector<16xf32>
        %parallel_loop3A_298 = arith.index_cast %parallel_loop3A_211 : i32 to index
        %parallel_loop3A_299 = arith.constant 144 : index
        %parallel_loop3A_300 = tpu.vector_load %arg7[%parallel_loop3A_298, %parallel_loop3A_299] {strides = array<i32>} : memref<16x1024xf32, #tpu.memory_space<vmem>>, vector<1x16xf32>,
        %parallel_loop3A_301 = vector.shape_cast %parallel_loop3A_300 : vector<1x16xf32> to vector<16xf32>
        %parallel_loop3A_302 = vector.shape_cast %parallel_loop3A_297 : vector<16xf32> to vector<1x16xf32>
        tpu.vector_store %arg7[%parallel_loop3A_298, %parallel_loop3A_299], %parallel_loop3A_302 {add = true, strides = array<i32>} : memref<16x1024xf32, #tpu.memory_space<vmem>>, vector<1x16xf32>,
        %parallel_loop3A_303 = arith.index_cast %parallel_loop3A_212 : i32 to index
        %parallel_loop3A_304 = arith.constant 160 : index
        %parallel_loop3A_305 = tpu.vector_load %arg5[%parallel_loop3A_303, %parallel_loop3A_304] {strides = array<i32>} : memref<32x1024xf32, #tpu.memory_space<vmem>>, vector<1x16xf32>,
        %parallel_loop3A_306 = vector.shape_cast %parallel_loop3A_305 : vector<1x16xf32> to vector<16xf32>
        %parallel_loop3A_307 = arith.index_cast %parallel_loop3A_211 : i32 to index
        %parallel_loop3A_308 = arith.constant 160 : index
        %parallel_loop3A_309 = tpu.vector_load %arg7[%parallel_loop3A_307, %parallel_loop3A_308] {strides = array<i32>} : memref<16x1024xf32, #tpu.memory_space<vmem>>, vector<1x16xf32>,
        %parallel_loop3A_310 = vector.shape_cast %parallel_loop3A_309 : vector<1x16xf32> to vector<16xf32>
        %parallel_loop3A_311 = vector.shape_cast %parallel_loop3A_306 : vector<16xf32> to vector<1x16xf32>
        tpu.vector_store %arg7[%parallel_loop3A_307, %parallel_loop3A_308], %parallel_loop3A_311 {add = true, strides = array<i32>} : memref<16x1024xf32, #tpu.memory_space<vmem>>, vector<1x16xf32>,
        %parallel_loop3A_312 = arith.index_cast %parallel_loop3A_212 : i32 to index
        %parallel_loop3A_313 = arith.constant 176 : index
        %parallel_loop3A_314 = tpu.vector_load %arg5[%parallel_loop3A_312, %parallel_loop3A_313] {strides = array<i32>} : memref<32x1024xf32, #tpu.memory_space<vmem>>, vector<1x16xf32>,
        %parallel_loop3A_315 = vector.shape_cast %parallel_loop3A_314 : vector<1x16xf32> to vector<16xf32>
        %parallel_loop3A_316 = arith.index_cast %parallel_loop3A_211 : i32 to index
        %parallel_loop3A_317 = arith.constant 176 : index
        %parallel_loop3A_318 = tpu.vector_load %arg7[%parallel_loop3A_316, %parallel_loop3A_317] {strides = array<i32>} : memref<16x1024xf32, #tpu.memory_space<vmem>>, vector<1x16xf32>,
        %parallel_loop3A_319 = vector.shape_cast %parallel_loop3A_318 : vector<1x16xf32> to vector<16xf32>
        %parallel_loop3A_320 = vector.shape_cast %parallel_loop3A_315 : vector<16xf32> to vector<1x16xf32>
        tpu.vector_store %arg7[%parallel_loop3A_316, %parallel_loop3A_317], %parallel_loop3A_320 {add = true, strides = array<i32>} : memref<16x1024xf32, #tpu.memory_space<vmem>>, vector<1x16xf32>,
        %parallel_loop3A_321 = arith.index_cast %parallel_loop3A_212 : i32 to index
        %parallel_loop3A_322 = arith.constant 192 : index
        %parallel_loop3A_323 = tpu.vector_load %arg5[%parallel_loop3A_321, %parallel_loop3A_322] {strides = array<i32>} : memref<32x1024xf32, #tpu.memory_space<vmem>>, vector<1x16xf32>,
        %parallel_loop3A_324 = vector.shape_cast %parallel_loop3A_323 : vector<1x16xf32> to vector<16xf32>
        %parallel_loop3A_325 = arith.index_cast %parallel_loop3A_211 : i32 to index
        %parallel_loop3A_326 = arith.constant 192 : index
        %parallel_loop3A_327 = tpu.vector_load %arg7[%parallel_loop3A_325, %parallel_loop3A_326] {strides = array<i32>} : memref<16x1024xf32, #tpu.memory_space<vmem>>, vector<1x16xf32>,
        %parallel_loop3A_328 = vector.shape_cast %parallel_loop3A_327 : vector<1x16xf32> to vector<16xf32>
        %parallel_loop3A_329 = vector.shape_cast %parallel_loop3A_324 : vector<16xf32> to vector<1x16xf32>
        tpu.vector_store %arg7[%parallel_loop3A_325, %parallel_loop3A_326], %parallel_loop3A_329 {add = true, strides = array<i32>} : memref<16x1024xf32, #tpu.memory_space<vmem>>, vector<1x16xf32>,
        %parallel_loop3A_330 = arith.index_cast %parallel_loop3A_212 : i32 to index
        %parallel_loop3A_331 = arith.constant 208 : index
        %parallel_loop3A_332 = tpu.vector_load %arg5[%parallel_loop3A_330, %parallel_loop3A_331] {strides = array<i32>} : memref<32x1024xf32, #tpu.memory_space<vmem>>, vector<1x16xf32>,
        %parallel_loop3A_333 = vector.shape_cast %parallel_loop3A_332 : vector<1x16xf32> to vector<16xf32>
        %parallel_loop3A_334 = arith.index_cast %parallel_loop3A_211 : i32 to index
        %parallel_loop3A_335 = arith.constant 208 : index
        %parallel_loop3A_336 = tpu.vector_load %arg7[%parallel_loop3A_334, %parallel_loop3A_335] {strides = array<i32>} : memref<16x1024xf32, #tpu.memory_space<vmem>>, vector<1x16xf32>,
        %parallel_loop3A_337 = vector.shape_cast %parallel_loop3A_336 : vector<1x16xf32> to vector<16xf32>
        %parallel_loop3A_338 = vector.shape_cast %parallel_loop3A_333 : vector<16xf32> to vector<1x16xf32>
        tpu.vector_store %arg7[%parallel_loop3A_334, %parallel_loop3A_335], %parallel_loop3A_338 {add = true, strides = array<i32>} : memref<16x1024xf32, #tpu.memory_space<vmem>>, vector<1x16xf32>,
        %parallel_loop3A_339 = arith.index_cast %parallel_loop3A_212 : i32 to index
        %parallel_loop3A_340 = arith.constant 224 : index
        %parallel_loop3A_341 = tpu.vector_load %arg5[%parallel_loop3A_339, %parallel_loop3A_340] {strides = array<i32>} : memref<32x1024xf32, #tpu.memory_space<vmem>>, vector<1x16xf32>,
        %parallel_loop3A_342 = vector.shape_cast %parallel_loop3A_341 : vector<1x16xf32> to vector<16xf32>
        %parallel_loop3A_343 = arith.index_cast %parallel_loop3A_211 : i32 to index
        %parallel_loop3A_344 = arith.constant 224 : index
        %parallel_loop3A_345 = tpu.vector_load %arg7[%parallel_loop3A_343, %parallel_loop3A_344] {strides = array<i32>} : memref<16x1024xf32, #tpu.memory_space<vmem>>, vector<1x16xf32>,
        %parallel_loop3A_346 = vector.shape_cast %parallel_loop3A_345 : vector<1x16xf32> to vector<16xf32>
        %parallel_loop3A_347 = vector.shape_cast %parallel_loop3A_342 : vector<16xf32> to vector<1x16xf32>
        tpu.vector_store %arg7[%parallel_loop3A_343, %parallel_loop3A_344], %parallel_loop3A_347 {add = true, strides = array<i32>} : memref<16x1024xf32, #tpu.memory_space<vmem>>, vector<1x16xf32>,
        %parallel_loop3A_348 = arith.index_cast %parallel_loop3A_212 : i32 to index
        %parallel_loop3A_349 = arith.constant 240 : index
        %parallel_loop3A_350 = tpu.vector_load %arg5[%parallel_loop3A_348, %parallel_loop3A_349] {strides = array<i32>} : memref<32x1024xf32, #tpu.memory_space<vmem>>, vector<1x16xf32>,
        %parallel_loop3A_351 = vector.shape_cast %parallel_loop3A_350 : vector<1x16xf32> to vector<16xf32>
        %parallel_loop3A_352 = arith.index_cast %parallel_loop3A_211 : i32 to index
        %parallel_loop3A_353 = arith.constant 240 : index
        %parallel_loop3A_354 = tpu.vector_load %arg7[%parallel_loop3A_352, %parallel_loop3A_353] {strides = array<i32>} : memref<16x1024xf32, #tpu.memory_space<vmem>>, vector<1x16xf32>,
        %parallel_loop3A_355 = vector.shape_cast %parallel_loop3A_354 : vector<1x16xf32> to vector<16xf32>
        %parallel_loop3A_356 = vector.shape_cast %parallel_loop3A_351 : vector<16xf32> to vector<1x16xf32>
        tpu.vector_store %arg7[%parallel_loop3A_352, %parallel_loop3A_353], %parallel_loop3A_356 {add = true, strides = array<i32>} : memref<16x1024xf32, #tpu.memory_space<vmem>>, vector<1x16xf32>,
        %parallel_loop3A_357 = arith.index_cast %parallel_loop3A_212 : i32 to index
        %parallel_loop3A_358 = arith.constant 256 : index
        %parallel_loop3A_359 = tpu.vector_load %arg5[%parallel_loop3A_357, %parallel_loop3A_358] {strides = array<i32>} : memref<32x1024xf32, #tpu.memory_space<vmem>>, vector<1x16xf32>,
        %parallel_loop3A_360 = vector.shape_cast %parallel_loop3A_359 : vector<1x16xf32> to vector<16xf32>
        %parallel_loop3A_361 = arith.index_cast %parallel_loop3A_211 : i32 to index
        %parallel_loop3A_362 = arith.constant 256 : index
        %parallel_loop3A_363 = tpu.vector_load %arg7[%parallel_loop3A_361, %parallel_loop3A_362] {strides = array<i32>} : memref<16x1024xf32, #tpu.memory_space<vmem>>, vector<1x16xf32>,
        %parallel_loop3A_364 = vector.shape_cast %parallel_loop3A_363 : vector<1x16xf32> to vector<16xf32>
        %parallel_loop3A_365 = vector.shape_cast %parallel_loop3A_360 : vector<16xf32> to vector<1x16xf32>
        tpu.vector_store %arg7[%parallel_loop3A_361, %parallel_loop3A_362], %parallel_loop3A_365 {add = true, strides = array<i32>} : memref<16x1024xf32, #tpu.memory_space<vmem>>, vector<1x16xf32>,
        %parallel_loop3A_366 = arith.index_cast %parallel_loop3A_212 : i32 to index
        %parallel_loop3A_367 = arith.constant 272 : index
        %parallel_loop3A_368 = tpu.vector_load %arg5[%parallel_loop3A_366, %parallel_loop3A_367] {strides = array<i32>} : memref<32x1024xf32, #tpu.memory_space<vmem>>, vector<1x16xf32>,
        %parallel_loop3A_369 = vector.shape_cast %parallel_loop3A_368 : vector<1x16xf32> to vector<16xf32>
        %parallel_loop3A_370 = arith.index_cast %parallel_loop3A_211 : i32 to index
        %parallel_loop3A_371 = arith.constant 272 : index
        %parallel_loop3A_372 = tpu.vector_load %arg7[%parallel_loop3A_370, %parallel_loop3A_371] {strides = array<i32>} : memref<16x1024xf32, #tpu.memory_space<vmem>>, vector<1x16xf32>,
        %parallel_loop3A_373 = vector.shape_cast %parallel_loop3A_372 : vector<1x16xf32> to vector<16xf32>
        %parallel_loop3A_374 = vector.shape_cast %parallel_loop3A_369 : vector<16xf32> to vector<1x16xf32>
        tpu.vector_store %arg7[%parallel_loop3A_370, %parallel_loop3A_371], %parallel_loop3A_374 {add = true, strides = array<i32>} : memref<16x1024xf32, #tpu.memory_space<vmem>>, vector<1x16xf32>,
        %parallel_loop3A_375 = arith.index_cast %parallel_loop3A_212 : i32 to index
        %parallel_loop3A_376 = arith.constant 288 : index
        %parallel_loop3A_377 = tpu.vector_load %arg5[%parallel_loop3A_375, %parallel_loop3A_376] {strides = array<i32>} : memref<32x1024xf32, #tpu.memory_space<vmem>>, vector<1x16xf32>,
        %parallel_loop3A_378 = vector.shape_cast %parallel_loop3A_377 : vector<1x16xf32> to vector<16xf32>
        %parallel_loop3A_379 = arith.index_cast %parallel_loop3A_211 : i32 to index
        %parallel_loop3A_380 = arith.constant 288 : index
        %parallel_loop3A_381 = tpu.vector_load %arg7[%parallel_loop3A_379, %parallel_loop3A_380] {strides = array<i32>} : memref<16x1024xf32, #tpu.memory_space<vmem>>, vector<1x16xf32>,
        %parallel_loop3A_382 = vector.shape_cast %parallel_loop3A_381 : vector<1x16xf32> to vector<16xf32>
        %parallel_loop3A_383 = vector.shape_cast %parallel_loop3A_378 : vector<16xf32> to vector<1x16xf32>
        tpu.vector_store %arg7[%parallel_loop3A_379, %parallel_loop3A_380], %parallel_loop3A_383 {add = true, strides = array<i32>} : memref<16x1024xf32, #tpu.memory_space<vmem>>, vector<1x16xf32>,
        %parallel_loop3A_384 = arith.index_cast %parallel_loop3A_212 : i32 to index
        %parallel_loop3A_385 = arith.constant 304 : index
        %parallel_loop3A_386 = tpu.vector_load %arg5[%parallel_loop3A_384, %parallel_loop3A_385] {strides = array<i32>} : memref<32x1024xf32, #tpu.memory_space<vmem>>, vector<1x16xf32>,
        %parallel_loop3A_387 = vector.shape_cast %parallel_loop3A_386 : vector<1x16xf32> to vector<16xf32>
        %parallel_loop3A_388 = arith.index_cast %parallel_loop3A_211 : i32 to index
        %parallel_loop3A_389 = arith.constant 304 : index
        %parallel_loop3A_390 = tpu.vector_load %arg7[%parallel_loop3A_388, %parallel_loop3A_389] {strides = array<i32>} : memref<16x1024xf32, #tpu.memory_space<vmem>>, vector<1x16xf32>,
        %parallel_loop3A_391 = vector.shape_cast %parallel_loop3A_390 : vector<1x16xf32> to vector<16xf32>
        %parallel_loop3A_392 = vector.shape_cast %parallel_loop3A_387 : vector<16xf32> to vector<1x16xf32>
        tpu.vector_store %arg7[%parallel_loop3A_388, %parallel_loop3A_389], %parallel_loop3A_392 {add = true, strides = array<i32>} : memref<16x1024xf32, #tpu.memory_space<vmem>>, vector<1x16xf32>,
        %parallel_loop3A_393 = arith.index_cast %parallel_loop3A_212 : i32 to index
        %parallel_loop3A_394 = arith.constant 320 : index
        %parallel_loop3A_395 = tpu.vector_load %arg5[%parallel_loop3A_393, %parallel_loop3A_394] {strides = array<i32>} : memref<32x1024xf32, #tpu.memory_space<vmem>>, vector<1x16xf32>,
        %parallel_loop3A_396 = vector.shape_cast %parallel_loop3A_395 : vector<1x16xf32> to vector<16xf32>
        %parallel_loop3A_397 = arith.index_cast %parallel_loop3A_211 : i32 to index
        %parallel_loop3A_398 = arith.constant 320 : index
        %parallel_loop3A_399 = tpu.vector_load %arg7[%parallel_loop3A_397, %parallel_loop3A_398] {strides = array<i32>} : memref<16x1024xf32, #tpu.memory_space<vmem>>, vector<1x16xf32>,
        %parallel_loop3A_400 = vector.shape_cast %parallel_loop3A_399 : vector<1x16xf32> to vector<16xf32>
        %parallel_loop3A_401 = vector.shape_cast %parallel_loop3A_396 : vector<16xf32> to vector<1x16xf32>
        tpu.vector_store %arg7[%parallel_loop3A_397, %parallel_loop3A_398], %parallel_loop3A_401 {add = true, strides = array<i32>} : memref<16x1024xf32, #tpu.memory_space<vmem>>, vector<1x16xf32>,
        %parallel_loop3A_402 = arith.index_cast %parallel_loop3A_212 : i32 to index
        %parallel_loop3A_403 = arith.constant 336 : index
        %parallel_loop3A_404 = tpu.vector_load %arg5[%parallel_loop3A_402, %parallel_loop3A_403] {strides = array<i32>} : memref<32x1024xf32, #tpu.memory_space<vmem>>, vector<1x16xf32>,
        %parallel_loop3A_405 = vector.shape_cast %parallel_loop3A_404 : vector<1x16xf32> to vector<16xf32>
        %parallel_loop3A_406 = arith.index_cast %parallel_loop3A_211 : i32 to index
        %parallel_loop3A_407 = arith.constant 336 : index
        %parallel_loop3A_408 = tpu.vector_load %arg7[%parallel_loop3A_406, %parallel_loop3A_407] {strides = array<i32>} : memref<16x1024xf32, #tpu.memory_space<vmem>>, vector<1x16xf32>,
        %parallel_loop3A_409 = vector.shape_cast %parallel_loop3A_408 : vector<1x16xf32> to vector<16xf32>
        %parallel_loop3A_410 = vector.shape_cast %parallel_loop3A_405 : vector<16xf32> to vector<1x16xf32>
        tpu.vector_store %arg7[%parallel_loop3A_406, %parallel_loop3A_407], %parallel_loop3A_410 {add = true, strides = array<i32>} : memref<16x1024xf32, #tpu.memory_space<vmem>>, vector<1x16xf32>,
        %parallel_loop3A_411 = arith.index_cast %parallel_loop3A_212 : i32 to index
        %parallel_loop3A_412 = arith.constant 352 : index
        %parallel_loop3A_413 = tpu.vector_load %arg5[%parallel_loop3A_411, %parallel_loop3A_412] {strides = array<i32>} : memref<32x1024xf32, #tpu.memory_space<vmem>>, vector<1x16xf32>,
        %parallel_loop3A_414 = vector.shape_cast %parallel_loop3A_413 : vector<1x16xf32> to vector<16xf32>
        %parallel_loop3A_415 = arith.index_cast %parallel_loop3A_211 : i32 to index
        %parallel_loop3A_416 = arith.constant 352 : index
        %parallel_loop3A_417 = tpu.vector_load %arg7[%parallel_loop3A_415, %parallel_loop3A_416] {strides = array<i32>} : memref<16x1024xf32, #tpu.memory_space<vmem>>, vector<1x16xf32>,
        %parallel_loop3A_418 = vector.shape_cast %parallel_loop3A_417 : vector<1x16xf32> to vector<16xf32>
        %parallel_loop3A_419 = vector.shape_cast %parallel_loop3A_414 : vector<16xf32> to vector<1x16xf32>
        tpu.vector_store %arg7[%parallel_loop3A_415, %parallel_loop3A_416], %parallel_loop3A_419 {add = true, strides = array<i32>} : memref<16x1024xf32, #tpu.memory_space<vmem>>, vector<1x16xf32>,
        %parallel_loop3A_420 = arith.index_cast %parallel_loop3A_212 : i32 to index
        %parallel_loop3A_421 = arith.constant 368 : index
        %parallel_loop3A_422 = tpu.vector_load %arg5[%parallel_loop3A_420, %parallel_loop3A_421] {strides = array<i32>} : memref<32x1024xf32, #tpu.memory_space<vmem>>, vector<1x16xf32>,
        %parallel_loop3A_423 = vector.shape_cast %parallel_loop3A_422 : vector<1x16xf32> to vector<16xf32>
        %parallel_loop3A_424 = arith.index_cast %parallel_loop3A_211 : i32 to index
        %parallel_loop3A_425 = arith.constant 368 : index
        %parallel_loop3A_426 = tpu.vector_load %arg7[%parallel_loop3A_424, %parallel_loop3A_425] {strides = array<i32>} : memref<16x1024xf32, #tpu.memory_space<vmem>>, vector<1x16xf32>,
        %parallel_loop3A_427 = vector.shape_cast %parallel_loop3A_426 : vector<1x16xf32> to vector<16xf32>
        %parallel_loop3A_428 = vector.shape_cast %parallel_loop3A_423 : vector<16xf32> to vector<1x16xf32>
        tpu.vector_store %arg7[%parallel_loop3A_424, %parallel_loop3A_425], %parallel_loop3A_428 {add = true, strides = array<i32>} : memref<16x1024xf32, #tpu.memory_space<vmem>>, vector<1x16xf32>,
        %parallel_loop3A_429 = arith.index_cast %parallel_loop3A_212 : i32 to index
        %parallel_loop3A_430 = arith.constant 384 : index
        %parallel_loop3A_431 = tpu.vector_load %arg5[%parallel_loop3A_429, %parallel_loop3A_430] {strides = array<i32>} : memref<32x1024xf32, #tpu.memory_space<vmem>>, vector<1x16xf32>,
        %parallel_loop3A_432 = vector.shape_cast %parallel_loop3A_431 : vector<1x16xf32> to vector<16xf32>
        %parallel_loop3A_433 = arith.index_cast %parallel_loop3A_211 : i32 to index
        %parallel_loop3A_434 = arith.constant 384 : index
        %parallel_loop3A_435 = tpu.vector_load %arg7[%parallel_loop3A_433, %parallel_loop3A_434] {strides = array<i32>} : memref<16x1024xf32, #tpu.memory_space<vmem>>, vector<1x16xf32>,
        %parallel_loop3A_436 = vector.shape_cast %parallel_loop3A_435 : vector<1x16xf32> to vector<16xf32>
        %parallel_loop3A_437 = vector.shape_cast %parallel_loop3A_432 : vector<16xf32> to vector<1x16xf32>
        tpu.vector_store %arg7[%parallel_loop3A_433, %parallel_loop3A_434], %parallel_loop3A_437 {add = true, strides = array<i32>} : memref<16x1024xf32, #tpu.memory_space<vmem>>, vector<1x16xf32>,
        %parallel_loop3A_438 = arith.index_cast %parallel_loop3A_212 : i32 to index
        %parallel_loop3A_439 = arith.constant 400 : index
        %parallel_loop3A_440 = tpu.vector_load %arg5[%parallel_loop3A_438, %parallel_loop3A_439] {strides = array<i32>} : memref<32x1024xf32, #tpu.memory_space<vmem>>, vector<1x16xf32>,
        %parallel_loop3A_441 = vector.shape_cast %parallel_loop3A_440 : vector<1x16xf32> to vector<16xf32>
        %parallel_loop3A_442 = arith.index_cast %parallel_loop3A_211 : i32 to index
        %parallel_loop3A_443 = arith.constant 400 : index
        %parallel_loop3A_444 = tpu.vector_load %arg7[%parallel_loop3A_442, %parallel_loop3A_443] {strides = array<i32>} : memref<16x1024xf32, #tpu.memory_space<vmem>>, vector<1x16xf32>,
        %parallel_loop3A_445 = vector.shape_cast %parallel_loop3A_444 : vector<1x16xf32> to vector<16xf32>
        %parallel_loop3A_446 = vector.shape_cast %parallel_loop3A_441 : vector<16xf32> to vector<1x16xf32>
        tpu.vector_store %arg7[%parallel_loop3A_442, %parallel_loop3A_443], %parallel_loop3A_446 {add = true, strides = array<i32>} : memref<16x1024xf32, #tpu.memory_space<vmem>>, vector<1x16xf32>,
        %parallel_loop3A_447 = arith.index_cast %parallel_loop3A_212 : i32 to index
        %parallel_loop3A_448 = arith.constant 416 : index
        %parallel_loop3A_449 = tpu.vector_load %arg5[%parallel_loop3A_447, %parallel_loop3A_448] {strides = array<i32>} : memref<32x1024xf32, #tpu.memory_space<vmem>>, vector<1x16xf32>,
        %parallel_loop3A_450 = vector.shape_cast %parallel_loop3A_449 : vector<1x16xf32> to vector<16xf32>
        %parallel_loop3A_451 = arith.index_cast %parallel_loop3A_211 : i32 to index
        %parallel_loop3A_452 = arith.constant 416 : index
        %parallel_loop3A_453 = tpu.vector_load %arg7[%parallel_loop3A_451, %parallel_loop3A_452] {strides = array<i32>} : memref<16x1024xf32, #tpu.memory_space<vmem>>, vector<1x16xf32>,
        %parallel_loop3A_454 = vector.shape_cast %parallel_loop3A_453 : vector<1x16xf32> to vector<16xf32>
        %parallel_loop3A_455 = vector.shape_cast %parallel_loop3A_450 : vector<16xf32> to vector<1x16xf32>
        tpu.vector_store %arg7[%parallel_loop3A_451, %parallel_loop3A_452], %parallel_loop3A_455 {add = true, strides = array<i32>} : memref<16x1024xf32, #tpu.memory_space<vmem>>, vector<1x16xf32>,
        %parallel_loop3A_456 = arith.index_cast %parallel_loop3A_212 : i32 to index
        %parallel_loop3A_457 = arith.constant 432 : index
        %parallel_loop3A_458 = tpu.vector_load %arg5[%parallel_loop3A_456, %parallel_loop3A_457] {strides = array<i32>} : memref<32x1024xf32, #tpu.memory_space<vmem>>, vector<1x16xf32>,
        %parallel_loop3A_459 = vector.shape_cast %parallel_loop3A_458 : vector<1x16xf32> to vector<16xf32>
        %parallel_loop3A_460 = arith.index_cast %parallel_loop3A_211 : i32 to index
        %parallel_loop3A_461 = arith.constant 432 : index
        %parallel_loop3A_462 = tpu.vector_load %arg7[%parallel_loop3A_460, %parallel_loop3A_461] {strides = array<i32>} : memref<16x1024xf32, #tpu.memory_space<vmem>>, vector<1x16xf32>,
        %parallel_loop3A_463 = vector.shape_cast %parallel_loop3A_462 : vector<1x16xf32> to vector<16xf32>
        %parallel_loop3A_464 = vector.shape_cast %parallel_loop3A_459 : vector<16xf32> to vector<1x16xf32>
        tpu.vector_store %arg7[%parallel_loop3A_460, %parallel_loop3A_461], %parallel_loop3A_464 {add = true, strides = array<i32>} : memref<16x1024xf32, #tpu.memory_space<vmem>>, vector<1x16xf32>,
        %parallel_loop3A_465 = arith.index_cast %parallel_loop3A_212 : i32 to index
        %parallel_loop3A_466 = arith.constant 448 : index
        %parallel_loop3A_467 = tpu.vector_load %arg5[%parallel_loop3A_465, %parallel_loop3A_466] {strides = array<i32>} : memref<32x1024xf32, #tpu.memory_space<vmem>>, vector<1x16xf32>,
        %parallel_loop3A_468 = vector.shape_cast %parallel_loop3A_467 : vector<1x16xf32> to vector<16xf32>
        %parallel_loop3A_469 = arith.index_cast %parallel_loop3A_211 : i32 to index
        %parallel_loop3A_470 = arith.constant 448 : index
        %parallel_loop3A_471 = tpu.vector_load %arg7[%parallel_loop3A_469, %parallel_loop3A_470] {strides = array<i32>} : memref<16x1024xf32, #tpu.memory_space<vmem>>, vector<1x16xf32>,
        %parallel_loop3A_472 = vector.shape_cast %parallel_loop3A_471 : vector<1x16xf32> to vector<16xf32>
        %parallel_loop3A_473 = vector.shape_cast %parallel_loop3A_468 : vector<16xf32> to vector<1x16xf32>
        tpu.vector_store %arg7[%parallel_loop3A_469, %parallel_loop3A_470], %parallel_loop3A_473 {add = true, strides = array<i32>} : memref<16x1024xf32, #tpu.memory_space<vmem>>, vector<1x16xf32>,
        %parallel_loop3A_474 = arith.index_cast %parallel_loop3A_212 : i32 to index
        %parallel_loop3A_475 = arith.constant 464 : index
        %parallel_loop3A_476 = tpu.vector_load %arg5[%parallel_loop3A_474, %parallel_loop3A_475] {strides = array<i32>} : memref<32x1024xf32, #tpu.memory_space<vmem>>, vector<1x16xf32>,
        %parallel_loop3A_477 = vector.shape_cast %parallel_loop3A_476 : vector<1x16xf32> to vector<16xf32>
        %parallel_loop3A_478 = arith.index_cast %parallel_loop3A_211 : i32 to index
        %parallel_loop3A_479 = arith.constant 464 : index
        %parallel_loop3A_480 = tpu.vector_load %arg7[%parallel_loop3A_478, %parallel_loop3A_479] {strides = array<i32>} : memref<16x1024xf32, #tpu.memory_space<vmem>>, vector<1x16xf32>,
        %parallel_loop3A_481 = vector.shape_cast %parallel_loop3A_480 : vector<1x16xf32> to vector<16xf32>
        %parallel_loop3A_482 = vector.shape_cast %parallel_loop3A_477 : vector<16xf32> to vector<1x16xf32>
        tpu.vector_store %arg7[%parallel_loop3A_478, %parallel_loop3A_479], %parallel_loop3A_482 {add = true, strides = array<i32>} : memref<16x1024xf32, #tpu.memory_space<vmem>>, vector<1x16xf32>,
        %parallel_loop3A_483 = arith.index_cast %parallel_loop3A_212 : i32 to index
        %parallel_loop3A_484 = arith.constant 480 : index
        %parallel_loop3A_485 = tpu.vector_load %arg5[%parallel_loop3A_483, %parallel_loop3A_484] {strides = array<i32>} : memref<32x1024xf32, #tpu.memory_space<vmem>>, vector<1x16xf32>,
        %parallel_loop3A_486 = vector.shape_cast %parallel_loop3A_485 : vector<1x16xf32> to vector<16xf32>
        %parallel_loop3A_487 = arith.index_cast %parallel_loop3A_211 : i32 to index
        %parallel_loop3A_488 = arith.constant 480 : index
        %parallel_loop3A_489 = tpu.vector_load %arg7[%parallel_loop3A_487, %parallel_loop3A_488] {strides = array<i32>} : memref<16x1024xf32, #tpu.memory_space<vmem>>, vector<1x16xf32>,
        %parallel_loop3A_490 = vector.shape_cast %parallel_loop3A_489 : vector<1x16xf32> to vector<16xf32>
        %parallel_loop3A_491 = vector.shape_cast %parallel_loop3A_486 : vector<16xf32> to vector<1x16xf32>
        tpu.vector_store %arg7[%parallel_loop3A_487, %parallel_loop3A_488], %parallel_loop3A_491 {add = true, strides = array<i32>} : memref<16x1024xf32, #tpu.memory_space<vmem>>, vector<1x16xf32>,
        %parallel_loop3A_492 = arith.index_cast %parallel_loop3A_212 : i32 to index
        %parallel_loop3A_493 = arith.constant 496 : index
        %parallel_loop3A_494 = tpu.vector_load %arg5[%parallel_loop3A_492, %parallel_loop3A_493] {strides = array<i32>} : memref<32x1024xf32, #tpu.memory_space<vmem>>, vector<1x16xf32>,
        %parallel_loop3A_495 = vector.shape_cast %parallel_loop3A_494 : vector<1x16xf32> to vector<16xf32>
        %parallel_loop3A_496 = arith.index_cast %parallel_loop3A_211 : i32 to index
        %parallel_loop3A_497 = arith.constant 496 : index
        %parallel_loop3A_498 = tpu.vector_load %arg7[%parallel_loop3A_496, %parallel_loop3A_497] {strides = array<i32>} : memref<16x1024xf32, #tpu.memory_space<vmem>>, vector<1x16xf32>,
        %parallel_loop3A_499 = vector.shape_cast %parallel_loop3A_498 : vector<1x16xf32> to vector<16xf32>
        %parallel_loop3A_500 = vector.shape_cast %parallel_loop3A_495 : vector<16xf32> to vector<1x16xf32>
        tpu.vector_store %arg7[%parallel_loop3A_496, %parallel_loop3A_497], %parallel_loop3A_500 {add = true, strides = array<i32>} : memref<16x1024xf32, #tpu.memory_space<vmem>>, vector<1x16xf32>,
        %parallel_loop3A_501 = arith.index_cast %parallel_loop3A_212 : i32 to index
        %parallel_loop3A_502 = arith.constant 512 : index
        %parallel_loop3A_503 = tpu.vector_load %arg5[%parallel_loop3A_501, %parallel_loop3A_502] {strides = array<i32>} : memref<32x1024xf32, #tpu.memory_space<vmem>>, vector<1x16xf32>,
        %parallel_loop3A_504 = vector.shape_cast %parallel_loop3A_503 : vector<1x16xf32> to vector<16xf32>
        %parallel_loop3A_505 = arith.index_cast %parallel_loop3A_211 : i32 to index
        %parallel_loop3A_506 = arith.constant 512 : index
        %parallel_loop3A_507 = tpu.vector_load %arg7[%parallel_loop3A_505, %parallel_loop3A_506] {strides = array<i32>} : memref<16x1024xf32, #tpu.memory_space<vmem>>, vector<1x16xf32>,
        %parallel_loop3A_508 = vector.shape_cast %parallel_loop3A_507 : vector<1x16xf32> to vector<16xf32>
        %parallel_loop3A_509 = vector.shape_cast %parallel_loop3A_504 : vector<16xf32> to vector<1x16xf32>
        tpu.vector_store %arg7[%parallel_loop3A_505, %parallel_loop3A_506], %parallel_loop3A_509 {add = true, strides = array<i32>} : memref<16x1024xf32, #tpu.memory_space<vmem>>, vector<1x16xf32>,
        %parallel_loop3A_510 = arith.index_cast %parallel_loop3A_212 : i32 to index
        %parallel_loop3A_511 = arith.constant 528 : index
        %parallel_loop3A_512 = tpu.vector_load %arg5[%parallel_loop3A_510, %parallel_loop3A_511] {strides = array<i32>} : memref<32x1024xf32, #tpu.memory_space<vmem>>, vector<1x16xf32>,
        %parallel_loop3A_513 = vector.shape_cast %parallel_loop3A_512 : vector<1x16xf32> to vector<16xf32>
        %parallel_loop3A_514 = arith.index_cast %parallel_loop3A_211 : i32 to index
        %parallel_loop3A_515 = arith.constant 528 : index
        %parallel_loop3A_516 = tpu.vector_load %arg7[%parallel_loop3A_514, %parallel_loop3A_515] {strides = array<i32>} : memref<16x1024xf32, #tpu.memory_space<vmem>>, vector<1x16xf32>,
        %parallel_loop3A_517 = vector.shape_cast %parallel_loop3A_516 : vector<1x16xf32> to vector<16xf32>
        %parallel_loop3A_518 = vector.shape_cast %parallel_loop3A_513 : vector<16xf32> to vector<1x16xf32>
        tpu.vector_store %arg7[%parallel_loop3A_514, %parallel_loop3A_515], %parallel_loop3A_518 {add = true, strides = array<i32>} : memref<16x1024xf32, #tpu.memory_space<vmem>>, vector<1x16xf32>,
        %parallel_loop3A_519 = arith.index_cast %parallel_loop3A_212 : i32 to index
        %parallel_loop3A_520 = arith.constant 544 : index
        %parallel_loop3A_521 = tpu.vector_load %arg5[%parallel_loop3A_519, %parallel_loop3A_520] {strides = array<i32>} : memref<32x1024xf32, #tpu.memory_space<vmem>>, vector<1x16xf32>,
        %parallel_loop3A_522 = vector.shape_cast %parallel_loop3A_521 : vector<1x16xf32> to vector<16xf32>
        %parallel_loop3A_523 = arith.index_cast %parallel_loop3A_211 : i32 to index
        %parallel_loop3A_524 = arith.constant 544 : index
        %parallel_loop3A_525 = tpu.vector_load %arg7[%parallel_loop3A_523, %parallel_loop3A_524] {strides = array<i32>} : memref<16x1024xf32, #tpu.memory_space<vmem>>, vector<1x16xf32>,
        %parallel_loop3A_526 = vector.shape_cast %parallel_loop3A_525 : vector<1x16xf32> to vector<16xf32>
        %parallel_loop3A_527 = vector.shape_cast %parallel_loop3A_522 : vector<16xf32> to vector<1x16xf32>
        tpu.vector_store %arg7[%parallel_loop3A_523, %parallel_loop3A_524], %parallel_loop3A_527 {add = true, strides = array<i32>} : memref<16x1024xf32, #tpu.memory_space<vmem>>, vector<1x16xf32>,
        %parallel_loop3A_528 = arith.index_cast %parallel_loop3A_212 : i32 to index
        %parallel_loop3A_529 = arith.constant 560 : index
        %parallel_loop3A_530 = tpu.vector_load %arg5[%parallel_loop3A_528, %parallel_loop3A_529] {strides = array<i32>} : memref<32x1024xf32, #tpu.memory_space<vmem>>, vector<1x16xf32>,
        %parallel_loop3A_531 = vector.shape_cast %parallel_loop3A_530 : vector<1x16xf32> to vector<16xf32>
        %parallel_loop3A_532 = arith.index_cast %parallel_loop3A_211 : i32 to index
        %parallel_loop3A_533 = arith.constant 560 : index
        %parallel_loop3A_534 = tpu.vector_load %arg7[%parallel_loop3A_532, %parallel_loop3A_533] {strides = array<i32>} : memref<16x1024xf32, #tpu.memory_space<vmem>>, vector<1x16xf32>,
        %parallel_loop3A_535 = vector.shape_cast %parallel_loop3A_534 : vector<1x16xf32> to vector<16xf32>
        %parallel_loop3A_536 = vector.shape_cast %parallel_loop3A_531 : vector<16xf32> to vector<1x16xf32>
        tpu.vector_store %arg7[%parallel_loop3A_532, %parallel_loop3A_533], %parallel_loop3A_536 {add = true, strides = array<i32>} : memref<16x1024xf32, #tpu.memory_space<vmem>>, vector<1x16xf32>,
        %parallel_loop3A_537 = arith.index_cast %parallel_loop3A_212 : i32 to index
        %parallel_loop3A_538 = arith.constant 576 : index
        %parallel_loop3A_539 = tpu.vector_load %arg5[%parallel_loop3A_537, %parallel_loop3A_538] {strides = array<i32>} : memref<32x1024xf32, #tpu.memory_space<vmem>>, vector<1x16xf32>,
        %parallel_loop3A_540 = vector.shape_cast %parallel_loop3A_539 : vector<1x16xf32> to vector<16xf32>
        %parallel_loop3A_541 = arith.index_cast %parallel_loop3A_211 : i32 to index
        %parallel_loop3A_542 = arith.constant 576 : index
        %parallel_loop3A_543 = tpu.vector_load %arg7[%parallel_loop3A_541, %parallel_loop3A_542] {strides = array<i32>} : memref<16x1024xf32, #tpu.memory_space<vmem>>, vector<1x16xf32>,
        %parallel_loop3A_544 = vector.shape_cast %parallel_loop3A_543 : vector<1x16xf32> to vector<16xf32>
        %parallel_loop3A_545 = vector.shape_cast %parallel_loop3A_540 : vector<16xf32> to vector<1x16xf32>
        tpu.vector_store %arg7[%parallel_loop3A_541, %parallel_loop3A_542], %parallel_loop3A_545 {add = true, strides = array<i32>} : memref<16x1024xf32, #tpu.memory_space<vmem>>, vector<1x16xf32>,
        %parallel_loop3A_546 = arith.index_cast %parallel_loop3A_212 : i32 to index
        %parallel_loop3A_547 = arith.constant 592 : index
        %parallel_loop3A_548 = tpu.vector_load %arg5[%parallel_loop3A_546, %parallel_loop3A_547] {strides = array<i32>} : memref<32x1024xf32, #tpu.memory_space<vmem>>, vector<1x16xf32>,
        %parallel_loop3A_549 = vector.shape_cast %parallel_loop3A_548 : vector<1x16xf32> to vector<16xf32>
        %parallel_loop3A_550 = arith.index_cast %parallel_loop3A_211 : i32 to index
        %parallel_loop3A_551 = arith.constant 592 : index
        %parallel_loop3A_552 = tpu.vector_load %arg7[%parallel_loop3A_550, %parallel_loop3A_551] {strides = array<i32>} : memref<16x1024xf32, #tpu.memory_space<vmem>>, vector<1x16xf32>,
        %parallel_loop3A_553 = vector.shape_cast %parallel_loop3A_552 : vector<1x16xf32> to vector<16xf32>
        %parallel_loop3A_554 = vector.shape_cast %parallel_loop3A_549 : vector<16xf32> to vector<1x16xf32>
        tpu.vector_store %arg7[%parallel_loop3A_550, %parallel_loop3A_551], %parallel_loop3A_554 {add = true, strides = array<i32>} : memref<16x1024xf32, #tpu.memory_space<vmem>>, vector<1x16xf32>,
        %parallel_loop3A_555 = arith.index_cast %parallel_loop3A_212 : i32 to index
        %parallel_loop3A_556 = arith.constant 608 : index
        %parallel_loop3A_557 = tpu.vector_load %arg5[%parallel_loop3A_555, %parallel_loop3A_556] {strides = array<i32>} : memref<32x1024xf32, #tpu.memory_space<vmem>>, vector<1x16xf32>,
        %parallel_loop3A_558 = vector.shape_cast %parallel_loop3A_557 : vector<1x16xf32> to vector<16xf32>
        %parallel_loop3A_559 = arith.index_cast %parallel_loop3A_211 : i32 to index
        %parallel_loop3A_560 = arith.constant 608 : index
        %parallel_loop3A_561 = tpu.vector_load %arg7[%parallel_loop3A_559, %parallel_loop3A_560] {strides = array<i32>} : memref<16x1024xf32, #tpu.memory_space<vmem>>, vector<1x16xf32>,
        %parallel_loop3A_562 = vector.shape_cast %parallel_loop3A_561 : vector<1x16xf32> to vector<16xf32>
        %parallel_loop3A_563 = vector.shape_cast %parallel_loop3A_558 : vector<16xf32> to vector<1x16xf32>
        tpu.vector_store %arg7[%parallel_loop3A_559, %parallel_loop3A_560], %parallel_loop3A_563 {add = true, strides = array<i32>} : memref<16x1024xf32, #tpu.memory_space<vmem>>, vector<1x16xf32>,
        %parallel_loop3A_564 = arith.index_cast %parallel_loop3A_212 : i32 to index
        %parallel_loop3A_565 = arith.constant 624 : index
        %parallel_loop3A_566 = tpu.vector_load %arg5[%parallel_loop3A_564, %parallel_loop3A_565] {strides = array<i32>} : memref<32x1024xf32, #tpu.memory_space<vmem>>, vector<1x16xf32>,
        %parallel_loop3A_567 = vector.shape_cast %parallel_loop3A_566 : vector<1x16xf32> to vector<16xf32>
        %parallel_loop3A_568 = arith.index_cast %parallel_loop3A_211 : i32 to index
        %parallel_loop3A_569 = arith.constant 624 : index
        %parallel_loop3A_570 = tpu.vector_load %arg7[%parallel_loop3A_568, %parallel_loop3A_569] {strides = array<i32>} : memref<16x1024xf32, #tpu.memory_space<vmem>>, vector<1x16xf32>,
        %parallel_loop3A_571 = vector.shape_cast %parallel_loop3A_570 : vector<1x16xf32> to vector<16xf32>
        %parallel_loop3A_572 = vector.shape_cast %parallel_loop3A_567 : vector<16xf32> to vector<1x16xf32>
        tpu.vector_store %arg7[%parallel_loop3A_568, %parallel_loop3A_569], %parallel_loop3A_572 {add = true, strides = array<i32>} : memref<16x1024xf32, #tpu.memory_space<vmem>>, vector<1x16xf32>,
        %parallel_loop3A_573 = arith.index_cast %parallel_loop3A_212 : i32 to index
        %parallel_loop3A_574 = arith.constant 640 : index
        %parallel_loop3A_575 = tpu.vector_load %arg5[%parallel_loop3A_573, %parallel_loop3A_574] {strides = array<i32>} : memref<32x1024xf32, #tpu.memory_space<vmem>>, vector<1x16xf32>,
        %parallel_loop3A_576 = vector.shape_cast %parallel_loop3A_575 : vector<1x16xf32> to vector<16xf32>
        %parallel_loop3A_577 = arith.index_cast %parallel_loop3A_211 : i32 to index
        %parallel_loop3A_578 = arith.constant 640 : index
        %parallel_loop3A_579 = tpu.vector_load %arg7[%parallel_loop3A_577, %parallel_loop3A_578] {strides = array<i32>} : memref<16x1024xf32, #tpu.memory_space<vmem>>, vector<1x16xf32>,
        %parallel_loop3A_580 = vector.shape_cast %parallel_loop3A_579 : vector<1x16xf32> to vector<16xf32>
        %parallel_loop3A_581 = vector.shape_cast %parallel_loop3A_576 : vector<16xf32> to vector<1x16xf32>
        tpu.vector_store %arg7[%parallel_loop3A_577, %parallel_loop3A_578], %parallel_loop3A_581 {add = true, strides = array<i32>} : memref<16x1024xf32, #tpu.memory_space<vmem>>, vector<1x16xf32>,
        %parallel_loop3A_582 = arith.index_cast %parallel_loop3A_212 : i32 to index
        %parallel_loop3A_583 = arith.constant 656 : index
        %parallel_loop3A_584 = tpu.vector_load %arg5[%parallel_loop3A_582, %parallel_loop3A_583] {strides = array<i32>} : memref<32x1024xf32, #tpu.memory_space<vmem>>, vector<1x16xf32>,
        %parallel_loop3A_585 = vector.shape_cast %parallel_loop3A_584 : vector<1x16xf32> to vector<16xf32>
        %parallel_loop3A_586 = arith.index_cast %parallel_loop3A_211 : i32 to index
        %parallel_loop3A_587 = arith.constant 656 : index
        %parallel_loop3A_588 = tpu.vector_load %arg7[%parallel_loop3A_586, %parallel_loop3A_587] {strides = array<i32>} : memref<16x1024xf32, #tpu.memory_space<vmem>>, vector<1x16xf32>,
        %parallel_loop3A_589 = vector.shape_cast %parallel_loop3A_588 : vector<1x16xf32> to vector<16xf32>
        %parallel_loop3A_590 = vector.shape_cast %parallel_loop3A_585 : vector<16xf32> to vector<1x16xf32>
        tpu.vector_store %arg7[%parallel_loop3A_586, %parallel_loop3A_587], %parallel_loop3A_590 {add = true, strides = array<i32>} : memref<16x1024xf32, #tpu.memory_space<vmem>>, vector<1x16xf32>,
        %parallel_loop3A_591 = arith.index_cast %parallel_loop3A_212 : i32 to index
        %parallel_loop3A_592 = arith.constant 672 : index
        %parallel_loop3A_593 = tpu.vector_load %arg5[%parallel_loop3A_591, %parallel_loop3A_592] {strides = array<i32>} : memref<32x1024xf32, #tpu.memory_space<vmem>>, vector<1x16xf32>,
        %parallel_loop3A_594 = vector.shape_cast %parallel_loop3A_593 : vector<1x16xf32> to vector<16xf32>
        %parallel_loop3A_595 = arith.index_cast %parallel_loop3A_211 : i32 to index
        %parallel_loop3A_596 = arith.constant 672 : index
        %parallel_loop3A_597 = tpu.vector_load %arg7[%parallel_loop3A_595, %parallel_loop3A_596] {strides = array<i32>} : memref<16x1024xf32, #tpu.memory_space<vmem>>, vector<1x16xf32>,
        %parallel_loop3A_598 = vector.shape_cast %parallel_loop3A_597 : vector<1x16xf32> to vector<16xf32>
        %parallel_loop3A_599 = vector.shape_cast %parallel_loop3A_594 : vector<16xf32> to vector<1x16xf32>
        tpu.vector_store %arg7[%parallel_loop3A_595, %parallel_loop3A_596], %parallel_loop3A_599 {add = true, strides = array<i32>} : memref<16x1024xf32, #tpu.memory_space<vmem>>, vector<1x16xf32>,
        %parallel_loop3A_600 = arith.index_cast %parallel_loop3A_212 : i32 to index
        %parallel_loop3A_601 = arith.constant 688 : index
        %parallel_loop3A_602 = tpu.vector_load %arg5[%parallel_loop3A_600, %parallel_loop3A_601] {strides = array<i32>} : memref<32x1024xf32, #tpu.memory_space<vmem>>, vector<1x16xf32>,
        %parallel_loop3A_603 = vector.shape_cast %parallel_loop3A_602 : vector<1x16xf32> to vector<16xf32>
        %parallel_loop3A_604 = arith.index_cast %parallel_loop3A_211 : i32 to index
        %parallel_loop3A_605 = arith.constant 688 : index
        %parallel_loop3A_606 = tpu.vector_load %arg7[%parallel_loop3A_604, %parallel_loop3A_605] {strides = array<i32>} : memref<16x1024xf32, #tpu.memory_space<vmem>>, vector<1x16xf32>,
        %parallel_loop3A_607 = vector.shape_cast %parallel_loop3A_606 : vector<1x16xf32> to vector<16xf32>
        %parallel_loop3A_608 = vector.shape_cast %parallel_loop3A_603 : vector<16xf32> to vector<1x16xf32>
        tpu.vector_store %arg7[%parallel_loop3A_604, %parallel_loop3A_605], %parallel_loop3A_608 {add = true, strides = array<i32>} : memref<16x1024xf32, #tpu.memory_space<vmem>>, vector<1x16xf32>,
        %parallel_loop3A_609 = arith.index_cast %parallel_loop3A_212 : i32 to index
        %parallel_loop3A_610 = arith.constant 704 : index
        %parallel_loop3A_611 = tpu.vector_load %arg5[%parallel_loop3A_609, %parallel_loop3A_610] {strides = array<i32>} : memref<32x1024xf32, #tpu.memory_space<vmem>>, vector<1x16xf32>,
        %parallel_loop3A_612 = vector.shape_cast %parallel_loop3A_611 : vector<1x16xf32> to vector<16xf32>
        %parallel_loop3A_613 = arith.index_cast %parallel_loop3A_211 : i32 to index
        %parallel_loop3A_614 = arith.constant 704 : index
        %parallel_loop3A_615 = tpu.vector_load %arg7[%parallel_loop3A_613, %parallel_loop3A_614] {strides = array<i32>} : memref<16x1024xf32, #tpu.memory_space<vmem>>, vector<1x16xf32>,
        %parallel_loop3A_616 = vector.shape_cast %parallel_loop3A_615 : vector<1x16xf32> to vector<16xf32>
        %parallel_loop3A_617 = vector.shape_cast %parallel_loop3A_612 : vector<16xf32> to vector<1x16xf32>
        tpu.vector_store %arg7[%parallel_loop3A_613, %parallel_loop3A_614], %parallel_loop3A_617 {add = true, strides = array<i32>} : memref<16x1024xf32, #tpu.memory_space<vmem>>, vector<1x16xf32>,
        %parallel_loop3A_618 = arith.index_cast %parallel_loop3A_212 : i32 to index
        %parallel_loop3A_619 = arith.constant 720 : index
        %parallel_loop3A_620 = tpu.vector_load %arg5[%parallel_loop3A_618, %parallel_loop3A_619] {strides = array<i32>} : memref<32x1024xf32, #tpu.memory_space<vmem>>, vector<1x16xf32>,
        %parallel_loop3A_621 = vector.shape_cast %parallel_loop3A_620 : vector<1x16xf32> to vector<16xf32>
        %parallel_loop3A_622 = arith.index_cast %parallel_loop3A_211 : i32 to index
        %parallel_loop3A_623 = arith.constant 720 : index
        %parallel_loop3A_624 = tpu.vector_load %arg7[%parallel_loop3A_622, %parallel_loop3A_623] {strides = array<i32>} : memref<16x1024xf32, #tpu.memory_space<vmem>>, vector<1x16xf32>,
        %parallel_loop3A_625 = vector.shape_cast %parallel_loop3A_624 : vector<1x16xf32> to vector<16xf32>
        %parallel_loop3A_626 = vector.shape_cast %parallel_loop3A_621 : vector<16xf32> to vector<1x16xf32>
        tpu.vector_store %arg7[%parallel_loop3A_622, %parallel_loop3A_623], %parallel_loop3A_626 {add = true, strides = array<i32>} : memref<16x1024xf32, #tpu.memory_space<vmem>>, vector<1x16xf32>,
        %parallel_loop3A_627 = arith.index_cast %parallel_loop3A_212 : i32 to index
        %parallel_loop3A_628 = arith.constant 736 : index
        %parallel_loop3A_629 = tpu.vector_load %arg5[%parallel_loop3A_627, %parallel_loop3A_628] {strides = array<i32>} : memref<32x1024xf32, #tpu.memory_space<vmem>>, vector<1x16xf32>,
        %parallel_loop3A_630 = vector.shape_cast %parallel_loop3A_629 : vector<1x16xf32> to vector<16xf32>
        %parallel_loop3A_631 = arith.index_cast %parallel_loop3A_211 : i32 to index
        %parallel_loop3A_632 = arith.constant 736 : index
        %parallel_loop3A_633 = tpu.vector_load %arg7[%parallel_loop3A_631, %parallel_loop3A_632] {strides = array<i32>} : memref<16x1024xf32, #tpu.memory_space<vmem>>, vector<1x16xf32>,
        %parallel_loop3A_634 = vector.shape_cast %parallel_loop3A_633 : vector<1x16xf32> to vector<16xf32>
        %parallel_loop3A_635 = vector.shape_cast %parallel_loop3A_630 : vector<16xf32> to vector<1x16xf32>
        tpu.vector_store %arg7[%parallel_loop3A_631, %parallel_loop3A_632], %parallel_loop3A_635 {add = true, strides = array<i32>} : memref<16x1024xf32, #tpu.memory_space<vmem>>, vector<1x16xf32>,
        %parallel_loop3A_636 = arith.index_cast %parallel_loop3A_212 : i32 to index
        %parallel_loop3A_637 = arith.constant 752 : index
        %parallel_loop3A_638 = tpu.vector_load %arg5[%parallel_loop3A_636, %parallel_loop3A_637] {strides = array<i32>} : memref<32x1024xf32, #tpu.memory_space<vmem>>, vector<1x16xf32>,
        %parallel_loop3A_639 = vector.shape_cast %parallel_loop3A_638 : vector<1x16xf32> to vector<16xf32>
        %parallel_loop3A_640 = arith.index_cast %parallel_loop3A_211 : i32 to index
        %parallel_loop3A_641 = arith.constant 752 : index
        %parallel_loop3A_642 = tpu.vector_load %arg7[%parallel_loop3A_640, %parallel_loop3A_641] {strides = array<i32>} : memref<16x1024xf32, #tpu.memory_space<vmem>>, vector<1x16xf32>,
        %parallel_loop3A_643 = vector.shape_cast %parallel_loop3A_642 : vector<1x16xf32> to vector<16xf32>
        %parallel_loop3A_644 = vector.shape_cast %parallel_loop3A_639 : vector<16xf32> to vector<1x16xf32>
        tpu.vector_store %arg7[%parallel_loop3A_640, %parallel_loop3A_641], %parallel_loop3A_644 {add = true, strides = array<i32>} : memref<16x1024xf32, #tpu.memory_space<vmem>>, vector<1x16xf32>,
        %parallel_loop3A_645 = arith.index_cast %parallel_loop3A_212 : i32 to index
        %parallel_loop3A_646 = arith.constant 768 : index
        %parallel_loop3A_647 = tpu.vector_load %arg5[%parallel_loop3A_645, %parallel_loop3A_646] {strides = array<i32>} : memref<32x1024xf32, #tpu.memory_space<vmem>>, vector<1x16xf32>,
        %parallel_loop3A_648 = vector.shape_cast %parallel_loop3A_647 : vector<1x16xf32> to vector<16xf32>
        %parallel_loop3A_649 = arith.index_cast %parallel_loop3A_211 : i32 to index
        %parallel_loop3A_650 = arith.constant 768 : index
        %parallel_loop3A_651 = tpu.vector_load %arg7[%parallel_loop3A_649, %parallel_loop3A_650] {strides = array<i32>} : memref<16x1024xf32, #tpu.memory_space<vmem>>, vector<1x16xf32>,
        %parallel_loop3A_652 = vector.shape_cast %parallel_loop3A_651 : vector<1x16xf32> to vector<16xf32>
        %parallel_loop3A_653 = vector.shape_cast %parallel_loop3A_648 : vector<16xf32> to vector<1x16xf32>
        tpu.vector_store %arg7[%parallel_loop3A_649, %parallel_loop3A_650], %parallel_loop3A_653 {add = true, strides = array<i32>} : memref<16x1024xf32, #tpu.memory_space<vmem>>, vector<1x16xf32>,
        %parallel_loop3A_654 = arith.index_cast %parallel_loop3A_212 : i32 to index
        %parallel_loop3A_655 = arith.constant 784 : index
        %parallel_loop3A_656 = tpu.vector_load %arg5[%parallel_loop3A_654, %parallel_loop3A_655] {strides = array<i32>} : memref<32x1024xf32, #tpu.memory_space<vmem>>, vector<1x16xf32>,
        %parallel_loop3A_657 = vector.shape_cast %parallel_loop3A_656 : vector<1x16xf32> to vector<16xf32>
        %parallel_loop3A_658 = arith.index_cast %parallel_loop3A_211 : i32 to index
        %parallel_loop3A_659 = arith.constant 784 : index
        %parallel_loop3A_660 = tpu.vector_load %arg7[%parallel_loop3A_658, %parallel_loop3A_659] {strides = array<i32>} : memref<16x1024xf32, #tpu.memory_space<vmem>>, vector<1x16xf32>,
        %parallel_loop3A_661 = vector.shape_cast %parallel_loop3A_660 : vector<1x16xf32> to vector<16xf32>
        %parallel_loop3A_662 = vector.shape_cast %parallel_loop3A_657 : vector<16xf32> to vector<1x16xf32>
        tpu.vector_store %arg7[%parallel_loop3A_658, %parallel_loop3A_659], %parallel_loop3A_662 {add = true, strides = array<i32>} : memref<16x1024xf32, #tpu.memory_space<vmem>>, vector<1x16xf32>,
        %parallel_loop3A_663 = arith.index_cast %parallel_loop3A_212 : i32 to index
        %parallel_loop3A_664 = arith.constant 800 : index
        %parallel_loop3A_665 = tpu.vector_load %arg5[%parallel_loop3A_663, %parallel_loop3A_664] {strides = array<i32>} : memref<32x1024xf32, #tpu.memory_space<vmem>>, vector<1x16xf32>,
        %parallel_loop3A_666 = vector.shape_cast %parallel_loop3A_665 : vector<1x16xf32> to vector<16xf32>
        %parallel_loop3A_667 = arith.index_cast %parallel_loop3A_211 : i32 to index
        %parallel_loop3A_668 = arith.constant 800 : index
        %parallel_loop3A_669 = tpu.vector_load %arg7[%parallel_loop3A_667, %parallel_loop3A_668] {strides = array<i32>} : memref<16x1024xf32, #tpu.memory_space<vmem>>, vector<1x16xf32>,
        %parallel_loop3A_670 = vector.shape_cast %parallel_loop3A_669 : vector<1x16xf32> to vector<16xf32>
        %parallel_loop3A_671 = vector.shape_cast %parallel_loop3A_666 : vector<16xf32> to vector<1x16xf32>
        tpu.vector_store %arg7[%parallel_loop3A_667, %parallel_loop3A_668], %parallel_loop3A_671 {add = true, strides = array<i32>} : memref<16x1024xf32, #tpu.memory_space<vmem>>, vector<1x16xf32>,
        %parallel_loop3A_672 = arith.index_cast %parallel_loop3A_212 : i32 to index
        %parallel_loop3A_673 = arith.constant 816 : index
        %parallel_loop3A_674 = tpu.vector_load %arg5[%parallel_loop3A_672, %parallel_loop3A_673] {strides = array<i32>} : memref<32x1024xf32, #tpu.memory_space<vmem>>, vector<1x16xf32>,
        %parallel_loop3A_675 = vector.shape_cast %parallel_loop3A_674 : vector<1x16xf32> to vector<16xf32>
        %parallel_loop3A_676 = arith.index_cast %parallel_loop3A_211 : i32 to index
        %parallel_loop3A_677 = arith.constant 816 : index
        %parallel_loop3A_678 = tpu.vector_load %arg7[%parallel_loop3A_676, %parallel_loop3A_677] {strides = array<i32>} : memref<16x1024xf32, #tpu.memory_space<vmem>>, vector<1x16xf32>,
        %parallel_loop3A_679 = vector.shape_cast %parallel_loop3A_678 : vector<1x16xf32> to vector<16xf32>
        %parallel_loop3A_680 = vector.shape_cast %parallel_loop3A_675 : vector<16xf32> to vector<1x16xf32>
        tpu.vector_store %arg7[%parallel_loop3A_676, %parallel_loop3A_677], %parallel_loop3A_680 {add = true, strides = array<i32>} : memref<16x1024xf32, #tpu.memory_space<vmem>>, vector<1x16xf32>,
        %parallel_loop3A_681 = arith.index_cast %parallel_loop3A_212 : i32 to index
        %parallel_loop3A_682 = arith.constant 832 : index
        %parallel_loop3A_683 = tpu.vector_load %arg5[%parallel_loop3A_681, %parallel_loop3A_682] {strides = array<i32>} : memref<32x1024xf32, #tpu.memory_space<vmem>>, vector<1x16xf32>,
        %parallel_loop3A_684 = vector.shape_cast %parallel_loop3A_683 : vector<1x16xf32> to vector<16xf32>
        %parallel_loop3A_685 = arith.index_cast %parallel_loop3A_211 : i32 to index
        %parallel_loop3A_686 = arith.constant 832 : index
        %parallel_loop3A_687 = tpu.vector_load %arg7[%parallel_loop3A_685, %parallel_loop3A_686] {strides = array<i32>} : memref<16x1024xf32, #tpu.memory_space<vmem>>, vector<1x16xf32>,
        %parallel_loop3A_688 = vector.shape_cast %parallel_loop3A_687 : vector<1x16xf32> to vector<16xf32>
        %parallel_loop3A_689 = vector.shape_cast %parallel_loop3A_684 : vector<16xf32> to vector<1x16xf32>
        tpu.vector_store %arg7[%parallel_loop3A_685, %parallel_loop3A_686], %parallel_loop3A_689 {add = true, strides = array<i32>} : memref<16x1024xf32, #tpu.memory_space<vmem>>, vector<1x16xf32>,
        %parallel_loop3A_690 = arith.index_cast %parallel_loop3A_212 : i32 to index
        %parallel_loop3A_691 = arith.constant 848 : index
        %parallel_loop3A_692 = tpu.vector_load %arg5[%parallel_loop3A_690, %parallel_loop3A_691] {strides = array<i32>} : memref<32x1024xf32, #tpu.memory_space<vmem>>, vector<1x16xf32>,
        %parallel_loop3A_693 = vector.shape_cast %parallel_loop3A_692 : vector<1x16xf32> to vector<16xf32>
        %parallel_loop3A_694 = arith.index_cast %parallel_loop3A_211 : i32 to index
        %parallel_loop3A_695 = arith.constant 848 : index
        %parallel_loop3A_696 = tpu.vector_load %arg7[%parallel_loop3A_694, %parallel_loop3A_695] {strides = array<i32>} : memref<16x1024xf32, #tpu.memory_space<vmem>>, vector<1x16xf32>,
        %parallel_loop3A_697 = vector.shape_cast %parallel_loop3A_696 : vector<1x16xf32> to vector<16xf32>
        %parallel_loop3A_698 = vector.shape_cast %parallel_loop3A_693 : vector<16xf32> to vector<1x16xf32>
        tpu.vector_store %arg7[%parallel_loop3A_694, %parallel_loop3A_695], %parallel_loop3A_698 {add = true, strides = array<i32>} : memref<16x1024xf32, #tpu.memory_space<vmem>>, vector<1x16xf32>,
        %parallel_loop3A_699 = arith.index_cast %parallel_loop3A_212 : i32 to index
        %parallel_loop3A_700 = arith.constant 864 : index
        %parallel_loop3A_701 = tpu.vector_load %arg5[%parallel_loop3A_699, %parallel_loop3A_700] {strides = array<i32>} : memref<32x1024xf32, #tpu.memory_space<vmem>>, vector<1x16xf32>,
        %parallel_loop3A_702 = vector.shape_cast %parallel_loop3A_701 : vector<1x16xf32> to vector<16xf32>
        %parallel_loop3A_703 = arith.index_cast %parallel_loop3A_211 : i32 to index
        %parallel_loop3A_704 = arith.constant 864 : index
        %parallel_loop3A_705 = tpu.vector_load %arg7[%parallel_loop3A_703, %parallel_loop3A_704] {strides = array<i32>} : memref<16x1024xf32, #tpu.memory_space<vmem>>, vector<1x16xf32>,
        %parallel_loop3A_706 = vector.shape_cast %parallel_loop3A_705 : vector<1x16xf32> to vector<16xf32>
        %parallel_loop3A_707 = vector.shape_cast %parallel_loop3A_702 : vector<16xf32> to vector<1x16xf32>
        tpu.vector_store %arg7[%parallel_loop3A_703, %parallel_loop3A_704], %parallel_loop3A_707 {add = true, strides = array<i32>} : memref<16x1024xf32, #tpu.memory_space<vmem>>, vector<1x16xf32>,
        %parallel_loop3A_708 = arith.index_cast %parallel_loop3A_212 : i32 to index
        %parallel_loop3A_709 = arith.constant 880 : index
        %parallel_loop3A_710 = tpu.vector_load %arg5[%parallel_loop3A_708, %parallel_loop3A_709] {strides = array<i32>} : memref<32x1024xf32, #tpu.memory_space<vmem>>, vector<1x16xf32>,
        %parallel_loop3A_711 = vector.shape_cast %parallel_loop3A_710 : vector<1x16xf32> to vector<16xf32>
        %parallel_loop3A_712 = arith.index_cast %parallel_loop3A_211 : i32 to index
        %parallel_loop3A_713 = arith.constant 880 : index
        %parallel_loop3A_714 = tpu.vector_load %arg7[%parallel_loop3A_712, %parallel_loop3A_713] {strides = array<i32>} : memref<16x1024xf32, #tpu.memory_space<vmem>>, vector<1x16xf32>,
        %parallel_loop3A_715 = vector.shape_cast %parallel_loop3A_714 : vector<1x16xf32> to vector<16xf32>
        %parallel_loop3A_716 = vector.shape_cast %parallel_loop3A_711 : vector<16xf32> to vector<1x16xf32>
        tpu.vector_store %arg7[%parallel_loop3A_712, %parallel_loop3A_713], %parallel_loop3A_716 {add = true, strides = array<i32>} : memref<16x1024xf32, #tpu.memory_space<vmem>>, vector<1x16xf32>,
        %parallel_loop3A_717 = arith.index_cast %parallel_loop3A_212 : i32 to index
        %parallel_loop3A_718 = arith.constant 896 : index
        %parallel_loop3A_719 = tpu.vector_load %arg5[%parallel_loop3A_717, %parallel_loop3A_718] {strides = array<i32>} : memref<32x1024xf32, #tpu.memory_space<vmem>>, vector<1x16xf32>,
        %parallel_loop3A_720 = vector.shape_cast %parallel_loop3A_719 : vector<1x16xf32> to vector<16xf32>
        %parallel_loop3A_721 = arith.index_cast %parallel_loop3A_211 : i32 to index
        %parallel_loop3A_722 = arith.constant 896 : index
        %parallel_loop3A_723 = tpu.vector_load %arg7[%parallel_loop3A_721, %parallel_loop3A_722] {strides = array<i32>} : memref<16x1024xf32, #tpu.memory_space<vmem>>, vector<1x16xf32>,
        %parallel_loop3A_724 = vector.shape_cast %parallel_loop3A_723 : vector<1x16xf32> to vector<16xf32>
        %parallel_loop3A_725 = vector.shape_cast %parallel_loop3A_720 : vector<16xf32> to vector<1x16xf32>
        tpu.vector_store %arg7[%parallel_loop3A_721, %parallel_loop3A_722], %parallel_loop3A_725 {add = true, strides = array<i32>} : memref<16x1024xf32, #tpu.memory_space<vmem>>, vector<1x16xf32>,
        %parallel_loop3A_726 = arith.index_cast %parallel_loop3A_212 : i32 to index
        %parallel_loop3A_727 = arith.constant 912 : index
        %parallel_loop3A_728 = tpu.vector_load %arg5[%parallel_loop3A_726, %parallel_loop3A_727] {strides = array<i32>} : memref<32x1024xf32, #tpu.memory_space<vmem>>, vector<1x16xf32>,
        %parallel_loop3A_729 = vector.shape_cast %parallel_loop3A_728 : vector<1x16xf32> to vector<16xf32>
        %parallel_loop3A_730 = arith.index_cast %parallel_loop3A_211 : i32 to index
        %parallel_loop3A_731 = arith.constant 912 : index
        %parallel_loop3A_732 = tpu.vector_load %arg7[%parallel_loop3A_730, %parallel_loop3A_731] {strides = array<i32>} : memref<16x1024xf32, #tpu.memory_space<vmem>>, vector<1x16xf32>,
        %parallel_loop3A_733 = vector.shape_cast %parallel_loop3A_732 : vector<1x16xf32> to vector<16xf32>
        %parallel_loop3A_734 = vector.shape_cast %parallel_loop3A_729 : vector<16xf32> to vector<1x16xf32>
        tpu.vector_store %arg7[%parallel_loop3A_730, %parallel_loop3A_731], %parallel_loop3A_734 {add = true, strides = array<i32>} : memref<16x1024xf32, #tpu.memory_space<vmem>>, vector<1x16xf32>,
        %parallel_loop3A_735 = arith.index_cast %parallel_loop3A_212 : i32 to index
        %parallel_loop3A_736 = arith.constant 928 : index
        %parallel_loop3A_737 = tpu.vector_load %arg5[%parallel_loop3A_735, %parallel_loop3A_736] {strides = array<i32>} : memref<32x1024xf32, #tpu.memory_space<vmem>>, vector<1x16xf32>,
        %parallel_loop3A_738 = vector.shape_cast %parallel_loop3A_737 : vector<1x16xf32> to vector<16xf32>
        %parallel_loop3A_739 = arith.index_cast %parallel_loop3A_211 : i32 to index
        %parallel_loop3A_740 = arith.constant 928 : index
        %parallel_loop3A_741 = tpu.vector_load %arg7[%parallel_loop3A_739, %parallel_loop3A_740] {strides = array<i32>} : memref<16x1024xf32, #tpu.memory_space<vmem>>, vector<1x16xf32>,
        %parallel_loop3A_742 = vector.shape_cast %parallel_loop3A_741 : vector<1x16xf32> to vector<16xf32>
        %parallel_loop3A_743 = vector.shape_cast %parallel_loop3A_738 : vector<16xf32> to vector<1x16xf32>
        tpu.vector_store %arg7[%parallel_loop3A_739, %parallel_loop3A_740], %parallel_loop3A_743 {add = true, strides = array<i32>} : memref<16x1024xf32, #tpu.memory_space<vmem>>, vector<1x16xf32>,
        %parallel_loop3A_744 = arith.index_cast %parallel_loop3A_212 : i32 to index
        %parallel_loop3A_745 = arith.constant 944 : index
        %parallel_loop3A_746 = tpu.vector_load %arg5[%parallel_loop3A_744, %parallel_loop3A_745] {strides = array<i32>} : memref<32x1024xf32, #tpu.memory_space<vmem>>, vector<1x16xf32>,
        %parallel_loop3A_747 = vector.shape_cast %parallel_loop3A_746 : vector<1x16xf32> to vector<16xf32>
        %parallel_loop3A_748 = arith.index_cast %parallel_loop3A_211 : i32 to index
        %parallel_loop3A_749 = arith.constant 944 : index
        %parallel_loop3A_750 = tpu.vector_load %arg7[%parallel_loop3A_748, %parallel_loop3A_749] {strides = array<i32>} : memref<16x1024xf32, #tpu.memory_space<vmem>>, vector<1x16xf32>,
        %parallel_loop3A_751 = vector.shape_cast %parallel_loop3A_750 : vector<1x16xf32> to vector<16xf32>
        %parallel_loop3A_752 = vector.shape_cast %parallel_loop3A_747 : vector<16xf32> to vector<1x16xf32>
        tpu.vector_store %arg7[%parallel_loop3A_748, %parallel_loop3A_749], %parallel_loop3A_752 {add = true, strides = array<i32>} : memref<16x1024xf32, #tpu.memory_space<vmem>>, vector<1x16xf32>,
        %parallel_loop3A_753 = arith.index_cast %parallel_loop3A_212 : i32 to index
        %parallel_loop3A_754 = arith.constant 960 : index
        %parallel_loop3A_755 = tpu.vector_load %arg5[%parallel_loop3A_753, %parallel_loop3A_754] {strides = array<i32>} : memref<32x1024xf32, #tpu.memory_space<vmem>>, vector<1x16xf32>,
        %parallel_loop3A_756 = vector.shape_cast %parallel_loop3A_755 : vector<1x16xf32> to vector<16xf32>
        %parallel_loop3A_757 = arith.index_cast %parallel_loop3A_211 : i32 to index
        %parallel_loop3A_758 = arith.constant 960 : index
        %parallel_loop3A_759 = tpu.vector_load %arg7[%parallel_loop3A_757, %parallel_loop3A_758] {strides = array<i32>} : memref<16x1024xf32, #tpu.memory_space<vmem>>, vector<1x16xf32>,
        %parallel_loop3A_760 = vector.shape_cast %parallel_loop3A_759 : vector<1x16xf32> to vector<16xf32>
        %parallel_loop3A_761 = vector.shape_cast %parallel_loop3A_756 : vector<16xf32> to vector<1x16xf32>
        tpu.vector_store %arg7[%parallel_loop3A_757, %parallel_loop3A_758], %parallel_loop3A_761 {add = true, strides = array<i32>} : memref<16x1024xf32, #tpu.memory_space<vmem>>, vector<1x16xf32>,
        %parallel_loop3A_762 = arith.index_cast %parallel_loop3A_212 : i32 to index
        %parallel_loop3A_763 = arith.constant 976 : index
        %parallel_loop3A_764 = tpu.vector_load %arg5[%parallel_loop3A_762, %parallel_loop3A_763] {strides = array<i32>} : memref<32x1024xf32, #tpu.memory_space<vmem>>, vector<1x16xf32>,
        %parallel_loop3A_765 = vector.shape_cast %parallel_loop3A_764 : vector<1x16xf32> to vector<16xf32>
        %parallel_loop3A_766 = arith.index_cast %parallel_loop3A_211 : i32 to index
        %parallel_loop3A_767 = arith.constant 976 : index
        %parallel_loop3A_768 = tpu.vector_load %arg7[%parallel_loop3A_766, %parallel_loop3A_767] {strides = array<i32>} : memref<16x1024xf32, #tpu.memory_space<vmem>>, vector<1x16xf32>,
        %parallel_loop3A_769 = vector.shape_cast %parallel_loop3A_768 : vector<1x16xf32> to vector<16xf32>
        %parallel_loop3A_770 = vector.shape_cast %parallel_loop3A_765 : vector<16xf32> to vector<1x16xf32>
        tpu.vector_store %arg7[%parallel_loop3A_766, %parallel_loop3A_767], %parallel_loop3A_770 {add = true, strides = array<i32>} : memref<16x1024xf32, #tpu.memory_space<vmem>>, vector<1x16xf32>,
        %parallel_loop3A_771 = arith.index_cast %parallel_loop3A_212 : i32 to index
        %parallel_loop3A_772 = arith.constant 992 : index
        %parallel_loop3A_773 = tpu.vector_load %arg5[%parallel_loop3A_771, %parallel_loop3A_772] {strides = array<i32>} : memref<32x1024xf32, #tpu.memory_space<vmem>>, vector<1x16xf32>,
        %parallel_loop3A_774 = vector.shape_cast %parallel_loop3A_773 : vector<1x16xf32> to vector<16xf32>
        %parallel_loop3A_775 = arith.index_cast %parallel_loop3A_211 : i32 to index
        %parallel_loop3A_776 = arith.constant 992 : index
        %parallel_loop3A_777 = tpu.vector_load %arg7[%parallel_loop3A_775, %parallel_loop3A_776] {strides = array<i32>} : memref<16x1024xf32, #tpu.memory_space<vmem>>, vector<1x16xf32>,
        %parallel_loop3A_778 = vector.shape_cast %parallel_loop3A_777 : vector<1x16xf32> to vector<16xf32>
        %parallel_loop3A_779 = vector.shape_cast %parallel_loop3A_774 : vector<16xf32> to vector<1x16xf32>
        tpu.vector_store %arg7[%parallel_loop3A_775, %parallel_loop3A_776], %parallel_loop3A_779 {add = true, strides = array<i32>} : memref<16x1024xf32, #tpu.memory_space<vmem>>, vector<1x16xf32>,
        %parallel_loop3A_780 = arith.index_cast %parallel_loop3A_212 : i32 to index
        %parallel_loop3A_781 = arith.constant 1008 : index
        %parallel_loop3A_782 = tpu.vector_load %arg5[%parallel_loop3A_780, %parallel_loop3A_781] {strides = array<i32>} : memref<32x1024xf32, #tpu.memory_space<vmem>>, vector<1x16xf32>,
        %parallel_loop3A_783 = vector.shape_cast %parallel_loop3A_782 : vector<1x16xf32> to vector<16xf32>
        %parallel_loop3A_784 = arith.index_cast %parallel_loop3A_211 : i32 to index
        %parallel_loop3A_785 = arith.constant 1008 : index
        %parallel_loop3A_786 = tpu.vector_load %arg7[%parallel_loop3A_784, %parallel_loop3A_785] {strides = array<i32>} : memref<16x1024xf32, #tpu.memory_space<vmem>>, vector<1x16xf32>,
        %parallel_loop3A_787 = vector.shape_cast %parallel_loop3A_786 : vector<1x16xf32> to vector<16xf32>
        %parallel_loop3A_788 = vector.shape_cast %parallel_loop3A_783 : vector<16xf32> to vector<1x16xf32>
        tpu.vector_store %arg7[%parallel_loop3A_784, %parallel_loop3A_785], %parallel_loop3A_788 {add = true, strides = array<i32>} : memref<16x1024xf32, #tpu.memory_space<vmem>>, vector<1x16xf32>,
      } {sc.loop_unroll_factor = 4 : i64, sc.parallel_access}
      %dma_start3A_143 = arith.constant 1 : i32
      %dma_start3A_144 = arith.constant 0 : i32
      %dma_start3A_145 = tpu.memref_slice %arg4[%dma_start3A_143, %add3A_74, %dma_start3A_144] : memref<4x8192x1024xf32, #tpu.memory_space<hbm>> -> memref<1x16x1024xf32, #tpu.memory_space<hbm>>
      %dma_start3A_146 = tpu.memref_squeeze %dma_start3A_145 : memref<1x16x1024xf32, #tpu.memory_space<hbm>> -> memref<16x1024xf32, #tpu.memory_space<hbm>>
      %dma_start3A_147 = arith.constant 0 : i32
      %dma_start3A_148 = tpu.memref_slice %arg4[%dma_start3A_143, %add3A_74, %dma_start3A_147] : memref<4x8192x1024xf32, #tpu.memory_space<hbm>> -> memref<1x16x1024xf32, #tpu.memory_space<hbm>>
      %dma_start3A_149 = tpu.memref_squeeze %dma_start3A_148 : memref<1x16x1024xf32, #tpu.memory_space<hbm>> -> memref<16x1024xf32, #tpu.memory_space<hbm>>
      tpu.enqueue_dma source(%arg7 : memref<16x1024xf32, #tpu.memory_space<vmem>>) target(%dma_start3A_149 : memref<16x1024xf32, #tpu.memory_space<hbm>>) target_semaphore(%arg16 : memref<!tpu.dma_semaphore, #tpu.memory_space<semaphore_mem>>)
      %mul3A_150 = arith.constant 4 : i32
      %mul3A_151 = arith.muli %scan3A_67, %mul3A_150 : i32
      %add3A_152 = arith.constant 2 : i32
      %add3A_153 = arith.addi %mul3A_151, %add3A_152 : i32
      %dma_wait3A_154 = arith.constant 0 : i32
      %dma_wait3A_155 = arith.constant 0 : i32
      %dma_wait3A_156 = arith.constant 0 : i32
      %dma_wait3A_157 = tpu.memref_slice %arg2[%dma_wait3A_154, %dma_wait3A_155, %dma_wait3A_156] : memref<4x8192x1024xf32, #tpu.memory_space<hbm>> -> memref<1x16x1024xf32, #tpu.memory_space<hbm>>
      %dma_wait3A_158 = tpu.memref_squeeze %dma_wait3A_157 : memref<1x16x1024xf32, #tpu.memory_space<hbm>> -> memref<16x1024xf32, #tpu.memory_space<hbm>>
      %dma_wait3A_159 = arith.constant 0 : i32
      %dma_wait3A_160 = arith.constant 0 : i32
      %dma_wait3A_161 = tpu.memref_slice %arg2[%dma_wait3A_154, %dma_wait3A_159, %dma_wait3A_160] : memref<4x8192x1024xf32, #tpu.memory_space<hbm>> -> memref<1x16x1024xf32, #tpu.memory_space<hbm>>
      %dma_wait3A_162 = tpu.memref_squeeze %dma_wait3A_161 : memref<1x16x1024xf32, #tpu.memory_space<hbm>> -> memref<16x1024xf32, #tpu.memory_space<hbm>>
      tpu.wait_dma2 semaphore(%arg13 : memref<!tpu.dma_semaphore, #tpu.memory_space<semaphore_mem>>) src(%dma_wait3A_162 : memref<16x1024xf32, #tpu.memory_space<hbm>>) dst(%arg8 : memref<16x1024xf32, #tpu.memory_space<vmem>>)
      %add3A_163 = arith.constant 2 : i32
      %add3A_164 = arith.addi %add3A_153, %add3A_163 : i32
      %lt3A_165 = arith.constant 64 : i32
      %lt3A_166 = arith.cmpi slt, %add3A_164, %lt3A_165 : i32
      %convert_element_type3A_167 = arith.extui %lt3A_166 : i1 to i32
      %cond3A_168 = arith.constant 0 : i32
      %cond3A_169 = arith.cmpi ne, %convert_element_type3A_167, %cond3A_168 : i32
      scf.if %cond3A_169 {
        %add3A_211 = arith.constant 2 : i32
        %add3A_212 = arith.addi %add3A_153, %add3A_211 : i32
        %and3A_213 = arith.constant 3 : i32
        %and3A_214 = arith.andi %add3A_212, %and3A_213 : i32
        %shift_right_arithmetic3A = arith.constant 2 : i32
        %shift_right_arithmetic3A_215 = arith.shrsi %add3A_212, %shift_right_arithmetic3A : i32
        %mul3A_216 = arith.constant 16 : i32
        %mul3A_217 = arith.muli %shift_right_arithmetic3A_215, %mul3A_216 : i32
        %add3A_218 = arith.addi %mul3A_2, %mul3A_217 : i32
        %ge3A = arith.constant 2 : i32
        %ge3A_219 = arith.cmpi sge, %add3A_153, %ge3A : i32
        %convert_element_type3A_220 = arith.extui %ge3A_219 : i1 to i32
        %cond3A_221 = arith.constant 0 : i32
        %cond3A_222 = arith.cmpi ne, %convert_element_type3A_220, %cond3A_221 : i32
        scf.if %cond3A_222 {
          %dma_wait3A_229 = arith.constant 0 : i32
          %dma_wait3A_230 = arith.constant 0 : i32
          %dma_wait3A_231 = arith.constant 0 : i32
          %dma_wait3A_232 = tpu.memref_slice %arg4[%dma_wait3A_229, %dma_wait3A_230, %dma_wait3A_231] : memref<4x8192x1024xf32, #tpu.memory_space<hbm>> -> memref<1x16x1024xf32, #tpu.memory_space<hbm>>
          %dma_wait3A_233 = tpu.memref_squeeze %dma_wait3A_232 : memref<1x16x1024xf32, #tpu.memory_space<hbm>> -> memref<16x1024xf32, #tpu.memory_space<hbm>>
          %dma_wait3A_234 = arith.constant 0 : i32
          %dma_wait3A_235 = arith.constant 0 : i32
          %dma_wait3A_236 = tpu.memref_slice %arg4[%dma_wait3A_229, %dma_wait3A_234, %dma_wait3A_235] : memref<4x8192x1024xf32, #tpu.memory_space<hbm>> -> memref<1x16x1024xf32, #tpu.memory_space<hbm>>
          %dma_wait3A_237 = tpu.memref_squeeze %dma_wait3A_236 : memref<1x16x1024xf32, #tpu.memory_space<hbm>> -> memref<16x1024xf32, #tpu.memory_space<hbm>>
          tpu.wait_dma2 semaphore(%arg15 : memref<!tpu.dma_semaphore, #tpu.memory_space<semaphore_mem>>) src(%arg6 : memref<16x1024xf32, #tpu.memory_space<vmem>>) dst(%dma_wait3A_237 : memref<16x1024xf32, #tpu.memory_space<hbm>>)
        } else {
        }
        %dma_start3A_223 = arith.constant 0 : i32
        %dma_start3A_224 = tpu.memref_slice %arg2[%and3A_214, %add3A_218, %dma_start3A_223] : memref<4x8192x1024xf32, #tpu.memory_space<hbm>> -> memref<1x16x1024xf32, #tpu.memory_space<hbm>>
        %dma_start3A_225 = tpu.memref_squeeze %dma_start3A_224 : memref<1x16x1024xf32, #tpu.memory_space<hbm>> -> memref<16x1024xf32, #tpu.memory_space<hbm>>
        %dma_start3A_226 = arith.constant 0 : i32
        %dma_start3A_227 = tpu.memref_slice %arg2[%and3A_214, %add3A_218, %dma_start3A_226] : memref<4x8192x1024xf32, #tpu.memory_space<hbm>> -> memref<1x16x1024xf32, #tpu.memory_space<hbm>>
        %dma_start3A_228 = tpu.memref_squeeze %dma_start3A_227 : memref<1x16x1024xf32, #tpu.memory_space<hbm>> -> memref<16x1024xf32, #tpu.memory_space<hbm>>
        tpu.enqueue_dma source(%dma_start3A_228 : memref<16x1024xf32, #tpu.memory_space<hbm>>) target(%arg6 : memref<16x1024xf32, #tpu.memory_space<vmem>>) target_semaphore(%arg11 : memref<!tpu.dma_semaphore, #tpu.memory_space<semaphore_mem>>)
      } else {
      }
      %parallel_loop3A_170 = arith.constant 0 : i32
      %parallel_loop3A_171 = arith.constant 16 : i32
      %parallel_loop3A_172 = arith.constant 1 : i32
      scf.for %parallel_loop3A_211 = %parallel_loop3A_170 to %parallel_loop3A_171 step %parallel_loop3A_172  : i32 {
        %parallel_loop3A_212 = arith.addi %mul3A_71, %parallel_loop3A_211 : i32
        %parallel_loop3A_213 = arith.index_cast %parallel_loop3A_212 : i32 to index
        %parallel_loop3A_214 = arith.constant 0 : index
        %parallel_loop3A_215 = tpu.vector_load %arg5[%parallel_loop3A_213, %parallel_loop3A_214] {strides = array<i32>} : memref<32x1024xf32, #tpu.memory_space<vmem>>, vector<1x16xf32>,
        %parallel_loop3A_216 = vector.shape_cast %parallel_loop3A_215 : vector<1x16xf32> to vector<16xf32>
        %parallel_loop3A_217 = arith.index_cast %parallel_loop3A_211 : i32 to index
        %parallel_loop3A_218 = arith.constant 0 : index
        %parallel_loop3A_219 = tpu.vector_load %arg8[%parallel_loop3A_217, %parallel_loop3A_218] {strides = array<i32>} : memref<16x1024xf32, #tpu.memory_space<vmem>>, vector<1x16xf32>,
        %parallel_loop3A_220 = vector.shape_cast %parallel_loop3A_219 : vector<1x16xf32> to vector<16xf32>
        %parallel_loop3A_221 = vector.shape_cast %parallel_loop3A_216 : vector<16xf32> to vector<1x16xf32>
        tpu.vector_store %arg8[%parallel_loop3A_217, %parallel_loop3A_218], %parallel_loop3A_221 {add = true, strides = array<i32>} : memref<16x1024xf32, #tpu.memory_space<vmem>>, vector<1x16xf32>,
        %parallel_loop3A_222 = arith.index_cast %parallel_loop3A_212 : i32 to index
        %parallel_loop3A_223 = arith.constant 16 : index
        %parallel_loop3A_224 = tpu.vector_load %arg5[%parallel_loop3A_222, %parallel_loop3A_223] {strides = array<i32>} : memref<32x1024xf32, #tpu.memory_space<vmem>>, vector<1x16xf32>,
        %parallel_loop3A_225 = vector.shape_cast %parallel_loop3A_224 : vector<1x16xf32> to vector<16xf32>
        %parallel_loop3A_226 = arith.index_cast %parallel_loop3A_211 : i32 to index
        %parallel_loop3A_227 = arith.constant 16 : index
        %parallel_loop3A_228 = tpu.vector_load %arg8[%parallel_loop3A_226, %parallel_loop3A_227] {strides = array<i32>} : memref<16x1024xf32, #tpu.memory_space<vmem>>, vector<1x16xf32>,
        %parallel_loop3A_229 = vector.shape_cast %parallel_loop3A_228 : vector<1x16xf32> to vector<16xf32>
        %parallel_loop3A_230 = vector.shape_cast %parallel_loop3A_225 : vector<16xf32> to vector<1x16xf32>
        tpu.vector_store %arg8[%parallel_loop3A_226, %parallel_loop3A_227], %parallel_loop3A_230 {add = true, strides = array<i32>} : memref<16x1024xf32, #tpu.memory_space<vmem>>, vector<1x16xf32>,
        %parallel_loop3A_231 = arith.index_cast %parallel_loop3A_212 : i32 to index
        %parallel_loop3A_232 = arith.constant 32 : index
        %parallel_loop3A_233 = tpu.vector_load %arg5[%parallel_loop3A_231, %parallel_loop3A_232] {strides = array<i32>} : memref<32x1024xf32, #tpu.memory_space<vmem>>, vector<1x16xf32>,
        %parallel_loop3A_234 = vector.shape_cast %parallel_loop3A_233 : vector<1x16xf32> to vector<16xf32>
        %parallel_loop3A_235 = arith.index_cast %parallel_loop3A_211 : i32 to index
        %parallel_loop3A_236 = arith.constant 32 : index
        %parallel_loop3A_237 = tpu.vector_load %arg8[%parallel_loop3A_235, %parallel_loop3A_236] {strides = array<i32>} : memref<16x1024xf32, #tpu.memory_space<vmem>>, vector<1x16xf32>,
        %parallel_loop3A_238 = vector.shape_cast %parallel_loop3A_237 : vector<1x16xf32> to vector<16xf32>
        %parallel_loop3A_239 = vector.shape_cast %parallel_loop3A_234 : vector<16xf32> to vector<1x16xf32>
        tpu.vector_store %arg8[%parallel_loop3A_235, %parallel_loop3A_236], %parallel_loop3A_239 {add = true, strides = array<i32>} : memref<16x1024xf32, #tpu.memory_space<vmem>>, vector<1x16xf32>,
        %parallel_loop3A_240 = arith.index_cast %parallel_loop3A_212 : i32 to index
        %parallel_loop3A_241 = arith.constant 48 : index
        %parallel_loop3A_242 = tpu.vector_load %arg5[%parallel_loop3A_240, %parallel_loop3A_241] {strides = array<i32>} : memref<32x1024xf32, #tpu.memory_space<vmem>>, vector<1x16xf32>,
        %parallel_loop3A_243 = vector.shape_cast %parallel_loop3A_242 : vector<1x16xf32> to vector<16xf32>
        %parallel_loop3A_244 = arith.index_cast %parallel_loop3A_211 : i32 to index
        %parallel_loop3A_245 = arith.constant 48 : index
        %parallel_loop3A_246 = tpu.vector_load %arg8[%parallel_loop3A_244, %parallel_loop3A_245] {strides = array<i32>} : memref<16x1024xf32, #tpu.memory_space<vmem>>, vector<1x16xf32>,
        %parallel_loop3A_247 = vector.shape_cast %parallel_loop3A_246 : vector<1x16xf32> to vector<16xf32>
        %parallel_loop3A_248 = vector.shape_cast %parallel_loop3A_243 : vector<16xf32> to vector<1x16xf32>
        tpu.vector_store %arg8[%parallel_loop3A_244, %parallel_loop3A_245], %parallel_loop3A_248 {add = true, strides = array<i32>} : memref<16x1024xf32, #tpu.memory_space<vmem>>, vector<1x16xf32>,
        %parallel_loop3A_249 = arith.index_cast %parallel_loop3A_212 : i32 to index
        %parallel_loop3A_250 = arith.constant 64 : index
        %parallel_loop3A_251 = tpu.vector_load %arg5[%parallel_loop3A_249, %parallel_loop3A_250] {strides = array<i32>} : memref<32x1024xf32, #tpu.memory_space<vmem>>, vector<1x16xf32>,
        %parallel_loop3A_252 = vector.shape_cast %parallel_loop3A_251 : vector<1x16xf32> to vector<16xf32>
        %parallel_loop3A_253 = arith.index_cast %parallel_loop3A_211 : i32 to index
        %parallel_loop3A_254 = arith.constant 64 : index
        %parallel_loop3A_255 = tpu.vector_load %arg8[%parallel_loop3A_253, %parallel_loop3A_254] {strides = array<i32>} : memref<16x1024xf32, #tpu.memory_space<vmem>>, vector<1x16xf32>,
        %parallel_loop3A_256 = vector.shape_cast %parallel_loop3A_255 : vector<1x16xf32> to vector<16xf32>
        %parallel_loop3A_257 = vector.shape_cast %parallel_loop3A_252 : vector<16xf32> to vector<1x16xf32>
        tpu.vector_store %arg8[%parallel_loop3A_253, %parallel_loop3A_254], %parallel_loop3A_257 {add = true, strides = array<i32>} : memref<16x1024xf32, #tpu.memory_space<vmem>>, vector<1x16xf32>,
        %parallel_loop3A_258 = arith.index_cast %parallel_loop3A_212 : i32 to index
        %parallel_loop3A_259 = arith.constant 80 : index
        %parallel_loop3A_260 = tpu.vector_load %arg5[%parallel_loop3A_258, %parallel_loop3A_259] {strides = array<i32>} : memref<32x1024xf32, #tpu.memory_space<vmem>>, vector<1x16xf32>,
        %parallel_loop3A_261 = vector.shape_cast %parallel_loop3A_260 : vector<1x16xf32> to vector<16xf32>
        %parallel_loop3A_262 = arith.index_cast %parallel_loop3A_211 : i32 to index
        %parallel_loop3A_263 = arith.constant 80 : index
        %parallel_loop3A_264 = tpu.vector_load %arg8[%parallel_loop3A_262, %parallel_loop3A_263] {strides = array<i32>} : memref<16x1024xf32, #tpu.memory_space<vmem>>, vector<1x16xf32>,
        %parallel_loop3A_265 = vector.shape_cast %parallel_loop3A_264 : vector<1x16xf32> to vector<16xf32>
        %parallel_loop3A_266 = vector.shape_cast %parallel_loop3A_261 : vector<16xf32> to vector<1x16xf32>
        tpu.vector_store %arg8[%parallel_loop3A_262, %parallel_loop3A_263], %parallel_loop3A_266 {add = true, strides = array<i32>} : memref<16x1024xf32, #tpu.memory_space<vmem>>, vector<1x16xf32>,
        %parallel_loop3A_267 = arith.index_cast %parallel_loop3A_212 : i32 to index
        %parallel_loop3A_268 = arith.constant 96 : index
        %parallel_loop3A_269 = tpu.vector_load %arg5[%parallel_loop3A_267, %parallel_loop3A_268] {strides = array<i32>} : memref<32x1024xf32, #tpu.memory_space<vmem>>, vector<1x16xf32>,
        %parallel_loop3A_270 = vector.shape_cast %parallel_loop3A_269 : vector<1x16xf32> to vector<16xf32>
        %parallel_loop3A_271 = arith.index_cast %parallel_loop3A_211 : i32 to index
        %parallel_loop3A_272 = arith.constant 96 : index
        %parallel_loop3A_273 = tpu.vector_load %arg8[%parallel_loop3A_271, %parallel_loop3A_272] {strides = array<i32>} : memref<16x1024xf32, #tpu.memory_space<vmem>>, vector<1x16xf32>,
        %parallel_loop3A_274 = vector.shape_cast %parallel_loop3A_273 : vector<1x16xf32> to vector<16xf32>
        %parallel_loop3A_275 = vector.shape_cast %parallel_loop3A_270 : vector<16xf32> to vector<1x16xf32>
        tpu.vector_store %arg8[%parallel_loop3A_271, %parallel_loop3A_272], %parallel_loop3A_275 {add = true, strides = array<i32>} : memref<16x1024xf32, #tpu.memory_space<vmem>>, vector<1x16xf32>,
        %parallel_loop3A_276 = arith.index_cast %parallel_loop3A_212 : i32 to index
        %parallel_loop3A_277 = arith.constant 112 : index
        %parallel_loop3A_278 = tpu.vector_load %arg5[%parallel_loop3A_276, %parallel_loop3A_277] {strides = array<i32>} : memref<32x1024xf32, #tpu.memory_space<vmem>>, vector<1x16xf32>,
        %parallel_loop3A_279 = vector.shape_cast %parallel_loop3A_278 : vector<1x16xf32> to vector<16xf32>
        %parallel_loop3A_280 = arith.index_cast %parallel_loop3A_211 : i32 to index
        %parallel_loop3A_281 = arith.constant 112 : index
        %parallel_loop3A_282 = tpu.vector_load %arg8[%parallel_loop3A_280, %parallel_loop3A_281] {strides = array<i32>} : memref<16x1024xf32, #tpu.memory_space<vmem>>, vector<1x16xf32>,
        %parallel_loop3A_283 = vector.shape_cast %parallel_loop3A_282 : vector<1x16xf32> to vector<16xf32>
        %parallel_loop3A_284 = vector.shape_cast %parallel_loop3A_279 : vector<16xf32> to vector<1x16xf32>
        tpu.vector_store %arg8[%parallel_loop3A_280, %parallel_loop3A_281], %parallel_loop3A_284 {add = true, strides = array<i32>} : memref<16x1024xf32, #tpu.memory_space<vmem>>, vector<1x16xf32>,
        %parallel_loop3A_285 = arith.index_cast %parallel_loop3A_212 : i32 to index
        %parallel_loop3A_286 = arith.constant 128 : index
        %parallel_loop3A_287 = tpu.vector_load %arg5[%parallel_loop3A_285, %parallel_loop3A_286] {strides = array<i32>} : memref<32x1024xf32, #tpu.memory_space<vmem>>, vector<1x16xf32>,
        %parallel_loop3A_288 = vector.shape_cast %parallel_loop3A_287 : vector<1x16xf32> to vector<16xf32>
        %parallel_loop3A_289 = arith.index_cast %parallel_loop3A_211 : i32 to index
        %parallel_loop3A_290 = arith.constant 128 : index
        %parallel_loop3A_291 = tpu.vector_load %arg8[%parallel_loop3A_289, %parallel_loop3A_290] {strides = array<i32>} : memref<16x1024xf32, #tpu.memory_space<vmem>>, vector<1x16xf32>,
        %parallel_loop3A_292 = vector.shape_cast %parallel_loop3A_291 : vector<1x16xf32> to vector<16xf32>
        %parallel_loop3A_293 = vector.shape_cast %parallel_loop3A_288 : vector<16xf32> to vector<1x16xf32>
        tpu.vector_store %arg8[%parallel_loop3A_289, %parallel_loop3A_290], %parallel_loop3A_293 {add = true, strides = array<i32>} : memref<16x1024xf32, #tpu.memory_space<vmem>>, vector<1x16xf32>,
        %parallel_loop3A_294 = arith.index_cast %parallel_loop3A_212 : i32 to index
        %parallel_loop3A_295 = arith.constant 144 : index
        %parallel_loop3A_296 = tpu.vector_load %arg5[%parallel_loop3A_294, %parallel_loop3A_295] {strides = array<i32>} : memref<32x1024xf32, #tpu.memory_space<vmem>>, vector<1x16xf32>,
        %parallel_loop3A_297 = vector.shape_cast %parallel_loop3A_296 : vector<1x16xf32> to vector<16xf32>
        %parallel_loop3A_298 = arith.index_cast %parallel_loop3A_211 : i32 to index
        %parallel_loop3A_299 = arith.constant 144 : index
        %parallel_loop3A_300 = tpu.vector_load %arg8[%parallel_loop3A_298, %parallel_loop3A_299] {strides = array<i32>} : memref<16x1024xf32, #tpu.memory_space<vmem>>, vector<1x16xf32>,
        %parallel_loop3A_301 = vector.shape_cast %parallel_loop3A_300 : vector<1x16xf32> to vector<16xf32>
        %parallel_loop3A_302 = vector.shape_cast %parallel_loop3A_297 : vector<16xf32> to vector<1x16xf32>
        tpu.vector_store %arg8[%parallel_loop3A_298, %parallel_loop3A_299], %parallel_loop3A_302 {add = true, strides = array<i32>} : memref<16x1024xf32, #tpu.memory_space<vmem>>, vector<1x16xf32>,
        %parallel_loop3A_303 = arith.index_cast %parallel_loop3A_212 : i32 to index
        %parallel_loop3A_304 = arith.constant 160 : index
        %parallel_loop3A_305 = tpu.vector_load %arg5[%parallel_loop3A_303, %parallel_loop3A_304] {strides = array<i32>} : memref<32x1024xf32, #tpu.memory_space<vmem>>, vector<1x16xf32>,
        %parallel_loop3A_306 = vector.shape_cast %parallel_loop3A_305 : vector<1x16xf32> to vector<16xf32>
        %parallel_loop3A_307 = arith.index_cast %parallel_loop3A_211 : i32 to index
        %parallel_loop3A_308 = arith.constant 160 : index
        %parallel_loop3A_309 = tpu.vector_load %arg8[%parallel_loop3A_307, %parallel_loop3A_308] {strides = array<i32>} : memref<16x1024xf32, #tpu.memory_space<vmem>>, vector<1x16xf32>,
        %parallel_loop3A_310 = vector.shape_cast %parallel_loop3A_309 : vector<1x16xf32> to vector<16xf32>
        %parallel_loop3A_311 = vector.shape_cast %parallel_loop3A_306 : vector<16xf32> to vector<1x16xf32>
        tpu.vector_store %arg8[%parallel_loop3A_307, %parallel_loop3A_308], %parallel_loop3A_311 {add = true, strides = array<i32>} : memref<16x1024xf32, #tpu.memory_space<vmem>>, vector<1x16xf32>,
        %parallel_loop3A_312 = arith.index_cast %parallel_loop3A_212 : i32 to index
        %parallel_loop3A_313 = arith.constant 176 : index
        %parallel_loop3A_314 = tpu.vector_load %arg5[%parallel_loop3A_312, %parallel_loop3A_313] {strides = array<i32>} : memref<32x1024xf32, #tpu.memory_space<vmem>>, vector<1x16xf32>,
        %parallel_loop3A_315 = vector.shape_cast %parallel_loop3A_314 : vector<1x16xf32> to vector<16xf32>
        %parallel_loop3A_316 = arith.index_cast %parallel_loop3A_211 : i32 to index
        %parallel_loop3A_317 = arith.constant 176 : index
        %parallel_loop3A_318 = tpu.vector_load %arg8[%parallel_loop3A_316, %parallel_loop3A_317] {strides = array<i32>} : memref<16x1024xf32, #tpu.memory_space<vmem>>, vector<1x16xf32>,
        %parallel_loop3A_319 = vector.shape_cast %parallel_loop3A_318 : vector<1x16xf32> to vector<16xf32>
        %parallel_loop3A_320 = vector.shape_cast %parallel_loop3A_315 : vector<16xf32> to vector<1x16xf32>
        tpu.vector_store %arg8[%parallel_loop3A_316, %parallel_loop3A_317], %parallel_loop3A_320 {add = true, strides = array<i32>} : memref<16x1024xf32, #tpu.memory_space<vmem>>, vector<1x16xf32>,
        %parallel_loop3A_321 = arith.index_cast %parallel_loop3A_212 : i32 to index
        %parallel_loop3A_322 = arith.constant 192 : index
        %parallel_loop3A_323 = tpu.vector_load %arg5[%parallel_loop3A_321, %parallel_loop3A_322] {strides = array<i32>} : memref<32x1024xf32, #tpu.memory_space<vmem>>, vector<1x16xf32>,
        %parallel_loop3A_324 = vector.shape_cast %parallel_loop3A_323 : vector<1x16xf32> to vector<16xf32>
        %parallel_loop3A_325 = arith.index_cast %parallel_loop3A_211 : i32 to index
        %parallel_loop3A_326 = arith.constant 192 : index
        %parallel_loop3A_327 = tpu.vector_load %arg8[%parallel_loop3A_325, %parallel_loop3A_326] {strides = array<i32>} : memref<16x1024xf32, #tpu.memory_space<vmem>>, vector<1x16xf32>,
        %parallel_loop3A_328 = vector.shape_cast %parallel_loop3A_327 : vector<1x16xf32> to vector<16xf32>
        %parallel_loop3A_329 = vector.shape_cast %parallel_loop3A_324 : vector<16xf32> to vector<1x16xf32>
        tpu.vector_store %arg8[%parallel_loop3A_325, %parallel_loop3A_326], %parallel_loop3A_329 {add = true, strides = array<i32>} : memref<16x1024xf32, #tpu.memory_space<vmem>>, vector<1x16xf32>,
        %parallel_loop3A_330 = arith.index_cast %parallel_loop3A_212 : i32 to index
        %parallel_loop3A_331 = arith.constant 208 : index
        %parallel_loop3A_332 = tpu.vector_load %arg5[%parallel_loop3A_330, %parallel_loop3A_331] {strides = array<i32>} : memref<32x1024xf32, #tpu.memory_space<vmem>>, vector<1x16xf32>,
        %parallel_loop3A_333 = vector.shape_cast %parallel_loop3A_332 : vector<1x16xf32> to vector<16xf32>
        %parallel_loop3A_334 = arith.index_cast %parallel_loop3A_211 : i32 to index
        %parallel_loop3A_335 = arith.constant 208 : index
        %parallel_loop3A_336 = tpu.vector_load %arg8[%parallel_loop3A_334, %parallel_loop3A_335] {strides = array<i32>} : memref<16x1024xf32, #tpu.memory_space<vmem>>, vector<1x16xf32>,
        %parallel_loop3A_337 = vector.shape_cast %parallel_loop3A_336 : vector<1x16xf32> to vector<16xf32>
        %parallel_loop3A_338 = vector.shape_cast %parallel_loop3A_333 : vector<16xf32> to vector<1x16xf32>
        tpu.vector_store %arg8[%parallel_loop3A_334, %parallel_loop3A_335], %parallel_loop3A_338 {add = true, strides = array<i32>} : memref<16x1024xf32, #tpu.memory_space<vmem>>, vector<1x16xf32>,
        %parallel_loop3A_339 = arith.index_cast %parallel_loop3A_212 : i32 to index
        %parallel_loop3A_340 = arith.constant 224 : index
        %parallel_loop3A_341 = tpu.vector_load %arg5[%parallel_loop3A_339, %parallel_loop3A_340] {strides = array<i32>} : memref<32x1024xf32, #tpu.memory_space<vmem>>, vector<1x16xf32>,
        %parallel_loop3A_342 = vector.shape_cast %parallel_loop3A_341 : vector<1x16xf32> to vector<16xf32>
        %parallel_loop3A_343 = arith.index_cast %parallel_loop3A_211 : i32 to index
        %parallel_loop3A_344 = arith.constant 224 : index
        %parallel_loop3A_345 = tpu.vector_load %arg8[%parallel_loop3A_343, %parallel_loop3A_344] {strides = array<i32>} : memref<16x1024xf32, #tpu.memory_space<vmem>>, vector<1x16xf32>,
        %parallel_loop3A_346 = vector.shape_cast %parallel_loop3A_345 : vector<1x16xf32> to vector<16xf32>
        %parallel_loop3A_347 = vector.shape_cast %parallel_loop3A_342 : vector<16xf32> to vector<1x16xf32>
        tpu.vector_store %arg8[%parallel_loop3A_343, %parallel_loop3A_344], %parallel_loop3A_347 {add = true, strides = array<i32>} : memref<16x1024xf32, #tpu.memory_space<vmem>>, vector<1x16xf32>,
        %parallel_loop3A_348 = arith.index_cast %parallel_loop3A_212 : i32 to index
        %parallel_loop3A_349 = arith.constant 240 : index
        %parallel_loop3A_350 = tpu.vector_load %arg5[%parallel_loop3A_348, %parallel_loop3A_349] {strides = array<i32>} : memref<32x1024xf32, #tpu.memory_space<vmem>>, vector<1x16xf32>,
        %parallel_loop3A_351 = vector.shape_cast %parallel_loop3A_350 : vector<1x16xf32> to vector<16xf32>
        %parallel_loop3A_352 = arith.index_cast %parallel_loop3A_211 : i32 to index
        %parallel_loop3A_353 = arith.constant 240 : index
        %parallel_loop3A_354 = tpu.vector_load %arg8[%parallel_loop3A_352, %parallel_loop3A_353] {strides = array<i32>} : memref<16x1024xf32, #tpu.memory_space<vmem>>, vector<1x16xf32>,
        %parallel_loop3A_355 = vector.shape_cast %parallel_loop3A_354 : vector<1x16xf32> to vector<16xf32>
        %parallel_loop3A_356 = vector.shape_cast %parallel_loop3A_351 : vector<16xf32> to vector<1x16xf32>
        tpu.vector_store %arg8[%parallel_loop3A_352, %parallel_loop3A_353], %parallel_loop3A_356 {add = true, strides = array<i32>} : memref<16x1024xf32, #tpu.memory_space<vmem>>, vector<1x16xf32>,
        %parallel_loop3A_357 = arith.index_cast %parallel_loop3A_212 : i32 to index
        %parallel_loop3A_358 = arith.constant 256 : index
        %parallel_loop3A_359 = tpu.vector_load %arg5[%parallel_loop3A_357, %parallel_loop3A_358] {strides = array<i32>} : memref<32x1024xf32, #tpu.memory_space<vmem>>, vector<1x16xf32>,
        %parallel_loop3A_360 = vector.shape_cast %parallel_loop3A_359 : vector<1x16xf32> to vector<16xf32>
        %parallel_loop3A_361 = arith.index_cast %parallel_loop3A_211 : i32 to index
        %parallel_loop3A_362 = arith.constant 256 : index
        %parallel_loop3A_363 = tpu.vector_load %arg8[%parallel_loop3A_361, %parallel_loop3A_362] {strides = array<i32>} : memref<16x1024xf32, #tpu.memory_space<vmem>>, vector<1x16xf32>,
        %parallel_loop3A_364 = vector.shape_cast %parallel_loop3A_363 : vector<1x16xf32> to vector<16xf32>
        %parallel_loop3A_365 = vector.shape_cast %parallel_loop3A_360 : vector<16xf32> to vector<1x16xf32>
        tpu.vector_store %arg8[%parallel_loop3A_361, %parallel_loop3A_362], %parallel_loop3A_365 {add = true, strides = array<i32>} : memref<16x1024xf32, #tpu.memory_space<vmem>>, vector<1x16xf32>,
        %parallel_loop3A_366 = arith.index_cast %parallel_loop3A_212 : i32 to index
        %parallel_loop3A_367 = arith.constant 272 : index
        %parallel_loop3A_368 = tpu.vector_load %arg5[%parallel_loop3A_366, %parallel_loop3A_367] {strides = array<i32>} : memref<32x1024xf32, #tpu.memory_space<vmem>>, vector<1x16xf32>,
        %parallel_loop3A_369 = vector.shape_cast %parallel_loop3A_368 : vector<1x16xf32> to vector<16xf32>
        %parallel_loop3A_370 = arith.index_cast %parallel_loop3A_211 : i32 to index
        %parallel_loop3A_371 = arith.constant 272 : index
        %parallel_loop3A_372 = tpu.vector_load %arg8[%parallel_loop3A_370, %parallel_loop3A_371] {strides = array<i32>} : memref<16x1024xf32, #tpu.memory_space<vmem>>, vector<1x16xf32>,
        %parallel_loop3A_373 = vector.shape_cast %parallel_loop3A_372 : vector<1x16xf32> to vector<16xf32>
        %parallel_loop3A_374 = vector.shape_cast %parallel_loop3A_369 : vector<16xf32> to vector<1x16xf32>
        tpu.vector_store %arg8[%parallel_loop3A_370, %parallel_loop3A_371], %parallel_loop3A_374 {add = true, strides = array<i32>} : memref<16x1024xf32, #tpu.memory_space<vmem>>, vector<1x16xf32>,
        %parallel_loop3A_375 = arith.index_cast %parallel_loop3A_212 : i32 to index
        %parallel_loop3A_376 = arith.constant 288 : index
        %parallel_loop3A_377 = tpu.vector_load %arg5[%parallel_loop3A_375, %parallel_loop3A_376] {strides = array<i32>} : memref<32x1024xf32, #tpu.memory_space<vmem>>, vector<1x16xf32>,
        %parallel_loop3A_378 = vector.shape_cast %parallel_loop3A_377 : vector<1x16xf32> to vector<16xf32>
        %parallel_loop3A_379 = arith.index_cast %parallel_loop3A_211 : i32 to index
        %parallel_loop3A_380 = arith.constant 288 : index
        %parallel_loop3A_381 = tpu.vector_load %arg8[%parallel_loop3A_379, %parallel_loop3A_380] {strides = array<i32>} : memref<16x1024xf32, #tpu.memory_space<vmem>>, vector<1x16xf32>,
        %parallel_loop3A_382 = vector.shape_cast %parallel_loop3A_381 : vector<1x16xf32> to vector<16xf32>
        %parallel_loop3A_383 = vector.shape_cast %parallel_loop3A_378 : vector<16xf32> to vector<1x16xf32>
        tpu.vector_store %arg8[%parallel_loop3A_379, %parallel_loop3A_380], %parallel_loop3A_383 {add = true, strides = array<i32>} : memref<16x1024xf32, #tpu.memory_space<vmem>>, vector<1x16xf32>,
        %parallel_loop3A_384 = arith.index_cast %parallel_loop3A_212 : i32 to index
        %parallel_loop3A_385 = arith.constant 304 : index
        %parallel_loop3A_386 = tpu.vector_load %arg5[%parallel_loop3A_384, %parallel_loop3A_385] {strides = array<i32>} : memref<32x1024xf32, #tpu.memory_space<vmem>>, vector<1x16xf32>,
        %parallel_loop3A_387 = vector.shape_cast %parallel_loop3A_386 : vector<1x16xf32> to vector<16xf32>
        %parallel_loop3A_388 = arith.index_cast %parallel_loop3A_211 : i32 to index
        %parallel_loop3A_389 = arith.constant 304 : index
        %parallel_loop3A_390 = tpu.vector_load %arg8[%parallel_loop3A_388, %parallel_loop3A_389] {strides = array<i32>} : memref<16x1024xf32, #tpu.memory_space<vmem>>, vector<1x16xf32>,
        %parallel_loop3A_391 = vector.shape_cast %parallel_loop3A_390 : vector<1x16xf32> to vector<16xf32>
        %parallel_loop3A_392 = vector.shape_cast %parallel_loop3A_387 : vector<16xf32> to vector<1x16xf32>
        tpu.vector_store %arg8[%parallel_loop3A_388, %parallel_loop3A_389], %parallel_loop3A_392 {add = true, strides = array<i32>} : memref<16x1024xf32, #tpu.memory_space<vmem>>, vector<1x16xf32>,
        %parallel_loop3A_393 = arith.index_cast %parallel_loop3A_212 : i32 to index
        %parallel_loop3A_394 = arith.constant 320 : index
        %parallel_loop3A_395 = tpu.vector_load %arg5[%parallel_loop3A_393, %parallel_loop3A_394] {strides = array<i32>} : memref<32x1024xf32, #tpu.memory_space<vmem>>, vector<1x16xf32>,
        %parallel_loop3A_396 = vector.shape_cast %parallel_loop3A_395 : vector<1x16xf32> to vector<16xf32>
        %parallel_loop3A_397 = arith.index_cast %parallel_loop3A_211 : i32 to index
        %parallel_loop3A_398 = arith.constant 320 : index
        %parallel_loop3A_399 = tpu.vector_load %arg8[%parallel_loop3A_397, %parallel_loop3A_398] {strides = array<i32>} : memref<16x1024xf32, #tpu.memory_space<vmem>>, vector<1x16xf32>,
        %parallel_loop3A_400 = vector.shape_cast %parallel_loop3A_399 : vector<1x16xf32> to vector<16xf32>
        %parallel_loop3A_401 = vector.shape_cast %parallel_loop3A_396 : vector<16xf32> to vector<1x16xf32>
        tpu.vector_store %arg8[%parallel_loop3A_397, %parallel_loop3A_398], %parallel_loop3A_401 {add = true, strides = array<i32>} : memref<16x1024xf32, #tpu.memory_space<vmem>>, vector<1x16xf32>,
        %parallel_loop3A_402 = arith.index_cast %parallel_loop3A_212 : i32 to index
        %parallel_loop3A_403 = arith.constant 336 : index
        %parallel_loop3A_404 = tpu.vector_load %arg5[%parallel_loop3A_402, %parallel_loop3A_403] {strides = array<i32>} : memref<32x1024xf32, #tpu.memory_space<vmem>>, vector<1x16xf32>,
        %parallel_loop3A_405 = vector.shape_cast %parallel_loop3A_404 : vector<1x16xf32> to vector<16xf32>
        %parallel_loop3A_406 = arith.index_cast %parallel_loop3A_211 : i32 to index
        %parallel_loop3A_407 = arith.constant 336 : index
        %parallel_loop3A_408 = tpu.vector_load %arg8[%parallel_loop3A_406, %parallel_loop3A_407] {strides = array<i32>} : memref<16x1024xf32, #tpu.memory_space<vmem>>, vector<1x16xf32>,
        %parallel_loop3A_409 = vector.shape_cast %parallel_loop3A_408 : vector<1x16xf32> to vector<16xf32>
        %parallel_loop3A_410 = vector.shape_cast %parallel_loop3A_405 : vector<16xf32> to vector<1x16xf32>
        tpu.vector_store %arg8[%parallel_loop3A_406, %parallel_loop3A_407], %parallel_loop3A_410 {add = true, strides = array<i32>} : memref<16x1024xf32, #tpu.memory_space<vmem>>, vector<1x16xf32>,
        %parallel_loop3A_411 = arith.index_cast %parallel_loop3A_212 : i32 to index
        %parallel_loop3A_412 = arith.constant 352 : index
        %parallel_loop3A_413 = tpu.vector_load %arg5[%parallel_loop3A_411, %parallel_loop3A_412] {strides = array<i32>} : memref<32x1024xf32, #tpu.memory_space<vmem>>, vector<1x16xf32>,
        %parallel_loop3A_414 = vector.shape_cast %parallel_loop3A_413 : vector<1x16xf32> to vector<16xf32>
        %parallel_loop3A_415 = arith.index_cast %parallel_loop3A_211 : i32 to index
        %parallel_loop3A_416 = arith.constant 352 : index
        %parallel_loop3A_417 = tpu.vector_load %arg8[%parallel_loop3A_415, %parallel_loop3A_416] {strides = array<i32>} : memref<16x1024xf32, #tpu.memory_space<vmem>>, vector<1x16xf32>,
        %parallel_loop3A_418 = vector.shape_cast %parallel_loop3A_417 : vector<1x16xf32> to vector<16xf32>
        %parallel_loop3A_419 = vector.shape_cast %parallel_loop3A_414 : vector<16xf32> to vector<1x16xf32>
        tpu.vector_store %arg8[%parallel_loop3A_415, %parallel_loop3A_416], %parallel_loop3A_419 {add = true, strides = array<i32>} : memref<16x1024xf32, #tpu.memory_space<vmem>>, vector<1x16xf32>,
        %parallel_loop3A_420 = arith.index_cast %parallel_loop3A_212 : i32 to index
        %parallel_loop3A_421 = arith.constant 368 : index
        %parallel_loop3A_422 = tpu.vector_load %arg5[%parallel_loop3A_420, %parallel_loop3A_421] {strides = array<i32>} : memref<32x1024xf32, #tpu.memory_space<vmem>>, vector<1x16xf32>,
        %parallel_loop3A_423 = vector.shape_cast %parallel_loop3A_422 : vector<1x16xf32> to vector<16xf32>
        %parallel_loop3A_424 = arith.index_cast %parallel_loop3A_211 : i32 to index
        %parallel_loop3A_425 = arith.constant 368 : index
        %parallel_loop3A_426 = tpu.vector_load %arg8[%parallel_loop3A_424, %parallel_loop3A_425] {strides = array<i32>} : memref<16x1024xf32, #tpu.memory_space<vmem>>, vector<1x16xf32>,
        %parallel_loop3A_427 = vector.shape_cast %parallel_loop3A_426 : vector<1x16xf32> to vector<16xf32>
        %parallel_loop3A_428 = vector.shape_cast %parallel_loop3A_423 : vector<16xf32> to vector<1x16xf32>
        tpu.vector_store %arg8[%parallel_loop3A_424, %parallel_loop3A_425], %parallel_loop3A_428 {add = true, strides = array<i32>} : memref<16x1024xf32, #tpu.memory_space<vmem>>, vector<1x16xf32>,
        %parallel_loop3A_429 = arith.index_cast %parallel_loop3A_212 : i32 to index
        %parallel_loop3A_430 = arith.constant 384 : index
        %parallel_loop3A_431 = tpu.vector_load %arg5[%parallel_loop3A_429, %parallel_loop3A_430] {strides = array<i32>} : memref<32x1024xf32, #tpu.memory_space<vmem>>, vector<1x16xf32>,
        %parallel_loop3A_432 = vector.shape_cast %parallel_loop3A_431 : vector<1x16xf32> to vector<16xf32>
        %parallel_loop3A_433 = arith.index_cast %parallel_loop3A_211 : i32 to index
        %parallel_loop3A_434 = arith.constant 384 : index
        %parallel_loop3A_435 = tpu.vector_load %arg8[%parallel_loop3A_433, %parallel_loop3A_434] {strides = array<i32>} : memref<16x1024xf32, #tpu.memory_space<vmem>>, vector<1x16xf32>,
        %parallel_loop3A_436 = vector.shape_cast %parallel_loop3A_435 : vector<1x16xf32> to vector<16xf32>
        %parallel_loop3A_437 = vector.shape_cast %parallel_loop3A_432 : vector<16xf32> to vector<1x16xf32>
        tpu.vector_store %arg8[%parallel_loop3A_433, %parallel_loop3A_434], %parallel_loop3A_437 {add = true, strides = array<i32>} : memref<16x1024xf32, #tpu.memory_space<vmem>>, vector<1x16xf32>,
        %parallel_loop3A_438 = arith.index_cast %parallel_loop3A_212 : i32 to index
        %parallel_loop3A_439 = arith.constant 400 : index
        %parallel_loop3A_440 = tpu.vector_load %arg5[%parallel_loop3A_438, %parallel_loop3A_439] {strides = array<i32>} : memref<32x1024xf32, #tpu.memory_space<vmem>>, vector<1x16xf32>,
        %parallel_loop3A_441 = vector.shape_cast %parallel_loop3A_440 : vector<1x16xf32> to vector<16xf32>
        %parallel_loop3A_442 = arith.index_cast %parallel_loop3A_211 : i32 to index
        %parallel_loop3A_443 = arith.constant 400 : index
        %parallel_loop3A_444 = tpu.vector_load %arg8[%parallel_loop3A_442, %parallel_loop3A_443] {strides = array<i32>} : memref<16x1024xf32, #tpu.memory_space<vmem>>, vector<1x16xf32>,
        %parallel_loop3A_445 = vector.shape_cast %parallel_loop3A_444 : vector<1x16xf32> to vector<16xf32>
        %parallel_loop3A_446 = vector.shape_cast %parallel_loop3A_441 : vector<16xf32> to vector<1x16xf32>
        tpu.vector_store %arg8[%parallel_loop3A_442, %parallel_loop3A_443], %parallel_loop3A_446 {add = true, strides = array<i32>} : memref<16x1024xf32, #tpu.memory_space<vmem>>, vector<1x16xf32>,
        %parallel_loop3A_447 = arith.index_cast %parallel_loop3A_212 : i32 to index
        %parallel_loop3A_448 = arith.constant 416 : index
        %parallel_loop3A_449 = tpu.vector_load %arg5[%parallel_loop3A_447, %parallel_loop3A_448] {strides = array<i32>} : memref<32x1024xf32, #tpu.memory_space<vmem>>, vector<1x16xf32>,
        %parallel_loop3A_450 = vector.shape_cast %parallel_loop3A_449 : vector<1x16xf32> to vector<16xf32>
        %parallel_loop3A_451 = arith.index_cast %parallel_loop3A_211 : i32 to index
        %parallel_loop3A_452 = arith.constant 416 : index
        %parallel_loop3A_453 = tpu.vector_load %arg8[%parallel_loop3A_451, %parallel_loop3A_452] {strides = array<i32>} : memref<16x1024xf32, #tpu.memory_space<vmem>>, vector<1x16xf32>,
        %parallel_loop3A_454 = vector.shape_cast %parallel_loop3A_453 : vector<1x16xf32> to vector<16xf32>
        %parallel_loop3A_455 = vector.shape_cast %parallel_loop3A_450 : vector<16xf32> to vector<1x16xf32>
        tpu.vector_store %arg8[%parallel_loop3A_451, %parallel_loop3A_452], %parallel_loop3A_455 {add = true, strides = array<i32>} : memref<16x1024xf32, #tpu.memory_space<vmem>>, vector<1x16xf32>,
        %parallel_loop3A_456 = arith.index_cast %parallel_loop3A_212 : i32 to index
        %parallel_loop3A_457 = arith.constant 432 : index
        %parallel_loop3A_458 = tpu.vector_load %arg5[%parallel_loop3A_456, %parallel_loop3A_457] {strides = array<i32>} : memref<32x1024xf32, #tpu.memory_space<vmem>>, vector<1x16xf32>,
        %parallel_loop3A_459 = vector.shape_cast %parallel_loop3A_458 : vector<1x16xf32> to vector<16xf32>
        %parallel_loop3A_460 = arith.index_cast %parallel_loop3A_211 : i32 to index
        %parallel_loop3A_461 = arith.constant 432 : index
        %parallel_loop3A_462 = tpu.vector_load %arg8[%parallel_loop3A_460, %parallel_loop3A_461] {strides = array<i32>} : memref<16x1024xf32, #tpu.memory_space<vmem>>, vector<1x16xf32>,
        %parallel_loop3A_463 = vector.shape_cast %parallel_loop3A_462 : vector<1x16xf32> to vector<16xf32>
        %parallel_loop3A_464 = vector.shape_cast %parallel_loop3A_459 : vector<16xf32> to vector<1x16xf32>
        tpu.vector_store %arg8[%parallel_loop3A_460, %parallel_loop3A_461], %parallel_loop3A_464 {add = true, strides = array<i32>} : memref<16x1024xf32, #tpu.memory_space<vmem>>, vector<1x16xf32>,
        %parallel_loop3A_465 = arith.index_cast %parallel_loop3A_212 : i32 to index
        %parallel_loop3A_466 = arith.constant 448 : index
        %parallel_loop3A_467 = tpu.vector_load %arg5[%parallel_loop3A_465, %parallel_loop3A_466] {strides = array<i32>} : memref<32x1024xf32, #tpu.memory_space<vmem>>, vector<1x16xf32>,
        %parallel_loop3A_468 = vector.shape_cast %parallel_loop3A_467 : vector<1x16xf32> to vector<16xf32>
        %parallel_loop3A_469 = arith.index_cast %parallel_loop3A_211 : i32 to index
        %parallel_loop3A_470 = arith.constant 448 : index
        %parallel_loop3A_471 = tpu.vector_load %arg8[%parallel_loop3A_469, %parallel_loop3A_470] {strides = array<i32>} : memref<16x1024xf32, #tpu.memory_space<vmem>>, vector<1x16xf32>,
        %parallel_loop3A_472 = vector.shape_cast %parallel_loop3A_471 : vector<1x16xf32> to vector<16xf32>
        %parallel_loop3A_473 = vector.shape_cast %parallel_loop3A_468 : vector<16xf32> to vector<1x16xf32>
        tpu.vector_store %arg8[%parallel_loop3A_469, %parallel_loop3A_470], %parallel_loop3A_473 {add = true, strides = array<i32>} : memref<16x1024xf32, #tpu.memory_space<vmem>>, vector<1x16xf32>,
        %parallel_loop3A_474 = arith.index_cast %parallel_loop3A_212 : i32 to index
        %parallel_loop3A_475 = arith.constant 464 : index
        %parallel_loop3A_476 = tpu.vector_load %arg5[%parallel_loop3A_474, %parallel_loop3A_475] {strides = array<i32>} : memref<32x1024xf32, #tpu.memory_space<vmem>>, vector<1x16xf32>,
        %parallel_loop3A_477 = vector.shape_cast %parallel_loop3A_476 : vector<1x16xf32> to vector<16xf32>
        %parallel_loop3A_478 = arith.index_cast %parallel_loop3A_211 : i32 to index
        %parallel_loop3A_479 = arith.constant 464 : index
        %parallel_loop3A_480 = tpu.vector_load %arg8[%parallel_loop3A_478, %parallel_loop3A_479] {strides = array<i32>} : memref<16x1024xf32, #tpu.memory_space<vmem>>, vector<1x16xf32>,
        %parallel_loop3A_481 = vector.shape_cast %parallel_loop3A_480 : vector<1x16xf32> to vector<16xf32>
        %parallel_loop3A_482 = vector.shape_cast %parallel_loop3A_477 : vector<16xf32> to vector<1x16xf32>
        tpu.vector_store %arg8[%parallel_loop3A_478, %parallel_loop3A_479], %parallel_loop3A_482 {add = true, strides = array<i32>} : memref<16x1024xf32, #tpu.memory_space<vmem>>, vector<1x16xf32>,
        %parallel_loop3A_483 = arith.index_cast %parallel_loop3A_212 : i32 to index
        %parallel_loop3A_484 = arith.constant 480 : index
        %parallel_loop3A_485 = tpu.vector_load %arg5[%parallel_loop3A_483, %parallel_loop3A_484] {strides = array<i32>} : memref<32x1024xf32, #tpu.memory_space<vmem>>, vector<1x16xf32>,
        %parallel_loop3A_486 = vector.shape_cast %parallel_loop3A_485 : vector<1x16xf32> to vector<16xf32>
        %parallel_loop3A_487 = arith.index_cast %parallel_loop3A_211 : i32 to index
        %parallel_loop3A_488 = arith.constant 480 : index
        %parallel_loop3A_489 = tpu.vector_load %arg8[%parallel_loop3A_487, %parallel_loop3A_488] {strides = array<i32>} : memref<16x1024xf32, #tpu.memory_space<vmem>>, vector<1x16xf32>,
        %parallel_loop3A_490 = vector.shape_cast %parallel_loop3A_489 : vector<1x16xf32> to vector<16xf32>
        %parallel_loop3A_491 = vector.shape_cast %parallel_loop3A_486 : vector<16xf32> to vector<1x16xf32>
        tpu.vector_store %arg8[%parallel_loop3A_487, %parallel_loop3A_488], %parallel_loop3A_491 {add = true, strides = array<i32>} : memref<16x1024xf32, #tpu.memory_space<vmem>>, vector<1x16xf32>,
        %parallel_loop3A_492 = arith.index_cast %parallel_loop3A_212 : i32 to index
        %parallel_loop3A_493 = arith.constant 496 : index
        %parallel_loop3A_494 = tpu.vector_load %arg5[%parallel_loop3A_492, %parallel_loop3A_493] {strides = array<i32>} : memref<32x1024xf32, #tpu.memory_space<vmem>>, vector<1x16xf32>,
        %parallel_loop3A_495 = vector.shape_cast %parallel_loop3A_494 : vector<1x16xf32> to vector<16xf32>
        %parallel_loop3A_496 = arith.index_cast %parallel_loop3A_211 : i32 to index
        %parallel_loop3A_497 = arith.constant 496 : index
        %parallel_loop3A_498 = tpu.vector_load %arg8[%parallel_loop3A_496, %parallel_loop3A_497] {strides = array<i32>} : memref<16x1024xf32, #tpu.memory_space<vmem>>, vector<1x16xf32>,
        %parallel_loop3A_499 = vector.shape_cast %parallel_loop3A_498 : vector<1x16xf32> to vector<16xf32>
        %parallel_loop3A_500 = vector.shape_cast %parallel_loop3A_495 : vector<16xf32> to vector<1x16xf32>
        tpu.vector_store %arg8[%parallel_loop3A_496, %parallel_loop3A_497], %parallel_loop3A_500 {add = true, strides = array<i32>} : memref<16x1024xf32, #tpu.memory_space<vmem>>, vector<1x16xf32>,
        %parallel_loop3A_501 = arith.index_cast %parallel_loop3A_212 : i32 to index
        %parallel_loop3A_502 = arith.constant 512 : index
        %parallel_loop3A_503 = tpu.vector_load %arg5[%parallel_loop3A_501, %parallel_loop3A_502] {strides = array<i32>} : memref<32x1024xf32, #tpu.memory_space<vmem>>, vector<1x16xf32>,
        %parallel_loop3A_504 = vector.shape_cast %parallel_loop3A_503 : vector<1x16xf32> to vector<16xf32>
        %parallel_loop3A_505 = arith.index_cast %parallel_loop3A_211 : i32 to index
        %parallel_loop3A_506 = arith.constant 512 : index
        %parallel_loop3A_507 = tpu.vector_load %arg8[%parallel_loop3A_505, %parallel_loop3A_506] {strides = array<i32>} : memref<16x1024xf32, #tpu.memory_space<vmem>>, vector<1x16xf32>,
        %parallel_loop3A_508 = vector.shape_cast %parallel_loop3A_507 : vector<1x16xf32> to vector<16xf32>
        %parallel_loop3A_509 = vector.shape_cast %parallel_loop3A_504 : vector<16xf32> to vector<1x16xf32>
        tpu.vector_store %arg8[%parallel_loop3A_505, %parallel_loop3A_506], %parallel_loop3A_509 {add = true, strides = array<i32>} : memref<16x1024xf32, #tpu.memory_space<vmem>>, vector<1x16xf32>,
        %parallel_loop3A_510 = arith.index_cast %parallel_loop3A_212 : i32 to index
        %parallel_loop3A_511 = arith.constant 528 : index
        %parallel_loop3A_512 = tpu.vector_load %arg5[%parallel_loop3A_510, %parallel_loop3A_511] {strides = array<i32>} : memref<32x1024xf32, #tpu.memory_space<vmem>>, vector<1x16xf32>,
        %parallel_loop3A_513 = vector.shape_cast %parallel_loop3A_512 : vector<1x16xf32> to vector<16xf32>
        %parallel_loop3A_514 = arith.index_cast %parallel_loop3A_211 : i32 to index
        %parallel_loop3A_515 = arith.constant 528 : index
        %parallel_loop3A_516 = tpu.vector_load %arg8[%parallel_loop3A_514, %parallel_loop3A_515] {strides = array<i32>} : memref<16x1024xf32, #tpu.memory_space<vmem>>, vector<1x16xf32>,
        %parallel_loop3A_517 = vector.shape_cast %parallel_loop3A_516 : vector<1x16xf32> to vector<16xf32>
        %parallel_loop3A_518 = vector.shape_cast %parallel_loop3A_513 : vector<16xf32> to vector<1x16xf32>
        tpu.vector_store %arg8[%parallel_loop3A_514, %parallel_loop3A_515], %parallel_loop3A_518 {add = true, strides = array<i32>} : memref<16x1024xf32, #tpu.memory_space<vmem>>, vector<1x16xf32>,
        %parallel_loop3A_519 = arith.index_cast %parallel_loop3A_212 : i32 to index
        %parallel_loop3A_520 = arith.constant 544 : index
        %parallel_loop3A_521 = tpu.vector_load %arg5[%parallel_loop3A_519, %parallel_loop3A_520] {strides = array<i32>} : memref<32x1024xf32, #tpu.memory_space<vmem>>, vector<1x16xf32>,
        %parallel_loop3A_522 = vector.shape_cast %parallel_loop3A_521 : vector<1x16xf32> to vector<16xf32>
        %parallel_loop3A_523 = arith.index_cast %parallel_loop3A_211 : i32 to index
        %parallel_loop3A_524 = arith.constant 544 : index
        %parallel_loop3A_525 = tpu.vector_load %arg8[%parallel_loop3A_523, %parallel_loop3A_524] {strides = array<i32>} : memref<16x1024xf32, #tpu.memory_space<vmem>>, vector<1x16xf32>,
        %parallel_loop3A_526 = vector.shape_cast %parallel_loop3A_525 : vector<1x16xf32> to vector<16xf32>
        %parallel_loop3A_527 = vector.shape_cast %parallel_loop3A_522 : vector<16xf32> to vector<1x16xf32>
        tpu.vector_store %arg8[%parallel_loop3A_523, %parallel_loop3A_524], %parallel_loop3A_527 {add = true, strides = array<i32>} : memref<16x1024xf32, #tpu.memory_space<vmem>>, vector<1x16xf32>,
        %parallel_loop3A_528 = arith.index_cast %parallel_loop3A_212 : i32 to index
        %parallel_loop3A_529 = arith.constant 560 : index
        %parallel_loop3A_530 = tpu.vector_load %arg5[%parallel_loop3A_528, %parallel_loop3A_529] {strides = array<i32>} : memref<32x1024xf32, #tpu.memory_space<vmem>>, vector<1x16xf32>,
        %parallel_loop3A_531 = vector.shape_cast %parallel_loop3A_530 : vector<1x16xf32> to vector<16xf32>
        %parallel_loop3A_532 = arith.index_cast %parallel_loop3A_211 : i32 to index
        %parallel_loop3A_533 = arith.constant 560 : index
        %parallel_loop3A_534 = tpu.vector_load %arg8[%parallel_loop3A_532, %parallel_loop3A_533] {strides = array<i32>} : memref<16x1024xf32, #tpu.memory_space<vmem>>, vector<1x16xf32>,
        %parallel_loop3A_535 = vector.shape_cast %parallel_loop3A_534 : vector<1x16xf32> to vector<16xf32>
        %parallel_loop3A_536 = vector.shape_cast %parallel_loop3A_531 : vector<16xf32> to vector<1x16xf32>
        tpu.vector_store %arg8[%parallel_loop3A_532, %parallel_loop3A_533], %parallel_loop3A_536 {add = true, strides = array<i32>} : memref<16x1024xf32, #tpu.memory_space<vmem>>, vector<1x16xf32>,
        %parallel_loop3A_537 = arith.index_cast %parallel_loop3A_212 : i32 to index
        %parallel_loop3A_538 = arith.constant 576 : index
        %parallel_loop3A_539 = tpu.vector_load %arg5[%parallel_loop3A_537, %parallel_loop3A_538] {strides = array<i32>} : memref<32x1024xf32, #tpu.memory_space<vmem>>, vector<1x16xf32>,
        %parallel_loop3A_540 = vector.shape_cast %parallel_loop3A_539 : vector<1x16xf32> to vector<16xf32>
        %parallel_loop3A_541 = arith.index_cast %parallel_loop3A_211 : i32 to index
        %parallel_loop3A_542 = arith.constant 576 : index
        %parallel_loop3A_543 = tpu.vector_load %arg8[%parallel_loop3A_541, %parallel_loop3A_542] {strides = array<i32>} : memref<16x1024xf32, #tpu.memory_space<vmem>>, vector<1x16xf32>,
        %parallel_loop3A_544 = vector.shape_cast %parallel_loop3A_543 : vector<1x16xf32> to vector<16xf32>
        %parallel_loop3A_545 = vector.shape_cast %parallel_loop3A_540 : vector<16xf32> to vector<1x16xf32>
        tpu.vector_store %arg8[%parallel_loop3A_541, %parallel_loop3A_542], %parallel_loop3A_545 {add = true, strides = array<i32>} : memref<16x1024xf32, #tpu.memory_space<vmem>>, vector<1x16xf32>,
        %parallel_loop3A_546 = arith.index_cast %parallel_loop3A_212 : i32 to index
        %parallel_loop3A_547 = arith.constant 592 : index
        %parallel_loop3A_548 = tpu.vector_load %arg5[%parallel_loop3A_546, %parallel_loop3A_547] {strides = array<i32>} : memref<32x1024xf32, #tpu.memory_space<vmem>>, vector<1x16xf32>,
        %parallel_loop3A_549 = vector.shape_cast %parallel_loop3A_548 : vector<1x16xf32> to vector<16xf32>
        %parallel_loop3A_550 = arith.index_cast %parallel_loop3A_211 : i32 to index
        %parallel_loop3A_551 = arith.constant 592 : index
        %parallel_loop3A_552 = tpu.vector_load %arg8[%parallel_loop3A_550, %parallel_loop3A_551] {strides = array<i32>} : memref<16x1024xf32, #tpu.memory_space<vmem>>, vector<1x16xf32>,
        %parallel_loop3A_553 = vector.shape_cast %parallel_loop3A_552 : vector<1x16xf32> to vector<16xf32>
        %parallel_loop3A_554 = vector.shape_cast %parallel_loop3A_549 : vector<16xf32> to vector<1x16xf32>
        tpu.vector_store %arg8[%parallel_loop3A_550, %parallel_loop3A_551], %parallel_loop3A_554 {add = true, strides = array<i32>} : memref<16x1024xf32, #tpu.memory_space<vmem>>, vector<1x16xf32>,
        %parallel_loop3A_555 = arith.index_cast %parallel_loop3A_212 : i32 to index
        %parallel_loop3A_556 = arith.constant 608 : index
        %parallel_loop3A_557 = tpu.vector_load %arg5[%parallel_loop3A_555, %parallel_loop3A_556] {strides = array<i32>} : memref<32x1024xf32, #tpu.memory_space<vmem>>, vector<1x16xf32>,
        %parallel_loop3A_558 = vector.shape_cast %parallel_loop3A_557 : vector<1x16xf32> to vector<16xf32>
        %parallel_loop3A_559 = arith.index_cast %parallel_loop3A_211 : i32 to index
        %parallel_loop3A_560 = arith.constant 608 : index
        %parallel_loop3A_561 = tpu.vector_load %arg8[%parallel_loop3A_559, %parallel_loop3A_560] {strides = array<i32>} : memref<16x1024xf32, #tpu.memory_space<vmem>>, vector<1x16xf32>,
        %parallel_loop3A_562 = vector.shape_cast %parallel_loop3A_561 : vector<1x16xf32> to vector<16xf32>
        %parallel_loop3A_563 = vector.shape_cast %parallel_loop3A_558 : vector<16xf32> to vector<1x16xf32>
        tpu.vector_store %arg8[%parallel_loop3A_559, %parallel_loop3A_560], %parallel_loop3A_563 {add = true, strides = array<i32>} : memref<16x1024xf32, #tpu.memory_space<vmem>>, vector<1x16xf32>,
        %parallel_loop3A_564 = arith.index_cast %parallel_loop3A_212 : i32 to index
        %parallel_loop3A_565 = arith.constant 624 : index
        %parallel_loop3A_566 = tpu.vector_load %arg5[%parallel_loop3A_564, %parallel_loop3A_565] {strides = array<i32>} : memref<32x1024xf32, #tpu.memory_space<vmem>>, vector<1x16xf32>,
        %parallel_loop3A_567 = vector.shape_cast %parallel_loop3A_566 : vector<1x16xf32> to vector<16xf32>
        %parallel_loop3A_568 = arith.index_cast %parallel_loop3A_211 : i32 to index
        %parallel_loop3A_569 = arith.constant 624 : index
        %parallel_loop3A_570 = tpu.vector_load %arg8[%parallel_loop3A_568, %parallel_loop3A_569] {strides = array<i32>} : memref<16x1024xf32, #tpu.memory_space<vmem>>, vector<1x16xf32>,
        %parallel_loop3A_571 = vector.shape_cast %parallel_loop3A_570 : vector<1x16xf32> to vector<16xf32>
        %parallel_loop3A_572 = vector.shape_cast %parallel_loop3A_567 : vector<16xf32> to vector<1x16xf32>
        tpu.vector_store %arg8[%parallel_loop3A_568, %parallel_loop3A_569], %parallel_loop3A_572 {add = true, strides = array<i32>} : memref<16x1024xf32, #tpu.memory_space<vmem>>, vector<1x16xf32>,
        %parallel_loop3A_573 = arith.index_cast %parallel_loop3A_212 : i32 to index
        %parallel_loop3A_574 = arith.constant 640 : index
        %parallel_loop3A_575 = tpu.vector_load %arg5[%parallel_loop3A_573, %parallel_loop3A_574] {strides = array<i32>} : memref<32x1024xf32, #tpu.memory_space<vmem>>, vector<1x16xf32>,
        %parallel_loop3A_576 = vector.shape_cast %parallel_loop3A_575 : vector<1x16xf32> to vector<16xf32>
        %parallel_loop3A_577 = arith.index_cast %parallel_loop3A_211 : i32 to index
        %parallel_loop3A_578 = arith.constant 640 : index
        %parallel_loop3A_579 = tpu.vector_load %arg8[%parallel_loop3A_577, %parallel_loop3A_578] {strides = array<i32>} : memref<16x1024xf32, #tpu.memory_space<vmem>>, vector<1x16xf32>,
        %parallel_loop3A_580 = vector.shape_cast %parallel_loop3A_579 : vector<1x16xf32> to vector<16xf32>
        %parallel_loop3A_581 = vector.shape_cast %parallel_loop3A_576 : vector<16xf32> to vector<1x16xf32>
        tpu.vector_store %arg8[%parallel_loop3A_577, %parallel_loop3A_578], %parallel_loop3A_581 {add = true, strides = array<i32>} : memref<16x1024xf32, #tpu.memory_space<vmem>>, vector<1x16xf32>,
        %parallel_loop3A_582 = arith.index_cast %parallel_loop3A_212 : i32 to index
        %parallel_loop3A_583 = arith.constant 656 : index
        %parallel_loop3A_584 = tpu.vector_load %arg5[%parallel_loop3A_582, %parallel_loop3A_583] {strides = array<i32>} : memref<32x1024xf32, #tpu.memory_space<vmem>>, vector<1x16xf32>,
        %parallel_loop3A_585 = vector.shape_cast %parallel_loop3A_584 : vector<1x16xf32> to vector<16xf32>
        %parallel_loop3A_586 = arith.index_cast %parallel_loop3A_211 : i32 to index
        %parallel_loop3A_587 = arith.constant 656 : index
        %parallel_loop3A_588 = tpu.vector_load %arg8[%parallel_loop3A_586, %parallel_loop3A_587] {strides = array<i32>} : memref<16x1024xf32, #tpu.memory_space<vmem>>, vector<1x16xf32>,
        %parallel_loop3A_589 = vector.shape_cast %parallel_loop3A_588 : vector<1x16xf32> to vector<16xf32>
        %parallel_loop3A_590 = vector.shape_cast %parallel_loop3A_585 : vector<16xf32> to vector<1x16xf32>
        tpu.vector_store %arg8[%parallel_loop3A_586, %parallel_loop3A_587], %parallel_loop3A_590 {add = true, strides = array<i32>} : memref<16x1024xf32, #tpu.memory_space<vmem>>, vector<1x16xf32>,
        %parallel_loop3A_591 = arith.index_cast %parallel_loop3A_212 : i32 to index
        %parallel_loop3A_592 = arith.constant 672 : index
        %parallel_loop3A_593 = tpu.vector_load %arg5[%parallel_loop3A_591, %parallel_loop3A_592] {strides = array<i32>} : memref<32x1024xf32, #tpu.memory_space<vmem>>, vector<1x16xf32>,
        %parallel_loop3A_594 = vector.shape_cast %parallel_loop3A_593 : vector<1x16xf32> to vector<16xf32>
        %parallel_loop3A_595 = arith.index_cast %parallel_loop3A_211 : i32 to index
        %parallel_loop3A_596 = arith.constant 672 : index
        %parallel_loop3A_597 = tpu.vector_load %arg8[%parallel_loop3A_595, %parallel_loop3A_596] {strides = array<i32>} : memref<16x1024xf32, #tpu.memory_space<vmem>>, vector<1x16xf32>,
        %parallel_loop3A_598 = vector.shape_cast %parallel_loop3A_597 : vector<1x16xf32> to vector<16xf32>
        %parallel_loop3A_599 = vector.shape_cast %parallel_loop3A_594 : vector<16xf32> to vector<1x16xf32>
        tpu.vector_store %arg8[%parallel_loop3A_595, %parallel_loop3A_596], %parallel_loop3A_599 {add = true, strides = array<i32>} : memref<16x1024xf32, #tpu.memory_space<vmem>>, vector<1x16xf32>,
        %parallel_loop3A_600 = arith.index_cast %parallel_loop3A_212 : i32 to index
        %parallel_loop3A_601 = arith.constant 688 : index
        %parallel_loop3A_602 = tpu.vector_load %arg5[%parallel_loop3A_600, %parallel_loop3A_601] {strides = array<i32>} : memref<32x1024xf32, #tpu.memory_space<vmem>>, vector<1x16xf32>,
        %parallel_loop3A_603 = vector.shape_cast %parallel_loop3A_602 : vector<1x16xf32> to vector<16xf32>
        %parallel_loop3A_604 = arith.index_cast %parallel_loop3A_211 : i32 to index
        %parallel_loop3A_605 = arith.constant 688 : index
        %parallel_loop3A_606 = tpu.vector_load %arg8[%parallel_loop3A_604, %parallel_loop3A_605] {strides = array<i32>} : memref<16x1024xf32, #tpu.memory_space<vmem>>, vector<1x16xf32>,
        %parallel_loop3A_607 = vector.shape_cast %parallel_loop3A_606 : vector<1x16xf32> to vector<16xf32>
        %parallel_loop3A_608 = vector.shape_cast %parallel_loop3A_603 : vector<16xf32> to vector<1x16xf32>
        tpu.vector_store %arg8[%parallel_loop3A_604, %parallel_loop3A_605], %parallel_loop3A_608 {add = true, strides = array<i32>} : memref<16x1024xf32, #tpu.memory_space<vmem>>, vector<1x16xf32>,
        %parallel_loop3A_609 = arith.index_cast %parallel_loop3A_212 : i32 to index
        %parallel_loop3A_610 = arith.constant 704 : index
        %parallel_loop3A_611 = tpu.vector_load %arg5[%parallel_loop3A_609, %parallel_loop3A_610] {strides = array<i32>} : memref<32x1024xf32, #tpu.memory_space<vmem>>, vector<1x16xf32>,
        %parallel_loop3A_612 = vector.shape_cast %parallel_loop3A_611 : vector<1x16xf32> to vector<16xf32>
        %parallel_loop3A_613 = arith.index_cast %parallel_loop3A_211 : i32 to index
        %parallel_loop3A_614 = arith.constant 704 : index
        %parallel_loop3A_615 = tpu.vector_load %arg8[%parallel_loop3A_613, %parallel_loop3A_614] {strides = array<i32>} : memref<16x1024xf32, #tpu.memory_space<vmem>>, vector<1x16xf32>,
        %parallel_loop3A_616 = vector.shape_cast %parallel_loop3A_615 : vector<1x16xf32> to vector<16xf32>
        %parallel_loop3A_617 = vector.shape_cast %parallel_loop3A_612 : vector<16xf32> to vector<1x16xf32>
        tpu.vector_store %arg8[%parallel_loop3A_613, %parallel_loop3A_614], %parallel_loop3A_617 {add = true, strides = array<i32>} : memref<16x1024xf32, #tpu.memory_space<vmem>>, vector<1x16xf32>,
        %parallel_loop3A_618 = arith.index_cast %parallel_loop3A_212 : i32 to index
        %parallel_loop3A_619 = arith.constant 720 : index
        %parallel_loop3A_620 = tpu.vector_load %arg5[%parallel_loop3A_618, %parallel_loop3A_619] {strides = array<i32>} : memref<32x1024xf32, #tpu.memory_space<vmem>>, vector<1x16xf32>,
        %parallel_loop3A_621 = vector.shape_cast %parallel_loop3A_620 : vector<1x16xf32> to vector<16xf32>
        %parallel_loop3A_622 = arith.index_cast %parallel_loop3A_211 : i32 to index
        %parallel_loop3A_623 = arith.constant 720 : index
        %parallel_loop3A_624 = tpu.vector_load %arg8[%parallel_loop3A_622, %parallel_loop3A_623] {strides = array<i32>} : memref<16x1024xf32, #tpu.memory_space<vmem>>, vector<1x16xf32>,
        %parallel_loop3A_625 = vector.shape_cast %parallel_loop3A_624 : vector<1x16xf32> to vector<16xf32>
        %parallel_loop3A_626 = vector.shape_cast %parallel_loop3A_621 : vector<16xf32> to vector<1x16xf32>
        tpu.vector_store %arg8[%parallel_loop3A_622, %parallel_loop3A_623], %parallel_loop3A_626 {add = true, strides = array<i32>} : memref<16x1024xf32, #tpu.memory_space<vmem>>, vector<1x16xf32>,
        %parallel_loop3A_627 = arith.index_cast %parallel_loop3A_212 : i32 to index
        %parallel_loop3A_628 = arith.constant 736 : index
        %parallel_loop3A_629 = tpu.vector_load %arg5[%parallel_loop3A_627, %parallel_loop3A_628] {strides = array<i32>} : memref<32x1024xf32, #tpu.memory_space<vmem>>, vector<1x16xf32>,
        %parallel_loop3A_630 = vector.shape_cast %parallel_loop3A_629 : vector<1x16xf32> to vector<16xf32>
        %parallel_loop3A_631 = arith.index_cast %parallel_loop3A_211 : i32 to index
        %parallel_loop3A_632 = arith.constant 736 : index
        %parallel_loop3A_633 = tpu.vector_load %arg8[%parallel_loop3A_631, %parallel_loop3A_632] {strides = array<i32>} : memref<16x1024xf32, #tpu.memory_space<vmem>>, vector<1x16xf32>,
        %parallel_loop3A_634 = vector.shape_cast %parallel_loop3A_633 : vector<1x16xf32> to vector<16xf32>
        %parallel_loop3A_635 = vector.shape_cast %parallel_loop3A_630 : vector<16xf32> to vector<1x16xf32>
        tpu.vector_store %arg8[%parallel_loop3A_631, %parallel_loop3A_632], %parallel_loop3A_635 {add = true, strides = array<i32>} : memref<16x1024xf32, #tpu.memory_space<vmem>>, vector<1x16xf32>,
        %parallel_loop3A_636 = arith.index_cast %parallel_loop3A_212 : i32 to index
        %parallel_loop3A_637 = arith.constant 752 : index
        %parallel_loop3A_638 = tpu.vector_load %arg5[%parallel_loop3A_636, %parallel_loop3A_637] {strides = array<i32>} : memref<32x1024xf32, #tpu.memory_space<vmem>>, vector<1x16xf32>,
        %parallel_loop3A_639 = vector.shape_cast %parallel_loop3A_638 : vector<1x16xf32> to vector<16xf32>
        %parallel_loop3A_640 = arith.index_cast %parallel_loop3A_211 : i32 to index
        %parallel_loop3A_641 = arith.constant 752 : index
        %parallel_loop3A_642 = tpu.vector_load %arg8[%parallel_loop3A_640, %parallel_loop3A_641] {strides = array<i32>} : memref<16x1024xf32, #tpu.memory_space<vmem>>, vector<1x16xf32>,
        %parallel_loop3A_643 = vector.shape_cast %parallel_loop3A_642 : vector<1x16xf32> to vector<16xf32>
        %parallel_loop3A_644 = vector.shape_cast %parallel_loop3A_639 : vector<16xf32> to vector<1x16xf32>
        tpu.vector_store %arg8[%parallel_loop3A_640, %parallel_loop3A_641], %parallel_loop3A_644 {add = true, strides = array<i32>} : memref<16x1024xf32, #tpu.memory_space<vmem>>, vector<1x16xf32>,
        %parallel_loop3A_645 = arith.index_cast %parallel_loop3A_212 : i32 to index
        %parallel_loop3A_646 = arith.constant 768 : index
        %parallel_loop3A_647 = tpu.vector_load %arg5[%parallel_loop3A_645, %parallel_loop3A_646] {strides = array<i32>} : memref<32x1024xf32, #tpu.memory_space<vmem>>, vector<1x16xf32>,
        %parallel_loop3A_648 = vector.shape_cast %parallel_loop3A_647 : vector<1x16xf32> to vector<16xf32>
        %parallel_loop3A_649 = arith.index_cast %parallel_loop3A_211 : i32 to index
        %parallel_loop3A_650 = arith.constant 768 : index
        %parallel_loop3A_651 = tpu.vector_load %arg8[%parallel_loop3A_649, %parallel_loop3A_650] {strides = array<i32>} : memref<16x1024xf32, #tpu.memory_space<vmem>>, vector<1x16xf32>,
        %parallel_loop3A_652 = vector.shape_cast %parallel_loop3A_651 : vector<1x16xf32> to vector<16xf32>
        %parallel_loop3A_653 = vector.shape_cast %parallel_loop3A_648 : vector<16xf32> to vector<1x16xf32>
        tpu.vector_store %arg8[%parallel_loop3A_649, %parallel_loop3A_650], %parallel_loop3A_653 {add = true, strides = array<i32>} : memref<16x1024xf32, #tpu.memory_space<vmem>>, vector<1x16xf32>,
        %parallel_loop3A_654 = arith.index_cast %parallel_loop3A_212 : i32 to index
        %parallel_loop3A_655 = arith.constant 784 : index
        %parallel_loop3A_656 = tpu.vector_load %arg5[%parallel_loop3A_654, %parallel_loop3A_655] {strides = array<i32>} : memref<32x1024xf32, #tpu.memory_space<vmem>>, vector<1x16xf32>,
        %parallel_loop3A_657 = vector.shape_cast %parallel_loop3A_656 : vector<1x16xf32> to vector<16xf32>
        %parallel_loop3A_658 = arith.index_cast %parallel_loop3A_211 : i32 to index
        %parallel_loop3A_659 = arith.constant 784 : index
        %parallel_loop3A_660 = tpu.vector_load %arg8[%parallel_loop3A_658, %parallel_loop3A_659] {strides = array<i32>} : memref<16x1024xf32, #tpu.memory_space<vmem>>, vector<1x16xf32>,
        %parallel_loop3A_661 = vector.shape_cast %parallel_loop3A_660 : vector<1x16xf32> to vector<16xf32>
        %parallel_loop3A_662 = vector.shape_cast %parallel_loop3A_657 : vector<16xf32> to vector<1x16xf32>
        tpu.vector_store %arg8[%parallel_loop3A_658, %parallel_loop3A_659], %parallel_loop3A_662 {add = true, strides = array<i32>} : memref<16x1024xf32, #tpu.memory_space<vmem>>, vector<1x16xf32>,
        %parallel_loop3A_663 = arith.index_cast %parallel_loop3A_212 : i32 to index
        %parallel_loop3A_664 = arith.constant 800 : index
        %parallel_loop3A_665 = tpu.vector_load %arg5[%parallel_loop3A_663, %parallel_loop3A_664] {strides = array<i32>} : memref<32x1024xf32, #tpu.memory_space<vmem>>, vector<1x16xf32>,
        %parallel_loop3A_666 = vector.shape_cast %parallel_loop3A_665 : vector<1x16xf32> to vector<16xf32>
        %parallel_loop3A_667 = arith.index_cast %parallel_loop3A_211 : i32 to index
        %parallel_loop3A_668 = arith.constant 800 : index
        %parallel_loop3A_669 = tpu.vector_load %arg8[%parallel_loop3A_667, %parallel_loop3A_668] {strides = array<i32>} : memref<16x1024xf32, #tpu.memory_space<vmem>>, vector<1x16xf32>,
        %parallel_loop3A_670 = vector.shape_cast %parallel_loop3A_669 : vector<1x16xf32> to vector<16xf32>
        %parallel_loop3A_671 = vector.shape_cast %parallel_loop3A_666 : vector<16xf32> to vector<1x16xf32>
        tpu.vector_store %arg8[%parallel_loop3A_667, %parallel_loop3A_668], %parallel_loop3A_671 {add = true, strides = array<i32>} : memref<16x1024xf32, #tpu.memory_space<vmem>>, vector<1x16xf32>,
        %parallel_loop3A_672 = arith.index_cast %parallel_loop3A_212 : i32 to index
        %parallel_loop3A_673 = arith.constant 816 : index
        %parallel_loop3A_674 = tpu.vector_load %arg5[%parallel_loop3A_672, %parallel_loop3A_673] {strides = array<i32>} : memref<32x1024xf32, #tpu.memory_space<vmem>>, vector<1x16xf32>,
        %parallel_loop3A_675 = vector.shape_cast %parallel_loop3A_674 : vector<1x16xf32> to vector<16xf32>
        %parallel_loop3A_676 = arith.index_cast %parallel_loop3A_211 : i32 to index
        %parallel_loop3A_677 = arith.constant 816 : index
        %parallel_loop3A_678 = tpu.vector_load %arg8[%parallel_loop3A_676, %parallel_loop3A_677] {strides = array<i32>} : memref<16x1024xf32, #tpu.memory_space<vmem>>, vector<1x16xf32>,
        %parallel_loop3A_679 = vector.shape_cast %parallel_loop3A_678 : vector<1x16xf32> to vector<16xf32>
        %parallel_loop3A_680 = vector.shape_cast %parallel_loop3A_675 : vector<16xf32> to vector<1x16xf32>
        tpu.vector_store %arg8[%parallel_loop3A_676, %parallel_loop3A_677], %parallel_loop3A_680 {add = true, strides = array<i32>} : memref<16x1024xf32, #tpu.memory_space<vmem>>, vector<1x16xf32>,
        %parallel_loop3A_681 = arith.index_cast %parallel_loop3A_212 : i32 to index
        %parallel_loop3A_682 = arith.constant 832 : index
        %parallel_loop3A_683 = tpu.vector_load %arg5[%parallel_loop3A_681, %parallel_loop3A_682] {strides = array<i32>} : memref<32x1024xf32, #tpu.memory_space<vmem>>, vector<1x16xf32>,
        %parallel_loop3A_684 = vector.shape_cast %parallel_loop3A_683 : vector<1x16xf32> to vector<16xf32>
        %parallel_loop3A_685 = arith.index_cast %parallel_loop3A_211 : i32 to index
        %parallel_loop3A_686 = arith.constant 832 : index
        %parallel_loop3A_687 = tpu.vector_load %arg8[%parallel_loop3A_685, %parallel_loop3A_686] {strides = array<i32>} : memref<16x1024xf32, #tpu.memory_space<vmem>>, vector<1x16xf32>,
        %parallel_loop3A_688 = vector.shape_cast %parallel_loop3A_687 : vector<1x16xf32> to vector<16xf32>
        %parallel_loop3A_689 = vector.shape_cast %parallel_loop3A_684 : vector<16xf32> to vector<1x16xf32>
        tpu.vector_store %arg8[%parallel_loop3A_685, %parallel_loop3A_686], %parallel_loop3A_689 {add = true, strides = array<i32>} : memref<16x1024xf32, #tpu.memory_space<vmem>>, vector<1x16xf32>,
        %parallel_loop3A_690 = arith.index_cast %parallel_loop3A_212 : i32 to index
        %parallel_loop3A_691 = arith.constant 848 : index
        %parallel_loop3A_692 = tpu.vector_load %arg5[%parallel_loop3A_690, %parallel_loop3A_691] {strides = array<i32>} : memref<32x1024xf32, #tpu.memory_space<vmem>>, vector<1x16xf32>,
        %parallel_loop3A_693 = vector.shape_cast %parallel_loop3A_692 : vector<1x16xf32> to vector<16xf32>
        %parallel_loop3A_694 = arith.index_cast %parallel_loop3A_211 : i32 to index
        %parallel_loop3A_695 = arith.constant 848 : index
        %parallel_loop3A_696 = tpu.vector_load %arg8[%parallel_loop3A_694, %parallel_loop3A_695] {strides = array<i32>} : memref<16x1024xf32, #tpu.memory_space<vmem>>, vector<1x16xf32>,
        %parallel_loop3A_697 = vector.shape_cast %parallel_loop3A_696 : vector<1x16xf32> to vector<16xf32>
        %parallel_loop3A_698 = vector.shape_cast %parallel_loop3A_693 : vector<16xf32> to vector<1x16xf32>
        tpu.vector_store %arg8[%parallel_loop3A_694, %parallel_loop3A_695], %parallel_loop3A_698 {add = true, strides = array<i32>} : memref<16x1024xf32, #tpu.memory_space<vmem>>, vector<1x16xf32>,
        %parallel_loop3A_699 = arith.index_cast %parallel_loop3A_212 : i32 to index
        %parallel_loop3A_700 = arith.constant 864 : index
        %parallel_loop3A_701 = tpu.vector_load %arg5[%parallel_loop3A_699, %parallel_loop3A_700] {strides = array<i32>} : memref<32x1024xf32, #tpu.memory_space<vmem>>, vector<1x16xf32>,
        %parallel_loop3A_702 = vector.shape_cast %parallel_loop3A_701 : vector<1x16xf32> to vector<16xf32>
        %parallel_loop3A_703 = arith.index_cast %parallel_loop3A_211 : i32 to index
        %parallel_loop3A_704 = arith.constant 864 : index
        %parallel_loop3A_705 = tpu.vector_load %arg8[%parallel_loop3A_703, %parallel_loop3A_704] {strides = array<i32>} : memref<16x1024xf32, #tpu.memory_space<vmem>>, vector<1x16xf32>,
        %parallel_loop3A_706 = vector.shape_cast %parallel_loop3A_705 : vector<1x16xf32> to vector<16xf32>
        %parallel_loop3A_707 = vector.shape_cast %parallel_loop3A_702 : vector<16xf32> to vector<1x16xf32>
        tpu.vector_store %arg8[%parallel_loop3A_703, %parallel_loop3A_704], %parallel_loop3A_707 {add = true, strides = array<i32>} : memref<16x1024xf32, #tpu.memory_space<vmem>>, vector<1x16xf32>,
        %parallel_loop3A_708 = arith.index_cast %parallel_loop3A_212 : i32 to index
        %parallel_loop3A_709 = arith.constant 880 : index
        %parallel_loop3A_710 = tpu.vector_load %arg5[%parallel_loop3A_708, %parallel_loop3A_709] {strides = array<i32>} : memref<32x1024xf32, #tpu.memory_space<vmem>>, vector<1x16xf32>,
        %parallel_loop3A_711 = vector.shape_cast %parallel_loop3A_710 : vector<1x16xf32> to vector<16xf32>
        %parallel_loop3A_712 = arith.index_cast %parallel_loop3A_211 : i32 to index
        %parallel_loop3A_713 = arith.constant 880 : index
        %parallel_loop3A_714 = tpu.vector_load %arg8[%parallel_loop3A_712, %parallel_loop3A_713] {strides = array<i32>} : memref<16x1024xf32, #tpu.memory_space<vmem>>, vector<1x16xf32>,
        %parallel_loop3A_715 = vector.shape_cast %parallel_loop3A_714 : vector<1x16xf32> to vector<16xf32>
        %parallel_loop3A_716 = vector.shape_cast %parallel_loop3A_711 : vector<16xf32> to vector<1x16xf32>
        tpu.vector_store %arg8[%parallel_loop3A_712, %parallel_loop3A_713], %parallel_loop3A_716 {add = true, strides = array<i32>} : memref<16x1024xf32, #tpu.memory_space<vmem>>, vector<1x16xf32>,
        %parallel_loop3A_717 = arith.index_cast %parallel_loop3A_212 : i32 to index
        %parallel_loop3A_718 = arith.constant 896 : index
        %parallel_loop3A_719 = tpu.vector_load %arg5[%parallel_loop3A_717, %parallel_loop3A_718] {strides = array<i32>} : memref<32x1024xf32, #tpu.memory_space<vmem>>, vector<1x16xf32>,
        %parallel_loop3A_720 = vector.shape_cast %parallel_loop3A_719 : vector<1x16xf32> to vector<16xf32>
        %parallel_loop3A_721 = arith.index_cast %parallel_loop3A_211 : i32 to index
        %parallel_loop3A_722 = arith.constant 896 : index
        %parallel_loop3A_723 = tpu.vector_load %arg8[%parallel_loop3A_721, %parallel_loop3A_722] {strides = array<i32>} : memref<16x1024xf32, #tpu.memory_space<vmem>>, vector<1x16xf32>,
        %parallel_loop3A_724 = vector.shape_cast %parallel_loop3A_723 : vector<1x16xf32> to vector<16xf32>
        %parallel_loop3A_725 = vector.shape_cast %parallel_loop3A_720 : vector<16xf32> to vector<1x16xf32>
        tpu.vector_store %arg8[%parallel_loop3A_721, %parallel_loop3A_722], %parallel_loop3A_725 {add = true, strides = array<i32>} : memref<16x1024xf32, #tpu.memory_space<vmem>>, vector<1x16xf32>,
        %parallel_loop3A_726 = arith.index_cast %parallel_loop3A_212 : i32 to index
        %parallel_loop3A_727 = arith.constant 912 : index
        %parallel_loop3A_728 = tpu.vector_load %arg5[%parallel_loop3A_726, %parallel_loop3A_727] {strides = array<i32>} : memref<32x1024xf32, #tpu.memory_space<vmem>>, vector<1x16xf32>,
        %parallel_loop3A_729 = vector.shape_cast %parallel_loop3A_728 : vector<1x16xf32> to vector<16xf32>
        %parallel_loop3A_730 = arith.index_cast %parallel_loop3A_211 : i32 to index
        %parallel_loop3A_731 = arith.constant 912 : index
        %parallel_loop3A_732 = tpu.vector_load %arg8[%parallel_loop3A_730, %parallel_loop3A_731] {strides = array<i32>} : memref<16x1024xf32, #tpu.memory_space<vmem>>, vector<1x16xf32>,
        %parallel_loop3A_733 = vector.shape_cast %parallel_loop3A_732 : vector<1x16xf32> to vector<16xf32>
        %parallel_loop3A_734 = vector.shape_cast %parallel_loop3A_729 : vector<16xf32> to vector<1x16xf32>
        tpu.vector_store %arg8[%parallel_loop3A_730, %parallel_loop3A_731], %parallel_loop3A_734 {add = true, strides = array<i32>} : memref<16x1024xf32, #tpu.memory_space<vmem>>, vector<1x16xf32>,
        %parallel_loop3A_735 = arith.index_cast %parallel_loop3A_212 : i32 to index
        %parallel_loop3A_736 = arith.constant 928 : index
        %parallel_loop3A_737 = tpu.vector_load %arg5[%parallel_loop3A_735, %parallel_loop3A_736] {strides = array<i32>} : memref<32x1024xf32, #tpu.memory_space<vmem>>, vector<1x16xf32>,
        %parallel_loop3A_738 = vector.shape_cast %parallel_loop3A_737 : vector<1x16xf32> to vector<16xf32>
        %parallel_loop3A_739 = arith.index_cast %parallel_loop3A_211 : i32 to index
        %parallel_loop3A_740 = arith.constant 928 : index
        %parallel_loop3A_741 = tpu.vector_load %arg8[%parallel_loop3A_739, %parallel_loop3A_740] {strides = array<i32>} : memref<16x1024xf32, #tpu.memory_space<vmem>>, vector<1x16xf32>,
        %parallel_loop3A_742 = vector.shape_cast %parallel_loop3A_741 : vector<1x16xf32> to vector<16xf32>
        %parallel_loop3A_743 = vector.shape_cast %parallel_loop3A_738 : vector<16xf32> to vector<1x16xf32>
        tpu.vector_store %arg8[%parallel_loop3A_739, %parallel_loop3A_740], %parallel_loop3A_743 {add = true, strides = array<i32>} : memref<16x1024xf32, #tpu.memory_space<vmem>>, vector<1x16xf32>,
        %parallel_loop3A_744 = arith.index_cast %parallel_loop3A_212 : i32 to index
        %parallel_loop3A_745 = arith.constant 944 : index
        %parallel_loop3A_746 = tpu.vector_load %arg5[%parallel_loop3A_744, %parallel_loop3A_745] {strides = array<i32>} : memref<32x1024xf32, #tpu.memory_space<vmem>>, vector<1x16xf32>,
        %parallel_loop3A_747 = vector.shape_cast %parallel_loop3A_746 : vector<1x16xf32> to vector<16xf32>
        %parallel_loop3A_748 = arith.index_cast %parallel_loop3A_211 : i32 to index
        %parallel_loop3A_749 = arith.constant 944 : index
        %parallel_loop3A_750 = tpu.vector_load %arg8[%parallel_loop3A_748, %parallel_loop3A_749] {strides = array<i32>} : memref<16x1024xf32, #tpu.memory_space<vmem>>, vector<1x16xf32>,
        %parallel_loop3A_751 = vector.shape_cast %parallel_loop3A_750 : vector<1x16xf32> to vector<16xf32>
        %parallel_loop3A_752 = vector.shape_cast %parallel_loop3A_747 : vector<16xf32> to vector<1x16xf32>
        tpu.vector_store %arg8[%parallel_loop3A_748, %parallel_loop3A_749], %parallel_loop3A_752 {add = true, strides = array<i32>} : memref<16x1024xf32, #tpu.memory_space<vmem>>, vector<1x16xf32>,
        %parallel_loop3A_753 = arith.index_cast %parallel_loop3A_212 : i32 to index
        %parallel_loop3A_754 = arith.constant 960 : index
        %parallel_loop3A_755 = tpu.vector_load %arg5[%parallel_loop3A_753, %parallel_loop3A_754] {strides = array<i32>} : memref<32x1024xf32, #tpu.memory_space<vmem>>, vector<1x16xf32>,
        %parallel_loop3A_756 = vector.shape_cast %parallel_loop3A_755 : vector<1x16xf32> to vector<16xf32>
        %parallel_loop3A_757 = arith.index_cast %parallel_loop3A_211 : i32 to index
        %parallel_loop3A_758 = arith.constant 960 : index
        %parallel_loop3A_759 = tpu.vector_load %arg8[%parallel_loop3A_757, %parallel_loop3A_758] {strides = array<i32>} : memref<16x1024xf32, #tpu.memory_space<vmem>>, vector<1x16xf32>,
        %parallel_loop3A_760 = vector.shape_cast %parallel_loop3A_759 : vector<1x16xf32> to vector<16xf32>
        %parallel_loop3A_761 = vector.shape_cast %parallel_loop3A_756 : vector<16xf32> to vector<1x16xf32>
        tpu.vector_store %arg8[%parallel_loop3A_757, %parallel_loop3A_758], %parallel_loop3A_761 {add = true, strides = array<i32>} : memref<16x1024xf32, #tpu.memory_space<vmem>>, vector<1x16xf32>,
        %parallel_loop3A_762 = arith.index_cast %parallel_loop3A_212 : i32 to index
        %parallel_loop3A_763 = arith.constant 976 : index
        %parallel_loop3A_764 = tpu.vector_load %arg5[%parallel_loop3A_762, %parallel_loop3A_763] {strides = array<i32>} : memref<32x1024xf32, #tpu.memory_space<vmem>>, vector<1x16xf32>,
        %parallel_loop3A_765 = vector.shape_cast %parallel_loop3A_764 : vector<1x16xf32> to vector<16xf32>
        %parallel_loop3A_766 = arith.index_cast %parallel_loop3A_211 : i32 to index
        %parallel_loop3A_767 = arith.constant 976 : index
        %parallel_loop3A_768 = tpu.vector_load %arg8[%parallel_loop3A_766, %parallel_loop3A_767] {strides = array<i32>} : memref<16x1024xf32, #tpu.memory_space<vmem>>, vector<1x16xf32>,
        %parallel_loop3A_769 = vector.shape_cast %parallel_loop3A_768 : vector<1x16xf32> to vector<16xf32>
        %parallel_loop3A_770 = vector.shape_cast %parallel_loop3A_765 : vector<16xf32> to vector<1x16xf32>
        tpu.vector_store %arg8[%parallel_loop3A_766, %parallel_loop3A_767], %parallel_loop3A_770 {add = true, strides = array<i32>} : memref<16x1024xf32, #tpu.memory_space<vmem>>, vector<1x16xf32>,
        %parallel_loop3A_771 = arith.index_cast %parallel_loop3A_212 : i32 to index
        %parallel_loop3A_772 = arith.constant 992 : index
        %parallel_loop3A_773 = tpu.vector_load %arg5[%parallel_loop3A_771, %parallel_loop3A_772] {strides = array<i32>} : memref<32x1024xf32, #tpu.memory_space<vmem>>, vector<1x16xf32>,
        %parallel_loop3A_774 = vector.shape_cast %parallel_loop3A_773 : vector<1x16xf32> to vector<16xf32>
        %parallel_loop3A_775 = arith.index_cast %parallel_loop3A_211 : i32 to index
        %parallel_loop3A_776 = arith.constant 992 : index
        %parallel_loop3A_777 = tpu.vector_load %arg8[%parallel_loop3A_775, %parallel_loop3A_776] {strides = array<i32>} : memref<16x1024xf32, #tpu.memory_space<vmem>>, vector<1x16xf32>,
        %parallel_loop3A_778 = vector.shape_cast %parallel_loop3A_777 : vector<1x16xf32> to vector<16xf32>
        %parallel_loop3A_779 = vector.shape_cast %parallel_loop3A_774 : vector<16xf32> to vector<1x16xf32>
        tpu.vector_store %arg8[%parallel_loop3A_775, %parallel_loop3A_776], %parallel_loop3A_779 {add = true, strides = array<i32>} : memref<16x1024xf32, #tpu.memory_space<vmem>>, vector<1x16xf32>,
        %parallel_loop3A_780 = arith.index_cast %parallel_loop3A_212 : i32 to index
        %parallel_loop3A_781 = arith.constant 1008 : index
        %parallel_loop3A_782 = tpu.vector_load %arg5[%parallel_loop3A_780, %parallel_loop3A_781] {strides = array<i32>} : memref<32x1024xf32, #tpu.memory_space<vmem>>, vector<1x16xf32>,
        %parallel_loop3A_783 = vector.shape_cast %parallel_loop3A_782 : vector<1x16xf32> to vector<16xf32>
        %parallel_loop3A_784 = arith.index_cast %parallel_loop3A_211 : i32 to index
        %parallel_loop3A_785 = arith.constant 1008 : index
        %parallel_loop3A_786 = tpu.vector_load %arg8[%parallel_loop3A_784, %parallel_loop3A_785] {strides = array<i32>} : memref<16x1024xf32, #tpu.memory_space<vmem>>, vector<1x16xf32>,
        %parallel_loop3A_787 = vector.shape_cast %parallel_loop3A_786 : vector<1x16xf32> to vector<16xf32>
        %parallel_loop3A_788 = vector.shape_cast %parallel_loop3A_783 : vector<16xf32> to vector<1x16xf32>
        tpu.vector_store %arg8[%parallel_loop3A_784, %parallel_loop3A_785], %parallel_loop3A_788 {add = true, strides = array<i32>} : memref<16x1024xf32, #tpu.memory_space<vmem>>, vector<1x16xf32>,
      } {sc.loop_unroll_factor = 4 : i64, sc.parallel_access}
      %dma_start3A_173 = arith.constant 2 : i32
      %dma_start3A_174 = arith.constant 0 : i32
      %dma_start3A_175 = tpu.memref_slice %arg4[%dma_start3A_173, %add3A_74, %dma_start3A_174] : memref<4x8192x1024xf32, #tpu.memory_space<hbm>> -> memref<1x16x1024xf32, #tpu.memory_space<hbm>>
      %dma_start3A_176 = tpu.memref_squeeze %dma_start3A_175 : memref<1x16x1024xf32, #tpu.memory_space<hbm>> -> memref<16x1024xf32, #tpu.memory_space<hbm>>
      %dma_start3A_177 = arith.constant 0 : i32
      %dma_start3A_178 = tpu.memref_slice %arg4[%dma_start3A_173, %add3A_74, %dma_start3A_177] : memref<4x8192x1024xf32, #tpu.memory_space<hbm>> -> memref<1x16x1024xf32, #tpu.memory_space<hbm>>
      %dma_start3A_179 = tpu.memref_squeeze %dma_start3A_178 : memref<1x16x1024xf32, #tpu.memory_space<hbm>> -> memref<16x1024xf32, #tpu.memory_space<hbm>>
      tpu.enqueue_dma source(%arg8 : memref<16x1024xf32, #tpu.memory_space<vmem>>) target(%dma_start3A_179 : memref<16x1024xf32, #tpu.memory_space<hbm>>) target_semaphore(%arg17 : memref<!tpu.dma_semaphore, #tpu.memory_space<semaphore_mem>>)
      %mul3A_180 = arith.constant 4 : i32
      %mul3A_181 = arith.muli %scan3A_67, %mul3A_180 : i32
      %add3A_182 = arith.constant 3 : i32
      %add3A_183 = arith.addi %mul3A_181, %add3A_182 : i32
      %dma_wait3A_184 = arith.constant 0 : i32
      %dma_wait3A_185 = arith.constant 0 : i32
      %dma_wait3A_186 = arith.constant 0 : i32
      %dma_wait3A_187 = tpu.memref_slice %arg2[%dma_wait3A_184, %dma_wait3A_185, %dma_wait3A_186] : memref<4x8192x1024xf32, #tpu.memory_space<hbm>> -> memref<1x16x1024xf32, #tpu.memory_space<hbm>>
      %dma_wait3A_188 = tpu.memref_squeeze %dma_wait3A_187 : memref<1x16x1024xf32, #tpu.memory_space<hbm>> -> memref<16x1024xf32, #tpu.memory_space<hbm>>
      %dma_wait3A_189 = arith.constant 0 : i32
      %dma_wait3A_190 = arith.constant 0 : i32
      %dma_wait3A_191 = tpu.memref_slice %arg2[%dma_wait3A_184, %dma_wait3A_189, %dma_wait3A_190] : memref<4x8192x1024xf32, #tpu.memory_space<hbm>> -> memref<1x16x1024xf32, #tpu.memory_space<hbm>>
      %dma_wait3A_192 = tpu.memref_squeeze %dma_wait3A_191 : memref<1x16x1024xf32, #tpu.memory_space<hbm>> -> memref<16x1024xf32, #tpu.memory_space<hbm>>
      tpu.wait_dma2 semaphore(%arg14 : memref<!tpu.dma_semaphore, #tpu.memory_space<semaphore_mem>>) src(%dma_wait3A_192 : memref<16x1024xf32, #tpu.memory_space<hbm>>) dst(%arg9 : memref<16x1024xf32, #tpu.memory_space<vmem>>)
      %add3A_193 = arith.constant 2 : i32
      %add3A_194 = arith.addi %add3A_183, %add3A_193 : i32
      %lt3A_195 = arith.constant 64 : i32
      %lt3A_196 = arith.cmpi slt, %add3A_194, %lt3A_195 : i32
      %convert_element_type3A_197 = arith.extui %lt3A_196 : i1 to i32
      %cond3A_198 = arith.constant 0 : i32
      %cond3A_199 = arith.cmpi ne, %convert_element_type3A_197, %cond3A_198 : i32
      scf.if %cond3A_199 {
        %add3A_211 = arith.constant 2 : i32
        %add3A_212 = arith.addi %add3A_183, %add3A_211 : i32
        %and3A_213 = arith.constant 3 : i32
        %and3A_214 = arith.andi %add3A_212, %and3A_213 : i32
        %shift_right_arithmetic3A = arith.constant 2 : i32
        %shift_right_arithmetic3A_215 = arith.shrsi %add3A_212, %shift_right_arithmetic3A : i32
        %mul3A_216 = arith.constant 16 : i32
        %mul3A_217 = arith.muli %shift_right_arithmetic3A_215, %mul3A_216 : i32
        %add3A_218 = arith.addi %mul3A_2, %mul3A_217 : i32
        %ge3A = arith.constant 2 : i32
        %ge3A_219 = arith.cmpi sge, %add3A_183, %ge3A : i32
        %convert_element_type3A_220 = arith.extui %ge3A_219 : i1 to i32
        %cond3A_221 = arith.constant 0 : i32
        %cond3A_222 = arith.cmpi ne, %convert_element_type3A_220, %cond3A_221 : i32
        scf.if %cond3A_222 {
          %dma_wait3A_229 = arith.constant 0 : i32
          %dma_wait3A_230 = arith.constant 0 : i32
          %dma_wait3A_231 = arith.constant 0 : i32
          %dma_wait3A_232 = tpu.memref_slice %arg4[%dma_wait3A_229, %dma_wait3A_230, %dma_wait3A_231] : memref<4x8192x1024xf32, #tpu.memory_space<hbm>> -> memref<1x16x1024xf32, #tpu.memory_space<hbm>>
          %dma_wait3A_233 = tpu.memref_squeeze %dma_wait3A_232 : memref<1x16x1024xf32, #tpu.memory_space<hbm>> -> memref<16x1024xf32, #tpu.memory_space<hbm>>
          %dma_wait3A_234 = arith.constant 0 : i32
          %dma_wait3A_235 = arith.constant 0 : i32
          %dma_wait3A_236 = tpu.memref_slice %arg4[%dma_wait3A_229, %dma_wait3A_234, %dma_wait3A_235] : memref<4x8192x1024xf32, #tpu.memory_space<hbm>> -> memref<1x16x1024xf32, #tpu.memory_space<hbm>>
          %dma_wait3A_237 = tpu.memref_squeeze %dma_wait3A_236 : memref<1x16x1024xf32, #tpu.memory_space<hbm>> -> memref<16x1024xf32, #tpu.memory_space<hbm>>
          tpu.wait_dma2 semaphore(%arg16 : memref<!tpu.dma_semaphore, #tpu.memory_space<semaphore_mem>>) src(%arg7 : memref<16x1024xf32, #tpu.memory_space<vmem>>) dst(%dma_wait3A_237 : memref<16x1024xf32, #tpu.memory_space<hbm>>)
        } else {
        }
        %dma_start3A_223 = arith.constant 0 : i32
        %dma_start3A_224 = tpu.memref_slice %arg2[%and3A_214, %add3A_218, %dma_start3A_223] : memref<4x8192x1024xf32, #tpu.memory_space<hbm>> -> memref<1x16x1024xf32, #tpu.memory_space<hbm>>
        %dma_start3A_225 = tpu.memref_squeeze %dma_start3A_224 : memref<1x16x1024xf32, #tpu.memory_space<hbm>> -> memref<16x1024xf32, #tpu.memory_space<hbm>>
        %dma_start3A_226 = arith.constant 0 : i32
        %dma_start3A_227 = tpu.memref_slice %arg2[%and3A_214, %add3A_218, %dma_start3A_226] : memref<4x8192x1024xf32, #tpu.memory_space<hbm>> -> memref<1x16x1024xf32, #tpu.memory_space<hbm>>
        %dma_start3A_228 = tpu.memref_squeeze %dma_start3A_227 : memref<1x16x1024xf32, #tpu.memory_space<hbm>> -> memref<16x1024xf32, #tpu.memory_space<hbm>>
        tpu.enqueue_dma source(%dma_start3A_228 : memref<16x1024xf32, #tpu.memory_space<hbm>>) target(%arg7 : memref<16x1024xf32, #tpu.memory_space<vmem>>) target_semaphore(%arg12 : memref<!tpu.dma_semaphore, #tpu.memory_space<semaphore_mem>>)
      } else {
      }
      %parallel_loop3A_200 = arith.constant 0 : i32
      %parallel_loop3A_201 = arith.constant 16 : i32
      %parallel_loop3A_202 = arith.constant 1 : i32
      scf.for %parallel_loop3A_211 = %parallel_loop3A_200 to %parallel_loop3A_201 step %parallel_loop3A_202  : i32 {
        %parallel_loop3A_212 = arith.addi %mul3A_71, %parallel_loop3A_211 : i32
        %parallel_loop3A_213 = arith.index_cast %parallel_loop3A_212 : i32 to index
        %parallel_loop3A_214 = arith.constant 0 : index
        %parallel_loop3A_215 = tpu.vector_load %arg5[%parallel_loop3A_213, %parallel_loop3A_214] {strides = array<i32>} : memref<32x1024xf32, #tpu.memory_space<vmem>>, vector<1x16xf32>,
        %parallel_loop3A_216 = vector.shape_cast %parallel_loop3A_215 : vector<1x16xf32> to vector<16xf32>
        %parallel_loop3A_217 = arith.index_cast %parallel_loop3A_211 : i32 to index
        %parallel_loop3A_218 = arith.constant 0 : index
        %parallel_loop3A_219 = tpu.vector_load %arg9[%parallel_loop3A_217, %parallel_loop3A_218] {strides = array<i32>} : memref<16x1024xf32, #tpu.memory_space<vmem>>, vector<1x16xf32>,
        %parallel_loop3A_220 = vector.shape_cast %parallel_loop3A_219 : vector<1x16xf32> to vector<16xf32>
        %parallel_loop3A_221 = vector.shape_cast %parallel_loop3A_216 : vector<16xf32> to vector<1x16xf32>
        tpu.vector_store %arg9[%parallel_loop3A_217, %parallel_loop3A_218], %parallel_loop3A_221 {add = true, strides = array<i32>} : memref<16x1024xf32, #tpu.memory_space<vmem>>, vector<1x16xf32>,
        %parallel_loop3A_222 = arith.index_cast %parallel_loop3A_212 : i32 to index
        %parallel_loop3A_223 = arith.constant 16 : index
        %parallel_loop3A_224 = tpu.vector_load %arg5[%parallel_loop3A_222, %parallel_loop3A_223] {strides = array<i32>} : memref<32x1024xf32, #tpu.memory_space<vmem>>, vector<1x16xf32>,
        %parallel_loop3A_225 = vector.shape_cast %parallel_loop3A_224 : vector<1x16xf32> to vector<16xf32>
        %parallel_loop3A_226 = arith.index_cast %parallel_loop3A_211 : i32 to index
        %parallel_loop3A_227 = arith.constant 16 : index
        %parallel_loop3A_228 = tpu.vector_load %arg9[%parallel_loop3A_226, %parallel_loop3A_227] {strides = array<i32>} : memref<16x1024xf32, #tpu.memory_space<vmem>>, vector<1x16xf32>,
        %parallel_loop3A_229 = vector.shape_cast %parallel_loop3A_228 : vector<1x16xf32> to vector<16xf32>
        %parallel_loop3A_230 = vector.shape_cast %parallel_loop3A_225 : vector<16xf32> to vector<1x16xf32>
        tpu.vector_store %arg9[%parallel_loop3A_226, %parallel_loop3A_227], %parallel_loop3A_230 {add = true, strides = array<i32>} : memref<16x1024xf32, #tpu.memory_space<vmem>>, vector<1x16xf32>,
        %parallel_loop3A_231 = arith.index_cast %parallel_loop3A_212 : i32 to index
        %parallel_loop3A_232 = arith.constant 32 : index
        %parallel_loop3A_233 = tpu.vector_load %arg5[%parallel_loop3A_231, %parallel_loop3A_232] {strides = array<i32>} : memref<32x1024xf32, #tpu.memory_space<vmem>>, vector<1x16xf32>,
        %parallel_loop3A_234 = vector.shape_cast %parallel_loop3A_233 : vector<1x16xf32> to vector<16xf32>
        %parallel_loop3A_235 = arith.index_cast %parallel_loop3A_211 : i32 to index
        %parallel_loop3A_236 = arith.constant 32 : index
        %parallel_loop3A_237 = tpu.vector_load %arg9[%parallel_loop3A_235, %parallel_loop3A_236] {strides = array<i32>} : memref<16x1024xf32, #tpu.memory_space<vmem>>, vector<1x16xf32>,
        %parallel_loop3A_238 = vector.shape_cast %parallel_loop3A_237 : vector<1x16xf32> to vector<16xf32>
        %parallel_loop3A_239 = vector.shape_cast %parallel_loop3A_234 : vector<16xf32> to vector<1x16xf32>
        tpu.vector_store %arg9[%parallel_loop3A_235, %parallel_loop3A_236], %parallel_loop3A_239 {add = true, strides = array<i32>} : memref<16x1024xf32, #tpu.memory_space<vmem>>, vector<1x16xf32>,
        %parallel_loop3A_240 = arith.index_cast %parallel_loop3A_212 : i32 to index
        %parallel_loop3A_241 = arith.constant 48 : index
        %parallel_loop3A_242 = tpu.vector_load %arg5[%parallel_loop3A_240, %parallel_loop3A_241] {strides = array<i32>} : memref<32x1024xf32, #tpu.memory_space<vmem>>, vector<1x16xf32>,
        %parallel_loop3A_243 = vector.shape_cast %parallel_loop3A_242 : vector<1x16xf32> to vector<16xf32>
        %parallel_loop3A_244 = arith.index_cast %parallel_loop3A_211 : i32 to index
        %parallel_loop3A_245 = arith.constant 48 : index
        %parallel_loop3A_246 = tpu.vector_load %arg9[%parallel_loop3A_244, %parallel_loop3A_245] {strides = array<i32>} : memref<16x1024xf32, #tpu.memory_space<vmem>>, vector<1x16xf32>,
        %parallel_loop3A_247 = vector.shape_cast %parallel_loop3A_246 : vector<1x16xf32> to vector<16xf32>
        %parallel_loop3A_248 = vector.shape_cast %parallel_loop3A_243 : vector<16xf32> to vector<1x16xf32>
        tpu.vector_store %arg9[%parallel_loop3A_244, %parallel_loop3A_245], %parallel_loop3A_248 {add = true, strides = array<i32>} : memref<16x1024xf32, #tpu.memory_space<vmem>>, vector<1x16xf32>,
        %parallel_loop3A_249 = arith.index_cast %parallel_loop3A_212 : i32 to index
        %parallel_loop3A_250 = arith.constant 64 : index
        %parallel_loop3A_251 = tpu.vector_load %arg5[%parallel_loop3A_249, %parallel_loop3A_250] {strides = array<i32>} : memref<32x1024xf32, #tpu.memory_space<vmem>>, vector<1x16xf32>,
        %parallel_loop3A_252 = vector.shape_cast %parallel_loop3A_251 : vector<1x16xf32> to vector<16xf32>
        %parallel_loop3A_253 = arith.index_cast %parallel_loop3A_211 : i32 to index
        %parallel_loop3A_254 = arith.constant 64 : index
        %parallel_loop3A_255 = tpu.vector_load %arg9[%parallel_loop3A_253, %parallel_loop3A_254] {strides = array<i32>} : memref<16x1024xf32, #tpu.memory_space<vmem>>, vector<1x16xf32>,
        %parallel_loop3A_256 = vector.shape_cast %parallel_loop3A_255 : vector<1x16xf32> to vector<16xf32>
        %parallel_loop3A_257 = vector.shape_cast %parallel_loop3A_252 : vector<16xf32> to vector<1x16xf32>
        tpu.vector_store %arg9[%parallel_loop3A_253, %parallel_loop3A_254], %parallel_loop3A_257 {add = true, strides = array<i32>} : memref<16x1024xf32, #tpu.memory_space<vmem>>, vector<1x16xf32>,
        %parallel_loop3A_258 = arith.index_cast %parallel_loop3A_212 : i32 to index
        %parallel_loop3A_259 = arith.constant 80 : index
        %parallel_loop3A_260 = tpu.vector_load %arg5[%parallel_loop3A_258, %parallel_loop3A_259] {strides = array<i32>} : memref<32x1024xf32, #tpu.memory_space<vmem>>, vector<1x16xf32>,
        %parallel_loop3A_261 = vector.shape_cast %parallel_loop3A_260 : vector<1x16xf32> to vector<16xf32>
        %parallel_loop3A_262 = arith.index_cast %parallel_loop3A_211 : i32 to index
        %parallel_loop3A_263 = arith.constant 80 : index
        %parallel_loop3A_264 = tpu.vector_load %arg9[%parallel_loop3A_262, %parallel_loop3A_263] {strides = array<i32>} : memref<16x1024xf32, #tpu.memory_space<vmem>>, vector<1x16xf32>,
        %parallel_loop3A_265 = vector.shape_cast %parallel_loop3A_264 : vector<1x16xf32> to vector<16xf32>
        %parallel_loop3A_266 = vector.shape_cast %parallel_loop3A_261 : vector<16xf32> to vector<1x16xf32>
        tpu.vector_store %arg9[%parallel_loop3A_262, %parallel_loop3A_263], %parallel_loop3A_266 {add = true, strides = array<i32>} : memref<16x1024xf32, #tpu.memory_space<vmem>>, vector<1x16xf32>,
        %parallel_loop3A_267 = arith.index_cast %parallel_loop3A_212 : i32 to index
        %parallel_loop3A_268 = arith.constant 96 : index
        %parallel_loop3A_269 = tpu.vector_load %arg5[%parallel_loop3A_267, %parallel_loop3A_268] {strides = array<i32>} : memref<32x1024xf32, #tpu.memory_space<vmem>>, vector<1x16xf32>,
        %parallel_loop3A_270 = vector.shape_cast %parallel_loop3A_269 : vector<1x16xf32> to vector<16xf32>
        %parallel_loop3A_271 = arith.index_cast %parallel_loop3A_211 : i32 to index
        %parallel_loop3A_272 = arith.constant 96 : index
        %parallel_loop3A_273 = tpu.vector_load %arg9[%parallel_loop3A_271, %parallel_loop3A_272] {strides = array<i32>} : memref<16x1024xf32, #tpu.memory_space<vmem>>, vector<1x16xf32>,
        %parallel_loop3A_274 = vector.shape_cast %parallel_loop3A_273 : vector<1x16xf32> to vector<16xf32>
        %parallel_loop3A_275 = vector.shape_cast %parallel_loop3A_270 : vector<16xf32> to vector<1x16xf32>
        tpu.vector_store %arg9[%parallel_loop3A_271, %parallel_loop3A_272], %parallel_loop3A_275 {add = true, strides = array<i32>} : memref<16x1024xf32, #tpu.memory_space<vmem>>, vector<1x16xf32>,
        %parallel_loop3A_276 = arith.index_cast %parallel_loop3A_212 : i32 to index
        %parallel_loop3A_277 = arith.constant 112 : index
        %parallel_loop3A_278 = tpu.vector_load %arg5[%parallel_loop3A_276, %parallel_loop3A_277] {strides = array<i32>} : memref<32x1024xf32, #tpu.memory_space<vmem>>, vector<1x16xf32>,
        %parallel_loop3A_279 = vector.shape_cast %parallel_loop3A_278 : vector<1x16xf32> to vector<16xf32>
        %parallel_loop3A_280 = arith.index_cast %parallel_loop3A_211 : i32 to index
        %parallel_loop3A_281 = arith.constant 112 : index
        %parallel_loop3A_282 = tpu.vector_load %arg9[%parallel_loop3A_280, %parallel_loop3A_281] {strides = array<i32>} : memref<16x1024xf32, #tpu.memory_space<vmem>>, vector<1x16xf32>,
        %parallel_loop3A_283 = vector.shape_cast %parallel_loop3A_282 : vector<1x16xf32> to vector<16xf32>
        %parallel_loop3A_284 = vector.shape_cast %parallel_loop3A_279 : vector<16xf32> to vector<1x16xf32>
        tpu.vector_store %arg9[%parallel_loop3A_280, %parallel_loop3A_281], %parallel_loop3A_284 {add = true, strides = array<i32>} : memref<16x1024xf32, #tpu.memory_space<vmem>>, vector<1x16xf32>,
        %parallel_loop3A_285 = arith.index_cast %parallel_loop3A_212 : i32 to index
        %parallel_loop3A_286 = arith.constant 128 : index
        %parallel_loop3A_287 = tpu.vector_load %arg5[%parallel_loop3A_285, %parallel_loop3A_286] {strides = array<i32>} : memref<32x1024xf32, #tpu.memory_space<vmem>>, vector<1x16xf32>,
        %parallel_loop3A_288 = vector.shape_cast %parallel_loop3A_287 : vector<1x16xf32> to vector<16xf32>
        %parallel_loop3A_289 = arith.index_cast %parallel_loop3A_211 : i32 to index
        %parallel_loop3A_290 = arith.constant 128 : index
        %parallel_loop3A_291 = tpu.vector_load %arg9[%parallel_loop3A_289, %parallel_loop3A_290] {strides = array<i32>} : memref<16x1024xf32, #tpu.memory_space<vmem>>, vector<1x16xf32>,
        %parallel_loop3A_292 = vector.shape_cast %parallel_loop3A_291 : vector<1x16xf32> to vector<16xf32>
        %parallel_loop3A_293 = vector.shape_cast %parallel_loop3A_288 : vector<16xf32> to vector<1x16xf32>
        tpu.vector_store %arg9[%parallel_loop3A_289, %parallel_loop3A_290], %parallel_loop3A_293 {add = true, strides = array<i32>} : memref<16x1024xf32, #tpu.memory_space<vmem>>, vector<1x16xf32>,
        %parallel_loop3A_294 = arith.index_cast %parallel_loop3A_212 : i32 to index
        %parallel_loop3A_295 = arith.constant 144 : index
        %parallel_loop3A_296 = tpu.vector_load %arg5[%parallel_loop3A_294, %parallel_loop3A_295] {strides = array<i32>} : memref<32x1024xf32, #tpu.memory_space<vmem>>, vector<1x16xf32>,
        %parallel_loop3A_297 = vector.shape_cast %parallel_loop3A_296 : vector<1x16xf32> to vector<16xf32>
        %parallel_loop3A_298 = arith.index_cast %parallel_loop3A_211 : i32 to index
        %parallel_loop3A_299 = arith.constant 144 : index
        %parallel_loop3A_300 = tpu.vector_load %arg9[%parallel_loop3A_298, %parallel_loop3A_299] {strides = array<i32>} : memref<16x1024xf32, #tpu.memory_space<vmem>>, vector<1x16xf32>,
        %parallel_loop3A_301 = vector.shape_cast %parallel_loop3A_300 : vector<1x16xf32> to vector<16xf32>
        %parallel_loop3A_302 = vector.shape_cast %parallel_loop3A_297 : vector<16xf32> to vector<1x16xf32>
        tpu.vector_store %arg9[%parallel_loop3A_298, %parallel_loop3A_299], %parallel_loop3A_302 {add = true, strides = array<i32>} : memref<16x1024xf32, #tpu.memory_space<vmem>>, vector<1x16xf32>,
        %parallel_loop3A_303 = arith.index_cast %parallel_loop3A_212 : i32 to index
        %parallel_loop3A_304 = arith.constant 160 : index
        %parallel_loop3A_305 = tpu.vector_load %arg5[%parallel_loop3A_303, %parallel_loop3A_304] {strides = array<i32>} : memref<32x1024xf32, #tpu.memory_space<vmem>>, vector<1x16xf32>,
        %parallel_loop3A_306 = vector.shape_cast %parallel_loop3A_305 : vector<1x16xf32> to vector<16xf32>
        %parallel_loop3A_307 = arith.index_cast %parallel_loop3A_211 : i32 to index
        %parallel_loop3A_308 = arith.constant 160 : index
        %parallel_loop3A_309 = tpu.vector_load %arg9[%parallel_loop3A_307, %parallel_loop3A_308] {strides = array<i32>} : memref<16x1024xf32, #tpu.memory_space<vmem>>, vector<1x16xf32>,
        %parallel_loop3A_310 = vector.shape_cast %parallel_loop3A_309 : vector<1x16xf32> to vector<16xf32>
        %parallel_loop3A_311 = vector.shape_cast %parallel_loop3A_306 : vector<16xf32> to vector<1x16xf32>
        tpu.vector_store %arg9[%parallel_loop3A_307, %parallel_loop3A_308], %parallel_loop3A_311 {add = true, strides = array<i32>} : memref<16x1024xf32, #tpu.memory_space<vmem>>, vector<1x16xf32>,
        %parallel_loop3A_312 = arith.index_cast %parallel_loop3A_212 : i32 to index
        %parallel_loop3A_313 = arith.constant 176 : index
        %parallel_loop3A_314 = tpu.vector_load %arg5[%parallel_loop3A_312, %parallel_loop3A_313] {strides = array<i32>} : memref<32x1024xf32, #tpu.memory_space<vmem>>, vector<1x16xf32>,
        %parallel_loop3A_315 = vector.shape_cast %parallel_loop3A_314 : vector<1x16xf32> to vector<16xf32>
        %parallel_loop3A_316 = arith.index_cast %parallel_loop3A_211 : i32 to index
        %parallel_loop3A_317 = arith.constant 176 : index
        %parallel_loop3A_318 = tpu.vector_load %arg9[%parallel_loop3A_316, %parallel_loop3A_317] {strides = array<i32>} : memref<16x1024xf32, #tpu.memory_space<vmem>>, vector<1x16xf32>,
        %parallel_loop3A_319 = vector.shape_cast %parallel_loop3A_318 : vector<1x16xf32> to vector<16xf32>
        %parallel_loop3A_320 = vector.shape_cast %parallel_loop3A_315 : vector<16xf32> to vector<1x16xf32>
        tpu.vector_store %arg9[%parallel_loop3A_316, %parallel_loop3A_317], %parallel_loop3A_320 {add = true, strides = array<i32>} : memref<16x1024xf32, #tpu.memory_space<vmem>>, vector<1x16xf32>,
        %parallel_loop3A_321 = arith.index_cast %parallel_loop3A_212 : i32 to index
        %parallel_loop3A_322 = arith.constant 192 : index
        %parallel_loop3A_323 = tpu.vector_load %arg5[%parallel_loop3A_321, %parallel_loop3A_322] {strides = array<i32>} : memref<32x1024xf32, #tpu.memory_space<vmem>>, vector<1x16xf32>,
        %parallel_loop3A_324 = vector.shape_cast %parallel_loop3A_323 : vector<1x16xf32> to vector<16xf32>
        %parallel_loop3A_325 = arith.index_cast %parallel_loop3A_211 : i32 to index
        %parallel_loop3A_326 = arith.constant 192 : index
        %parallel_loop3A_327 = tpu.vector_load %arg9[%parallel_loop3A_325, %parallel_loop3A_326] {strides = array<i32>} : memref<16x1024xf32, #tpu.memory_space<vmem>>, vector<1x16xf32>,
        %parallel_loop3A_328 = vector.shape_cast %parallel_loop3A_327 : vector<1x16xf32> to vector<16xf32>
        %parallel_loop3A_329 = vector.shape_cast %parallel_loop3A_324 : vector<16xf32> to vector<1x16xf32>
        tpu.vector_store %arg9[%parallel_loop3A_325, %parallel_loop3A_326], %parallel_loop3A_329 {add = true, strides = array<i32>} : memref<16x1024xf32, #tpu.memory_space<vmem>>, vector<1x16xf32>,
        %parallel_loop3A_330 = arith.index_cast %parallel_loop3A_212 : i32 to index
        %parallel_loop3A_331 = arith.constant 208 : index
        %parallel_loop3A_332 = tpu.vector_load %arg5[%parallel_loop3A_330, %parallel_loop3A_331] {strides = array<i32>} : memref<32x1024xf32, #tpu.memory_space<vmem>>, vector<1x16xf32>,
        %parallel_loop3A_333 = vector.shape_cast %parallel_loop3A_332 : vector<1x16xf32> to vector<16xf32>
        %parallel_loop3A_334 = arith.index_cast %parallel_loop3A_211 : i32 to index
        %parallel_loop3A_335 = arith.constant 208 : index
        %parallel_loop3A_336 = tpu.vector_load %arg9[%parallel_loop3A_334, %parallel_loop3A_335] {strides = array<i32>} : memref<16x1024xf32, #tpu.memory_space<vmem>>, vector<1x16xf32>,
        %parallel_loop3A_337 = vector.shape_cast %parallel_loop3A_336 : vector<1x16xf32> to vector<16xf32>
        %parallel_loop3A_338 = vector.shape_cast %parallel_loop3A_333 : vector<16xf32> to vector<1x16xf32>
        tpu.vector_store %arg9[%parallel_loop3A_334, %parallel_loop3A_335], %parallel_loop3A_338 {add = true, strides = array<i32>} : memref<16x1024xf32, #tpu.memory_space<vmem>>, vector<1x16xf32>,
        %parallel_loop3A_339 = arith.index_cast %parallel_loop3A_212 : i32 to index
        %parallel_loop3A_340 = arith.constant 224 : index
        %parallel_loop3A_341 = tpu.vector_load %arg5[%parallel_loop3A_339, %parallel_loop3A_340] {strides = array<i32>} : memref<32x1024xf32, #tpu.memory_space<vmem>>, vector<1x16xf32>,
        %parallel_loop3A_342 = vector.shape_cast %parallel_loop3A_341 : vector<1x16xf32> to vector<16xf32>
        %parallel_loop3A_343 = arith.index_cast %parallel_loop3A_211 : i32 to index
        %parallel_loop3A_344 = arith.constant 224 : index
        %parallel_loop3A_345 = tpu.vector_load %arg9[%parallel_loop3A_343, %parallel_loop3A_344] {strides = array<i32>} : memref<16x1024xf32, #tpu.memory_space<vmem>>, vector<1x16xf32>,
        %parallel_loop3A_346 = vector.shape_cast %parallel_loop3A_345 : vector<1x16xf32> to vector<16xf32>
        %parallel_loop3A_347 = vector.shape_cast %parallel_loop3A_342 : vector<16xf32> to vector<1x16xf32>
        tpu.vector_store %arg9[%parallel_loop3A_343, %parallel_loop3A_344], %parallel_loop3A_347 {add = true, strides = array<i32>} : memref<16x1024xf32, #tpu.memory_space<vmem>>, vector<1x16xf32>,
        %parallel_loop3A_348 = arith.index_cast %parallel_loop3A_212 : i32 to index
        %parallel_loop3A_349 = arith.constant 240 : index
        %parallel_loop3A_350 = tpu.vector_load %arg5[%parallel_loop3A_348, %parallel_loop3A_349] {strides = array<i32>} : memref<32x1024xf32, #tpu.memory_space<vmem>>, vector<1x16xf32>,
        %parallel_loop3A_351 = vector.shape_cast %parallel_loop3A_350 : vector<1x16xf32> to vector<16xf32>
        %parallel_loop3A_352 = arith.index_cast %parallel_loop3A_211 : i32 to index
        %parallel_loop3A_353 = arith.constant 240 : index
        %parallel_loop3A_354 = tpu.vector_load %arg9[%parallel_loop3A_352, %parallel_loop3A_353] {strides = array<i32>} : memref<16x1024xf32, #tpu.memory_space<vmem>>, vector<1x16xf32>,
        %parallel_loop3A_355 = vector.shape_cast %parallel_loop3A_354 : vector<1x16xf32> to vector<16xf32>
        %parallel_loop3A_356 = vector.shape_cast %parallel_loop3A_351 : vector<16xf32> to vector<1x16xf32>
        tpu.vector_store %arg9[%parallel_loop3A_352, %parallel_loop3A_353], %parallel_loop3A_356 {add = true, strides = array<i32>} : memref<16x1024xf32, #tpu.memory_space<vmem>>, vector<1x16xf32>,
        %parallel_loop3A_357 = arith.index_cast %parallel_loop3A_212 : i32 to index
        %parallel_loop3A_358 = arith.constant 256 : index
        %parallel_loop3A_359 = tpu.vector_load %arg5[%parallel_loop3A_357, %parallel_loop3A_358] {strides = array<i32>} : memref<32x1024xf32, #tpu.memory_space<vmem>>, vector<1x16xf32>,
        %parallel_loop3A_360 = vector.shape_cast %parallel_loop3A_359 : vector<1x16xf32> to vector<16xf32>
        %parallel_loop3A_361 = arith.index_cast %parallel_loop3A_211 : i32 to index
        %parallel_loop3A_362 = arith.constant 256 : index
        %parallel_loop3A_363 = tpu.vector_load %arg9[%parallel_loop3A_361, %parallel_loop3A_362] {strides = array<i32>} : memref<16x1024xf32, #tpu.memory_space<vmem>>, vector<1x16xf32>,
        %parallel_loop3A_364 = vector.shape_cast %parallel_loop3A_363 : vector<1x16xf32> to vector<16xf32>
        %parallel_loop3A_365 = vector.shape_cast %parallel_loop3A_360 : vector<16xf32> to vector<1x16xf32>
        tpu.vector_store %arg9[%parallel_loop3A_361, %parallel_loop3A_362], %parallel_loop3A_365 {add = true, strides = array<i32>} : memref<16x1024xf32, #tpu.memory_space<vmem>>, vector<1x16xf32>,
        %parallel_loop3A_366 = arith.index_cast %parallel_loop3A_212 : i32 to index
        %parallel_loop3A_367 = arith.constant 272 : index
        %parallel_loop3A_368 = tpu.vector_load %arg5[%parallel_loop3A_366, %parallel_loop3A_367] {strides = array<i32>} : memref<32x1024xf32, #tpu.memory_space<vmem>>, vector<1x16xf32>,
        %parallel_loop3A_369 = vector.shape_cast %parallel_loop3A_368 : vector<1x16xf32> to vector<16xf32>
        %parallel_loop3A_370 = arith.index_cast %parallel_loop3A_211 : i32 to index
        %parallel_loop3A_371 = arith.constant 272 : index
        %parallel_loop3A_372 = tpu.vector_load %arg9[%parallel_loop3A_370, %parallel_loop3A_371] {strides = array<i32>} : memref<16x1024xf32, #tpu.memory_space<vmem>>, vector<1x16xf32>,
        %parallel_loop3A_373 = vector.shape_cast %parallel_loop3A_372 : vector<1x16xf32> to vector<16xf32>
        %parallel_loop3A_374 = vector.shape_cast %parallel_loop3A_369 : vector<16xf32> to vector<1x16xf32>
        tpu.vector_store %arg9[%parallel_loop3A_370, %parallel_loop3A_371], %parallel_loop3A_374 {add = true, strides = array<i32>} : memref<16x1024xf32, #tpu.memory_space<vmem>>, vector<1x16xf32>,
        %parallel_loop3A_375 = arith.index_cast %parallel_loop3A_212 : i32 to index
        %parallel_loop3A_376 = arith.constant 288 : index
        %parallel_loop3A_377 = tpu.vector_load %arg5[%parallel_loop3A_375, %parallel_loop3A_376] {strides = array<i32>} : memref<32x1024xf32, #tpu.memory_space<vmem>>, vector<1x16xf32>,
        %parallel_loop3A_378 = vector.shape_cast %parallel_loop3A_377 : vector<1x16xf32> to vector<16xf32>
        %parallel_loop3A_379 = arith.index_cast %parallel_loop3A_211 : i32 to index
        %parallel_loop3A_380 = arith.constant 288 : index
        %parallel_loop3A_381 = tpu.vector_load %arg9[%parallel_loop3A_379, %parallel_loop3A_380] {strides = array<i32>} : memref<16x1024xf32, #tpu.memory_space<vmem>>, vector<1x16xf32>,
        %parallel_loop3A_382 = vector.shape_cast %parallel_loop3A_381 : vector<1x16xf32> to vector<16xf32>
        %parallel_loop3A_383 = vector.shape_cast %parallel_loop3A_378 : vector<16xf32> to vector<1x16xf32>
        tpu.vector_store %arg9[%parallel_loop3A_379, %parallel_loop3A_380], %parallel_loop3A_383 {add = true, strides = array<i32>} : memref<16x1024xf32, #tpu.memory_space<vmem>>, vector<1x16xf32>,
        %parallel_loop3A_384 = arith.index_cast %parallel_loop3A_212 : i32 to index
        %parallel_loop3A_385 = arith.constant 304 : index
        %parallel_loop3A_386 = tpu.vector_load %arg5[%parallel_loop3A_384, %parallel_loop3A_385] {strides = array<i32>} : memref<32x1024xf32, #tpu.memory_space<vmem>>, vector<1x16xf32>,
        %parallel_loop3A_387 = vector.shape_cast %parallel_loop3A_386 : vector<1x16xf32> to vector<16xf32>
        %parallel_loop3A_388 = arith.index_cast %parallel_loop3A_211 : i32 to index
        %parallel_loop3A_389 = arith.constant 304 : index
        %parallel_loop3A_390 = tpu.vector_load %arg9[%parallel_loop3A_388, %parallel_loop3A_389] {strides = array<i32>} : memref<16x1024xf32, #tpu.memory_space<vmem>>, vector<1x16xf32>,
        %parallel_loop3A_391 = vector.shape_cast %parallel_loop3A_390 : vector<1x16xf32> to vector<16xf32>
        %parallel_loop3A_392 = vector.shape_cast %parallel_loop3A_387 : vector<16xf32> to vector<1x16xf32>
        tpu.vector_store %arg9[%parallel_loop3A_388, %parallel_loop3A_389], %parallel_loop3A_392 {add = true, strides = array<i32>} : memref<16x1024xf32, #tpu.memory_space<vmem>>, vector<1x16xf32>,
        %parallel_loop3A_393 = arith.index_cast %parallel_loop3A_212 : i32 to index
        %parallel_loop3A_394 = arith.constant 320 : index
        %parallel_loop3A_395 = tpu.vector_load %arg5[%parallel_loop3A_393, %parallel_loop3A_394] {strides = array<i32>} : memref<32x1024xf32, #tpu.memory_space<vmem>>, vector<1x16xf32>,
        %parallel_loop3A_396 = vector.shape_cast %parallel_loop3A_395 : vector<1x16xf32> to vector<16xf32>
        %parallel_loop3A_397 = arith.index_cast %parallel_loop3A_211 : i32 to index
        %parallel_loop3A_398 = arith.constant 320 : index
        %parallel_loop3A_399 = tpu.vector_load %arg9[%parallel_loop3A_397, %parallel_loop3A_398] {strides = array<i32>} : memref<16x1024xf32, #tpu.memory_space<vmem>>, vector<1x16xf32>,
        %parallel_loop3A_400 = vector.shape_cast %parallel_loop3A_399 : vector<1x16xf32> to vector<16xf32>
        %parallel_loop3A_401 = vector.shape_cast %parallel_loop3A_396 : vector<16xf32> to vector<1x16xf32>
        tpu.vector_store %arg9[%parallel_loop3A_397, %parallel_loop3A_398], %parallel_loop3A_401 {add = true, strides = array<i32>} : memref<16x1024xf32, #tpu.memory_space<vmem>>, vector<1x16xf32>,
        %parallel_loop3A_402 = arith.index_cast %parallel_loop3A_212 : i32 to index
        %parallel_loop3A_403 = arith.constant 336 : index
        %parallel_loop3A_404 = tpu.vector_load %arg5[%parallel_loop3A_402, %parallel_loop3A_403] {strides = array<i32>} : memref<32x1024xf32, #tpu.memory_space<vmem>>, vector<1x16xf32>,
        %parallel_loop3A_405 = vector.shape_cast %parallel_loop3A_404 : vector<1x16xf32> to vector<16xf32>
        %parallel_loop3A_406 = arith.index_cast %parallel_loop3A_211 : i32 to index
        %parallel_loop3A_407 = arith.constant 336 : index
        %parallel_loop3A_408 = tpu.vector_load %arg9[%parallel_loop3A_406, %parallel_loop3A_407] {strides = array<i32>} : memref<16x1024xf32, #tpu.memory_space<vmem>>, vector<1x16xf32>,
        %parallel_loop3A_409 = vector.shape_cast %parallel_loop3A_408 : vector<1x16xf32> to vector<16xf32>
        %parallel_loop3A_410 = vector.shape_cast %parallel_loop3A_405 : vector<16xf32> to vector<1x16xf32>
        tpu.vector_store %arg9[%parallel_loop3A_406, %parallel_loop3A_407], %parallel_loop3A_410 {add = true, strides = array<i32>} : memref<16x1024xf32, #tpu.memory_space<vmem>>, vector<1x16xf32>,
        %parallel_loop3A_411 = arith.index_cast %parallel_loop3A_212 : i32 to index
        %parallel_loop3A_412 = arith.constant 352 : index
        %parallel_loop3A_413 = tpu.vector_load %arg5[%parallel_loop3A_411, %parallel_loop3A_412] {strides = array<i32>} : memref<32x1024xf32, #tpu.memory_space<vmem>>, vector<1x16xf32>,
        %parallel_loop3A_414 = vector.shape_cast %parallel_loop3A_413 : vector<1x16xf32> to vector<16xf32>
        %parallel_loop3A_415 = arith.index_cast %parallel_loop3A_211 : i32 to index
        %parallel_loop3A_416 = arith.constant 352 : index
        %parallel_loop3A_417 = tpu.vector_load %arg9[%parallel_loop3A_415, %parallel_loop3A_416] {strides = array<i32>} : memref<16x1024xf32, #tpu.memory_space<vmem>>, vector<1x16xf32>,
        %parallel_loop3A_418 = vector.shape_cast %parallel_loop3A_417 : vector<1x16xf32> to vector<16xf32>
        %parallel_loop3A_419 = vector.shape_cast %parallel_loop3A_414 : vector<16xf32> to vector<1x16xf32>
        tpu.vector_store %arg9[%parallel_loop3A_415, %parallel_loop3A_416], %parallel_loop3A_419 {add = true, strides = array<i32>} : memref<16x1024xf32, #tpu.memory_space<vmem>>, vector<1x16xf32>,
        %parallel_loop3A_420 = arith.index_cast %parallel_loop3A_212 : i32 to index
        %parallel_loop3A_421 = arith.constant 368 : index
        %parallel_loop3A_422 = tpu.vector_load %arg5[%parallel_loop3A_420, %parallel_loop3A_421] {strides = array<i32>} : memref<32x1024xf32, #tpu.memory_space<vmem>>, vector<1x16xf32>,
        %parallel_loop3A_423 = vector.shape_cast %parallel_loop3A_422 : vector<1x16xf32> to vector<16xf32>
        %parallel_loop3A_424 = arith.index_cast %parallel_loop3A_211 : i32 to index
        %parallel_loop3A_425 = arith.constant 368 : index
        %parallel_loop3A_426 = tpu.vector_load %arg9[%parallel_loop3A_424, %parallel_loop3A_425] {strides = array<i32>} : memref<16x1024xf32, #tpu.memory_space<vmem>>, vector<1x16xf32>,
        %parallel_loop3A_427 = vector.shape_cast %parallel_loop3A_426 : vector<1x16xf32> to vector<16xf32>
        %parallel_loop3A_428 = vector.shape_cast %parallel_loop3A_423 : vector<16xf32> to vector<1x16xf32>
        tpu.vector_store %arg9[%parallel_loop3A_424, %parallel_loop3A_425], %parallel_loop3A_428 {add = true, strides = array<i32>} : memref<16x1024xf32, #tpu.memory_space<vmem>>, vector<1x16xf32>,
        %parallel_loop3A_429 = arith.index_cast %parallel_loop3A_212 : i32 to index
        %parallel_loop3A_430 = arith.constant 384 : index
        %parallel_loop3A_431 = tpu.vector_load %arg5[%parallel_loop3A_429, %parallel_loop3A_430] {strides = array<i32>} : memref<32x1024xf32, #tpu.memory_space<vmem>>, vector<1x16xf32>,
        %parallel_loop3A_432 = vector.shape_cast %parallel_loop3A_431 : vector<1x16xf32> to vector<16xf32>
        %parallel_loop3A_433 = arith.index_cast %parallel_loop3A_211 : i32 to index
        %parallel_loop3A_434 = arith.constant 384 : index
        %parallel_loop3A_435 = tpu.vector_load %arg9[%parallel_loop3A_433, %parallel_loop3A_434] {strides = array<i32>} : memref<16x1024xf32, #tpu.memory_space<vmem>>, vector<1x16xf32>,
        %parallel_loop3A_436 = vector.shape_cast %parallel_loop3A_435 : vector<1x16xf32> to vector<16xf32>
        %parallel_loop3A_437 = vector.shape_cast %parallel_loop3A_432 : vector<16xf32> to vector<1x16xf32>
        tpu.vector_store %arg9[%parallel_loop3A_433, %parallel_loop3A_434], %parallel_loop3A_437 {add = true, strides = array<i32>} : memref<16x1024xf32, #tpu.memory_space<vmem>>, vector<1x16xf32>,
        %parallel_loop3A_438 = arith.index_cast %parallel_loop3A_212 : i32 to index
        %parallel_loop3A_439 = arith.constant 400 : index
        %parallel_loop3A_440 = tpu.vector_load %arg5[%parallel_loop3A_438, %parallel_loop3A_439] {strides = array<i32>} : memref<32x1024xf32, #tpu.memory_space<vmem>>, vector<1x16xf32>,
        %parallel_loop3A_441 = vector.shape_cast %parallel_loop3A_440 : vector<1x16xf32> to vector<16xf32>
        %parallel_loop3A_442 = arith.index_cast %parallel_loop3A_211 : i32 to index
        %parallel_loop3A_443 = arith.constant 400 : index
        %parallel_loop3A_444 = tpu.vector_load %arg9[%parallel_loop3A_442, %parallel_loop3A_443] {strides = array<i32>} : memref<16x1024xf32, #tpu.memory_space<vmem>>, vector<1x16xf32>,
        %parallel_loop3A_445 = vector.shape_cast %parallel_loop3A_444 : vector<1x16xf32> to vector<16xf32>
        %parallel_loop3A_446 = vector.shape_cast %parallel_loop3A_441 : vector<16xf32> to vector<1x16xf32>
        tpu.vector_store %arg9[%parallel_loop3A_442, %parallel_loop3A_443], %parallel_loop3A_446 {add = true, strides = array<i32>} : memref<16x1024xf32, #tpu.memory_space<vmem>>, vector<1x16xf32>,
        %parallel_loop3A_447 = arith.index_cast %parallel_loop3A_212 : i32 to index
        %parallel_loop3A_448 = arith.constant 416 : index
        %parallel_loop3A_449 = tpu.vector_load %arg5[%parallel_loop3A_447, %parallel_loop3A_448] {strides = array<i32>} : memref<32x1024xf32, #tpu.memory_space<vmem>>, vector<1x16xf32>,
        %parallel_loop3A_450 = vector.shape_cast %parallel_loop3A_449 : vector<1x16xf32> to vector<16xf32>
        %parallel_loop3A_451 = arith.index_cast %parallel_loop3A_211 : i32 to index
        %parallel_loop3A_452 = arith.constant 416 : index
        %parallel_loop3A_453 = tpu.vector_load %arg9[%parallel_loop3A_451, %parallel_loop3A_452] {strides = array<i32>} : memref<16x1024xf32, #tpu.memory_space<vmem>>, vector<1x16xf32>,
        %parallel_loop3A_454 = vector.shape_cast %parallel_loop3A_453 : vector<1x16xf32> to vector<16xf32>
        %parallel_loop3A_455 = vector.shape_cast %parallel_loop3A_450 : vector<16xf32> to vector<1x16xf32>
        tpu.vector_store %arg9[%parallel_loop3A_451, %parallel_loop3A_452], %parallel_loop3A_455 {add = true, strides = array<i32>} : memref<16x1024xf32, #tpu.memory_space<vmem>>, vector<1x16xf32>,
        %parallel_loop3A_456 = arith.index_cast %parallel_loop3A_212 : i32 to index
        %parallel_loop3A_457 = arith.constant 432 : index
        %parallel_loop3A_458 = tpu.vector_load %arg5[%parallel_loop3A_456, %parallel_loop3A_457] {strides = array<i32>} : memref<32x1024xf32, #tpu.memory_space<vmem>>, vector<1x16xf32>,
        %parallel_loop3A_459 = vector.shape_cast %parallel_loop3A_458 : vector<1x16xf32> to vector<16xf32>
        %parallel_loop3A_460 = arith.index_cast %parallel_loop3A_211 : i32 to index
        %parallel_loop3A_461 = arith.constant 432 : index
        %parallel_loop3A_462 = tpu.vector_load %arg9[%parallel_loop3A_460, %parallel_loop3A_461] {strides = array<i32>} : memref<16x1024xf32, #tpu.memory_space<vmem>>, vector<1x16xf32>,
        %parallel_loop3A_463 = vector.shape_cast %parallel_loop3A_462 : vector<1x16xf32> to vector<16xf32>
        %parallel_loop3A_464 = vector.shape_cast %parallel_loop3A_459 : vector<16xf32> to vector<1x16xf32>
        tpu.vector_store %arg9[%parallel_loop3A_460, %parallel_loop3A_461], %parallel_loop3A_464 {add = true, strides = array<i32>} : memref<16x1024xf32, #tpu.memory_space<vmem>>, vector<1x16xf32>,
        %parallel_loop3A_465 = arith.index_cast %parallel_loop3A_212 : i32 to index
        %parallel_loop3A_466 = arith.constant 448 : index
        %parallel_loop3A_467 = tpu.vector_load %arg5[%parallel_loop3A_465, %parallel_loop3A_466] {strides = array<i32>} : memref<32x1024xf32, #tpu.memory_space<vmem>>, vector<1x16xf32>,
        %parallel_loop3A_468 = vector.shape_cast %parallel_loop3A_467 : vector<1x16xf32> to vector<16xf32>
        %parallel_loop3A_469 = arith.index_cast %parallel_loop3A_211 : i32 to index
        %parallel_loop3A_470 = arith.constant 448 : index
        %parallel_loop3A_471 = tpu.vector_load %arg9[%parallel_loop3A_469, %parallel_loop3A_470] {strides = array<i32>} : memref<16x1024xf32, #tpu.memory_space<vmem>>, vector<1x16xf32>,
        %parallel_loop3A_472 = vector.shape_cast %parallel_loop3A_471 : vector<1x16xf32> to vector<16xf32>
        %parallel_loop3A_473 = vector.shape_cast %parallel_loop3A_468 : vector<16xf32> to vector<1x16xf32>
        tpu.vector_store %arg9[%parallel_loop3A_469, %parallel_loop3A_470], %parallel_loop3A_473 {add = true, strides = array<i32>} : memref<16x1024xf32, #tpu.memory_space<vmem>>, vector<1x16xf32>,
        %parallel_loop3A_474 = arith.index_cast %parallel_loop3A_212 : i32 to index
        %parallel_loop3A_475 = arith.constant 464 : index
        %parallel_loop3A_476 = tpu.vector_load %arg5[%parallel_loop3A_474, %parallel_loop3A_475] {strides = array<i32>} : memref<32x1024xf32, #tpu.memory_space<vmem>>, vector<1x16xf32>,
        %parallel_loop3A_477 = vector.shape_cast %parallel_loop3A_476 : vector<1x16xf32> to vector<16xf32>
        %parallel_loop3A_478 = arith.index_cast %parallel_loop3A_211 : i32 to index
        %parallel_loop3A_479 = arith.constant 464 : index
        %parallel_loop3A_480 = tpu.vector_load %arg9[%parallel_loop3A_478, %parallel_loop3A_479] {strides = array<i32>} : memref<16x1024xf32, #tpu.memory_space<vmem>>, vector<1x16xf32>,
        %parallel_loop3A_481 = vector.shape_cast %parallel_loop3A_480 : vector<1x16xf32> to vector<16xf32>
        %parallel_loop3A_482 = vector.shape_cast %parallel_loop3A_477 : vector<16xf32> to vector<1x16xf32>
        tpu.vector_store %arg9[%parallel_loop3A_478, %parallel_loop3A_479], %parallel_loop3A_482 {add = true, strides = array<i32>} : memref<16x1024xf32, #tpu.memory_space<vmem>>, vector<1x16xf32>,
        %parallel_loop3A_483 = arith.index_cast %parallel_loop3A_212 : i32 to index
        %parallel_loop3A_484 = arith.constant 480 : index
        %parallel_loop3A_485 = tpu.vector_load %arg5[%parallel_loop3A_483, %parallel_loop3A_484] {strides = array<i32>} : memref<32x1024xf32, #tpu.memory_space<vmem>>, vector<1x16xf32>,
        %parallel_loop3A_486 = vector.shape_cast %parallel_loop3A_485 : vector<1x16xf32> to vector<16xf32>
        %parallel_loop3A_487 = arith.index_cast %parallel_loop3A_211 : i32 to index
        %parallel_loop3A_488 = arith.constant 480 : index
        %parallel_loop3A_489 = tpu.vector_load %arg9[%parallel_loop3A_487, %parallel_loop3A_488] {strides = array<i32>} : memref<16x1024xf32, #tpu.memory_space<vmem>>, vector<1x16xf32>,
        %parallel_loop3A_490 = vector.shape_cast %parallel_loop3A_489 : vector<1x16xf32> to vector<16xf32>
        %parallel_loop3A_491 = vector.shape_cast %parallel_loop3A_486 : vector<16xf32> to vector<1x16xf32>
        tpu.vector_store %arg9[%parallel_loop3A_487, %parallel_loop3A_488], %parallel_loop3A_491 {add = true, strides = array<i32>} : memref<16x1024xf32, #tpu.memory_space<vmem>>, vector<1x16xf32>,
        %parallel_loop3A_492 = arith.index_cast %parallel_loop3A_212 : i32 to index
        %parallel_loop3A_493 = arith.constant 496 : index
        %parallel_loop3A_494 = tpu.vector_load %arg5[%parallel_loop3A_492, %parallel_loop3A_493] {strides = array<i32>} : memref<32x1024xf32, #tpu.memory_space<vmem>>, vector<1x16xf32>,
        %parallel_loop3A_495 = vector.shape_cast %parallel_loop3A_494 : vector<1x16xf32> to vector<16xf32>
        %parallel_loop3A_496 = arith.index_cast %parallel_loop3A_211 : i32 to index
        %parallel_loop3A_497 = arith.constant 496 : index
        %parallel_loop3A_498 = tpu.vector_load %arg9[%parallel_loop3A_496, %parallel_loop3A_497] {strides = array<i32>} : memref<16x1024xf32, #tpu.memory_space<vmem>>, vector<1x16xf32>,
        %parallel_loop3A_499 = vector.shape_cast %parallel_loop3A_498 : vector<1x16xf32> to vector<16xf32>
        %parallel_loop3A_500 = vector.shape_cast %parallel_loop3A_495 : vector<16xf32> to vector<1x16xf32>
        tpu.vector_store %arg9[%parallel_loop3A_496, %parallel_loop3A_497], %parallel_loop3A_500 {add = true, strides = array<i32>} : memref<16x1024xf32, #tpu.memory_space<vmem>>, vector<1x16xf32>,
        %parallel_loop3A_501 = arith.index_cast %parallel_loop3A_212 : i32 to index
        %parallel_loop3A_502 = arith.constant 512 : index
        %parallel_loop3A_503 = tpu.vector_load %arg5[%parallel_loop3A_501, %parallel_loop3A_502] {strides = array<i32>} : memref<32x1024xf32, #tpu.memory_space<vmem>>, vector<1x16xf32>,
        %parallel_loop3A_504 = vector.shape_cast %parallel_loop3A_503 : vector<1x16xf32> to vector<16xf32>
        %parallel_loop3A_505 = arith.index_cast %parallel_loop3A_211 : i32 to index
        %parallel_loop3A_506 = arith.constant 512 : index
        %parallel_loop3A_507 = tpu.vector_load %arg9[%parallel_loop3A_505, %parallel_loop3A_506] {strides = array<i32>} : memref<16x1024xf32, #tpu.memory_space<vmem>>, vector<1x16xf32>,
        %parallel_loop3A_508 = vector.shape_cast %parallel_loop3A_507 : vector<1x16xf32> to vector<16xf32>
        %parallel_loop3A_509 = vector.shape_cast %parallel_loop3A_504 : vector<16xf32> to vector<1x16xf32>
        tpu.vector_store %arg9[%parallel_loop3A_505, %parallel_loop3A_506], %parallel_loop3A_509 {add = true, strides = array<i32>} : memref<16x1024xf32, #tpu.memory_space<vmem>>, vector<1x16xf32>,
        %parallel_loop3A_510 = arith.index_cast %parallel_loop3A_212 : i32 to index
        %parallel_loop3A_511 = arith.constant 528 : index
        %parallel_loop3A_512 = tpu.vector_load %arg5[%parallel_loop3A_510, %parallel_loop3A_511] {strides = array<i32>} : memref<32x1024xf32, #tpu.memory_space<vmem>>, vector<1x16xf32>,
        %parallel_loop3A_513 = vector.shape_cast %parallel_loop3A_512 : vector<1x16xf32> to vector<16xf32>
        %parallel_loop3A_514 = arith.index_cast %parallel_loop3A_211 : i32 to index
        %parallel_loop3A_515 = arith.constant 528 : index
        %parallel_loop3A_516 = tpu.vector_load %arg9[%parallel_loop3A_514, %parallel_loop3A_515] {strides = array<i32>} : memref<16x1024xf32, #tpu.memory_space<vmem>>, vector<1x16xf32>,
        %parallel_loop3A_517 = vector.shape_cast %parallel_loop3A_516 : vector<1x16xf32> to vector<16xf32>
        %parallel_loop3A_518 = vector.shape_cast %parallel_loop3A_513 : vector<16xf32> to vector<1x16xf32>
        tpu.vector_store %arg9[%parallel_loop3A_514, %parallel_loop3A_515], %parallel_loop3A_518 {add = true, strides = array<i32>} : memref<16x1024xf32, #tpu.memory_space<vmem>>, vector<1x16xf32>,
        %parallel_loop3A_519 = arith.index_cast %parallel_loop3A_212 : i32 to index
        %parallel_loop3A_520 = arith.constant 544 : index
        %parallel_loop3A_521 = tpu.vector_load %arg5[%parallel_loop3A_519, %parallel_loop3A_520] {strides = array<i32>} : memref<32x1024xf32, #tpu.memory_space<vmem>>, vector<1x16xf32>,
        %parallel_loop3A_522 = vector.shape_cast %parallel_loop3A_521 : vector<1x16xf32> to vector<16xf32>
        %parallel_loop3A_523 = arith.index_cast %parallel_loop3A_211 : i32 to index
        %parallel_loop3A_524 = arith.constant 544 : index
        %parallel_loop3A_525 = tpu.vector_load %arg9[%parallel_loop3A_523, %parallel_loop3A_524] {strides = array<i32>} : memref<16x1024xf32, #tpu.memory_space<vmem>>, vector<1x16xf32>,
        %parallel_loop3A_526 = vector.shape_cast %parallel_loop3A_525 : vector<1x16xf32> to vector<16xf32>
        %parallel_loop3A_527 = vector.shape_cast %parallel_loop3A_522 : vector<16xf32> to vector<1x16xf32>
        tpu.vector_store %arg9[%parallel_loop3A_523, %parallel_loop3A_524], %parallel_loop3A_527 {add = true, strides = array<i32>} : memref<16x1024xf32, #tpu.memory_space<vmem>>, vector<1x16xf32>,
        %parallel_loop3A_528 = arith.index_cast %parallel_loop3A_212 : i32 to index
        %parallel_loop3A_529 = arith.constant 560 : index
        %parallel_loop3A_530 = tpu.vector_load %arg5[%parallel_loop3A_528, %parallel_loop3A_529] {strides = array<i32>} : memref<32x1024xf32, #tpu.memory_space<vmem>>, vector<1x16xf32>,
        %parallel_loop3A_531 = vector.shape_cast %parallel_loop3A_530 : vector<1x16xf32> to vector<16xf32>
        %parallel_loop3A_532 = arith.index_cast %parallel_loop3A_211 : i32 to index
        %parallel_loop3A_533 = arith.constant 560 : index
        %parallel_loop3A_534 = tpu.vector_load %arg9[%parallel_loop3A_532, %parallel_loop3A_533] {strides = array<i32>} : memref<16x1024xf32, #tpu.memory_space<vmem>>, vector<1x16xf32>,
        %parallel_loop3A_535 = vector.shape_cast %parallel_loop3A_534 : vector<1x16xf32> to vector<16xf32>
        %parallel_loop3A_536 = vector.shape_cast %parallel_loop3A_531 : vector<16xf32> to vector<1x16xf32>
        tpu.vector_store %arg9[%parallel_loop3A_532, %parallel_loop3A_533], %parallel_loop3A_536 {add = true, strides = array<i32>} : memref<16x1024xf32, #tpu.memory_space<vmem>>, vector<1x16xf32>,
        %parallel_loop3A_537 = arith.index_cast %parallel_loop3A_212 : i32 to index
        %parallel_loop3A_538 = arith.constant 576 : index
        %parallel_loop3A_539 = tpu.vector_load %arg5[%parallel_loop3A_537, %parallel_loop3A_538] {strides = array<i32>} : memref<32x1024xf32, #tpu.memory_space<vmem>>, vector<1x16xf32>,
        %parallel_loop3A_540 = vector.shape_cast %parallel_loop3A_539 : vector<1x16xf32> to vector<16xf32>
        %parallel_loop3A_541 = arith.index_cast %parallel_loop3A_211 : i32 to index
        %parallel_loop3A_542 = arith.constant 576 : index
        %parallel_loop3A_543 = tpu.vector_load %arg9[%parallel_loop3A_541, %parallel_loop3A_542] {strides = array<i32>} : memref<16x1024xf32, #tpu.memory_space<vmem>>, vector<1x16xf32>,
        %parallel_loop3A_544 = vector.shape_cast %parallel_loop3A_543 : vector<1x16xf32> to vector<16xf32>
        %parallel_loop3A_545 = vector.shape_cast %parallel_loop3A_540 : vector<16xf32> to vector<1x16xf32>
        tpu.vector_store %arg9[%parallel_loop3A_541, %parallel_loop3A_542], %parallel_loop3A_545 {add = true, strides = array<i32>} : memref<16x1024xf32, #tpu.memory_space<vmem>>, vector<1x16xf32>,
        %parallel_loop3A_546 = arith.index_cast %parallel_loop3A_212 : i32 to index
        %parallel_loop3A_547 = arith.constant 592 : index
        %parallel_loop3A_548 = tpu.vector_load %arg5[%parallel_loop3A_546, %parallel_loop3A_547] {strides = array<i32>} : memref<32x1024xf32, #tpu.memory_space<vmem>>, vector<1x16xf32>,
        %parallel_loop3A_549 = vector.shape_cast %parallel_loop3A_548 : vector<1x16xf32> to vector<16xf32>
        %parallel_loop3A_550 = arith.index_cast %parallel_loop3A_211 : i32 to index
        %parallel_loop3A_551 = arith.constant 592 : index
        %parallel_loop3A_552 = tpu.vector_load %arg9[%parallel_loop3A_550, %parallel_loop3A_551] {strides = array<i32>} : memref<16x1024xf32, #tpu.memory_space<vmem>>, vector<1x16xf32>,
        %parallel_loop3A_553 = vector.shape_cast %parallel_loop3A_552 : vector<1x16xf32> to vector<16xf32>
        %parallel_loop3A_554 = vector.shape_cast %parallel_loop3A_549 : vector<16xf32> to vector<1x16xf32>
        tpu.vector_store %arg9[%parallel_loop3A_550, %parallel_loop3A_551], %parallel_loop3A_554 {add = true, strides = array<i32>} : memref<16x1024xf32, #tpu.memory_space<vmem>>, vector<1x16xf32>,
        %parallel_loop3A_555 = arith.index_cast %parallel_loop3A_212 : i32 to index
        %parallel_loop3A_556 = arith.constant 608 : index
        %parallel_loop3A_557 = tpu.vector_load %arg5[%parallel_loop3A_555, %parallel_loop3A_556] {strides = array<i32>} : memref<32x1024xf32, #tpu.memory_space<vmem>>, vector<1x16xf32>,
        %parallel_loop3A_558 = vector.shape_cast %parallel_loop3A_557 : vector<1x16xf32> to vector<16xf32>
        %parallel_loop3A_559 = arith.index_cast %parallel_loop3A_211 : i32 to index
        %parallel_loop3A_560 = arith.constant 608 : index
        %parallel_loop3A_561 = tpu.vector_load %arg9[%parallel_loop3A_559, %parallel_loop3A_560] {strides = array<i32>} : memref<16x1024xf32, #tpu.memory_space<vmem>>, vector<1x16xf32>,
        %parallel_loop3A_562 = vector.shape_cast %parallel_loop3A_561 : vector<1x16xf32> to vector<16xf32>
        %parallel_loop3A_563 = vector.shape_cast %parallel_loop3A_558 : vector<16xf32> to vector<1x16xf32>
        tpu.vector_store %arg9[%parallel_loop3A_559, %parallel_loop3A_560], %parallel_loop3A_563 {add = true, strides = array<i32>} : memref<16x1024xf32, #tpu.memory_space<vmem>>, vector<1x16xf32>,
        %parallel_loop3A_564 = arith.index_cast %parallel_loop3A_212 : i32 to index
        %parallel_loop3A_565 = arith.constant 624 : index
        %parallel_loop3A_566 = tpu.vector_load %arg5[%parallel_loop3A_564, %parallel_loop3A_565] {strides = array<i32>} : memref<32x1024xf32, #tpu.memory_space<vmem>>, vector<1x16xf32>,
        %parallel_loop3A_567 = vector.shape_cast %parallel_loop3A_566 : vector<1x16xf32> to vector<16xf32>
        %parallel_loop3A_568 = arith.index_cast %parallel_loop3A_211 : i32 to index
        %parallel_loop3A_569 = arith.constant 624 : index
        %parallel_loop3A_570 = tpu.vector_load %arg9[%parallel_loop3A_568, %parallel_loop3A_569] {strides = array<i32>} : memref<16x1024xf32, #tpu.memory_space<vmem>>, vector<1x16xf32>,
        %parallel_loop3A_571 = vector.shape_cast %parallel_loop3A_570 : vector<1x16xf32> to vector<16xf32>
        %parallel_loop3A_572 = vector.shape_cast %parallel_loop3A_567 : vector<16xf32> to vector<1x16xf32>
        tpu.vector_store %arg9[%parallel_loop3A_568, %parallel_loop3A_569], %parallel_loop3A_572 {add = true, strides = array<i32>} : memref<16x1024xf32, #tpu.memory_space<vmem>>, vector<1x16xf32>,
        %parallel_loop3A_573 = arith.index_cast %parallel_loop3A_212 : i32 to index
        %parallel_loop3A_574 = arith.constant 640 : index
        %parallel_loop3A_575 = tpu.vector_load %arg5[%parallel_loop3A_573, %parallel_loop3A_574] {strides = array<i32>} : memref<32x1024xf32, #tpu.memory_space<vmem>>, vector<1x16xf32>,
        %parallel_loop3A_576 = vector.shape_cast %parallel_loop3A_575 : vector<1x16xf32> to vector<16xf32>
        %parallel_loop3A_577 = arith.index_cast %parallel_loop3A_211 : i32 to index
        %parallel_loop3A_578 = arith.constant 640 : index
        %parallel_loop3A_579 = tpu.vector_load %arg9[%parallel_loop3A_577, %parallel_loop3A_578] {strides = array<i32>} : memref<16x1024xf32, #tpu.memory_space<vmem>>, vector<1x16xf32>,
        %parallel_loop3A_580 = vector.shape_cast %parallel_loop3A_579 : vector<1x16xf32> to vector<16xf32>
        %parallel_loop3A_581 = vector.shape_cast %parallel_loop3A_576 : vector<16xf32> to vector<1x16xf32>
        tpu.vector_store %arg9[%parallel_loop3A_577, %parallel_loop3A_578], %parallel_loop3A_581 {add = true, strides = array<i32>} : memref<16x1024xf32, #tpu.memory_space<vmem>>, vector<1x16xf32>,
        %parallel_loop3A_582 = arith.index_cast %parallel_loop3A_212 : i32 to index
        %parallel_loop3A_583 = arith.constant 656 : index
        %parallel_loop3A_584 = tpu.vector_load %arg5[%parallel_loop3A_582, %parallel_loop3A_583] {strides = array<i32>} : memref<32x1024xf32, #tpu.memory_space<vmem>>, vector<1x16xf32>,
        %parallel_loop3A_585 = vector.shape_cast %parallel_loop3A_584 : vector<1x16xf32> to vector<16xf32>
        %parallel_loop3A_586 = arith.index_cast %parallel_loop3A_211 : i32 to index
        %parallel_loop3A_587 = arith.constant 656 : index
        %parallel_loop3A_588 = tpu.vector_load %arg9[%parallel_loop3A_586, %parallel_loop3A_587] {strides = array<i32>} : memref<16x1024xf32, #tpu.memory_space<vmem>>, vector<1x16xf32>,
        %parallel_loop3A_589 = vector.shape_cast %parallel_loop3A_588 : vector<1x16xf32> to vector<16xf32>
        %parallel_loop3A_590 = vector.shape_cast %parallel_loop3A_585 : vector<16xf32> to vector<1x16xf32>
        tpu.vector_store %arg9[%parallel_loop3A_586, %parallel_loop3A_587], %parallel_loop3A_590 {add = true, strides = array<i32>} : memref<16x1024xf32, #tpu.memory_space<vmem>>, vector<1x16xf32>,
        %parallel_loop3A_591 = arith.index_cast %parallel_loop3A_212 : i32 to index
        %parallel_loop3A_592 = arith.constant 672 : index
        %parallel_loop3A_593 = tpu.vector_load %arg5[%parallel_loop3A_591, %parallel_loop3A_592] {strides = array<i32>} : memref<32x1024xf32, #tpu.memory_space<vmem>>, vector<1x16xf32>,
        %parallel_loop3A_594 = vector.shape_cast %parallel_loop3A_593 : vector<1x16xf32> to vector<16xf32>
        %parallel_loop3A_595 = arith.index_cast %parallel_loop3A_211 : i32 to index
        %parallel_loop3A_596 = arith.constant 672 : index
        %parallel_loop3A_597 = tpu.vector_load %arg9[%parallel_loop3A_595, %parallel_loop3A_596] {strides = array<i32>} : memref<16x1024xf32, #tpu.memory_space<vmem>>, vector<1x16xf32>,
        %parallel_loop3A_598 = vector.shape_cast %parallel_loop3A_597 : vector<1x16xf32> to vector<16xf32>
        %parallel_loop3A_599 = vector.shape_cast %parallel_loop3A_594 : vector<16xf32> to vector<1x16xf32>
        tpu.vector_store %arg9[%parallel_loop3A_595, %parallel_loop3A_596], %parallel_loop3A_599 {add = true, strides = array<i32>} : memref<16x1024xf32, #tpu.memory_space<vmem>>, vector<1x16xf32>,
        %parallel_loop3A_600 = arith.index_cast %parallel_loop3A_212 : i32 to index
        %parallel_loop3A_601 = arith.constant 688 : index
        %parallel_loop3A_602 = tpu.vector_load %arg5[%parallel_loop3A_600, %parallel_loop3A_601] {strides = array<i32>} : memref<32x1024xf32, #tpu.memory_space<vmem>>, vector<1x16xf32>,
        %parallel_loop3A_603 = vector.shape_cast %parallel_loop3A_602 : vector<1x16xf32> to vector<16xf32>
        %parallel_loop3A_604 = arith.index_cast %parallel_loop3A_211 : i32 to index
        %parallel_loop3A_605 = arith.constant 688 : index
        %parallel_loop3A_606 = tpu.vector_load %arg9[%parallel_loop3A_604, %parallel_loop3A_605] {strides = array<i32>} : memref<16x1024xf32, #tpu.memory_space<vmem>>, vector<1x16xf32>,
        %parallel_loop3A_607 = vector.shape_cast %parallel_loop3A_606 : vector<1x16xf32> to vector<16xf32>
        %parallel_loop3A_608 = vector.shape_cast %parallel_loop3A_603 : vector<16xf32> to vector<1x16xf32>
        tpu.vector_store %arg9[%parallel_loop3A_604, %parallel_loop3A_605], %parallel_loop3A_608 {add = true, strides = array<i32>} : memref<16x1024xf32, #tpu.memory_space<vmem>>, vector<1x16xf32>,
        %parallel_loop3A_609 = arith.index_cast %parallel_loop3A_212 : i32 to index
        %parallel_loop3A_610 = arith.constant 704 : index
        %parallel_loop3A_611 = tpu.vector_load %arg5[%parallel_loop3A_609, %parallel_loop3A_610] {strides = array<i32>} : memref<32x1024xf32, #tpu.memory_space<vmem>>, vector<1x16xf32>,
        %parallel_loop3A_612 = vector.shape_cast %parallel_loop3A_611 : vector<1x16xf32> to vector<16xf32>
        %parallel_loop3A_613 = arith.index_cast %parallel_loop3A_211 : i32 to index
        %parallel_loop3A_614 = arith.constant 704 : index
        %parallel_loop3A_615 = tpu.vector_load %arg9[%parallel_loop3A_613, %parallel_loop3A_614] {strides = array<i32>} : memref<16x1024xf32, #tpu.memory_space<vmem>>, vector<1x16xf32>,
        %parallel_loop3A_616 = vector.shape_cast %parallel_loop3A_615 : vector<1x16xf32> to vector<16xf32>
        %parallel_loop3A_617 = vector.shape_cast %parallel_loop3A_612 : vector<16xf32> to vector<1x16xf32>
        tpu.vector_store %arg9[%parallel_loop3A_613, %parallel_loop3A_614], %parallel_loop3A_617 {add = true, strides = array<i32>} : memref<16x1024xf32, #tpu.memory_space<vmem>>, vector<1x16xf32>,
        %parallel_loop3A_618 = arith.index_cast %parallel_loop3A_212 : i32 to index
        %parallel_loop3A_619 = arith.constant 720 : index
        %parallel_loop3A_620 = tpu.vector_load %arg5[%parallel_loop3A_618, %parallel_loop3A_619] {strides = array<i32>} : memref<32x1024xf32, #tpu.memory_space<vmem>>, vector<1x16xf32>,
        %parallel_loop3A_621 = vector.shape_cast %parallel_loop3A_620 : vector<1x16xf32> to vector<16xf32>
        %parallel_loop3A_622 = arith.index_cast %parallel_loop3A_211 : i32 to index
        %parallel_loop3A_623 = arith.constant 720 : index
        %parallel_loop3A_624 = tpu.vector_load %arg9[%parallel_loop3A_622, %parallel_loop3A_623] {strides = array<i32>} : memref<16x1024xf32, #tpu.memory_space<vmem>>, vector<1x16xf32>,
        %parallel_loop3A_625 = vector.shape_cast %parallel_loop3A_624 : vector<1x16xf32> to vector<16xf32>
        %parallel_loop3A_626 = vector.shape_cast %parallel_loop3A_621 : vector<16xf32> to vector<1x16xf32>
        tpu.vector_store %arg9[%parallel_loop3A_622, %parallel_loop3A_623], %parallel_loop3A_626 {add = true, strides = array<i32>} : memref<16x1024xf32, #tpu.memory_space<vmem>>, vector<1x16xf32>,
        %parallel_loop3A_627 = arith.index_cast %parallel_loop3A_212 : i32 to index
        %parallel_loop3A_628 = arith.constant 736 : index
        %parallel_loop3A_629 = tpu.vector_load %arg5[%parallel_loop3A_627, %parallel_loop3A_628] {strides = array<i32>} : memref<32x1024xf32, #tpu.memory_space<vmem>>, vector<1x16xf32>,
        %parallel_loop3A_630 = vector.shape_cast %parallel_loop3A_629 : vector<1x16xf32> to vector<16xf32>
        %parallel_loop3A_631 = arith.index_cast %parallel_loop3A_211 : i32 to index
        %parallel_loop3A_632 = arith.constant 736 : index
        %parallel_loop3A_633 = tpu.vector_load %arg9[%parallel_loop3A_631, %parallel_loop3A_632] {strides = array<i32>} : memref<16x1024xf32, #tpu.memory_space<vmem>>, vector<1x16xf32>,
        %parallel_loop3A_634 = vector.shape_cast %parallel_loop3A_633 : vector<1x16xf32> to vector<16xf32>
        %parallel_loop3A_635 = vector.shape_cast %parallel_loop3A_630 : vector<16xf32> to vector<1x16xf32>
        tpu.vector_store %arg9[%parallel_loop3A_631, %parallel_loop3A_632], %parallel_loop3A_635 {add = true, strides = array<i32>} : memref<16x1024xf32, #tpu.memory_space<vmem>>, vector<1x16xf32>,
        %parallel_loop3A_636 = arith.index_cast %parallel_loop3A_212 : i32 to index
        %parallel_loop3A_637 = arith.constant 752 : index
        %parallel_loop3A_638 = tpu.vector_load %arg5[%parallel_loop3A_636, %parallel_loop3A_637] {strides = array<i32>} : memref<32x1024xf32, #tpu.memory_space<vmem>>, vector<1x16xf32>,
        %parallel_loop3A_639 = vector.shape_cast %parallel_loop3A_638 : vector<1x16xf32> to vector<16xf32>
        %parallel_loop3A_640 = arith.index_cast %parallel_loop3A_211 : i32 to index
        %parallel_loop3A_641 = arith.constant 752 : index
        %parallel_loop3A_642 = tpu.vector_load %arg9[%parallel_loop3A_640, %parallel_loop3A_641] {strides = array<i32>} : memref<16x1024xf32, #tpu.memory_space<vmem>>, vector<1x16xf32>,
        %parallel_loop3A_643 = vector.shape_cast %parallel_loop3A_642 : vector<1x16xf32> to vector<16xf32>
        %parallel_loop3A_644 = vector.shape_cast %parallel_loop3A_639 : vector<16xf32> to vector<1x16xf32>
        tpu.vector_store %arg9[%parallel_loop3A_640, %parallel_loop3A_641], %parallel_loop3A_644 {add = true, strides = array<i32>} : memref<16x1024xf32, #tpu.memory_space<vmem>>, vector<1x16xf32>,
        %parallel_loop3A_645 = arith.index_cast %parallel_loop3A_212 : i32 to index
        %parallel_loop3A_646 = arith.constant 768 : index
        %parallel_loop3A_647 = tpu.vector_load %arg5[%parallel_loop3A_645, %parallel_loop3A_646] {strides = array<i32>} : memref<32x1024xf32, #tpu.memory_space<vmem>>, vector<1x16xf32>,
        %parallel_loop3A_648 = vector.shape_cast %parallel_loop3A_647 : vector<1x16xf32> to vector<16xf32>
        %parallel_loop3A_649 = arith.index_cast %parallel_loop3A_211 : i32 to index
        %parallel_loop3A_650 = arith.constant 768 : index
        %parallel_loop3A_651 = tpu.vector_load %arg9[%parallel_loop3A_649, %parallel_loop3A_650] {strides = array<i32>} : memref<16x1024xf32, #tpu.memory_space<vmem>>, vector<1x16xf32>,
        %parallel_loop3A_652 = vector.shape_cast %parallel_loop3A_651 : vector<1x16xf32> to vector<16xf32>
        %parallel_loop3A_653 = vector.shape_cast %parallel_loop3A_648 : vector<16xf32> to vector<1x16xf32>
        tpu.vector_store %arg9[%parallel_loop3A_649, %parallel_loop3A_650], %parallel_loop3A_653 {add = true, strides = array<i32>} : memref<16x1024xf32, #tpu.memory_space<vmem>>, vector<1x16xf32>,
        %parallel_loop3A_654 = arith.index_cast %parallel_loop3A_212 : i32 to index
        %parallel_loop3A_655 = arith.constant 784 : index
        %parallel_loop3A_656 = tpu.vector_load %arg5[%parallel_loop3A_654, %parallel_loop3A_655] {strides = array<i32>} : memref<32x1024xf32, #tpu.memory_space<vmem>>, vector<1x16xf32>,
        %parallel_loop3A_657 = vector.shape_cast %parallel_loop3A_656 : vector<1x16xf32> to vector<16xf32>
        %parallel_loop3A_658 = arith.index_cast %parallel_loop3A_211 : i32 to index
        %parallel_loop3A_659 = arith.constant 784 : index
        %parallel_loop3A_660 = tpu.vector_load %arg9[%parallel_loop3A_658, %parallel_loop3A_659] {strides = array<i32>} : memref<16x1024xf32, #tpu.memory_space<vmem>>, vector<1x16xf32>,
        %parallel_loop3A_661 = vector.shape_cast %parallel_loop3A_660 : vector<1x16xf32> to vector<16xf32>
        %parallel_loop3A_662 = vector.shape_cast %parallel_loop3A_657 : vector<16xf32> to vector<1x16xf32>
        tpu.vector_store %arg9[%parallel_loop3A_658, %parallel_loop3A_659], %parallel_loop3A_662 {add = true, strides = array<i32>} : memref<16x1024xf32, #tpu.memory_space<vmem>>, vector<1x16xf32>,
        %parallel_loop3A_663 = arith.index_cast %parallel_loop3A_212 : i32 to index
        %parallel_loop3A_664 = arith.constant 800 : index
        %parallel_loop3A_665 = tpu.vector_load %arg5[%parallel_loop3A_663, %parallel_loop3A_664] {strides = array<i32>} : memref<32x1024xf32, #tpu.memory_space<vmem>>, vector<1x16xf32>,
        %parallel_loop3A_666 = vector.shape_cast %parallel_loop3A_665 : vector<1x16xf32> to vector<16xf32>
        %parallel_loop3A_667 = arith.index_cast %parallel_loop3A_211 : i32 to index
        %parallel_loop3A_668 = arith.constant 800 : index
        %parallel_loop3A_669 = tpu.vector_load %arg9[%parallel_loop3A_667, %parallel_loop3A_668] {strides = array<i32>} : memref<16x1024xf32, #tpu.memory_space<vmem>>, vector<1x16xf32>,
        %parallel_loop3A_670 = vector.shape_cast %parallel_loop3A_669 : vector<1x16xf32> to vector<16xf32>
        %parallel_loop3A_671 = vector.shape_cast %parallel_loop3A_666 : vector<16xf32> to vector<1x16xf32>
        tpu.vector_store %arg9[%parallel_loop3A_667, %parallel_loop3A_668], %parallel_loop3A_671 {add = true, strides = array<i32>} : memref<16x1024xf32, #tpu.memory_space<vmem>>, vector<1x16xf32>,
        %parallel_loop3A_672 = arith.index_cast %parallel_loop3A_212 : i32 to index
        %parallel_loop3A_673 = arith.constant 816 : index
        %parallel_loop3A_674 = tpu.vector_load %arg5[%parallel_loop3A_672, %parallel_loop3A_673] {strides = array<i32>} : memref<32x1024xf32, #tpu.memory_space<vmem>>, vector<1x16xf32>,
        %parallel_loop3A_675 = vector.shape_cast %parallel_loop3A_674 : vector<1x16xf32> to vector<16xf32>
        %parallel_loop3A_676 = arith.index_cast %parallel_loop3A_211 : i32 to index
        %parallel_loop3A_677 = arith.constant 816 : index
        %parallel_loop3A_678 = tpu.vector_load %arg9[%parallel_loop3A_676, %parallel_loop3A_677] {strides = array<i32>} : memref<16x1024xf32, #tpu.memory_space<vmem>>, vector<1x16xf32>,
        %parallel_loop3A_679 = vector.shape_cast %parallel_loop3A_678 : vector<1x16xf32> to vector<16xf32>
        %parallel_loop3A_680 = vector.shape_cast %parallel_loop3A_675 : vector<16xf32> to vector<1x16xf32>
        tpu.vector_store %arg9[%parallel_loop3A_676, %parallel_loop3A_677], %parallel_loop3A_680 {add = true, strides = array<i32>} : memref<16x1024xf32, #tpu.memory_space<vmem>>, vector<1x16xf32>,
        %parallel_loop3A_681 = arith.index_cast %parallel_loop3A_212 : i32 to index
        %parallel_loop3A_682 = arith.constant 832 : index
        %parallel_loop3A_683 = tpu.vector_load %arg5[%parallel_loop3A_681, %parallel_loop3A_682] {strides = array<i32>} : memref<32x1024xf32, #tpu.memory_space<vmem>>, vector<1x16xf32>,
        %parallel_loop3A_684 = vector.shape_cast %parallel_loop3A_683 : vector<1x16xf32> to vector<16xf32>
        %parallel_loop3A_685 = arith.index_cast %parallel_loop3A_211 : i32 to index
        %parallel_loop3A_686 = arith.constant 832 : index
        %parallel_loop3A_687 = tpu.vector_load %arg9[%parallel_loop3A_685, %parallel_loop3A_686] {strides = array<i32>} : memref<16x1024xf32, #tpu.memory_space<vmem>>, vector<1x16xf32>,
        %parallel_loop3A_688 = vector.shape_cast %parallel_loop3A_687 : vector<1x16xf32> to vector<16xf32>
        %parallel_loop3A_689 = vector.shape_cast %parallel_loop3A_684 : vector<16xf32> to vector<1x16xf32>
        tpu.vector_store %arg9[%parallel_loop3A_685, %parallel_loop3A_686], %parallel_loop3A_689 {add = true, strides = array<i32>} : memref<16x1024xf32, #tpu.memory_space<vmem>>, vector<1x16xf32>,
        %parallel_loop3A_690 = arith.index_cast %parallel_loop3A_212 : i32 to index
        %parallel_loop3A_691 = arith.constant 848 : index
        %parallel_loop3A_692 = tpu.vector_load %arg5[%parallel_loop3A_690, %parallel_loop3A_691] {strides = array<i32>} : memref<32x1024xf32, #tpu.memory_space<vmem>>, vector<1x16xf32>,
        %parallel_loop3A_693 = vector.shape_cast %parallel_loop3A_692 : vector<1x16xf32> to vector<16xf32>
        %parallel_loop3A_694 = arith.index_cast %parallel_loop3A_211 : i32 to index
        %parallel_loop3A_695 = arith.constant 848 : index
        %parallel_loop3A_696 = tpu.vector_load %arg9[%parallel_loop3A_694, %parallel_loop3A_695] {strides = array<i32>} : memref<16x1024xf32, #tpu.memory_space<vmem>>, vector<1x16xf32>,
        %parallel_loop3A_697 = vector.shape_cast %parallel_loop3A_696 : vector<1x16xf32> to vector<16xf32>
        %parallel_loop3A_698 = vector.shape_cast %parallel_loop3A_693 : vector<16xf32> to vector<1x16xf32>
        tpu.vector_store %arg9[%parallel_loop3A_694, %parallel_loop3A_695], %parallel_loop3A_698 {add = true, strides = array<i32>} : memref<16x1024xf32, #tpu.memory_space<vmem>>, vector<1x16xf32>,
        %parallel_loop3A_699 = arith.index_cast %parallel_loop3A_212 : i32 to index
        %parallel_loop3A_700 = arith.constant 864 : index
        %parallel_loop3A_701 = tpu.vector_load %arg5[%parallel_loop3A_699, %parallel_loop3A_700] {strides = array<i32>} : memref<32x1024xf32, #tpu.memory_space<vmem>>, vector<1x16xf32>,
        %parallel_loop3A_702 = vector.shape_cast %parallel_loop3A_701 : vector<1x16xf32> to vector<16xf32>
        %parallel_loop3A_703 = arith.index_cast %parallel_loop3A_211 : i32 to index
        %parallel_loop3A_704 = arith.constant 864 : index
        %parallel_loop3A_705 = tpu.vector_load %arg9[%parallel_loop3A_703, %parallel_loop3A_704] {strides = array<i32>} : memref<16x1024xf32, #tpu.memory_space<vmem>>, vector<1x16xf32>,
        %parallel_loop3A_706 = vector.shape_cast %parallel_loop3A_705 : vector<1x16xf32> to vector<16xf32>
        %parallel_loop3A_707 = vector.shape_cast %parallel_loop3A_702 : vector<16xf32> to vector<1x16xf32>
        tpu.vector_store %arg9[%parallel_loop3A_703, %parallel_loop3A_704], %parallel_loop3A_707 {add = true, strides = array<i32>} : memref<16x1024xf32, #tpu.memory_space<vmem>>, vector<1x16xf32>,
        %parallel_loop3A_708 = arith.index_cast %parallel_loop3A_212 : i32 to index
        %parallel_loop3A_709 = arith.constant 880 : index
        %parallel_loop3A_710 = tpu.vector_load %arg5[%parallel_loop3A_708, %parallel_loop3A_709] {strides = array<i32>} : memref<32x1024xf32, #tpu.memory_space<vmem>>, vector<1x16xf32>,
        %parallel_loop3A_711 = vector.shape_cast %parallel_loop3A_710 : vector<1x16xf32> to vector<16xf32>
        %parallel_loop3A_712 = arith.index_cast %parallel_loop3A_211 : i32 to index
        %parallel_loop3A_713 = arith.constant 880 : index
        %parallel_loop3A_714 = tpu.vector_load %arg9[%parallel_loop3A_712, %parallel_loop3A_713] {strides = array<i32>} : memref<16x1024xf32, #tpu.memory_space<vmem>>, vector<1x16xf32>,
        %parallel_loop3A_715 = vector.shape_cast %parallel_loop3A_714 : vector<1x16xf32> to vector<16xf32>
        %parallel_loop3A_716 = vector.shape_cast %parallel_loop3A_711 : vector<16xf32> to vector<1x16xf32>
        tpu.vector_store %arg9[%parallel_loop3A_712, %parallel_loop3A_713], %parallel_loop3A_716 {add = true, strides = array<i32>} : memref<16x1024xf32, #tpu.memory_space<vmem>>, vector<1x16xf32>,
        %parallel_loop3A_717 = arith.index_cast %parallel_loop3A_212 : i32 to index
        %parallel_loop3A_718 = arith.constant 896 : index
        %parallel_loop3A_719 = tpu.vector_load %arg5[%parallel_loop3A_717, %parallel_loop3A_718] {strides = array<i32>} : memref<32x1024xf32, #tpu.memory_space<vmem>>, vector<1x16xf32>,
        %parallel_loop3A_720 = vector.shape_cast %parallel_loop3A_719 : vector<1x16xf32> to vector<16xf32>
        %parallel_loop3A_721 = arith.index_cast %parallel_loop3A_211 : i32 to index
        %parallel_loop3A_722 = arith.constant 896 : index
        %parallel_loop3A_723 = tpu.vector_load %arg9[%parallel_loop3A_721, %parallel_loop3A_722] {strides = array<i32>} : memref<16x1024xf32, #tpu.memory_space<vmem>>, vector<1x16xf32>,
        %parallel_loop3A_724 = vector.shape_cast %parallel_loop3A_723 : vector<1x16xf32> to vector<16xf32>
        %parallel_loop3A_725 = vector.shape_cast %parallel_loop3A_720 : vector<16xf32> to vector<1x16xf32>
        tpu.vector_store %arg9[%parallel_loop3A_721, %parallel_loop3A_722], %parallel_loop3A_725 {add = true, strides = array<i32>} : memref<16x1024xf32, #tpu.memory_space<vmem>>, vector<1x16xf32>,
        %parallel_loop3A_726 = arith.index_cast %parallel_loop3A_212 : i32 to index
        %parallel_loop3A_727 = arith.constant 912 : index
        %parallel_loop3A_728 = tpu.vector_load %arg5[%parallel_loop3A_726, %parallel_loop3A_727] {strides = array<i32>} : memref<32x1024xf32, #tpu.memory_space<vmem>>, vector<1x16xf32>,
        %parallel_loop3A_729 = vector.shape_cast %parallel_loop3A_728 : vector<1x16xf32> to vector<16xf32>
        %parallel_loop3A_730 = arith.index_cast %parallel_loop3A_211 : i32 to index
        %parallel_loop3A_731 = arith.constant 912 : index
        %parallel_loop3A_732 = tpu.vector_load %arg9[%parallel_loop3A_730, %parallel_loop3A_731] {strides = array<i32>} : memref<16x1024xf32, #tpu.memory_space<vmem>>, vector<1x16xf32>,
        %parallel_loop3A_733 = vector.shape_cast %parallel_loop3A_732 : vector<1x16xf32> to vector<16xf32>
        %parallel_loop3A_734 = vector.shape_cast %parallel_loop3A_729 : vector<16xf32> to vector<1x16xf32>
        tpu.vector_store %arg9[%parallel_loop3A_730, %parallel_loop3A_731], %parallel_loop3A_734 {add = true, strides = array<i32>} : memref<16x1024xf32, #tpu.memory_space<vmem>>, vector<1x16xf32>,
        %parallel_loop3A_735 = arith.index_cast %parallel_loop3A_212 : i32 to index
        %parallel_loop3A_736 = arith.constant 928 : index
        %parallel_loop3A_737 = tpu.vector_load %arg5[%parallel_loop3A_735, %parallel_loop3A_736] {strides = array<i32>} : memref<32x1024xf32, #tpu.memory_space<vmem>>, vector<1x16xf32>,
        %parallel_loop3A_738 = vector.shape_cast %parallel_loop3A_737 : vector<1x16xf32> to vector<16xf32>
        %parallel_loop3A_739 = arith.index_cast %parallel_loop3A_211 : i32 to index
        %parallel_loop3A_740 = arith.constant 928 : index
        %parallel_loop3A_741 = tpu.vector_load %arg9[%parallel_loop3A_739, %parallel_loop3A_740] {strides = array<i32>} : memref<16x1024xf32, #tpu.memory_space<vmem>>, vector<1x16xf32>,
        %parallel_loop3A_742 = vector.shape_cast %parallel_loop3A_741 : vector<1x16xf32> to vector<16xf32>
        %parallel_loop3A_743 = vector.shape_cast %parallel_loop3A_738 : vector<16xf32> to vector<1x16xf32>
        tpu.vector_store %arg9[%parallel_loop3A_739, %parallel_loop3A_740], %parallel_loop3A_743 {add = true, strides = array<i32>} : memref<16x1024xf32, #tpu.memory_space<vmem>>, vector<1x16xf32>,
        %parallel_loop3A_744 = arith.index_cast %parallel_loop3A_212 : i32 to index
        %parallel_loop3A_745 = arith.constant 944 : index
        %parallel_loop3A_746 = tpu.vector_load %arg5[%parallel_loop3A_744, %parallel_loop3A_745] {strides = array<i32>} : memref<32x1024xf32, #tpu.memory_space<vmem>>, vector<1x16xf32>,
        %parallel_loop3A_747 = vector.shape_cast %parallel_loop3A_746 : vector<1x16xf32> to vector<16xf32>
        %parallel_loop3A_748 = arith.index_cast %parallel_loop3A_211 : i32 to index
        %parallel_loop3A_749 = arith.constant 944 : index
        %parallel_loop3A_750 = tpu.vector_load %arg9[%parallel_loop3A_748, %parallel_loop3A_749] {strides = array<i32>} : memref<16x1024xf32, #tpu.memory_space<vmem>>, vector<1x16xf32>,
        %parallel_loop3A_751 = vector.shape_cast %parallel_loop3A_750 : vector<1x16xf32> to vector<16xf32>
        %parallel_loop3A_752 = vector.shape_cast %parallel_loop3A_747 : vector<16xf32> to vector<1x16xf32>
        tpu.vector_store %arg9[%parallel_loop3A_748, %parallel_loop3A_749], %parallel_loop3A_752 {add = true, strides = array<i32>} : memref<16x1024xf32, #tpu.memory_space<vmem>>, vector<1x16xf32>,
        %parallel_loop3A_753 = arith.index_cast %parallel_loop3A_212 : i32 to index
        %parallel_loop3A_754 = arith.constant 960 : index
        %parallel_loop3A_755 = tpu.vector_load %arg5[%parallel_loop3A_753, %parallel_loop3A_754] {strides = array<i32>} : memref<32x1024xf32, #tpu.memory_space<vmem>>, vector<1x16xf32>,
        %parallel_loop3A_756 = vector.shape_cast %parallel_loop3A_755 : vector<1x16xf32> to vector<16xf32>
        %parallel_loop3A_757 = arith.index_cast %parallel_loop3A_211 : i32 to index
        %parallel_loop3A_758 = arith.constant 960 : index
        %parallel_loop3A_759 = tpu.vector_load %arg9[%parallel_loop3A_757, %parallel_loop3A_758] {strides = array<i32>} : memref<16x1024xf32, #tpu.memory_space<vmem>>, vector<1x16xf32>,
        %parallel_loop3A_760 = vector.shape_cast %parallel_loop3A_759 : vector<1x16xf32> to vector<16xf32>
        %parallel_loop3A_761 = vector.shape_cast %parallel_loop3A_756 : vector<16xf32> to vector<1x16xf32>
        tpu.vector_store %arg9[%parallel_loop3A_757, %parallel_loop3A_758], %parallel_loop3A_761 {add = true, strides = array<i32>} : memref<16x1024xf32, #tpu.memory_space<vmem>>, vector<1x16xf32>,
        %parallel_loop3A_762 = arith.index_cast %parallel_loop3A_212 : i32 to index
        %parallel_loop3A_763 = arith.constant 976 : index
        %parallel_loop3A_764 = tpu.vector_load %arg5[%parallel_loop3A_762, %parallel_loop3A_763] {strides = array<i32>} : memref<32x1024xf32, #tpu.memory_space<vmem>>, vector<1x16xf32>,
        %parallel_loop3A_765 = vector.shape_cast %parallel_loop3A_764 : vector<1x16xf32> to vector<16xf32>
        %parallel_loop3A_766 = arith.index_cast %parallel_loop3A_211 : i32 to index
        %parallel_loop3A_767 = arith.constant 976 : index
        %parallel_loop3A_768 = tpu.vector_load %arg9[%parallel_loop3A_766, %parallel_loop3A_767] {strides = array<i32>} : memref<16x1024xf32, #tpu.memory_space<vmem>>, vector<1x16xf32>,
        %parallel_loop3A_769 = vector.shape_cast %parallel_loop3A_768 : vector<1x16xf32> to vector<16xf32>
        %parallel_loop3A_770 = vector.shape_cast %parallel_loop3A_765 : vector<16xf32> to vector<1x16xf32>
        tpu.vector_store %arg9[%parallel_loop3A_766, %parallel_loop3A_767], %parallel_loop3A_770 {add = true, strides = array<i32>} : memref<16x1024xf32, #tpu.memory_space<vmem>>, vector<1x16xf32>,
        %parallel_loop3A_771 = arith.index_cast %parallel_loop3A_212 : i32 to index
        %parallel_loop3A_772 = arith.constant 992 : index
        %parallel_loop3A_773 = tpu.vector_load %arg5[%parallel_loop3A_771, %parallel_loop3A_772] {strides = array<i32>} : memref<32x1024xf32, #tpu.memory_space<vmem>>, vector<1x16xf32>,
        %parallel_loop3A_774 = vector.shape_cast %parallel_loop3A_773 : vector<1x16xf32> to vector<16xf32>
        %parallel_loop3A_775 = arith.index_cast %parallel_loop3A_211 : i32 to index
        %parallel_loop3A_776 = arith.constant 992 : index
        %parallel_loop3A_777 = tpu.vector_load %arg9[%parallel_loop3A_775, %parallel_loop3A_776] {strides = array<i32>} : memref<16x1024xf32, #tpu.memory_space<vmem>>, vector<1x16xf32>,
        %parallel_loop3A_778 = vector.shape_cast %parallel_loop3A_777 : vector<1x16xf32> to vector<16xf32>
        %parallel_loop3A_779 = vector.shape_cast %parallel_loop3A_774 : vector<16xf32> to vector<1x16xf32>
        tpu.vector_store %arg9[%parallel_loop3A_775, %parallel_loop3A_776], %parallel_loop3A_779 {add = true, strides = array<i32>} : memref<16x1024xf32, #tpu.memory_space<vmem>>, vector<1x16xf32>,
        %parallel_loop3A_780 = arith.index_cast %parallel_loop3A_212 : i32 to index
        %parallel_loop3A_781 = arith.constant 1008 : index
        %parallel_loop3A_782 = tpu.vector_load %arg5[%parallel_loop3A_780, %parallel_loop3A_781] {strides = array<i32>} : memref<32x1024xf32, #tpu.memory_space<vmem>>, vector<1x16xf32>,
        %parallel_loop3A_783 = vector.shape_cast %parallel_loop3A_782 : vector<1x16xf32> to vector<16xf32>
        %parallel_loop3A_784 = arith.index_cast %parallel_loop3A_211 : i32 to index
        %parallel_loop3A_785 = arith.constant 1008 : index
        %parallel_loop3A_786 = tpu.vector_load %arg9[%parallel_loop3A_784, %parallel_loop3A_785] {strides = array<i32>} : memref<16x1024xf32, #tpu.memory_space<vmem>>, vector<1x16xf32>,
        %parallel_loop3A_787 = vector.shape_cast %parallel_loop3A_786 : vector<1x16xf32> to vector<16xf32>
        %parallel_loop3A_788 = vector.shape_cast %parallel_loop3A_783 : vector<16xf32> to vector<1x16xf32>
        tpu.vector_store %arg9[%parallel_loop3A_784, %parallel_loop3A_785], %parallel_loop3A_788 {add = true, strides = array<i32>} : memref<16x1024xf32, #tpu.memory_space<vmem>>, vector<1x16xf32>,
      } {sc.loop_unroll_factor = 4 : i64, sc.parallel_access}
      %dma_start3A_203 = arith.constant 3 : i32
      %dma_start3A_204 = arith.constant 0 : i32
      %dma_start3A_205 = tpu.memref_slice %arg4[%dma_start3A_203, %add3A_74, %dma_start3A_204] : memref<4x8192x1024xf32, #tpu.memory_space<hbm>> -> memref<1x16x1024xf32, #tpu.memory_space<hbm>>
      %dma_start3A_206 = tpu.memref_squeeze %dma_start3A_205 : memref<1x16x1024xf32, #tpu.memory_space<hbm>> -> memref<16x1024xf32, #tpu.memory_space<hbm>>
      %dma_start3A_207 = arith.constant 0 : i32
      %dma_start3A_208 = tpu.memref_slice %arg4[%dma_start3A_203, %add3A_74, %dma_start3A_207] : memref<4x8192x1024xf32, #tpu.memory_space<hbm>> -> memref<1x16x1024xf32, #tpu.memory_space<hbm>>
      %dma_start3A_209 = tpu.memref_squeeze %dma_start3A_208 : memref<1x16x1024xf32, #tpu.memory_space<hbm>> -> memref<16x1024xf32, #tpu.memory_space<hbm>>
      tpu.enqueue_dma source(%arg9 : memref<16x1024xf32, #tpu.memory_space<vmem>>) target(%dma_start3A_209 : memref<16x1024xf32, #tpu.memory_space<hbm>>) target_semaphore(%arg18 : memref<!tpu.dma_semaphore, #tpu.memory_space<semaphore_mem>>)
      %scan3A_210 = arith.constant 0 : i32
      scf.yield %scan3A_210 : i32
    }
    %scan3A_31 = arith.constant 16 : i32
    %dma_wait3A = arith.constant 0 : i32
    %dma_wait3A_32 = arith.constant 0 : i32
    %dma_wait3A_33 = arith.constant 0 : i32
    %dma_wait3A_34 = tpu.memref_slice %arg4[%dma_wait3A, %dma_wait3A_32, %dma_wait3A_33] : memref<4x8192x1024xf32, #tpu.memory_space<hbm>> -> memref<1x16x1024xf32, #tpu.memory_space<hbm>>
    %dma_wait3A_35 = tpu.memref_squeeze %dma_wait3A_34 : memref<1x16x1024xf32, #tpu.memory_space<hbm>> -> memref<16x1024xf32, #tpu.memory_space<hbm>>
    %dma_wait3A_36 = arith.constant 0 : i32
    %dma_wait3A_37 = arith.constant 0 : i32
    %dma_wait3A_38 = tpu.memref_slice %arg4[%dma_wait3A, %dma_wait3A_36, %dma_wait3A_37] : memref<4x8192x1024xf32, #tpu.memory_space<hbm>> -> memref<1x16x1024xf32, #tpu.memory_space<hbm>>
    %dma_wait3A_39 = tpu.memref_squeeze %dma_wait3A_38 : memref<1x16x1024xf32, #tpu.memory_space<hbm>> -> memref<16x1024xf32, #tpu.memory_space<hbm>>
    tpu.wait_dma2 semaphore(%arg15 : memref<!tpu.dma_semaphore, #tpu.memory_space<semaphore_mem>>) src(%arg6 : memref<16x1024xf32, #tpu.memory_space<vmem>>) dst(%dma_wait3A_39 : memref<16x1024xf32, #tpu.memory_space<hbm>>)
    %dma_wait3A_40 = arith.constant 0 : i32
    %dma_wait3A_41 = arith.constant 0 : i32
    %dma_wait3A_42 = arith.constant 0 : i32
    %dma_wait3A_43 = tpu.memref_slice %arg4[%dma_wait3A_40, %dma_wait3A_41, %dma_wait3A_42] : memref<4x8192x1024xf32, #tpu.memory_space<hbm>> -> memref<1x16x1024xf32, #tpu.memory_space<hbm>>
    %dma_wait3A_44 = tpu.memref_squeeze %dma_wait3A_43 : memref<1x16x1024xf32, #tpu.memory_space<hbm>> -> memref<16x1024xf32, #tpu.memory_space<hbm>>
    %dma_wait3A_45 = arith.constant 0 : i32
    %dma_wait3A_46 = arith.constant 0 : i32
    %dma_wait3A_47 = tpu.memref_slice %arg4[%dma_wait3A_40, %dma_wait3A_45, %dma_wait3A_46] : memref<4x8192x1024xf32, #tpu.memory_space<hbm>> -> memref<1x16x1024xf32, #tpu.memory_space<hbm>>
    %dma_wait3A_48 = tpu.memref_squeeze %dma_wait3A_47 : memref<1x16x1024xf32, #tpu.memory_space<hbm>> -> memref<16x1024xf32, #tpu.memory_space<hbm>>
    tpu.wait_dma2 semaphore(%arg16 : memref<!tpu.dma_semaphore, #tpu.memory_space<semaphore_mem>>) src(%arg7 : memref<16x1024xf32, #tpu.memory_space<vmem>>) dst(%dma_wait3A_48 : memref<16x1024xf32, #tpu.memory_space<hbm>>)
    %dma_wait3A_49 = arith.constant 0 : i32
    %dma_wait3A_50 = arith.constant 0 : i32
    %dma_wait3A_51 = arith.constant 0 : i32
    %dma_wait3A_52 = tpu.memref_slice %arg4[%dma_wait3A_49, %dma_wait3A_50, %dma_wait3A_51] : memref<4x8192x1024xf32, #tpu.memory_space<hbm>> -> memref<1x16x1024xf32, #tpu.memory_space<hbm>>
    %dma_wait3A_53 = tpu.memref_squeeze %dma_wait3A_52 : memref<1x16x1024xf32, #tpu.memory_space<hbm>> -> memref<16x1024xf32, #tpu.memory_space<hbm>>
    %dma_wait3A_54 = arith.constant 0 : i32
    %dma_wait3A_55 = arith.constant 0 : i32
    %dma_wait3A_56 = tpu.memref_slice %arg4[%dma_wait3A_49, %dma_wait3A_54, %dma_wait3A_55] : memref<4x8192x1024xf32, #tpu.memory_space<hbm>> -> memref<1x16x1024xf32, #tpu.memory_space<hbm>>
    %dma_wait3A_57 = tpu.memref_squeeze %dma_wait3A_56 : memref<1x16x1024xf32, #tpu.memory_space<hbm>> -> memref<16x1024xf32, #tpu.memory_space<hbm>>
    tpu.wait_dma2 semaphore(%arg17 : memref<!tpu.dma_semaphore, #tpu.memory_space<semaphore_mem>>) src(%arg8 : memref<16x1024xf32, #tpu.memory_space<vmem>>) dst(%dma_wait3A_57 : memref<16x1024xf32, #tpu.memory_space<hbm>>)
    %dma_wait3A_58 = arith.constant 0 : i32
    %dma_wait3A_59 = arith.constant 0 : i32
    %dma_wait3A_60 = arith.constant 0 : i32
    %dma_wait3A_61 = tpu.memref_slice %arg4[%dma_wait3A_58, %dma_wait3A_59, %dma_wait3A_60] : memref<4x8192x1024xf32, #tpu.memory_space<hbm>> -> memref<1x16x1024xf32, #tpu.memory_space<hbm>>
    %dma_wait3A_62 = tpu.memref_squeeze %dma_wait3A_61 : memref<1x16x1024xf32, #tpu.memory_space<hbm>> -> memref<16x1024xf32, #tpu.memory_space<hbm>>
    %dma_wait3A_63 = arith.constant 0 : i32
    %dma_wait3A_64 = arith.constant 0 : i32
    %dma_wait3A_65 = tpu.memref_slice %arg4[%dma_wait3A_58, %dma_wait3A_63, %dma_wait3A_64] : memref<4x8192x1024xf32, #tpu.memory_space<hbm>> -> memref<1x16x1024xf32, #tpu.memory_space<hbm>>
    %dma_wait3A_66 = tpu.memref_squeeze %dma_wait3A_65 : memref<1x16x1024xf32, #tpu.memory_space<hbm>> -> memref<16x1024xf32, #tpu.memory_space<hbm>>
    tpu.wait_dma2 semaphore(%arg18 : memref<!tpu.dma_semaphore, #tpu.memory_space<semaphore_mem>>) src(%arg9 : memref<16x1024xf32, #tpu.memory_space<vmem>>) dst(%dma_wait3A_66 : memref<16x1024xf32, #tpu.memory_space<hbm>>)
    return
  }
}

</mosaic_0001>

<sc_bundles>
// kernel: kernel.3.cloned.1.call-start
scs
__scs_entry_jumppad:
0x0: {  	(pc) =	sbr.rel $0x88, $3  }
0x1: {  	(tag) =	ssettag $0x0;
	lr =	simm.s32 $0x1  }
0x2: {  	[smem:$0x3F9F] =	sst lr;
	_ =	strace $0xD0000000  }
0x3: {  	_ = 	snop  }
0x4: {  	_ = 	snop  }
0x5: {  	_ = 	snop  }
0x6: {  	_ = 	snop  }
0x7: {  	_ = 	snop  }
__scs_overlays_trampoline_lowered:
0x8: {  	[smem:$0x3FAE] =	sst s0  }
0x9: {  	[smem:$0x3FAF] =	sst s1  }
0xa: {  	[smem:$0x3FB0] =	sst s2  }
0xb: {  	[smem:$0x3FB1] =	sst s3  }
0xc: {  	[smem:$0x3FB2] =	sst s4  }
0xd: {  	[smem:$0x3FB3] =	sst s5  }
0xe: {  	[smem:$0x3FB4] =	sst s6  }
0xf: {  	[smem:$0x3FB5] =	sst s7  }
0x10: {  	[smem:$0x3FB6] =	sst s8  }
0x11: {  	[smem:$0x3FB7] =	sst s9;
	s0 =	simm.s32 @!p0 $0x0  }
0x12: {  	s1 =	sld [smem:$0x3F9D];
	s0 =	simm.s32 @p0 $0x1  }
0x13: {  	[smem:$0x3FB8] =	sst s0;
	s0 =	simm.s32 @!p1 $0x0  }
0x14: {  	s2 =	sld [smem:$0x3F9C];
	s0 =	simm.s32 @p1 $0x1  }
0x15: {  	[smem:$0x3FB9] =	sst s0;
	s0 =	simm.s32 @!p2 $0x0  }
0x16: {  	s3 =	sld [smem:$0x3FDB];
	s0 =	simm.s32 @p2 $0x1  }
0x17: {  	s4 =	simm.s32 $0x1BF5;
	[smem:$0x3FBB] =	sst s0  }
0x18: {  	s0 =	sld [smem:$0x3F9E];
	_ =	swait.ge [sflag:s4], $0x0  }
0x19: {  	s7 =	sld [smem:$0x3F9F]  }
0x1a: {  	s8 =	sadd.s32 $0xFFFFE003, lr  }
0x1b: {  	s9 =	sadd.s32 $0xFFFFFEF7, lr;
	s5 =	simm.s32 $0xFFFFFFFF;
	p2 =	slt.u32 s8, $0xFFFFF086  }
0x1c: {  	p1 =	slt.u32 s9, $0xF7A;
	s5 =	simm.s32 @!p2 $0x0  }
0x1d: {  	s5 =	simm.s32 @p1 $0x1;
	p0 =	seq.s32 s7, s2  }
0x1e: {  	s7 =	smul.u32 @!p0 $0xF7A, s2;
	p2 =	seq.s32 @!p0 s5, $0x0  }
0x1f: {  	s9 =	smul.u32 $0xF7A, s1;
	s8 =	simm.s32 @!p0 $0x1BF5;
	p2 =	por !p2, p0  }
0x20: {  	[sflag:s8] =	ssyncset.s32 @!p0 $0xFFFFF086;
	s6 =	sadd.s32 @!p0 s3, s7;
	s7 =	simm.s32 @!p0 $0x108  }
0x21: {  	s3 =	sadd.s32 s3, s9;
	s6 =	sadd.s32 @!p0 $0x88, s6;
	s7 =	simm.s32 @p2 $0x1082  }
0x22: {  	[simem:s7], [sflag:s8] =	dma.local @!p0 [hbm:s6], $0xF7A  }
0x23: {  	s9 =	sor.u32 $0xD0000000, s2;
	s6 =	simm.s32 $0x108;
	_ =	swait.ge @!p0 [sflag:s8], $0x0  }
0x24: {  	s3 =	sadd.s32 $0x88, s3;
	s6 =	simm.s32 @!p1 $0x1082;
	[sflag:s4] =	ssyncset.s32 $0xFFFFF086  }
0x25: {  	[simem:s6], [sflag:s4] =	dma.local [hbm:s3], $0xF7A  }
0x26: {  	[smem:$0x3F9F] =	sst s1;
	(tag) =	ssettag s2;
	_ =	strace s9  }
0x27: {  	s1 =	sld [smem:$0x3FAF]  }
0x28: {  	s2 =	sld [smem:$0x3FB0]  }
0x29: {  	s4 =	sld [smem:$0x3FB2]  }
0x2a: {  	p0 =	seq.s32 s5, $0x0;
	s5 =	sld [smem:$0x3FB3]  }
0x2b: {  	s6 =	sld [smem:$0x3FB4]  }
0x2c: {  	s7 =	sld [smem:$0x3FB5]  }
0x2d: {  	s3 =	simm.s32 $0x108;
	s8 =	sld [smem:$0x3FB6]  }
0x2e: {  	s3 =	simm.s32 @!p0 $0x1082;
	s9 =	sld [smem:$0x3FB7]  }
0x2f: {  	lr =	sadd.s32 s0, s3;
	s0 =	sld [smem:$0x3FAE]  }
0x30: {  	s3 =	sld [smem:$0x3FB1]  }
0x31: {  	[smem:$0x3FBA] =	sst s10  }
0x32: {  	s10 =	sld [smem:$0x3FB8];
	_ =	sdelay $0x3  }
0x33: {  	p0 =	seq.s32 s10, $0x1;
	s10 =	sld [smem:$0x3FBA];
	_ =	sdelay $0x3  }
0x34: {  	[smem:$0x3FBA] =	sst s10  }
0x35: {  	s10 =	sld [smem:$0x3FB9];
	_ =	sdelay $0x3  }
0x36: {  	p1 =	seq.s32 s10, $0x1;
	s10 =	sld [smem:$0x3FBA];
	_ =	sdelay $0x3  }
0x37: {  	[smem:$0x3FBA] =	sst s10  }
0x38: {  	s10 =	sld [smem:$0x3FBB]  }
0x39: {  	_ = 	snop;
	(pc) =	sbr.ind lr, $3  }
0x3a: {  	_ = 	snop  }
0x3b: {  	_ = 	snop  }
0x3c: {  	p2 =	seq.s32 s10, $0x1;
	s10 =	sld [smem:$0x3FBA]  }
0x3d: {  	_ =	shalt  }
0x3e: {  	_ =	shalt  }
0x3f: {  	_ =	shalt  }
0x40: {  	_ =	shalt  }
0x41: {  	_ =	shalt  }
0x42: {  	_ =	shalt  }
0x43: {  	_ =	shalt  }
0x44: {  	_ =	shalt  }
0x45: {  	_ =	shalt  }
0x46: {  	_ =	shalt  }
0x47: {  	_ =	shalt  }
0x48: {  	_ =	shalt  }
0x49: {  	_ =	shalt  }
0x4a: {  	_ =	shalt  }
0x4b: {  	_ =	shalt  }
0x4c: {  	_ =	shalt  }
0x4d: {  	_ =	shalt  }
0x4e: {  	_ =	shalt  }
0x4f: {  	_ =	shalt  }
0x50: {  	_ =	shalt  }
0x51: {  	_ =	shalt  }
0x52: {  	_ =	shalt  }
0x53: {  	_ =	shalt  }
0x54: {  	_ =	shalt  }
0x55: {  	_ =	shalt  }
0x56: {  	_ =	shalt  }
0x57: {  	_ =	shalt  }
0x58: {  	_ =	shalt  }
0x59: {  	_ =	shalt  }
0x5a: {  	_ =	shalt  }
0x5b: {  	_ =	shalt  }
0x5c: {  	_ =	shalt  }
0x5d: {  	_ =	shalt  }
0x5e: {  	_ =	shalt  }
0x5f: {  	_ =	shalt  }
0x60: {  	_ =	shalt  }
0x61: {  	_ =	shalt  }
0x62: {  	_ =	shalt  }
0x63: {  	_ =	shalt  }
0x64: {  	_ =	shalt  }
0x65: {  	_ =	shalt  }
0x66: {  	_ =	shalt  }
0x67: {  	_ =	shalt  }
0x68: {  	_ =	shalt  }
0x69: {  	_ =	shalt  }
0x6a: {  	_ =	shalt  }
0x6b: {  	_ =	shalt  }
0x6c: {  	_ =	shalt  }
0x6d: {  	_ =	shalt  }
0x6e: {  	_ =	shalt  }
0x6f: {  	_ =	shalt  }
0x70: {  	_ =	shalt  }
0x71: {  	_ =	shalt  }
0x72: {  	_ =	shalt  }
0x73: {  	_ =	shalt  }
0x74: {  	_ =	shalt  }
0x75: {  	_ =	shalt  }
0x76: {  	_ =	shalt  }
0x77: {  	_ =	shalt  }
0x78: {  	_ =	shalt  }
0x79: {  	_ =	shalt  }
0x7a: {  	_ =	shalt  }
0x7b: {  	_ =	shalt  }
0x7c: {  	_ =	shalt  }
0x7d: {  	_ =	shalt  }
0x7e: {  	_ =	shalt  }
0x7f: {  	_ =	shalt  }
0x80: {  	_ =	shalt  }
0x81: {  	_ =	shalt  }
0x82: {  	_ =	shalt  }
0x83: {  	_ =	shalt  }
0x84: {  	_ =	shalt  }
0x85: {  	_ =	shalt  }
0x86: {  	_ =	shalt  }
0x87: {  	_ =	shalt  }
.Lfunc_end0:
.L_simem_size_0:
called_computation_lowered:
.L_overlay_start_0:
0x88: {  	s2 =	sld [smem:$0x3FD9]  }
0x89: {  	s3 =	sld [smem:$0x3FFE];
	_ =	sdelay $0x1  }
0x8a: {  	s1 =	srdreg.scid  }
0x8b: {  	s0 =	sand.u32 $0x1, s1  }
0x8c: {  	s18 =	sshll.u32 s0, $0xA;
	s2 =	sadd.s32 s3, s2  }
0x8d: {  	s2 =	sadd.s32 s2, s18  }
0x8e: {  	[smem:$0x3FC6] =	sst s2  }
0x8f: {  	_ = 	snop  }
0x90: {  	s2 =	sld [smem:$0x3FC9]  }
0x91: {  	s19 =	sld [smem:$0x3FC8]  }
0x92: {  	s4 =	sld [smem:$0x3FD0];
	(tm) =	ssettm $0x1  }
0x93: {  	s5 =	sld [smem:$0x3FFB];
	_ =	sdelay $0x3  }
0x94: {  	_ =	strace s5  }
0x95: {  	s5 =	sld [smem:$0x3FFC];
	_ =	sdelay $0x3  }
0x96: {  	_ =	strace s5  }
0x97: {  	s5 =	sld [smem:$0x3FFD];
	_ =	sdelay $0x3  }
0x98: {  	_ =	strace s5  }
0x99: {  	_ =	strace $0x8FFFFFFF  }
0x9a: {  	s20 =	sld [smem:$0x3FDB];
	_ =	sdelay $0x1  }
0x9b: {  	s6 =	simm.s32 $_scs_section_size  }
0x9c: {  	s7 =	simm.s32 $_size__tile_overlayer_lowered;
	s8 =	simm.s32 $_tile_overlayer_lowered  }
0x9d: {  	s23 =	simm.s32 $0x1BFF;
	s22 =	sshll.u32 s8, $0x1;
	s5 =	sadd.s32 s6, s20  }
0x9e: {  	s9 =	simm.s32 $0x0;
	s21 =	sshll.u32 s7, $0x1;
	s7 =	sadd.s32 s22, s5  }
0x9f: {  	[timem:s9], [sflag:s23] =	dma.local [hbm:s7], s21  }
0xa0: {  	_ =	swait.ge [sflag:s23], s21  }
0xa1: {  	s6 =	ssub.s32 $0x0, s21;
	[sflag:s23] =	ssyncset.done $0x0  }
0xa2: {  	[sflag:s23] =	ssyncadd.s32 s6;
	_ =	sdelay $0x1  }
0xa3: {  	s24 =	simm.s32 $0x1B8B  }
0xa4: {  	_ =	swait.ge [sflag:s24], $0x1  }
0xa5: {  	[sflag:s24] =	ssyncset.done $0x0  }
0xa6: {  	s25 =	simm.s32 $0x1B8E;
	[sflag:s24] =	ssyncadd.s32 $0xFFFFFFFF  }
0xa7: {  	s26 =	simm.s32 $execute0_lowered;
	[smem:$0x3FD2] =	sst s25  }
0xa8: {  	s6 =	sshll.u32 s26, $0x1;
	_ =	strace $0x80000046;
	[dreg:$0x1] =	wrdreg $0xFFFFFFFF  }
0xa9: {  	s28 =	simm.s32 $_size_execute0_lowered;
	s5 =	sadd.s32 s5, s6;
	[dreg:$0x0] =	wrdreg $0x0  }
0xaa: {  	s6 =	sshll.u32 s28, $0x1;
	[dreg:$0x2] =	wrdreg s5  }
0xab: {  	[dreg:$0x3] =	wrdreg s6  }
0xac: {  	[dreg:$0x4] =	wrdreg $0xC0  }
0xad: {  	_ =	task [dreg:s9], $0x5FFFF  }
0xae: {  	[dreg:$0x1] =	wrdreg $0xFFFFFFFF  }
0xaf: {  	[dreg:$0x0] =	wrdreg $0x60  }
0xb0: {  	[dreg:$0x2] =	wrdreg s2  }
0xb1: {  	[dreg:$0x3] =	wrdreg s19  }
0xb2: {  	[dreg:$0x4] =	wrdreg s4  }
0xb3: {  	[dreg:$0x5] =	wrdreg $0x9  }
0xb4: {  	_ =	task.clear_ibuf [dreg:s9], $0x6FFFF;
	_ =	strace $0x90000046  }
0xb5: {  	s29 =	simm.s32 $0x9;
	_ =	strace $0x80000048  }
0xb6: {  	_ =	swait.ge [sflag:s29], $0x1  }
0xb7: {  	[sflag:s29] =	ssyncadd.s32 $0xFFFFFFFF  }
0xb8: {  	_ =	strace $0x90000048  }
0xb9: {  	_ =	sfence  }
0xba: {  	s30 =	sld [smem:$0x0];
	_ =	sdelay $0x2  }
0xbb: {  	s31 =	sshll.u32 s1, $0xD;
	s1 =	sshrl.u32 s1, $0x2  }
0xbc: {  	s3 =	sand.u32 $0x4000, s31;
	s1 =	sadd.s32 s1, s30  }
0xbd: {  	s0 =	sor.u32 s3, s0;
	s1 =	sshll.u32 s1, $0x11  }
0xbe: {  	s0 =	sor.u32 s1, s0  }
0xbf: {  	s0 =	sadd.s32 $0x8F2B, s0  }
0xc0: {  	[sflag:s0] =	ssyncadd.remote.s32 $0x1  }
0xc1: {  	_ =	sfence.sel $0xFFFF  }
0xc2: {  	[dreg:$0x0] =	wrdreg $0xFFFFFFFF;
	(pc) =	sbr.abs _section_cstart, $3  }
0xc3: {  	[dreg:$0x1] =	wrdreg $0xFFFFFFFF  }
0xc4: {  	_ =	task.clear_ibuf [dreg:s9], $0x2FFFF;
	_ =	strace $0x9FFFFFFF  }
0xc5: {  	(tm) =	ssettm $0x7FFFFFFF  }
tec
execute0_lowered:
.L_overlay_start_1:
0x0: {  	(tag) =	ssettag $0x1  }
0x1: {  	s0 =	rddreg [dreg:$0x0]  }
0x2: {  	s1 =	rddreg [dreg:$0x1]  }
0x3: {  	s7 =	rddreg [dreg:$0x2]  }
0x4: {  	s2 =	srdreg.scid;
	s4 =	stileid.u32  }
0x5: {  	s3 =	simm.s32 $0x0;
	s19 =	simm.s32 $0x1;
	s20 =	simm.s32 $0x2  }
0x6: {  	s30 =	simm.s32 $0x10000;
	s2 =	sand.u32 $0x1, s2;
	s4 =	sshll.u32 s4, $0x9  }
0x7: {  	[smem:$0x7FF] =	sst s3;
	s22 =	sadd.s32 $0x100000, s0;
	s23 =	sadd.s32 $0x200000, s0  }
0x8: {  	s24 =	sadd.s32 $0x100000, s7;
	_ =	strace $0x80000047;
	[dreg:$0x6] =	wrdreg s23  }
0x9: {  	s26 =	sadd.s32 $0x200000, s7;
	s29 =	sadd.s32 $0x300000, s7;
	[dreg:$0x8] =	wrdreg s24  }
0xa: {  	s5 =	sshll.u32 s2, $0x8;
	s2 =	ssub.s32 $0x2, s2;
	[dreg:$0xa] =	wrdreg s26  }
0xb: {  	[dreg:$0xc] =	wrdreg s29;
	s23 =	simm.s32 $0x14000;
	s6 =	sor.u32 s5, s4  }
0xc: {  	s21 =	sshrl.u32 s2, $0x1;
	s4 =	sshll.u32 s6, $0x7;
	s28 =	sor.u32 $0x10, s6  }
0xd: {  	s5 =	sadd.s32 s1, s4;
	s1 =	sadd.s32 s4, s22;
	[dreg:$0xb] =	wrdreg s28  }
0xe: {  	s8 =	sadd.s32 s0, s4;
	s0 =	sadd.s32 $0x300000, s0;
	[dreg:$0x5] =	wrdreg s1  }
0xf: {  	s24 =	simm.s32 $0x4;
	s2 =	ssub.s32 s2, s21;
	[dreg:$0x7] =	wrdreg s0  }
0x10: {  	s21 =	smov.u32 s22;
	s31 =	smax.u32 s2, $0x1;
	[dreg:$0x4] =	wrdreg s8  }
0x11: {  	s22 =	simm.s32 $0x3;
	s25 =	sadd.s32 $0x800, s8;
	[dreg:$0xd] =	wrdreg s31  }
0x12: {  	s2 =	simm.s32 $0x0;
	[dreg:$0x9] =	wrdreg s25;
	s25 =	simm.s32 $0x5  }
.LBB2_1:
0x13: {  	[dreg:$0xe] =	wrdreg s2  }
0x14: {  	[tilespmem:s3], [sflag:$0x1] =	stream.linear.gather [hbm4b:s5+s3], $0x4000, $0x38;
	[tilespmem:$0x18000] =	vst v63  }
0x15: {  	s0 =	rddreg [dreg:$0x4];
	s1 =	simm.s32 $0x8000  }
0x16: {  	[tilespmem:s1], [sflag:$0x2] =	stream.linear.gather [hbm4b:s0+s3], $0x4000, $0x38;
	[tilespmem:$0x18000] =	vst v63  }
0x17: {  	s29 =	rddreg [dreg:$0x5];
	s31 =	simm.s32 $0xC000;
	s0 =	simm.s32 $0x0  }
0x18: {  	[tilespmem:s31], [sflag:$0x3] =	stream.linear.gather [hbm4b:s29+s3], $0x4000, $0x38;
	[tilespmem:$0x18000] =	vst v63  }
.LBB2_2:
0x19: {  	s1 =	smov.u32 s0;
	_ =	swait.ge [sflag:s19], $0x4000  }
0x1a: {  	s0 =	sadd.s32 $0x1, s0;
	[sflag:s19] =	ssyncset.done $0x0;
	p0 =	seq.s32 s1, $0xF  }
0x1b: {  	[sflag:s19] =	ssyncadd.s32 $0xFFFFC000;
	s2 =	sshll.u32 @!p0 s0, $0xB;
	s6 =	sshll.u32 @!p0 s0, $0xE  }
0x1c: {  	s7 =	simm.s32 @!p0 $0x0;
	s6 =	sand.u32 @!p0 $0x4000, s6;
	s2 =	sadd.s32 @!p0 s2, s5  }
0x1d: {  	[tilespmem:s6], [sflag:$0x1] =	stream.linear.gather @!p0 [hbm4b:s2+s7], $0x4000, $0x38;
	[tilespmem:$0x18000] =	vst v63  }
0x1e: {  	_ =	swait.ge [sflag:s20], $0x4000  }
0x1f: {  	p1 =	seq.s32 s1, $0x0;
	[sflag:s20] =	ssyncset.done $0x0  }
0x20: {  	s8 =	simm.s32 $0x0;
	s2 =	simm.s32 @!p1 $0x8;
	[sflag:s20] =	ssyncadd.s32 $0xFFFFC000  }
0x21: {  	s16 =	sshll.u32 s1, $0x4;
	s7 =	sshll.u32 s1, $0xB;
	_ =	swait.ge @!p1 [sflag:s2], $0x4000  }
0x22: {  	s26 =	sor.u32 s4, s7;
	[sflag:s2] =	ssyncset.done @!p1 $0x0;
	s31 =	rddreg [dreg:$0x6]  }
0x23: {  	s1 =	sand.u32 $0x10, s16;
	[sflag:s2] =	ssyncadd.s32 @!p1 $0xFFFFC000;
	s2 =	sadd.s32 s26, s31  }
0x24: {  	[tilespmem:s30], [sflag:$0x4] =	stream.linear.gather [hbm4b:s2+s8], $0x4000, $0x38;
	[tilespmem:$0x18000] =	vst v63  }
.LBB2_3:
0x25: {  	s2 =	sor.u32 s1, s8  }
0x26: {  	s6 =	sshll.u32 s8, $0x7;
	s2 =	sshll.u32 s2, $0xA  }
0x27: {  	s6 =	sand.u32 $0x200, s6;
	s9 =	sand.u32 $0x6000, s2  }
0x28: {  	s9 =	sor.u32 s6, s9  }
0x29: {  	v0 =	vld [tilespmem:s9+$0x0]  }
0x2a: {  	s29 =	sshll.u32 s8, $0xA  }
0x2b: {  	s10 =	sand.u32 $0x2000, s29  }
0x2c: {  	s14 =	sor.u32 $0x8000, s10  }
0x2d: {  	s10 =	sor.u32 s6, s14  }
0x2e: {  	[tilespmem:s10+$0x0] =	vst.add.f32.msk $0xffff, v0  }
0x2f: {  	v0 =	vld [tilespmem:s9+$0x10];
	_ =	sdelay $0x3  }
0x30: {  	s11 =	sor.u32 $0x10, s10  }
0x31: {  	[tilespmem:s11+$0x0] =	vst.add.f32.msk $0xffff, v0  }
0x32: {  	v0 =	vld [tilespmem:s9+$0x20];
	_ =	sdelay $0x3  }
0x33: {  	s13 =	sor.u32 $0x20, s10  }
0x34: {  	[tilespmem:s13+$0x0] =	vst.add.f32.msk $0xffff, v0  }
0x35: {  	v0 =	vld [tilespmem:s9+$0x30];
	_ =	sdelay $0x3  }
0x36: {  	s15 =	sor.u32 $0x30, s10  }
0x37: {  	[tilespmem:s15+$0x0] =	vst.add.f32.msk $0xffff, v0  }
0x38: {  	v0 =	vld [tilespmem:s9+$0x40];
	_ =	sdelay $0x3  }
0x39: {  	s17 =	sor.u32 $0x40, s10  }
0x3a: {  	[tilespmem:s17+$0x0] =	vst.add.f32.msk $0xffff, v0  }
0x3b: {  	v0 =	vld [tilespmem:s9+$0x50];
	_ =	sdelay $0x3  }
0x3c: {  	s18 =	sor.u32 $0x50, s10  }
0x3d: {  	[tilespmem:s18+$0x0] =	vst.add.f32.msk $0xffff, v0  }
0x3e: {  	v0 =	vld [tilespmem:s9+$0x60];
	_ =	sdelay $0x3  }
0x3f: {  	s28 =	sor.u32 $0x60, s10  }
0x40: {  	[tilespmem:s28+$0x0] =	vst.add.f32.msk $0xffff, v0  }
0x41: {  	v0 =	vld [tilespmem:s9+$0x70];
	_ =	sdelay $0x3  }
0x42: {  	s30 =	sor.u32 $0x70, s10  }
0x43: {  	[tilespmem:s30+$0x0] =	vst.add.f32.msk $0xffff, v0  }
0x44: {  	v0 =	vld [tilespmem:s9+$0x400];
	_ =	sdelay $0x3  }
0x45: {  	s31 =	sor.u32 $0x400, s10  }
0x46: {  	[tilespmem:s31+$0x0] =	vst.add.f32.msk $0xffff, v0  }
0x47: {  	v0 =	vld [tilespmem:s9+$0x410];
	_ =	sdelay $0x3  }
0x48: {  	s12 =	sor.u32 $0x410, s10  }
0x49: {  	[tilespmem:s12+$0x0] =	vst.add.f32.msk $0xffff, v0  }
0x4a: {  	v0 =	vld [tilespmem:s9+$0x420];
	_ =	sdelay $0x3  }
0x4b: {  	s13 =	sor.u32 $0x420, s10  }
0x4c: {  	[tilespmem:s13+$0x0] =	vst.add.f32.msk $0xffff, v0  }
0x4d: {  	v0 =	vld [tilespmem:s9+$0x430];
	_ =	sdelay $0x3  }
0x4e: {  	s15 =	sor.u32 $0x430, s10  }
0x4f: {  	[tilespmem:s15+$0x0] =	vst.add.f32.msk $0xffff, v0  }
0x50: {  	v0 =	vld [tilespmem:s9+$0x440];
	_ =	sdelay $0x3  }
0x51: {  	s17 =	sor.u32 $0x440, s10  }
0x52: {  	[tilespmem:s17+$0x0] =	vst.add.f32.msk $0xffff, v0  }
0x53: {  	v0 =	vld [tilespmem:s9+$0x450];
	_ =	sdelay $0x3  }
0x54: {  	s18 =	sor.u32 $0x450, s10  }
0x55: {  	[tilespmem:s18+$0x0] =	vst.add.f32.msk $0xffff, v0  }
0x56: {  	v0 =	vld [tilespmem:s9+$0x460];
	_ =	sdelay $0x3  }
0x57: {  	s28 =	sor.u32 $0x460, s10  }
0x58: {  	[tilespmem:s28+$0x0] =	vst.add.f32.msk $0xffff, v0  }
0x59: {  	v0 =	vld [tilespmem:s9+$0x470];
	_ =	sdelay $0x3  }
0x5a: {  	s30 =	sor.u32 $0x470, s10  }
0x5b: {  	[tilespmem:s30+$0x0] =	vst.add.f32.msk $0xffff, v0  }
0x5c: {  	v0 =	vld [tilespmem:s9+$0x800];
	_ =	sdelay $0x3  }
0x5d: {  	s31 =	sor.u32 $0x800, s10  }
0x5e: {  	[tilespmem:s31+$0x0] =	vst.add.f32.msk $0xffff, v0  }
0x5f: {  	v0 =	vld [tilespmem:s9+$0x810];
	_ =	sdelay $0x3  }
0x60: {  	s12 =	sor.u32 $0x810, s10  }
0x61: {  	[tilespmem:s12+$0x0] =	vst.add.f32.msk $0xffff, v0  }
0x62: {  	v0 =	vld [tilespmem:s9+$0x820];
	_ =	sdelay $0x3  }
0x63: {  	s13 =	sor.u32 $0x820, s10  }
0x64: {  	[tilespmem:s13+$0x0] =	vst.add.f32.msk $0xffff, v0  }
0x65: {  	v0 =	vld [tilespmem:s9+$0x830];
	_ =	sdelay $0x3  }
0x66: {  	s15 =	sor.u32 $0x830, s10  }
0x67: {  	[tilespmem:s15+$0x0] =	vst.add.f32.msk $0xffff, v0  }
0x68: {  	v0 =	vld [tilespmem:s9+$0x840];
	_ =	sdelay $0x3  }
0x69: {  	s17 =	sor.u32 $0x840, s10  }
0x6a: {  	[tilespmem:s17+$0x0] =	vst.add.f32.msk $0xffff, v0  }
0x6b: {  	v0 =	vld [tilespmem:s9+$0x850];
	_ =	sdelay $0x3  }
0x6c: {  	s18 =	sor.u32 $0x850, s10  }
0x6d: {  	[tilespmem:s18+$0x0] =	vst.add.f32.msk $0xffff, v0  }
0x6e: {  	v0 =	vld [tilespmem:s9+$0x860];
	_ =	sdelay $0x3  }
0x6f: {  	s28 =	sor.u32 $0x860, s10  }
0x70: {  	[tilespmem:s28+$0x0] =	vst.add.f32.msk $0xffff, v0  }
0x71: {  	v0 =	vld [tilespmem:s9+$0x870];
	_ =	sdelay $0x3  }
0x72: {  	s30 =	sor.u32 $0x870, s10  }
0x73: {  	[tilespmem:s30+$0x0] =	vst.add.f32.msk $0xffff, v0  }
0x74: {  	v0 =	vld [tilespmem:s9+$0xC00];
	_ =	sdelay $0x3  }
0x75: {  	s31 =	sor.u32 $0xC00, s10  }
0x76: {  	[tilespmem:s31+$0x0] =	vst.add.f32.msk $0xffff, v0  }
0x77: {  	v0 =	vld [tilespmem:s9+$0xC10];
	_ =	sdelay $0x3  }
0x78: {  	s12 =	sor.u32 $0xC10, s10  }
0x79: {  	[tilespmem:s12+$0x0] =	vst.add.f32.msk $0xffff, v0  }
0x7a: {  	v0 =	vld [tilespmem:s9+$0xC20];
	_ =	sdelay $0x3  }
0x7b: {  	s13 =	sor.u32 $0xC20, s10  }
0x7c: {  	[tilespmem:s13+$0x0] =	vst.add.f32.msk $0xffff, v0  }
0x7d: {  	v0 =	vld [tilespmem:s9+$0xC30];
	_ =	sdelay $0x3  }
0x7e: {  	s15 =	sor.u32 $0xC30, s10  }
0x7f: {  	[tilespmem:s15+$0x0] =	vst.add.f32.msk $0xffff, v0  }
0x80: {  	v0 =	vld [tilespmem:s9+$0xC40];
	_ =	sdelay $0x3  }
0x81: {  	s17 =	sor.u32 $0xC40, s10  }
0x82: {  	[tilespmem:s17+$0x0] =	vst.add.f32.msk $0xffff, v0  }
0x83: {  	v0 =	vld [tilespmem:s9+$0xC50];
	_ =	sdelay $0x3  }
0x84: {  	s18 =	sor.u32 $0xC50, s10  }
0x85: {  	[tilespmem:s18+$0x0] =	vst.add.f32.msk $0xffff, v0  }
0x86: {  	v0 =	vld [tilespmem:s9+$0xC60];
	_ =	sdelay $0x3  }
0x87: {  	s28 =	sor.u32 $0xC60, s10  }
0x88: {  	[tilespmem:s28+$0x0] =	vst.add.f32.msk $0xffff, v0  }
0x89: {  	v0 =	vld [tilespmem:s9+$0xC70];
	_ =	sdelay $0x3  }
0x8a: {  	s2 =	sor.u32 s6, s2;
	s30 =	sor.u32 $0xC70, s10  }
0x8b: {  	s31 =	sor.u32 $0x1000, s2;
	[tilespmem:s30+$0x0] =	vst.add.f32.msk $0xffff, v0  }
0x8c: {  	v0 =	vld [tilespmem:s31+$0x0];
	_ =	sdelay $0x2  }
0x8d: {  	s28 =	sor.u32 s29, s6  }
0x8e: {  	s6 =	sor.u32 $0x1000, s28  }
0x8f: {  	s10 =	sor.u32 $0x1010, s2;
	[tilespmem:s6+$0x8000] =	vst.add.f32.msk $0xffff, v0  }
0x90: {  	v0 =	vld [tilespmem:s10+$0x0];
	_ =	sdelay $0x3  }
0x91: {  	s11 =	sor.u32 $0x1010, s28  }
0x92: {  	s12 =	sor.u32 $0x1020, s2;
	[tilespmem:s11+$0x8000] =	vst.add.f32.msk $0xffff, v0  }
0x93: {  	v0 =	vld [tilespmem:s12+$0x0];
	_ =	sdelay $0x3  }
0x94: {  	s13 =	sor.u32 $0x1020, s28  }
0x95: {  	s15 =	sor.u32 $0x1030, s2;
	[tilespmem:s13+$0x8000] =	vst.add.f32.msk $0xffff, v0  }
0x96: {  	v0 =	vld [tilespmem:s15+$0x0];
	_ =	sdelay $0x3  }
0x97: {  	s17 =	sor.u32 $0x1030, s28  }
0x98: {  	s18 =	sor.u32 $0x1040, s2;
	[tilespmem:s17+$0x8000] =	vst.add.f32.msk $0xffff, v0  }
0x99: {  	v0 =	vld [tilespmem:s18+$0x0];
	_ =	sdelay $0x3  }
0x9a: {  	s30 =	sor.u32 $0x1040, s28  }
0x9b: {  	s31 =	sor.u32 $0x1050, s2;
	[tilespmem:s30+$0x8000] =	vst.add.f32.msk $0xffff, v0  }
0x9c: {  	v0 =	vld [tilespmem:s31+$0x0];
	_ =	sdelay $0x3  }
0x9d: {  	s9 =	sor.u32 $0x1050, s28  }
0x9e: {  	s10 =	sor.u32 $0x1060, s2;
	[tilespmem:s9+$0x8000] =	vst.add.f32.msk $0xffff, v0  }
0x9f: {  	v0 =	vld [tilespmem:s10+$0x0];
	_ =	sdelay $0x3  }
0xa0: {  	s11 =	sor.u32 $0x1060, s28  }
0xa1: {  	s12 =	sor.u32 $0x1070, s2;
	[tilespmem:s11+$0x8000] =	vst.add.f32.msk $0xffff, v0  }
0xa2: {  	v0 =	vld [tilespmem:s12+$0x0];
	_ =	sdelay $0x3  }
0xa3: {  	s13 =	sor.u32 $0x1070, s28  }
0xa4: {  	s15 =	sor.u32 $0x1400, s2;
	[tilespmem:s13+$0x8000] =	vst.add.f32.msk $0xffff, v0  }
0xa5: {  	v0 =	vld [tilespmem:s15+$0x0];
	_ =	sdelay $0x3  }
0xa6: {  	s17 =	sor.u32 $0x1400, s28  }
0xa7: {  	s18 =	sor.u32 $0x1410, s2;
	[tilespmem:s17+$0x8000] =	vst.add.f32.msk $0xffff, v0  }
0xa8: {  	v0 =	vld [tilespmem:s18+$0x0];
	_ =	sdelay $0x3  }
0xa9: {  	s30 =	sor.u32 $0x1410, s28  }
0xaa: {  	s31 =	sor.u32 $0x1420, s2;
	[tilespmem:s30+$0x8000] =	vst.add.f32.msk $0xffff, v0  }
0xab: {  	v0 =	vld [tilespmem:s31+$0x0];
	_ =	sdelay $0x3  }
0xac: {  	s9 =	sor.u32 $0x1420, s28  }
0xad: {  	s10 =	sor.u32 $0x1430, s2;
	[tilespmem:s9+$0x8000] =	vst.add.f32.msk $0xffff, v0  }
0xae: {  	v0 =	vld [tilespmem:s10+$0x0];
	_ =	sdelay $0x3  }
0xaf: {  	s11 =	sor.u32 $0x1430, s28  }
0xb0: {  	s12 =	sor.u32 $0x1440, s2;
	[tilespmem:s11+$0x8000] =	vst.add.f32.msk $0xffff, v0  }
0xb1: {  	v0 =	vld [tilespmem:s12+$0x0];
	_ =	sdelay $0x3  }
0xb2: {  	s13 =	sor.u32 $0x1440, s28  }
0xb3: {  	s15 =	sor.u32 $0x1450, s2;
	[tilespmem:s13+$0x8000] =	vst.add.f32.msk $0xffff, v0  }
0xb4: {  	v0 =	vld [tilespmem:s15+$0x0];
	_ =	sdelay $0x3  }
0xb5: {  	s17 =	sor.u32 $0x1450, s28  }
0xb6: {  	s18 =	sor.u32 $0x1460, s2;
	[tilespmem:s17+$0x8000] =	vst.add.f32.msk $0xffff, v0  }
0xb7: {  	v0 =	vld [tilespmem:s18+$0x0];
	_ =	sdelay $0x3  }
0xb8: {  	s30 =	sor.u32 $0x1460, s28  }
0xb9: {  	s31 =	sor.u32 $0x1470, s2;
	[tilespmem:s30+$0x8000] =	vst.add.f32.msk $0xffff, v0  }
0xba: {  	v0 =	vld [tilespmem:s31+$0x0];
	_ =	sdelay $0x3  }
0xbb: {  	s9 =	sor.u32 $0x1470, s28  }
0xbc: {  	s10 =	sor.u32 $0x1800, s2;
	[tilespmem:s9+$0x8000] =	vst.add.f32.msk $0xffff, v0  }
0xbd: {  	v0 =	vld [tilespmem:s10+$0x0];
	_ =	sdelay $0x3  }
0xbe: {  	s11 =	sor.u32 $0x1800, s28  }
0xbf: {  	s12 =	sor.u32 $0x1810, s2;
	[tilespmem:s11+$0x8000] =	vst.add.f32.msk $0xffff, v0  }
0xc0: {  	v0 =	vld [tilespmem:s12+$0x0];
	_ =	sdelay $0x3  }
0xc1: {  	s13 =	sor.u32 $0x1810, s28  }
0xc2: {  	s15 =	sor.u32 $0x1820, s2;
	[tilespmem:s13+$0x8000] =	vst.add.f32.msk $0xffff, v0  }
0xc3: {  	v0 =	vld [tilespmem:s15+$0x0];
	_ =	sdelay $0x3  }
0xc4: {  	s17 =	sor.u32 $0x1820, s28  }
0xc5: {  	s18 =	sor.u32 $0x1830, s2;
	[tilespmem:s17+$0x8000] =	vst.add.f32.msk $0xffff, v0  }
0xc6: {  	v0 =	vld [tilespmem:s18+$0x0];
	_ =	sdelay $0x3  }
0xc7: {  	s30 =	sor.u32 $0x1830, s28  }
0xc8: {  	s31 =	sor.u32 $0x1840, s2;
	[tilespmem:s30+$0x8000] =	vst.add.f32.msk $0xffff, v0  }
0xc9: {  	v0 =	vld [tilespmem:s31+$0x0];
	_ =	sdelay $0x3  }
0xca: {  	s9 =	sor.u32 $0x1840, s28  }
0xcb: {  	s10 =	sor.u32 $0x1850, s2;
	[tilespmem:s9+$0x8000] =	vst.add.f32.msk $0xffff, v0  }
0xcc: {  	v0 =	vld [tilespmem:s10+$0x0];
	_ =	sdelay $0x3  }
0xcd: {  	s11 =	sor.u32 $0x1850, s28  }
0xce: {  	s12 =	sor.u32 $0x1860, s2;
	[tilespmem:s11+$0x8000] =	vst.add.f32.msk $0xffff, v0  }
0xcf: {  	v0 =	vld [tilespmem:s12+$0x0];
	_ =	sdelay $0x3  }
0xd0: {  	s13 =	sor.u32 $0x1860, s28  }
0xd1: {  	s15 =	sor.u32 $0x1870, s2;
	[tilespmem:s13+$0x8000] =	vst.add.f32.msk $0xffff, v0  }
0xd2: {  	v0 =	vld [tilespmem:s15+$0x0];
	_ =	sdelay $0x3  }
0xd3: {  	s17 =	sor.u32 $0x1870, s28  }
0xd4: {  	s18 =	sor.u32 $0x1C00, s2;
	[tilespmem:s17+$0x8000] =	vst.add.f32.msk $0xffff, v0  }
0xd5: {  	v0 =	vld [tilespmem:s18+$0x0];
	_ =	sdelay $0x3  }
0xd6: {  	s30 =	sor.u32 $0x1C00, s28  }
0xd7: {  	s31 =	sor.u32 $0x1C10, s2;
	[tilespmem:s30+$0x8000] =	vst.add.f32.msk $0xffff, v0  }
0xd8: {  	v0 =	vld [tilespmem:s31+$0x0];
	_ =	sdelay $0x3  }
0xd9: {  	s9 =	sor.u32 $0x1C10, s28  }
0xda: {  	s10 =	sor.u32 $0x1C20, s2;
	[tilespmem:s9+$0x8000] =	vst.add.f32.msk $0xffff, v0  }
0xdb: {  	v0 =	vld [tilespmem:s10+$0x0];
	_ =	sdelay $0x3  }
0xdc: {  	s11 =	sor.u32 $0x1C20, s28  }
0xdd: {  	s12 =	sor.u32 $0x1C30, s2;
	[tilespmem:s11+$0x8000] =	vst.add.f32.msk $0xffff, v0  }
0xde: {  	v0 =	vld [tilespmem:s12+$0x0];
	_ =	sdelay $0x3  }
0xdf: {  	s13 =	sor.u32 $0x1C30, s28  }
0xe0: {  	s15 =	sor.u32 $0x1C40, s2;
	[tilespmem:s13+$0x8000] =	vst.add.f32.msk $0xffff, v0  }
0xe1: {  	v0 =	vld [tilespmem:s15+$0x0];
	_ =	sdelay $0x3  }
0xe2: {  	s17 =	sor.u32 $0x1C40, s28  }
0xe3: {  	s18 =	sor.u32 $0x1C50, s2;
	[tilespmem:s17+$0x8000] =	vst.add.f32.msk $0xffff, v0  }
0xe4: {  	v0 =	vld [tilespmem:s18+$0x0];
	_ =	sdelay $0x2  }
0xe5: {  	s31 =	sor.u32 $0x1, s8  }
0xe6: {  	s30 =	sor.u32 $0x1C50, s28;
	s11 =	sor.u32 $0x1C60, s2;
	s12 =	sor.u32 s1, s31  }
0xe7: {  	s10 =	sshll.u32 s12, $0xA;
	s13 =	sshll.u32 s31, $0x7;
	s17 =	sor.u32 $0x2, s8;
	[tilespmem:s30+$0x8000] =	vst.add.f32.msk $0xffff, v0  }
0xe8: {  	s15 =	sand.u32 $0x6000, s10;
	s6 =	sshll.u32 s17, $0x7;
	s30 =	sor.u32 s1, s17;
	v0 =	vld [tilespmem:s11+$0x0]  }
0xe9: {  	s9 =	sand.u32 $0x300, s6;
	s11 =	sand.u32 $0x280, s13;
	s18 =	sshll.u32 s30, $0xA  }
0xea: {  	s13 =	sor.u32 $0x3, s8;
	s31 =	sor.u32 s11, s15;
	s17 =	sand.u32 $0x6000, s18  }
0xeb: {  	s30 =	sor.u32 s1, s13;
	v1 =	vld [tilespmem:s31+$0x0];
	s6 =	sor.u32 s9, s17  }
0xec: {  	s12 =	sor.u32 $0x1C60, s28;
	s13 =	sshll.u32 s13, $0x7;
	s30 =	sshll.u32 s30, $0xA;
	v2 =	vld [tilespmem:s6+$0x0]  }
0xed: {  	s17 =	sor.u32 $0x1C70, s2;
	s2 =	sand.u32 $0x380, s13;
	s15 =	sand.u32 $0x6000, s30;
	[tilespmem:s12+$0x8000] =	vst.add.f32.msk $0xffff, v0  }
0xee: {  	v0 =	vld [tilespmem:s17+$0x0];
	s17 =	sor.u32 s2, s15  }
0xef: {  	s12 =	sor.u32 s11, s14;
	v3 =	vld [tilespmem:s17+$0x0]  }
0xf0: {  	[tilespmem:s12+$0x0] =	vst.add.f32.msk $0xffff, v1  }
0xf1: {  	s13 =	sor.u32 s9, s14;
	v1 =	vld [tilespmem:s31+$0x10]  }
0xf2: {  	[tilespmem:s13+$0x0] =	vst.add.f32.msk $0xffff, v2  }
0xf3: {  	s14 =	sor.u32 s2, s14;
	v2 =	vld [tilespmem:s6+$0x10]  }
0xf4: {  	[tilespmem:s14+$0x0] =	vst.add.f32.msk $0xffff, v3  }
0xf5: {  	s15 =	sor.u32 $0x10, s12;
	v3 =	vld [tilespmem:s17+$0x10]  }
0xf6: {  	[tilespmem:s15+$0x0] =	vst.add.f32.msk $0xffff, v1  }
0xf7: {  	s15 =	sor.u32 $0x10, s13;
	v1 =	vld [tilespmem:s31+$0x20]  }
0xf8: {  	[tilespmem:s15+$0x0] =	vst.add.f32.msk $0xffff, v2  }
0xf9: {  	s15 =	sor.u32 $0x10, s14;
	v2 =	vld [tilespmem:s6+$0x20]  }
0xfa: {  	[tilespmem:s15+$0x0] =	vst.add.f32.msk $0xffff, v3  }
0xfb: {  	s15 =	sor.u32 $0x20, s12;
	v3 =	vld [tilespmem:s17+$0x20]  }
0xfc: {  	[tilespmem:s15+$0x0] =	vst.add.f32.msk $0xffff, v1  }
0xfd: {  	s15 =	sor.u32 $0x20, s13;
	v1 =	vld [tilespmem:s31+$0x30]  }
0xfe: {  	[tilespmem:s15+$0x0] =	vst.add.f32.msk $0xffff, v2  }
0xff: {  	s15 =	sor.u32 $0x20, s14;
	v2 =	vld [tilespmem:s6+$0x30]  }
0x100: {  	[tilespmem:s15+$0x0] =	vst.add.f32.msk $0xffff, v3  }
0x101: {  	s15 =	sor.u32 $0x30, s12;
	v3 =	vld [tilespmem:s17+$0x30]  }
0x102: {  	[tilespmem:s15+$0x0] =	vst.add.f32.msk $0xffff, v1  }
0x103: {  	s15 =	sor.u32 $0x30, s13;
	v1 =	vld [tilespmem:s31+$0x40]  }
0x104: {  	[tilespmem:s15+$0x0] =	vst.add.f32.msk $0xffff, v2  }
0x105: {  	s15 =	sor.u32 $0x30, s14;
	v2 =	vld [tilespmem:s6+$0x40]  }
0x106: {  	[tilespmem:s15+$0x0] =	vst.add.f32.msk $0xffff, v3  }
0x107: {  	s15 =	sor.u32 $0x40, s12;
	v3 =	vld [tilespmem:s17+$0x40]  }
0x108: {  	[tilespmem:s15+$0x0] =	vst.add.f32.msk $0xffff, v1  }
0x109: {  	s15 =	sor.u32 $0x40, s13;
	v1 =	vld [tilespmem:s31+$0x50]  }
0x10a: {  	[tilespmem:s15+$0x0] =	vst.add.f32.msk $0xffff, v2  }
0x10b: {  	s15 =	sor.u32 $0x40, s14;
	v2 =	vld [tilespmem:s6+$0x50]  }
0x10c: {  	[tilespmem:s15+$0x0] =	vst.add.f32.msk $0xffff, v3  }
0x10d: {  	s15 =	sor.u32 $0x50, s12;
	v3 =	vld [tilespmem:s17+$0x50]  }
0x10e: {  	[tilespmem:s15+$0x0] =	vst.add.f32.msk $0xffff, v1  }
0x10f: {  	s15 =	sor.u32 $0x50, s13;
	v1 =	vld [tilespmem:s31+$0x60]  }
0x110: {  	[tilespmem:s15+$0x0] =	vst.add.f32.msk $0xffff, v2  }
0x111: {  	s15 =	sor.u32 $0x50, s14;
	v2 =	vld [tilespmem:s6+$0x60]  }
0x112: {  	[tilespmem:s15+$0x0] =	vst.add.f32.msk $0xffff, v3  }
0x113: {  	s15 =	sor.u32 $0x60, s12;
	v3 =	vld [tilespmem:s17+$0x60]  }
0x114: {  	[tilespmem:s15+$0x0] =	vst.add.f32.msk $0xffff, v1  }
0x115: {  	s15 =	sor.u32 $0x60, s13;
	v1 =	vld [tilespmem:s31+$0x70]  }
0x116: {  	[tilespmem:s15+$0x0] =	vst.add.f32.msk $0xffff, v2  }
0x117: {  	s15 =	sor.u32 $0x60, s14;
	v2 =	vld [tilespmem:s6+$0x70]  }
0x118: {  	[tilespmem:s15+$0x0] =	vst.add.f32.msk $0xffff, v3  }
0x119: {  	s15 =	sor.u32 $0x70, s12;
	v3 =	vld [tilespmem:s17+$0x70]  }
0x11a: {  	[tilespmem:s15+$0x0] =	vst.add.f32.msk $0xffff, v1  }
0x11b: {  	s15 =	sor.u32 $0x70, s13;
	v1 =	vld [tilespmem:s31+$0x400]  }
0x11c: {  	[tilespmem:s15+$0x0] =	vst.add.f32.msk $0xffff, v2  }
0x11d: {  	s15 =	sor.u32 $0x70, s14;
	v2 =	vld [tilespmem:s6+$0x400]  }
0x11e: {  	[tilespmem:s15+$0x0] =	vst.add.f32.msk $0xffff, v3  }
0x11f: {  	s15 =	sor.u32 $0x400, s12;
	v3 =	vld [tilespmem:s17+$0x400]  }
0x120: {  	[tilespmem:s15+$0x0] =	vst.add.f32.msk $0xffff, v1  }
0x121: {  	s15 =	sor.u32 $0x400, s13;
	v1 =	vld [tilespmem:s31+$0x410]  }
0x122: {  	[tilespmem:s15+$0x0] =	vst.add.f32.msk $0xffff, v2  }
0x123: {  	s15 =	sor.u32 $0x400, s14;
	v2 =	vld [tilespmem:s6+$0x410]  }
0x124: {  	[tilespmem:s15+$0x0] =	vst.add.f32.msk $0xffff, v3  }
0x125: {  	s15 =	sor.u32 $0x410, s12;
	v3 =	vld [tilespmem:s17+$0x410]  }
0x126: {  	[tilespmem:s15+$0x0] =	vst.add.f32.msk $0xffff, v1  }
0x127: {  	s15 =	sor.u32 $0x410, s13;
	v1 =	vld [tilespmem:s31+$0x420]  }
0x128: {  	[tilespmem:s15+$0x0] =	vst.add.f32.msk $0xffff, v2  }
0x129: {  	s15 =	sor.u32 $0x410, s14;
	v2 =	vld [tilespmem:s6+$0x420]  }
0x12a: {  	[tilespmem:s15+$0x0] =	vst.add.f32.msk $0xffff, v3  }
0x12b: {  	s15 =	sor.u32 $0x420, s12;
	v3 =	vld [tilespmem:s17+$0x420]  }
0x12c: {  	[tilespmem:s15+$0x0] =	vst.add.f32.msk $0xffff, v1  }
0x12d: {  	s15 =	sor.u32 $0x420, s13;
	v1 =	vld [tilespmem:s31+$0x430]  }
0x12e: {  	[tilespmem:s15+$0x0] =	vst.add.f32.msk $0xffff, v2  }
0x12f: {  	s15 =	sor.u32 $0x420, s14;
	v2 =	vld [tilespmem:s6+$0x430]  }
0x130: {  	[tilespmem:s15+$0x0] =	vst.add.f32.msk $0xffff, v3  }
0x131: {  	s15 =	sor.u32 $0x430, s12;
	v3 =	vld [tilespmem:s17+$0x430]  }
0x132: {  	[tilespmem:s15+$0x0] =	vst.add.f32.msk $0xffff, v1  }
0x133: {  	s15 =	sor.u32 $0x430, s13;
	v1 =	vld [tilespmem:s31+$0x440]  }
0x134: {  	[tilespmem:s15+$0x0] =	vst.add.f32.msk $0xffff, v2  }
0x135: {  	s15 =	sor.u32 $0x430, s14;
	v2 =	vld [tilespmem:s6+$0x440]  }
0x136: {  	[tilespmem:s15+$0x0] =	vst.add.f32.msk $0xffff, v3  }
0x137: {  	s15 =	sor.u32 $0x440, s12;
	v3 =	vld [tilespmem:s17+$0x440]  }
0x138: {  	[tilespmem:s15+$0x0] =	vst.add.f32.msk $0xffff, v1  }
0x139: {  	s15 =	sor.u32 $0x440, s13;
	v1 =	vld [tilespmem:s31+$0x450]  }
0x13a: {  	[tilespmem:s15+$0x0] =	vst.add.f32.msk $0xffff, v2  }
0x13b: {  	s15 =	sor.u32 $0x440, s14;
	v2 =	vld [tilespmem:s6+$0x450]  }
0x13c: {  	[tilespmem:s15+$0x0] =	vst.add.f32.msk $0xffff, v3  }
0x13d: {  	s15 =	sor.u32 $0x450, s12;
	v3 =	vld [tilespmem:s17+$0x450]  }
0x13e: {  	[tilespmem:s15+$0x0] =	vst.add.f32.msk $0xffff, v1  }
0x13f: {  	s15 =	sor.u32 $0x450, s13;
	v1 =	vld [tilespmem:s31+$0x460]  }
0x140: {  	[tilespmem:s15+$0x0] =	vst.add.f32.msk $0xffff, v2  }
0x141: {  	s15 =	sor.u32 $0x450, s14;
	v2 =	vld [tilespmem:s6+$0x460]  }
0x142: {  	[tilespmem:s15+$0x0] =	vst.add.f32.msk $0xffff, v3  }
0x143: {  	s15 =	sor.u32 $0x460, s12;
	v3 =	vld [tilespmem:s17+$0x460]  }
0x144: {  	[tilespmem:s15+$0x0] =	vst.add.f32.msk $0xffff, v1  }
0x145: {  	s15 =	sor.u32 $0x460, s13;
	v1 =	vld [tilespmem:s31+$0x470]  }
0x146: {  	[tilespmem:s15+$0x0] =	vst.add.f32.msk $0xffff, v2  }
0x147: {  	s15 =	sor.u32 $0x460, s14;
	v2 =	vld [tilespmem:s6+$0x470]  }
0x148: {  	[tilespmem:s15+$0x0] =	vst.add.f32.msk $0xffff, v3  }
0x149: {  	s15 =	sor.u32 $0x470, s12;
	v3 =	vld [tilespmem:s17+$0x470]  }
0x14a: {  	[tilespmem:s15+$0x0] =	vst.add.f32.msk $0xffff, v1  }
0x14b: {  	s15 =	sor.u32 $0x470, s13;
	v1 =	vld [tilespmem:s31+$0x800]  }
0x14c: {  	[tilespmem:s15+$0x0] =	vst.add.f32.msk $0xffff, v2  }
0x14d: {  	s15 =	sor.u32 $0x470, s14;
	v2 =	vld [tilespmem:s6+$0x800]  }
0x14e: {  	[tilespmem:s15+$0x0] =	vst.add.f32.msk $0xffff, v3  }
0x14f: {  	s15 =	sor.u32 $0x800, s12;
	v3 =	vld [tilespmem:s17+$0x800]  }
0x150: {  	[tilespmem:s15+$0x0] =	vst.add.f32.msk $0xffff, v1  }
0x151: {  	s15 =	sor.u32 $0x800, s13;
	v1 =	vld [tilespmem:s31+$0x810]  }
0x152: {  	[tilespmem:s15+$0x0] =	vst.add.f32.msk $0xffff, v2  }
0x153: {  	s15 =	sor.u32 $0x800, s14;
	v2 =	vld [tilespmem:s6+$0x810]  }
0x154: {  	[tilespmem:s15+$0x0] =	vst.add.f32.msk $0xffff, v3  }
0x155: {  	s15 =	sor.u32 $0x810, s12;
	v3 =	vld [tilespmem:s17+$0x810]  }
0x156: {  	[tilespmem:s15+$0x0] =	vst.add.f32.msk $0xffff, v1  }
0x157: {  	s15 =	sor.u32 $0x810, s13;
	v1 =	vld [tilespmem:s31+$0x820]  }
0x158: {  	[tilespmem:s15+$0x0] =	vst.add.f32.msk $0xffff, v2  }
0x159: {  	s15 =	sor.u32 $0x810, s14;
	v2 =	vld [tilespmem:s6+$0x820]  }
0x15a: {  	[tilespmem:s15+$0x0] =	vst.add.f32.msk $0xffff, v3  }
0x15b: {  	s15 =	sor.u32 $0x820, s12;
	v3 =	vld [tilespmem:s17+$0x820]  }
0x15c: {  	[tilespmem:s15+$0x0] =	vst.add.f32.msk $0xffff, v1  }
0x15d: {  	s15 =	sor.u32 $0x820, s13;
	v1 =	vld [tilespmem:s31+$0x830]  }
0x15e: {  	[tilespmem:s15+$0x0] =	vst.add.f32.msk $0xffff, v2  }
0x15f: {  	s15 =	sor.u32 $0x820, s14;
	v2 =	vld [tilespmem:s6+$0x830]  }
0x160: {  	[tilespmem:s15+$0x0] =	vst.add.f32.msk $0xffff, v3  }
0x161: {  	s15 =	sor.u32 $0x830, s12;
	v3 =	vld [tilespmem:s17+$0x830]  }
0x162: {  	[tilespmem:s15+$0x0] =	vst.add.f32.msk $0xffff, v1  }
0x163: {  	s15 =	sor.u32 $0x830, s13;
	v1 =	vld [tilespmem:s31+$0x840]  }
0x164: {  	[tilespmem:s15+$0x0] =	vst.add.f32.msk $0xffff, v2  }
0x165: {  	s15 =	sor.u32 $0x830, s14;
	v2 =	vld [tilespmem:s6+$0x840]  }
0x166: {  	[tilespmem:s15+$0x0] =	vst.add.f32.msk $0xffff, v3  }
0x167: {  	s15 =	sor.u32 $0x840, s12;
	v3 =	vld [tilespmem:s17+$0x840]  }
0x168: {  	[tilespmem:s15+$0x0] =	vst.add.f32.msk $0xffff, v1  }
0x169: {  	s15 =	sor.u32 $0x840, s13;
	v1 =	vld [tilespmem:s31+$0x850]  }
0x16a: {  	[tilespmem:s15+$0x0] =	vst.add.f32.msk $0xffff, v2  }
0x16b: {  	s15 =	sor.u32 $0x840, s14;
	v2 =	vld [tilespmem:s6+$0x850]  }
0x16c: {  	[tilespmem:s15+$0x0] =	vst.add.f32.msk $0xffff, v3  }
0x16d: {  	s15 =	sor.u32 $0x850, s12;
	v3 =	vld [tilespmem:s17+$0x850]  }
0x16e: {  	[tilespmem:s15+$0x0] =	vst.add.f32.msk $0xffff, v1  }
0x16f: {  	s15 =	sor.u32 $0x850, s13;
	v1 =	vld [tilespmem:s31+$0x860]  }
0x170: {  	[tilespmem:s15+$0x0] =	vst.add.f32.msk $0xffff, v2  }
0x171: {  	s15 =	sor.u32 $0x850, s14;
	v2 =	vld [tilespmem:s6+$0x860]  }
0x172: {  	[tilespmem:s15+$0x0] =	vst.add.f32.msk $0xffff, v3  }
0x173: {  	s15 =	sor.u32 $0x860, s12;
	v3 =	vld [tilespmem:s17+$0x860]  }
0x174: {  	[tilespmem:s15+$0x0] =	vst.add.f32.msk $0xffff, v1  }
0x175: {  	s15 =	sor.u32 $0x860, s13;
	v1 =	vld [tilespmem:s31+$0x870]  }
0x176: {  	[tilespmem:s15+$0x0] =	vst.add.f32.msk $0xffff, v2  }
0x177: {  	s15 =	sor.u32 $0x860, s14;
	v2 =	vld [tilespmem:s6+$0x870]  }
0x178: {  	[tilespmem:s15+$0x0] =	vst.add.f32.msk $0xffff, v3  }
0x179: {  	s15 =	sor.u32 $0x870, s12;
	v3 =	vld [tilespmem:s17+$0x870]  }
0x17a: {  	[tilespmem:s15+$0x0] =	vst.add.f32.msk $0xffff, v1  }
0x17b: {  	s15 =	sor.u32 $0x870, s13;
	v1 =	vld [tilespmem:s31+$0xC00]  }
0x17c: {  	[tilespmem:s15+$0x0] =	vst.add.f32.msk $0xffff, v2  }
0x17d: {  	s15 =	sor.u32 $0x870, s14;
	v2 =	vld [tilespmem:s6+$0xC00]  }
0x17e: {  	[tilespmem:s15+$0x0] =	vst.add.f32.msk $0xffff, v3  }
0x17f: {  	s15 =	sor.u32 $0xC00, s12;
	v3 =	vld [tilespmem:s17+$0xC00]  }
0x180: {  	[tilespmem:s15+$0x0] =	vst.add.f32.msk $0xffff, v1  }
0x181: {  	s15 =	sor.u32 $0xC00, s13;
	v1 =	vld [tilespmem:s31+$0xC10]  }
0x182: {  	[tilespmem:s15+$0x0] =	vst.add.f32.msk $0xffff, v2  }
0x183: {  	s15 =	sor.u32 $0xC00, s14;
	v2 =	vld [tilespmem:s6+$0xC10]  }
0x184: {  	[tilespmem:s15+$0x0] =	vst.add.f32.msk $0xffff, v3  }
0x185: {  	s15 =	sor.u32 $0xC10, s12;
	v3 =	vld [tilespmem:s17+$0xC10]  }
0x186: {  	[tilespmem:s15+$0x0] =	vst.add.f32.msk $0xffff, v1  }
0x187: {  	s15 =	sor.u32 $0xC10, s13;
	v1 =	vld [tilespmem:s31+$0xC20]  }
0x188: {  	[tilespmem:s15+$0x0] =	vst.add.f32.msk $0xffff, v2  }
0x189: {  	s15 =	sor.u32 $0xC10, s14;
	v2 =	vld [tilespmem:s6+$0xC20]  }
0x18a: {  	[tilespmem:s15+$0x0] =	vst.add.f32.msk $0xffff, v3  }
0x18b: {  	s15 =	sor.u32 $0xC20, s12;
	v3 =	vld [tilespmem:s17+$0xC20]  }
0x18c: {  	[tilespmem:s15+$0x0] =	vst.add.f32.msk $0xffff, v1  }
0x18d: {  	s15 =	sor.u32 $0xC20, s13;
	v1 =	vld [tilespmem:s31+$0xC30]  }
0x18e: {  	[tilespmem:s15+$0x0] =	vst.add.f32.msk $0xffff, v2  }
0x18f: {  	s15 =	sor.u32 $0xC20, s14;
	v2 =	vld [tilespmem:s6+$0xC30]  }
0x190: {  	[tilespmem:s15+$0x0] =	vst.add.f32.msk $0xffff, v3  }
0x191: {  	s15 =	sor.u32 $0xC30, s12;
	v3 =	vld [tilespmem:s17+$0xC30]  }
0x192: {  	[tilespmem:s15+$0x0] =	vst.add.f32.msk $0xffff, v1  }
0x193: {  	s15 =	sor.u32 $0xC30, s13;
	v1 =	vld [tilespmem:s31+$0xC40]  }
0x194: {  	[tilespmem:s15+$0x0] =	vst.add.f32.msk $0xffff, v2  }
0x195: {  	s15 =	sor.u32 $0xC30, s14;
	v2 =	vld [tilespmem:s6+$0xC40]  }
0x196: {  	[tilespmem:s15+$0x0] =	vst.add.f32.msk $0xffff, v3  }
0x197: {  	s15 =	sor.u32 $0xC40, s12;
	v3 =	vld [tilespmem:s17+$0xC40]  }
0x198: {  	[tilespmem:s15+$0x0] =	vst.add.f32.msk $0xffff, v1  }
0x199: {  	s15 =	sor.u32 $0xC40, s13;
	v1 =	vld [tilespmem:s31+$0xC50]  }
0x19a: {  	[tilespmem:s15+$0x0] =	vst.add.f32.msk $0xffff, v2  }
0x19b: {  	s15 =	sor.u32 $0xC40, s14;
	v2 =	vld [tilespmem:s6+$0xC50]  }
0x19c: {  	[tilespmem:s15+$0x0] =	vst.add.f32.msk $0xffff, v3  }
0x19d: {  	s15 =	sor.u32 $0xC50, s12;
	v3 =	vld [tilespmem:s17+$0xC50]  }
0x19e: {  	[tilespmem:s15+$0x0] =	vst.add.f32.msk $0xffff, v1  }
0x19f: {  	s15 =	sor.u32 $0xC50, s13;
	v1 =	vld [tilespmem:s31+$0xC60]  }
0x1a0: {  	[tilespmem:s15+$0x0] =	vst.add.f32.msk $0xffff, v2  }
0x1a1: {  	s15 =	sor.u32 $0xC50, s14;
	v2 =	vld [tilespmem:s6+$0xC60]  }
0x1a2: {  	[tilespmem:s15+$0x0] =	vst.add.f32.msk $0xffff, v3  }
0x1a3: {  	s15 =	sor.u32 $0xC60, s12;
	v3 =	vld [tilespmem:s17+$0xC60]  }
0x1a4: {  	[tilespmem:s15+$0x0] =	vst.add.f32.msk $0xffff, v1  }
0x1a5: {  	s15 =	sor.u32 $0xC60, s13;
	v1 =	vld [tilespmem:s31+$0xC70]  }
0x1a6: {  	[tilespmem:s15+$0x0] =	vst.add.f32.msk $0xffff, v2  }
0x1a7: {  	s15 =	sor.u32 $0xC60, s14;
	v2 =	vld [tilespmem:s6+$0xC70]  }
0x1a8: {  	[tilespmem:s15+$0x0] =	vst.add.f32.msk $0xffff, v3  }
0x1a9: {  	s12 =	sor.u32 $0xC70, s12;
	v3 =	vld [tilespmem:s17+$0xC70]  }
0x1aa: {  	[tilespmem:s12+$0x0] =	vst.add.f32.msk $0xffff, v1  }
0x1ab: {  	s13 =	sor.u32 $0xC70, s13;
	v1 =	vld [tilespmem:s31+$0x1000]  }
0x1ac: {  	[tilespmem:s13+$0x0] =	vst.add.f32.msk $0xffff, v2  }
0x1ad: {  	s15 =	sor.u32 $0xC70, s14;
	v2 =	vld [tilespmem:s6+$0x1000]  }
0x1ae: {  	s12 =	sor.u32 s29, s11;
	[tilespmem:s15+$0x0] =	vst.add.f32.msk $0xffff, v3  }
0x1af: {  	s14 =	sor.u32 $0x1000, s12;
	v3 =	vld [tilespmem:s17+$0x1000]  }
0x1b0: {  	s13 =	sor.u32 s29, s9;
	[tilespmem:s14+$0x8000] =	vst.add.f32.msk $0xffff, v1  }
0x1b1: {  	s15 =	sor.u32 $0x1000, s13;
	v1 =	vld [tilespmem:s31+$0x1010]  }
0x1b2: {  	s29 =	sor.u32 s29, s2;
	[tilespmem:s15+$0x8000] =	vst.add.f32.msk $0xffff, v2  }
0x1b3: {  	s15 =	sor.u32 $0x1000, s29;
	v2 =	vld [tilespmem:s6+$0x1010]  }
0x1b4: {  	[tilespmem:s15+$0x8000] =	vst.add.f32.msk $0xffff, v3  }
0x1b5: {  	s15 =	sor.u32 $0x1010, s12;
	v3 =	vld [tilespmem:s17+$0x1010]  }
0x1b6: {  	[tilespmem:s15+$0x8000] =	vst.add.f32.msk $0xffff, v1  }
0x1b7: {  	s15 =	sor.u32 $0x1010, s13;
	v1 =	vld [tilespmem:s31+$0x1020]  }
0x1b8: {  	[tilespmem:s15+$0x8000] =	vst.add.f32.msk $0xffff, v2  }
0x1b9: {  	s15 =	sor.u32 $0x1010, s29;
	v2 =	vld [tilespmem:s6+$0x1020]  }
0x1ba: {  	[tilespmem:s15+$0x8000] =	vst.add.f32.msk $0xffff, v3  }
0x1bb: {  	s15 =	sor.u32 $0x1020, s12;
	v3 =	vld [tilespmem:s17+$0x1020]  }
0x1bc: {  	[tilespmem:s15+$0x8000] =	vst.add.f32.msk $0xffff, v1  }
0x1bd: {  	s15 =	sor.u32 $0x1020, s13;
	v1 =	vld [tilespmem:s31+$0x1030]  }
0x1be: {  	[tilespmem:s15+$0x8000] =	vst.add.f32.msk $0xffff, v2  }
0x1bf: {  	s15 =	sor.u32 $0x1020, s29;
	v2 =	vld [tilespmem:s6+$0x1030]  }
0x1c0: {  	[tilespmem:s15+$0x8000] =	vst.add.f32.msk $0xffff, v3  }
0x1c1: {  	s15 =	sor.u32 $0x1030, s12;
	v3 =	vld [tilespmem:s17+$0x1030]  }
0x1c2: {  	[tilespmem:s15+$0x8000] =	vst.add.f32.msk $0xffff, v1  }
0x1c3: {  	s15 =	sor.u32 $0x1030, s13;
	v1 =	vld [tilespmem:s31+$0x1040]  }
0x1c4: {  	[tilespmem:s15+$0x8000] =	vst.add.f32.msk $0xffff, v2  }
0x1c5: {  	s15 =	sor.u32 $0x1030, s29;
	v2 =	vld [tilespmem:s6+$0x1040]  }
0x1c6: {  	[tilespmem:s15+$0x8000] =	vst.add.f32.msk $0xffff, v3  }
0x1c7: {  	s15 =	sor.u32 $0x1040, s12;
	v3 =	vld [tilespmem:s17+$0x1040]  }
0x1c8: {  	[tilespmem:s15+$0x8000] =	vst.add.f32.msk $0xffff, v1  }
0x1c9: {  	s15 =	sor.u32 $0x1040, s13;
	v1 =	vld [tilespmem:s31+$0x1050]  }
0x1ca: {  	[tilespmem:s15+$0x8000] =	vst.add.f32.msk $0xffff, v2  }
0x1cb: {  	s15 =	sor.u32 $0x1040, s29;
	v2 =	vld [tilespmem:s6+$0x1050]  }
0x1cc: {  	[tilespmem:s15+$0x8000] =	vst.add.f32.msk $0xffff, v3  }
0x1cd: {  	s15 =	sor.u32 $0x1050, s12;
	v3 =	vld [tilespmem:s17+$0x1050]  }
0x1ce: {  	[tilespmem:s15+$0x8000] =	vst.add.f32.msk $0xffff, v1  }
0x1cf: {  	s15 =	sor.u32 $0x1050, s13;
	v1 =	vld [tilespmem:s31+$0x1060]  }
0x1d0: {  	[tilespmem:s15+$0x8000] =	vst.add.f32.msk $0xffff, v2  }
0x1d1: {  	s15 =	sor.u32 $0x1050, s29;
	v2 =	vld [tilespmem:s6+$0x1060]  }
0x1d2: {  	[tilespmem:s15+$0x8000] =	vst.add.f32.msk $0xffff, v3  }
0x1d3: {  	s15 =	sor.u32 $0x1060, s12;
	v3 =	vld [tilespmem:s17+$0x1060]  }
0x1d4: {  	[tilespmem:s15+$0x8000] =	vst.add.f32.msk $0xffff, v1  }
0x1d5: {  	s15 =	sor.u32 $0x1060, s13;
	v1 =	vld [tilespmem:s31+$0x1070]  }
0x1d6: {  	[tilespmem:s15+$0x8000] =	vst.add.f32.msk $0xffff, v2  }
0x1d7: {  	s15 =	sor.u32 $0x1060, s29;
	v2 =	vld [tilespmem:s6+$0x1070]  }
0x1d8: {  	[tilespmem:s15+$0x8000] =	vst.add.f32.msk $0xffff, v3  }
0x1d9: {  	s10 =	sor.u32 s11, s10;
	s14 =	sor.u32 $0x1070, s12;
	v3 =	vld [tilespmem:s17+$0x1070]  }
0x1da: {  	s15 =	sor.u32 $0x1400, s10;
	[tilespmem:s14+$0x8000] =	vst.add.f32.msk $0xffff, v1  }
0x1db: {  	s14 =	sor.u32 $0x1070, s13;
	v1 =	vld [tilespmem:s15+$0x0]  }
0x1dc: {  	[tilespmem:s14+$0x8000] =	vst.add.f32.msk $0xffff, v2  }
0x1dd: {  	s15 =	sor.u32 $0x1070, s29;
	v2 =	vld [tilespmem:s6+$0x1400]  }
0x1de: {  	[tilespmem:s15+$0x8000] =	vst.add.f32.msk $0xffff, v3  }
0x1df: {  	s14 =	sor.u32 $0x1400, s12;
	v3 =	vld [tilespmem:s17+$0x1400]  }
0x1e0: {  	s15 =	sor.u32 $0x1410, s10;
	[tilespmem:s14+$0x8000] =	vst.add.f32.msk $0xffff, v1  }
0x1e1: {  	s14 =	sor.u32 $0x1400, s13;
	v1 =	vld [tilespmem:s15+$0x0]  }
0x1e2: {  	[tilespmem:s14+$0x8000] =	vst.add.f32.msk $0xffff, v2  }
0x1e3: {  	s15 =	sor.u32 $0x1400, s29;
	v2 =	vld [tilespmem:s6+$0x1410]  }
0x1e4: {  	[tilespmem:s15+$0x8000] =	vst.add.f32.msk $0xffff, v3  }
0x1e5: {  	s14 =	sor.u32 $0x1410, s12;
	v3 =	vld [tilespmem:s17+$0x1410]  }
0x1e6: {  	s15 =	sor.u32 $0x1420, s10;
	[tilespmem:s14+$0x8000] =	vst.add.f32.msk $0xffff, v1  }
0x1e7: {  	s14 =	sor.u32 $0x1410, s13;
	v1 =	vld [tilespmem:s15+$0x0]  }
0x1e8: {  	[tilespmem:s14+$0x8000] =	vst.add.f32.msk $0xffff, v2  }
0x1e9: {  	s15 =	sor.u32 $0x1410, s29;
	v2 =	vld [tilespmem:s6+$0x1420]  }
0x1ea: {  	[tilespmem:s15+$0x8000] =	vst.add.f32.msk $0xffff, v3  }
0x1eb: {  	s14 =	sor.u32 $0x1420, s12;
	v3 =	vld [tilespmem:s17+$0x1420]  }
0x1ec: {  	s15 =	sor.u32 $0x1430, s10;
	[tilespmem:s14+$0x8000] =	vst.add.f32.msk $0xffff, v1  }
0x1ed: {  	s14 =	sor.u32 $0x1420, s13;
	v1 =	vld [tilespmem:s15+$0x0]  }
0x1ee: {  	[tilespmem:s14+$0x8000] =	vst.add.f32.msk $0xffff, v2  }
0x1ef: {  	s15 =	sor.u32 $0x1420, s29;
	v2 =	vld [tilespmem:s6+$0x1430]  }
0x1f0: {  	[tilespmem:s15+$0x8000] =	vst.add.f32.msk $0xffff, v3  }
0x1f1: {  	s14 =	sor.u32 $0x1430, s12;
	v3 =	vld [tilespmem:s17+$0x1430]  }
0x1f2: {  	s15 =	sor.u32 $0x1440, s10;
	[tilespmem:s14+$0x8000] =	vst.add.f32.msk $0xffff, v1  }
0x1f3: {  	s14 =	sor.u32 $0x1430, s13;
	v1 =	vld [tilespmem:s15+$0x0]  }
0x1f4: {  	[tilespmem:s14+$0x8000] =	vst.add.f32.msk $0xffff, v2  }
0x1f5: {  	s15 =	sor.u32 $0x1430, s29;
	v2 =	vld [tilespmem:s6+$0x1440]  }
0x1f6: {  	[tilespmem:s15+$0x8000] =	vst.add.f32.msk $0xffff, v3  }
0x1f7: {  	s14 =	sor.u32 $0x1440, s12;
	v3 =	vld [tilespmem:s17+$0x1440]  }
0x1f8: {  	s15 =	sor.u32 $0x1450, s10;
	[tilespmem:s14+$0x8000] =	vst.add.f32.msk $0xffff, v1  }
0x1f9: {  	s14 =	sor.u32 $0x1440, s13;
	v1 =	vld [tilespmem:s15+$0x0]  }
0x1fa: {  	[tilespmem:s14+$0x8000] =	vst.add.f32.msk $0xffff, v2  }
0x1fb: {  	s15 =	sor.u32 $0x1440, s29;
	v2 =	vld [tilespmem:s6+$0x1450]  }
0x1fc: {  	[tilespmem:s15+$0x8000] =	vst.add.f32.msk $0xffff, v3  }
0x1fd: {  	s14 =	sor.u32 $0x1450, s12;
	v3 =	vld [tilespmem:s17+$0x1450]  }
0x1fe: {  	s15 =	sor.u32 $0x1460, s10;
	[tilespmem:s14+$0x8000] =	vst.add.f32.msk $0xffff, v1  }
0x1ff: {  	s14 =	sor.u32 $0x1450, s13;
	v1 =	vld [tilespmem:s15+$0x0]  }
0x200: {  	[tilespmem:s14+$0x8000] =	vst.add.f32.msk $0xffff, v2  }
0x201: {  	s15 =	sor.u32 $0x1450, s29;
	v2 =	vld [tilespmem:s6+$0x1460]  }
0x202: {  	[tilespmem:s15+$0x8000] =	vst.add.f32.msk $0xffff, v3  }
0x203: {  	s14 =	sor.u32 $0x1460, s12;
	v3 =	vld [tilespmem:s17+$0x1460]  }
0x204: {  	s15 =	sor.u32 $0x1470, s10;
	[tilespmem:s14+$0x8000] =	vst.add.f32.msk $0xffff, v1  }
0x205: {  	s14 =	sor.u32 $0x1460, s13;
	v1 =	vld [tilespmem:s15+$0x0]  }
0x206: {  	[tilespmem:s14+$0x8000] =	vst.add.f32.msk $0xffff, v2  }
0x207: {  	s15 =	sor.u32 $0x1460, s29;
	v2 =	vld [tilespmem:s6+$0x1470]  }
0x208: {  	[tilespmem:s15+$0x8000] =	vst.add.f32.msk $0xffff, v3  }
0x209: {  	s11 =	sor.u32 $0x1470, s12;
	v3 =	vld [tilespmem:s17+$0x1470]  }
0x20a: {  	[tilespmem:s11+$0x8000] =	vst.add.f32.msk $0xffff, v1  }
0x20b: {  	s14 =	sor.u32 $0x1470, s13;
	s6 =	sor.u32 s9, s18;
	v1 =	vld [tilespmem:s31+$0x1800]  }
0x20c: {  	s15 =	sor.u32 $0x1800, s6;
	[tilespmem:s14+$0x8000] =	vst.add.f32.msk $0xffff, v2  }
0x20d: {  	s18 =	sor.u32 $0x1470, s29;
	v2 =	vld [tilespmem:s15+$0x0]  }
0x20e: {  	[tilespmem:s18+$0x8000] =	vst.add.f32.msk $0xffff, v3  }
0x20f: {  	s11 =	sor.u32 $0x1800, s12;
	v3 =	vld [tilespmem:s17+$0x1800]  }
0x210: {  	[tilespmem:s11+$0x8000] =	vst.add.f32.msk $0xffff, v1  }
0x211: {  	s14 =	sor.u32 $0x1800, s13;
	v1 =	vld [tilespmem:s31+$0x1810]  }
0x212: {  	s15 =	sor.u32 $0x1810, s6;
	[tilespmem:s14+$0x8000] =	vst.add.f32.msk $0xffff, v2  }
0x213: {  	s18 =	sor.u32 $0x1800, s29;
	v2 =	vld [tilespmem:s15+$0x0]  }
0x214: {  	[tilespmem:s18+$0x8000] =	vst.add.f32.msk $0xffff, v3  }
0x215: {  	s11 =	sor.u32 $0x1810, s12;
	v3 =	vld [tilespmem:s17+$0x1810]  }
0x216: {  	[tilespmem:s11+$0x8000] =	vst.add.f32.msk $0xffff, v1  }
0x217: {  	s14 =	sor.u32 $0x1810, s13;
	v1 =	vld [tilespmem:s31+$0x1820]  }
0x218: {  	s15 =	sor.u32 $0x1820, s6;
	[tilespmem:s14+$0x8000] =	vst.add.f32.msk $0xffff, v2  }
0x219: {  	s18 =	sor.u32 $0x1810, s29;
	v2 =	vld [tilespmem:s15+$0x0]  }
0x21a: {  	[tilespmem:s18+$0x8000] =	vst.add.f32.msk $0xffff, v3  }
0x21b: {  	s11 =	sor.u32 $0x1820, s12;
	v3 =	vld [tilespmem:s17+$0x1820]  }
0x21c: {  	[tilespmem:s11+$0x8000] =	vst.add.f32.msk $0xffff, v1  }
0x21d: {  	s14 =	sor.u32 $0x1820, s13;
	v1 =	vld [tilespmem:s31+$0x1830]  }
0x21e: {  	s15 =	sor.u32 $0x1830, s6;
	[tilespmem:s14+$0x8000] =	vst.add.f32.msk $0xffff, v2  }
0x21f: {  	s18 =	sor.u32 $0x1820, s29;
	v2 =	vld [tilespmem:s15+$0x0]  }
0x220: {  	[tilespmem:s18+$0x8000] =	vst.add.f32.msk $0xffff, v3  }
0x221: {  	s11 =	sor.u32 $0x1830, s12;
	v3 =	vld [tilespmem:s17+$0x1830]  }
0x222: {  	[tilespmem:s11+$0x8000] =	vst.add.f32.msk $0xffff, v1  }
0x223: {  	s14 =	sor.u32 $0x1830, s13;
	v1 =	vld [tilespmem:s31+$0x1840]  }
0x224: {  	s15 =	sor.u32 $0x1840, s6;
	[tilespmem:s14+$0x8000] =	vst.add.f32.msk $0xffff, v2  }
0x225: {  	s18 =	sor.u32 $0x1830, s29;
	v2 =	vld [tilespmem:s15+$0x0]  }
0x226: {  	[tilespmem:s18+$0x8000] =	vst.add.f32.msk $0xffff, v3  }
0x227: {  	s11 =	sor.u32 $0x1840, s12;
	v3 =	vld [tilespmem:s17+$0x1840]  }
0x228: {  	[tilespmem:s11+$0x8000] =	vst.add.f32.msk $0xffff, v1  }
0x229: {  	s14 =	sor.u32 $0x1840, s13;
	v1 =	vld [tilespmem:s31+$0x1850]  }
0x22a: {  	s15 =	sor.u32 $0x1850, s6;
	[tilespmem:s14+$0x8000] =	vst.add.f32.msk $0xffff, v2  }
0x22b: {  	s18 =	sor.u32 $0x1840, s29;
	v2 =	vld [tilespmem:s15+$0x0]  }
0x22c: {  	[tilespmem:s18+$0x8000] =	vst.add.f32.msk $0xffff, v3  }
0x22d: {  	s11 =	sor.u32 $0x1850, s12;
	v3 =	vld [tilespmem:s17+$0x1850]  }
0x22e: {  	[tilespmem:s11+$0x8000] =	vst.add.f32.msk $0xffff, v1  }
0x22f: {  	s14 =	sor.u32 $0x1850, s13;
	v1 =	vld [tilespmem:s31+$0x1860]  }
0x230: {  	s15 =	sor.u32 $0x1860, s6;
	[tilespmem:s14+$0x8000] =	vst.add.f32.msk $0xffff, v2  }
0x231: {  	s18 =	sor.u32 $0x1850, s29;
	v2 =	vld [tilespmem:s15+$0x0]  }
0x232: {  	[tilespmem:s18+$0x8000] =	vst.add.f32.msk $0xffff, v3  }
0x233: {  	s11 =	sor.u32 $0x1860, s12;
	v3 =	vld [tilespmem:s17+$0x1860]  }
0x234: {  	[tilespmem:s11+$0x8000] =	vst.add.f32.msk $0xffff, v1  }
0x235: {  	s14 =	sor.u32 $0x1860, s13;
	v1 =	vld [tilespmem:s31+$0x1870]  }
0x236: {  	s15 =	sor.u32 $0x1870, s6;
	[tilespmem:s14+$0x8000] =	vst.add.f32.msk $0xffff, v2  }
0x237: {  	s18 =	sor.u32 $0x1860, s29;
	v2 =	vld [tilespmem:s15+$0x0]  }
0x238: {  	[tilespmem:s18+$0x8000] =	vst.add.f32.msk $0xffff, v3  }
0x239: {  	s31 =	sor.u32 $0x1870, s12;
	v3 =	vld [tilespmem:s17+$0x1870]  }
0x23a: {  	s11 =	sor.u32 $0x1C00, s10;
	[tilespmem:s31+$0x8000] =	vst.add.f32.msk $0xffff, v1  }
0x23b: {  	s14 =	sor.u32 $0x1870, s13;
	v1 =	vld [tilespmem:s11+$0x0]  }
0x23c: {  	s15 =	sor.u32 $0x1C00, s6;
	[tilespmem:s14+$0x8000] =	vst.add.f32.msk $0xffff, v2  }
0x23d: {  	s2 =	sor.u32 s2, s30;
	s17 =	sor.u32 $0x1870, s29;
	v2 =	vld [tilespmem:s15+$0x0]  }
0x23e: {  	s18 =	sor.u32 $0x1C00, s2;
	[tilespmem:s17+$0x8000] =	vst.add.f32.msk $0xffff, v3  }
0x23f: {  	s30 =	sor.u32 $0x1C00, s12;
	v3 =	vld [tilespmem:s18+$0x0]  }
0x240: {  	s31 =	sor.u32 $0x1C10, s10;
	[tilespmem:s30+$0x8000] =	vst.add.f32.msk $0xffff, v1  }
0x241: {  	s11 =	sor.u32 $0x1C00, s13;
	v1 =	vld [tilespmem:s31+$0x0]  }
0x242: {  	s14 =	sor.u32 $0x1C10, s6;
	[tilespmem:s11+$0x8000] =	vst.add.f32.msk $0xffff, v2  }
0x243: {  	s15 =	sor.u32 $0x1C00, s29;
	v2 =	vld [tilespmem:s14+$0x0]  }
0x244: {  	s17 =	sor.u32 $0x1C10, s2;
	[tilespmem:s15+$0x8000] =	vst.add.f32.msk $0xffff, v3  }
0x245: {  	s18 =	sor.u32 $0x1C10, s12;
	v3 =	vld [tilespmem:s17+$0x0]  }
0x246: {  	s30 =	sor.u32 $0x1C20, s10;
	[tilespmem:s18+$0x8000] =	vst.add.f32.msk $0xffff, v1  }
0x247: {  	s31 =	sor.u32 $0x1C10, s13;
	v1 =	vld [tilespmem:s30+$0x0]  }
0x248: {  	s11 =	sor.u32 $0x1C20, s6;
	[tilespmem:s31+$0x8000] =	vst.add.f32.msk $0xffff, v2  }
0x249: {  	s14 =	sor.u32 $0x1C10, s29;
	v2 =	vld [tilespmem:s11+$0x0]  }
0x24a: {  	s15 =	sor.u32 $0x1C20, s2;
	[tilespmem:s14+$0x8000] =	vst.add.f32.msk $0xffff, v3  }
0x24b: {  	s17 =	sor.u32 $0x1C20, s12;
	v3 =	vld [tilespmem:s15+$0x0]  }
0x24c: {  	s18 =	sor.u32 $0x1C30, s10;
	[tilespmem:s17+$0x8000] =	vst.add.f32.msk $0xffff, v1  }
0x24d: {  	s30 =	sor.u32 $0x1C20, s13;
	v1 =	vld [tilespmem:s18+$0x0]  }
0x24e: {  	s31 =	sor.u32 $0x1C30, s6;
	[tilespmem:s30+$0x8000] =	vst.add.f32.msk $0xffff, v2  }
0x24f: {  	s11 =	sor.u32 $0x1C20, s29;
	v2 =	vld [tilespmem:s31+$0x0]  }
0x250: {  	s14 =	sor.u32 $0x1C30, s2;
	[tilespmem:s11+$0x8000] =	vst.add.f32.msk $0xffff, v3  }
0x251: {  	s15 =	sor.u32 $0x1C30, s12;
	v3 =	vld [tilespmem:s14+$0x0]  }
0x252: {  	s17 =	sor.u32 $0x1C40, s10;
	[tilespmem:s15+$0x8000] =	vst.add.f32.msk $0xffff, v1  }
0x253: {  	s18 =	sor.u32 $0x1C30, s13;
	v1 =	vld [tilespmem:s17+$0x0]  }
0x254: {  	s30 =	sor.u32 $0x1C40, s6;
	[tilespmem:s18+$0x8000] =	vst.add.f32.msk $0xffff, v2  }
0x255: {  	s31 =	sor.u32 $0x1C30, s29;
	v2 =	vld [tilespmem:s30+$0x0]  }
0x256: {  	s11 =	sor.u32 $0x1C40, s2;
	[tilespmem:s31+$0x8000] =	vst.add.f32.msk $0xffff, v3  }
0x257: {  	s14 =	sor.u32 $0x1C40, s12;
	v3 =	vld [tilespmem:s11+$0x0]  }
0x258: {  	s15 =	sor.u32 $0x1C50, s10;
	[tilespmem:s14+$0x8000] =	vst.add.f32.msk $0xffff, v1  }
0x259: {  	s17 =	sor.u32 $0x1C40, s13;
	v1 =	vld [tilespmem:s15+$0x0]  }
0x25a: {  	s18 =	sor.u32 $0x1C50, s6;
	[tilespmem:s17+$0x8000] =	vst.add.f32.msk $0xffff, v2  }
0x25b: {  	s30 =	sor.u32 $0x1C40, s29;
	v2 =	vld [tilespmem:s18+$0x0]  }
0x25c: {  	s31 =	sor.u32 $0x1C50, s2;
	[tilespmem:s30+$0x8000] =	vst.add.f32.msk $0xffff, v3  }
0x25d: {  	s11 =	sor.u32 $0x1C50, s12;
	v3 =	vld [tilespmem:s31+$0x0]  }
0x25e: {  	s14 =	sor.u32 $0x1C60, s10;
	[tilespmem:s11+$0x8000] =	vst.add.f32.msk $0xffff, v1  }
0x25f: {  	s15 =	sor.u32 $0x1C50, s13;
	v1 =	vld [tilespmem:s14+$0x0]  }
0x260: {  	s17 =	sor.u32 $0x1C60, s6;
	[tilespmem:s15+$0x8000] =	vst.add.f32.msk $0xffff, v2  }
0x261: {  	s18 =	sor.u32 $0x1C50, s29;
	v2 =	vld [tilespmem:s17+$0x0]  }
0x262: {  	s30 =	sor.u32 $0x1C60, s2;
	[tilespmem:s18+$0x8000] =	vst.add.f32.msk $0xffff, v3  }
0x263: {  	s31 =	sor.u32 $0x1C60, s12;
	v3 =	vld [tilespmem:s30+$0x0]  }
0x264: {  	s11 =	sor.u32 $0x1C70, s10;
	[tilespmem:s31+$0x8000] =	vst.add.f32.msk $0xffff, v1  }
0x265: {  	s14 =	sor.u32 $0x1C60, s13;
	v1 =	vld [tilespmem:s11+$0x0]  }
0x266: {  	s6 =	sor.u32 $0x1C70, s6;
	[tilespmem:s14+$0x8000] =	vst.add.f32.msk $0xffff, v2  }
0x267: {  	s15 =	sor.u32 $0x1C60, s29;
	v2 =	vld [tilespmem:s6+$0x0]  }
0x268: {  	s2 =	sor.u32 $0x1C70, s2;
	[tilespmem:s15+$0x8000] =	vst.add.f32.msk $0xffff, v3  }
0x269: {  	p2 =	slt.u32 s8, $0xC;
	v3 =	vld [tilespmem:s2+$0x0]  }
.Ltmp0:
0x26a: {  	s17 =	sor.u32 $0x1C70, s28;
	(pc) =	sbr.rel @p2 .LBB2_3-.Ltmp0, $4  }
0x26b: {  	[tilespmem:s17+$0x8000] =	vst.add.f32.msk $0xffff, v0;
	s18 =	sor.u32 $0x1C70, s12  }
0x26c: {  	s28 =	sor.u32 $0x1C70, s13;
	[tilespmem:s18+$0x8000] =	vst.add.f32.msk $0xffff, v1  }
0x26d: {  	s30 =	sor.u32 $0x1C70, s29;
	s31 =	sadd.s32 $0x4, s8;
	[tilespmem:s28+$0x8000] =	vst.add.f32.msk $0xffff, v2  }
0x26e: {  	s8 =	smov.u32 s31;
	[tilespmem:s30+$0x8000] =	vst.add.f32.msk $0xffff, v3  }
0x26f: {  	s8 =	sadd.s32 s4, s7;
	s2 =	rddreg [dreg:$0x2]  }
0x270: {  	s6 =	simm.s32 $0x8000;
	s2 =	sadd.s32 s2, s8  }
0x271: {  	[hbm4b:s2+s3] =	stream.linear.scatter [tilespmem:s6], [sflag:$0x6], $0x4000, $0x38;
	[tilespmem:$0x18000] =	vst v63  }
0x272: {  	_ =	swait.ge [sflag:s22], $0x4000  }
0x273: {  	[sflag:s22] =	ssyncset.done $0x0  }
0x274: {  	s2 =	simm.s32 @!p1 $0x9;
	[sflag:s22] =	ssyncadd.s32 $0xFFFFC000  }
0x275: {  	_ =	swait.ge @!p1 [sflag:s2], $0x4000  }
0x276: {  	[sflag:s2] =	ssyncset.done @!p1 $0x0;
	s31 =	rddreg [dreg:$0x7]  }
0x277: {  	[sflag:s2] =	ssyncadd.s32 @!p1 $0xFFFFC000;
	s2 =	sadd.s32 s26, s31;
	s26 =	simm.s32 $0x0  }
0x278: {  	[tilespmem:s23], [sflag:$0x5] =	stream.linear.gather [hbm4b:s2+s26], $0x4000, $0x38;
	[tilespmem:$0x18000] =	vst v63  }
.LBB2_5:
0x279: {  	s2 =	sor.u32 s1, s26  }
0x27a: {  	s17 =	sshll.u32 s26, $0x7;
	s6 =	sshll.u32 s2, $0xA  }
0x27b: {  	s2 =	sand.u32 $0x200, s17;
	s9 =	sand.u32 $0x6000, s6  }
0x27c: {  	s9 =	sor.u32 s2, s9  }
0x27d: {  	v0 =	vld [tilespmem:s9+$0x0]  }
0x27e: {  	s29 =	sshll.u32 s26, $0xA  }
0x27f: {  	s10 =	sand.u32 $0x2000, s29  }
0x280: {  	s14 =	sor.u32 $0xC000, s10  }
0x281: {  	s10 =	sor.u32 s2, s14  }
0x282: {  	[tilespmem:s10+$0x0] =	vst.add.f32.msk $0xffff, v0  }
0x283: {  	v0 =	vld [tilespmem:s9+$0x10];
	_ =	sdelay $0x3  }
0x284: {  	s11 =	sor.u32 $0x10, s10  }
0x285: {  	[tilespmem:s11+$0x0] =	vst.add.f32.msk $0xffff, v0  }
0x286: {  	v0 =	vld [tilespmem:s9+$0x20];
	_ =	sdelay $0x3  }
0x287: {  	s18 =	sor.u32 $0x20, s10  }
0x288: {  	[tilespmem:s18+$0x0] =	vst.add.f32.msk $0xffff, v0  }
0x289: {  	v0 =	vld [tilespmem:s9+$0x30];
	_ =	sdelay $0x3  }
0x28a: {  	s28 =	sor.u32 $0x30, s10  }
0x28b: {  	[tilespmem:s28+$0x0] =	vst.add.f32.msk $0xffff, v0  }
0x28c: {  	v0 =	vld [tilespmem:s9+$0x40];
	_ =	sdelay $0x3  }
0x28d: {  	s30 =	sor.u32 $0x40, s10  }
0x28e: {  	[tilespmem:s30+$0x0] =	vst.add.f32.msk $0xffff, v0  }
0x28f: {  	v0 =	vld [tilespmem:s9+$0x50];
	_ =	sdelay $0x3  }
0x290: {  	s31 =	sor.u32 $0x50, s10  }
0x291: {  	[tilespmem:s31+$0x0] =	vst.add.f32.msk $0xffff, v0  }
0x292: {  	v0 =	vld [tilespmem:s9+$0x60];
	_ =	sdelay $0x3  }
0x293: {  	s12 =	sor.u32 $0x60, s10  }
0x294: {  	[tilespmem:s12+$0x0] =	vst.add.f32.msk $0xffff, v0  }
0x295: {  	v0 =	vld [tilespmem:s9+$0x70];
	_ =	sdelay $0x3  }
0x296: {  	s13 =	sor.u32 $0x70, s10  }
0x297: {  	[tilespmem:s13+$0x0] =	vst.add.f32.msk $0xffff, v0  }
0x298: {  	v0 =	vld [tilespmem:s9+$0x400];
	_ =	sdelay $0x3  }
0x299: {  	s15 =	sor.u32 $0x400, s10  }
0x29a: {  	[tilespmem:s15+$0x0] =	vst.add.f32.msk $0xffff, v0  }
0x29b: {  	v0 =	vld [tilespmem:s9+$0x410];
	_ =	sdelay $0x3  }
0x29c: {  	s17 =	sor.u32 $0x410, s10  }
0x29d: {  	[tilespmem:s17+$0x0] =	vst.add.f32.msk $0xffff, v0  }
0x29e: {  	v0 =	vld [tilespmem:s9+$0x420];
	_ =	sdelay $0x3  }
0x29f: {  	s18 =	sor.u32 $0x420, s10  }
0x2a0: {  	[tilespmem:s18+$0x0] =	vst.add.f32.msk $0xffff, v0  }
0x2a1: {  	v0 =	vld [tilespmem:s9+$0x430];
	_ =	sdelay $0x3  }
0x2a2: {  	s28 =	sor.u32 $0x430, s10  }
0x2a3: {  	[tilespmem:s28+$0x0] =	vst.add.f32.msk $0xffff, v0  }
0x2a4: {  	v0 =	vld [tilespmem:s9+$0x440];
	_ =	sdelay $0x3  }
0x2a5: {  	s30 =	sor.u32 $0x440, s10  }
0x2a6: {  	[tilespmem:s30+$0x0] =	vst.add.f32.msk $0xffff, v0  }
0x2a7: {  	v0 =	vld [tilespmem:s9+$0x450];
	_ =	sdelay $0x3  }
0x2a8: {  	s31 =	sor.u32 $0x450, s10  }
0x2a9: {  	[tilespmem:s31+$0x0] =	vst.add.f32.msk $0xffff, v0  }
0x2aa: {  	v0 =	vld [tilespmem:s9+$0x460];
	_ =	sdelay $0x3  }
0x2ab: {  	s12 =	sor.u32 $0x460, s10  }
0x2ac: {  	[tilespmem:s12+$0x0] =	vst.add.f32.msk $0xffff, v0  }
0x2ad: {  	v0 =	vld [tilespmem:s9+$0x470];
	_ =	sdelay $0x3  }
0x2ae: {  	s13 =	sor.u32 $0x470, s10  }
0x2af: {  	[tilespmem:s13+$0x0] =	vst.add.f32.msk $0xffff, v0  }
0x2b0: {  	v0 =	vld [tilespmem:s9+$0x800];
	_ =	sdelay $0x3  }
0x2b1: {  	s15 =	sor.u32 $0x800, s10  }
0x2b2: {  	[tilespmem:s15+$0x0] =	vst.add.f32.msk $0xffff, v0  }
0x2b3: {  	v0 =	vld [tilespmem:s9+$0x810];
	_ =	sdelay $0x3  }
0x2b4: {  	s17 =	sor.u32 $0x810, s10  }
0x2b5: {  	[tilespmem:s17+$0x0] =	vst.add.f32.msk $0xffff, v0  }
0x2b6: {  	v0 =	vld [tilespmem:s9+$0x820];
	_ =	sdelay $0x3  }
0x2b7: {  	s18 =	sor.u32 $0x820, s10  }
0x2b8: {  	[tilespmem:s18+$0x0] =	vst.add.f32.msk $0xffff, v0  }
0x2b9: {  	v0 =	vld [tilespmem:s9+$0x830];
	_ =	sdelay $0x3  }
0x2ba: {  	s28 =	sor.u32 $0x830, s10  }
0x2bb: {  	[tilespmem:s28+$0x0] =	vst.add.f32.msk $0xffff, v0  }
0x2bc: {  	v0 =	vld [tilespmem:s9+$0x840];
	_ =	sdelay $0x3  }
0x2bd: {  	s30 =	sor.u32 $0x840, s10  }
0x2be: {  	[tilespmem:s30+$0x0] =	vst.add.f32.msk $0xffff, v0  }
0x2bf: {  	v0 =	vld [tilespmem:s9+$0x850];
	_ =	sdelay $0x3  }
0x2c0: {  	s31 =	sor.u32 $0x850, s10  }
0x2c1: {  	[tilespmem:s31+$0x0] =	vst.add.f32.msk $0xffff, v0  }
0x2c2: {  	v0 =	vld [tilespmem:s9+$0x860];
	_ =	sdelay $0x3  }
0x2c3: {  	s12 =	sor.u32 $0x860, s10  }
0x2c4: {  	[tilespmem:s12+$0x0] =	vst.add.f32.msk $0xffff, v0  }
0x2c5: {  	v0 =	vld [tilespmem:s9+$0x870];
	_ =	sdelay $0x3  }
0x2c6: {  	s13 =	sor.u32 $0x870, s10  }
0x2c7: {  	[tilespmem:s13+$0x0] =	vst.add.f32.msk $0xffff, v0  }
0x2c8: {  	v0 =	vld [tilespmem:s9+$0xC00];
	_ =	sdelay $0x3  }
0x2c9: {  	s15 =	sor.u32 $0xC00, s10  }
0x2ca: {  	[tilespmem:s15+$0x0] =	vst.add.f32.msk $0xffff, v0  }
0x2cb: {  	v0 =	vld [tilespmem:s9+$0xC10];
	_ =	sdelay $0x3  }
0x2cc: {  	s17 =	sor.u32 $0xC10, s10  }
0x2cd: {  	[tilespmem:s17+$0x0] =	vst.add.f32.msk $0xffff, v0  }
0x2ce: {  	v0 =	vld [tilespmem:s9+$0xC20];
	_ =	sdelay $0x3  }
0x2cf: {  	s18 =	sor.u32 $0xC20, s10  }
0x2d0: {  	[tilespmem:s18+$0x0] =	vst.add.f32.msk $0xffff, v0  }
0x2d1: {  	v0 =	vld [tilespmem:s9+$0xC30];
	_ =	sdelay $0x3  }
0x2d2: {  	s28 =	sor.u32 $0xC30, s10  }
0x2d3: {  	[tilespmem:s28+$0x0] =	vst.add.f32.msk $0xffff, v0  }
0x2d4: {  	v0 =	vld [tilespmem:s9+$0xC40];
	_ =	sdelay $0x3  }
0x2d5: {  	s30 =	sor.u32 $0xC40, s10  }
0x2d6: {  	[tilespmem:s30+$0x0] =	vst.add.f32.msk $0xffff, v0  }
0x2d7: {  	v0 =	vld [tilespmem:s9+$0xC50];
	_ =	sdelay $0x3  }
0x2d8: {  	s31 =	sor.u32 $0xC50, s10  }
0x2d9: {  	[tilespmem:s31+$0x0] =	vst.add.f32.msk $0xffff, v0  }
0x2da: {  	v0 =	vld [tilespmem:s9+$0xC60];
	_ =	sdelay $0x3  }
0x2db: {  	s12 =	sor.u32 $0xC60, s10  }
0x2dc: {  	[tilespmem:s12+$0x0] =	vst.add.f32.msk $0xffff, v0  }
0x2dd: {  	v0 =	vld [tilespmem:s9+$0xC70];
	_ =	sdelay $0x3  }
0x2de: {  	s13 =	sor.u32 $0xC70, s10;
	s12 =	sor.u32 s2, s6  }
0x2df: {  	s6 =	sor.u32 $0x1000, s12;
	[tilespmem:s13+$0x0] =	vst.add.f32.msk $0xffff, v0  }
0x2e0: {  	v0 =	vld [tilespmem:s6+$0x0];
	_ =	sdelay $0x2  }
0x2e1: {  	s28 =	sor.u32 s29, s2  }
0x2e2: {  	s2 =	sor.u32 $0x1000, s28  }
0x2e3: {  	s15 =	sor.u32 $0x1010, s12;
	[tilespmem:s2+$0xC000] =	vst.add.f32.msk $0xffff, v0  }
0x2e4: {  	v0 =	vld [tilespmem:s15+$0x0];
	_ =	sdelay $0x3  }
0x2e5: {  	s17 =	sor.u32 $0x1010, s28  }
0x2e6: {  	s18 =	sor.u32 $0x1020, s12;
	[tilespmem:s17+$0xC000] =	vst.add.f32.msk $0xffff, v0  }
0x2e7: {  	v0 =	vld [tilespmem:s18+$0x0];
	_ =	sdelay $0x3  }
0x2e8: {  	s30 =	sor.u32 $0x1020, s28  }
0x2e9: {  	s31 =	sor.u32 $0x1030, s12;
	[tilespmem:s30+$0xC000] =	vst.add.f32.msk $0xffff, v0  }
0x2ea: {  	v0 =	vld [tilespmem:s31+$0x0];
	_ =	sdelay $0x3  }
0x2eb: {  	s6 =	sor.u32 $0x1030, s28  }
0x2ec: {  	s9 =	sor.u32 $0x1040, s12;
	[tilespmem:s6+$0xC000] =	vst.add.f32.msk $0xffff, v0  }
0x2ed: {  	v0 =	vld [tilespmem:s9+$0x0];
	_ =	sdelay $0x3  }
0x2ee: {  	s10 =	sor.u32 $0x1040, s28  }
0x2ef: {  	s11 =	sor.u32 $0x1050, s12;
	[tilespmem:s10+$0xC000] =	vst.add.f32.msk $0xffff, v0  }
0x2f0: {  	v0 =	vld [tilespmem:s11+$0x0];
	_ =	sdelay $0x3  }
0x2f1: {  	s13 =	sor.u32 $0x1050, s28  }
0x2f2: {  	s15 =	sor.u32 $0x1060, s12;
	[tilespmem:s13+$0xC000] =	vst.add.f32.msk $0xffff, v0  }
0x2f3: {  	v0 =	vld [tilespmem:s15+$0x0];
	_ =	sdelay $0x3  }
0x2f4: {  	s17 =	sor.u32 $0x1060, s28  }
0x2f5: {  	s18 =	sor.u32 $0x1070, s12;
	[tilespmem:s17+$0xC000] =	vst.add.f32.msk $0xffff, v0  }
0x2f6: {  	v0 =	vld [tilespmem:s18+$0x0];
	_ =	sdelay $0x3  }
0x2f7: {  	s30 =	sor.u32 $0x1070, s28  }
0x2f8: {  	s31 =	sor.u32 $0x1400, s12;
	[tilespmem:s30+$0xC000] =	vst.add.f32.msk $0xffff, v0  }
0x2f9: {  	v0 =	vld [tilespmem:s31+$0x0];
	_ =	sdelay $0x3  }
0x2fa: {  	s6 =	sor.u32 $0x1400, s28  }
0x2fb: {  	s9 =	sor.u32 $0x1410, s12;
	[tilespmem:s6+$0xC000] =	vst.add.f32.msk $0xffff, v0  }
0x2fc: {  	v0 =	vld [tilespmem:s9+$0x0];
	_ =	sdelay $0x3  }
0x2fd: {  	s10 =	sor.u32 $0x1410, s28  }
0x2fe: {  	s11 =	sor.u32 $0x1420, s12;
	[tilespmem:s10+$0xC000] =	vst.add.f32.msk $0xffff, v0  }
0x2ff: {  	v0 =	vld [tilespmem:s11+$0x0];
	_ =	sdelay $0x3  }
0x300: {  	s13 =	sor.u32 $0x1420, s28  }
0x301: {  	s15 =	sor.u32 $0x1430, s12;
	[tilespmem:s13+$0xC000] =	vst.add.f32.msk $0xffff, v0  }
0x302: {  	v0 =	vld [tilespmem:s15+$0x0];
	_ =	sdelay $0x3  }
0x303: {  	s17 =	sor.u32 $0x1430, s28  }
0x304: {  	s18 =	sor.u32 $0x1440, s12;
	[tilespmem:s17+$0xC000] =	vst.add.f32.msk $0xffff, v0  }
0x305: {  	v0 =	vld [tilespmem:s18+$0x0];
	_ =	sdelay $0x3  }
0x306: {  	s30 =	sor.u32 $0x1440, s28  }
0x307: {  	s31 =	sor.u32 $0x1450, s12;
	[tilespmem:s30+$0xC000] =	vst.add.f32.msk $0xffff, v0  }
0x308: {  	v0 =	vld [tilespmem:s31+$0x0];
	_ =	sdelay $0x3  }
0x309: {  	s6 =	sor.u32 $0x1450, s28  }
0x30a: {  	s9 =	sor.u32 $0x1460, s12;
	[tilespmem:s6+$0xC000] =	vst.add.f32.msk $0xffff, v0  }
0x30b: {  	v0 =	vld [tilespmem:s9+$0x0];
	_ =	sdelay $0x3  }
0x30c: {  	s10 =	sor.u32 $0x1460, s28  }
0x30d: {  	s11 =	sor.u32 $0x1470, s12;
	[tilespmem:s10+$0xC000] =	vst.add.f32.msk $0xffff, v0  }
0x30e: {  	v0 =	vld [tilespmem:s11+$0x0];
	_ =	sdelay $0x3  }
0x30f: {  	s13 =	sor.u32 $0x1470, s28  }
0x310: {  	s15 =	sor.u32 $0x1800, s12;
	[tilespmem:s13+$0xC000] =	vst.add.f32.msk $0xffff, v0  }
0x311: {  	v0 =	vld [tilespmem:s15+$0x0];
	_ =	sdelay $0x3  }
0x312: {  	s17 =	sor.u32 $0x1800, s28  }
0x313: {  	s18 =	sor.u32 $0x1810, s12;
	[tilespmem:s17+$0xC000] =	vst.add.f32.msk $0xffff, v0  }
0x314: {  	v0 =	vld [tilespmem:s18+$0x0];
	_ =	sdelay $0x3  }
0x315: {  	s30 =	sor.u32 $0x1810, s28  }
0x316: {  	s31 =	sor.u32 $0x1820, s12;
	[tilespmem:s30+$0xC000] =	vst.add.f32.msk $0xffff, v0  }
0x317: {  	v0 =	vld [tilespmem:s31+$0x0];
	_ =	sdelay $0x3  }
0x318: {  	s6 =	sor.u32 $0x1820, s28  }
0x319: {  	s9 =	sor.u32 $0x1830, s12;
	[tilespmem:s6+$0xC000] =	vst.add.f32.msk $0xffff, v0  }
0x31a: {  	v0 =	vld [tilespmem:s9+$0x0];
	_ =	sdelay $0x3  }
0x31b: {  	s10 =	sor.u32 $0x1830, s28  }
0x31c: {  	s11 =	sor.u32 $0x1840, s12;
	[tilespmem:s10+$0xC000] =	vst.add.f32.msk $0xffff, v0  }
0x31d: {  	v0 =	vld [tilespmem:s11+$0x0];
	_ =	sdelay $0x3  }
0x31e: {  	s13 =	sor.u32 $0x1840, s28  }
0x31f: {  	s15 =	sor.u32 $0x1850, s12;
	[tilespmem:s13+$0xC000] =	vst.add.f32.msk $0xffff, v0  }
0x320: {  	v0 =	vld [tilespmem:s15+$0x0];
	_ =	sdelay $0x3  }
0x321: {  	s17 =	sor.u32 $0x1850, s28  }
0x322: {  	s18 =	sor.u32 $0x1860, s12;
	[tilespmem:s17+$0xC000] =	vst.add.f32.msk $0xffff, v0  }
0x323: {  	v0 =	vld [tilespmem:s18+$0x0];
	_ =	sdelay $0x3  }
0x324: {  	s30 =	sor.u32 $0x1860, s28  }
0x325: {  	s31 =	sor.u32 $0x1870, s12;
	[tilespmem:s30+$0xC000] =	vst.add.f32.msk $0xffff, v0  }
0x326: {  	v0 =	vld [tilespmem:s31+$0x0];
	_ =	sdelay $0x3  }
0x327: {  	s6 =	sor.u32 $0x1870, s28  }
0x328: {  	s9 =	sor.u32 $0x1C00, s12;
	[tilespmem:s6+$0xC000] =	vst.add.f32.msk $0xffff, v0  }
0x329: {  	v0 =	vld [tilespmem:s9+$0x0];
	_ =	sdelay $0x3  }
0x32a: {  	s10 =	sor.u32 $0x1C00, s28  }
0x32b: {  	s11 =	sor.u32 $0x1C10, s12;
	[tilespmem:s10+$0xC000] =	vst.add.f32.msk $0xffff, v0  }
0x32c: {  	v0 =	vld [tilespmem:s11+$0x0];
	_ =	sdelay $0x3  }
0x32d: {  	s13 =	sor.u32 $0x1C10, s28  }
0x32e: {  	s15 =	sor.u32 $0x1C20, s12;
	[tilespmem:s13+$0xC000] =	vst.add.f32.msk $0xffff, v0  }
0x32f: {  	v0 =	vld [tilespmem:s15+$0x0];
	_ =	sdelay $0x3  }
0x330: {  	s17 =	sor.u32 $0x1C20, s28  }
0x331: {  	s18 =	sor.u32 $0x1C30, s12;
	[tilespmem:s17+$0xC000] =	vst.add.f32.msk $0xffff, v0  }
0x332: {  	v0 =	vld [tilespmem:s18+$0x0];
	_ =	sdelay $0x3  }
0x333: {  	s30 =	sor.u32 $0x1C30, s28  }
0x334: {  	s31 =	sor.u32 $0x1C40, s12;
	[tilespmem:s30+$0xC000] =	vst.add.f32.msk $0xffff, v0  }
0x335: {  	v0 =	vld [tilespmem:s31+$0x0];
	_ =	sdelay $0x3  }
0x336: {  	s6 =	sor.u32 $0x1C40, s28  }
0x337: {  	s9 =	sor.u32 $0x1C50, s12;
	[tilespmem:s6+$0xC000] =	vst.add.f32.msk $0xffff, v0  }
0x338: {  	v0 =	vld [tilespmem:s9+$0x0];
	_ =	sdelay $0x2  }
0x339: {  	s10 =	sor.u32 $0x1C50, s28;
	s11 =	sor.u32 $0x1, s26  }
0x33a: {  	s13 =	sor.u32 $0x1C60, s12;
	s15 =	sor.u32 s1, s11;
	s17 =	sshll.u32 s11, $0x7  }
0x33b: {  	s11 =	sand.u32 $0x280, s17;
	s30 =	sor.u32 $0x2, s26;
	[tilespmem:s10+$0xC000] =	vst.add.f32.msk $0xffff, v0;
	s10 =	sshll.u32 s15, $0xA  }
0x33c: {  	s31 =	sor.u32 s1, s30;
	s9 =	sshll.u32 s30, $0x7;
	v0 =	vld [tilespmem:s13+$0x0];
	s18 =	sand.u32 $0x6000, s10  }
0x33d: {  	s15 =	sor.u32 $0x3, s26;
	s2 =	sor.u32 s11, s18;
	s18 =	sshll.u32 s31, $0xA  }
0x33e: {  	s9 =	sand.u32 $0x300, s9;
	s30 =	sor.u32 s1, s15;
	s17 =	sand.u32 $0x6000, s18  }
0x33f: {  	s15 =	sshll.u32 s15, $0x7;
	s30 =	sshll.u32 s30, $0xA;
	v1 =	vld [tilespmem:s2+$0x0];
	s6 =	sor.u32 s9, s17  }
0x340: {  	s13 =	sor.u32 $0x1C60, s28;
	s31 =	sand.u32 $0x380, s15;
	s17 =	sand.u32 $0x6000, s30;
	v2 =	vld [tilespmem:s6+$0x0]  }
0x341: {  	s17 =	sor.u32 s31, s17;
	[tilespmem:s13+$0xC000] =	vst.add.f32.msk $0xffff, v0  }
0x342: {  	s12 =	sor.u32 $0x1C70, s12;
	v3 =	vld [tilespmem:s17+$0x0]  }
0x343: {  	v0 =	vld [tilespmem:s12+$0x0];
	s12 =	sor.u32 s11, s14  }
0x344: {  	[tilespmem:s12+$0x0] =	vst.add.f32.msk $0xffff, v1  }
0x345: {  	s13 =	sor.u32 s9, s14;
	v1 =	vld [tilespmem:s2+$0x10]  }
0x346: {  	[tilespmem:s13+$0x0] =	vst.add.f32.msk $0xffff, v2  }
0x347: {  	s14 =	sor.u32 s31, s14;
	v2 =	vld [tilespmem:s6+$0x10]  }
0x348: {  	[tilespmem:s14+$0x0] =	vst.add.f32.msk $0xffff, v3  }
0x349: {  	s15 =	sor.u32 $0x10, s12;
	v3 =	vld [tilespmem:s17+$0x10]  }
0x34a: {  	[tilespmem:s15+$0x0] =	vst.add.f32.msk $0xffff, v1  }
0x34b: {  	s15 =	sor.u32 $0x10, s13;
	v1 =	vld [tilespmem:s2+$0x20]  }
0x34c: {  	[tilespmem:s15+$0x0] =	vst.add.f32.msk $0xffff, v2  }
0x34d: {  	s15 =	sor.u32 $0x10, s14;
	v2 =	vld [tilespmem:s6+$0x20]  }
0x34e: {  	[tilespmem:s15+$0x0] =	vst.add.f32.msk $0xffff, v3  }
0x34f: {  	s15 =	sor.u32 $0x20, s12;
	v3 =	vld [tilespmem:s17+$0x20]  }
0x350: {  	[tilespmem:s15+$0x0] =	vst.add.f32.msk $0xffff, v1  }
0x351: {  	s15 =	sor.u32 $0x20, s13;
	v1 =	vld [tilespmem:s2+$0x30]  }
0x352: {  	[tilespmem:s15+$0x0] =	vst.add.f32.msk $0xffff, v2  }
0x353: {  	s15 =	sor.u32 $0x20, s14;
	v2 =	vld [tilespmem:s6+$0x30]  }
0x354: {  	[tilespmem:s15+$0x0] =	vst.add.f32.msk $0xffff, v3  }
0x355: {  	s15 =	sor.u32 $0x30, s12;
	v3 =	vld [tilespmem:s17+$0x30]  }
0x356: {  	[tilespmem:s15+$0x0] =	vst.add.f32.msk $0xffff, v1  }
0x357: {  	s15 =	sor.u32 $0x30, s13;
	v1 =	vld [tilespmem:s2+$0x40]  }
0x358: {  	[tilespmem:s15+$0x0] =	vst.add.f32.msk $0xffff, v2  }
0x359: {  	s15 =	sor.u32 $0x30, s14;
	v2 =	vld [tilespmem:s6+$0x40]  }
0x35a: {  	[tilespmem:s15+$0x0] =	vst.add.f32.msk $0xffff, v3  }
0x35b: {  	s15 =	sor.u32 $0x40, s12;
	v3 =	vld [tilespmem:s17+$0x40]  }
0x35c: {  	[tilespmem:s15+$0x0] =	vst.add.f32.msk $0xffff, v1  }
0x35d: {  	s15 =	sor.u32 $0x40, s13;
	v1 =	vld [tilespmem:s2+$0x50]  }
0x35e: {  	[tilespmem:s15+$0x0] =	vst.add.f32.msk $0xffff, v2  }
0x35f: {  	s15 =	sor.u32 $0x40, s14;
	v2 =	vld [tilespmem:s6+$0x50]  }
0x360: {  	[tilespmem:s15+$0x0] =	vst.add.f32.msk $0xffff, v3  }
0x361: {  	s15 =	sor.u32 $0x50, s12;
	v3 =	vld [tilespmem:s17+$0x50]  }
0x362: {  	[tilespmem:s15+$0x0] =	vst.add.f32.msk $0xffff, v1  }
0x363: {  	s15 =	sor.u32 $0x50, s13;
	v1 =	vld [tilespmem:s2+$0x60]  }
0x364: {  	[tilespmem:s15+$0x0] =	vst.add.f32.msk $0xffff, v2  }
0x365: {  	s15 =	sor.u32 $0x50, s14;
	v2 =	vld [tilespmem:s6+$0x60]  }
0x366: {  	[tilespmem:s15+$0x0] =	vst.add.f32.msk $0xffff, v3  }
0x367: {  	s15 =	sor.u32 $0x60, s12;
	v3 =	vld [tilespmem:s17+$0x60]  }
0x368: {  	[tilespmem:s15+$0x0] =	vst.add.f32.msk $0xffff, v1  }
0x369: {  	s15 =	sor.u32 $0x60, s13;
	v1 =	vld [tilespmem:s2+$0x70]  }
0x36a: {  	[tilespmem:s15+$0x0] =	vst.add.f32.msk $0xffff, v2  }
0x36b: {  	s15 =	sor.u32 $0x60, s14;
	v2 =	vld [tilespmem:s6+$0x70]  }
0x36c: {  	[tilespmem:s15+$0x0] =	vst.add.f32.msk $0xffff, v3  }
0x36d: {  	s15 =	sor.u32 $0x70, s12;
	v3 =	vld [tilespmem:s17+$0x70]  }
0x36e: {  	[tilespmem:s15+$0x0] =	vst.add.f32.msk $0xffff, v1  }
0x36f: {  	s15 =	sor.u32 $0x70, s13;
	v1 =	vld [tilespmem:s2+$0x400]  }
0x370: {  	[tilespmem:s15+$0x0] =	vst.add.f32.msk $0xffff, v2  }
0x371: {  	s15 =	sor.u32 $0x70, s14;
	v2 =	vld [tilespmem:s6+$0x400]  }
0x372: {  	[tilespmem:s15+$0x0] =	vst.add.f32.msk $0xffff, v3  }
0x373: {  	s15 =	sor.u32 $0x400, s12;
	v3 =	vld [tilespmem:s17+$0x400]  }
0x374: {  	[tilespmem:s15+$0x0] =	vst.add.f32.msk $0xffff, v1  }
0x375: {  	s15 =	sor.u32 $0x400, s13;
	v1 =	vld [tilespmem:s2+$0x410]  }
0x376: {  	[tilespmem:s15+$0x0] =	vst.add.f32.msk $0xffff, v2  }
0x377: {  	s15 =	sor.u32 $0x400, s14;
	v2 =	vld [tilespmem:s6+$0x410]  }
0x378: {  	[tilespmem:s15+$0x0] =	vst.add.f32.msk $0xffff, v3  }
0x379: {  	s15 =	sor.u32 $0x410, s12;
	v3 =	vld [tilespmem:s17+$0x410]  }
0x37a: {  	[tilespmem:s15+$0x0] =	vst.add.f32.msk $0xffff, v1  }
0x37b: {  	s15 =	sor.u32 $0x410, s13;
	v1 =	vld [tilespmem:s2+$0x420]  }
0x37c: {  	[tilespmem:s15+$0x0] =	vst.add.f32.msk $0xffff, v2  }
0x37d: {  	s15 =	sor.u32 $0x410, s14;
	v2 =	vld [tilespmem:s6+$0x420]  }
0x37e: {  	[tilespmem:s15+$0x0] =	vst.add.f32.msk $0xffff, v3  }
0x37f: {  	s15 =	sor.u32 $0x420, s12;
	v3 =	vld [tilespmem:s17+$0x420]  }
0x380: {  	[tilespmem:s15+$0x0] =	vst.add.f32.msk $0xffff, v1  }
0x381: {  	s15 =	sor.u32 $0x420, s13;
	v1 =	vld [tilespmem:s2+$0x430]  }
0x382: {  	[tilespmem:s15+$0x0] =	vst.add.f32.msk $0xffff, v2  }
0x383: {  	s15 =	sor.u32 $0x420, s14;
	v2 =	vld [tilespmem:s6+$0x430]  }
0x384: {  	[tilespmem:s15+$0x0] =	vst.add.f32.msk $0xffff, v3  }
0x385: {  	s15 =	sor.u32 $0x430, s12;
	v3 =	vld [tilespmem:s17+$0x430]  }
0x386: {  	[tilespmem:s15+$0x0] =	vst.add.f32.msk $0xffff, v1  }
0x387: {  	s15 =	sor.u32 $0x430, s13;
	v1 =	vld [tilespmem:s2+$0x440]  }
0x388: {  	[tilespmem:s15+$0x0] =	vst.add.f32.msk $0xffff, v2  }
0x389: {  	s15 =	sor.u32 $0x430, s14;
	v2 =	vld [tilespmem:s6+$0x440]  }
0x38a: {  	[tilespmem:s15+$0x0] =	vst.add.f32.msk $0xffff, v3  }
0x38b: {  	s15 =	sor.u32 $0x440, s12;
	v3 =	vld [tilespmem:s17+$0x440]  }
0x38c: {  	[tilespmem:s15+$0x0] =	vst.add.f32.msk $0xffff, v1  }
0x38d: {  	s15 =	sor.u32 $0x440, s13;
	v1 =	vld [tilespmem:s2+$0x450]  }
0x38e: {  	[tilespmem:s15+$0x0] =	vst.add.f32.msk $0xffff, v2  }
0x38f: {  	s15 =	sor.u32 $0x440, s14;
	v2 =	vld [tilespmem:s6+$0x450]  }
0x390: {  	[tilespmem:s15+$0x0] =	vst.add.f32.msk $0xffff, v3  }
0x391: {  	s15 =	sor.u32 $0x450, s12;
	v3 =	vld [tilespmem:s17+$0x450]  }
0x392: {  	[tilespmem:s15+$0x0] =	vst.add.f32.msk $0xffff, v1  }
0x393: {  	s15 =	sor.u32 $0x450, s13;
	v1 =	vld [tilespmem:s2+$0x460]  }
0x394: {  	[tilespmem:s15+$0x0] =	vst.add.f32.msk $0xffff, v2  }
0x395: {  	s15 =	sor.u32 $0x450, s14;
	v2 =	vld [tilespmem:s6+$0x460]  }
0x396: {  	[tilespmem:s15+$0x0] =	vst.add.f32.msk $0xffff, v3  }
0x397: {  	s15 =	sor.u32 $0x460, s12;
	v3 =	vld [tilespmem:s17+$0x460]  }
0x398: {  	[tilespmem:s15+$0x0] =	vst.add.f32.msk $0xffff, v1  }
0x399: {  	s15 =	sor.u32 $0x460, s13;
	v1 =	vld [tilespmem:s2+$0x470]  }
0x39a: {  	[tilespmem:s15+$0x0] =	vst.add.f32.msk $0xffff, v2  }
0x39b: {  	s15 =	sor.u32 $0x460, s14;
	v2 =	vld [tilespmem:s6+$0x470]  }
0x39c: {  	[tilespmem:s15+$0x0] =	vst.add.f32.msk $0xffff, v3  }
0x39d: {  	s15 =	sor.u32 $0x470, s12;
	v3 =	vld [tilespmem:s17+$0x470]  }
0x39e: {  	[tilespmem:s15+$0x0] =	vst.add.f32.msk $0xffff, v1  }
0x39f: {  	s15 =	sor.u32 $0x470, s13;
	v1 =	vld [tilespmem:s2+$0x800]  }
0x3a0: {  	[tilespmem:s15+$0x0] =	vst.add.f32.msk $0xffff, v2  }
0x3a1: {  	s15 =	sor.u32 $0x470, s14;
	v2 =	vld [tilespmem:s6+$0x800]  }
0x3a2: {  	[tilespmem:s15+$0x0] =	vst.add.f32.msk $0xffff, v3  }
0x3a3: {  	s15 =	sor.u32 $0x800, s12;
	v3 =	vld [tilespmem:s17+$0x800]  }
0x3a4: {  	[tilespmem:s15+$0x0] =	vst.add.f32.msk $0xffff, v1  }
0x3a5: {  	s15 =	sor.u32 $0x800, s13;
	v1 =	vld [tilespmem:s2+$0x810]  }
0x3a6: {  	[tilespmem:s15+$0x0] =	vst.add.f32.msk $0xffff, v2  }
0x3a7: {  	s15 =	sor.u32 $0x800, s14;
	v2 =	vld [tilespmem:s6+$0x810]  }
0x3a8: {  	[tilespmem:s15+$0x0] =	vst.add.f32.msk $0xffff, v3  }
0x3a9: {  	s15 =	sor.u32 $0x810, s12;
	v3 =	vld [tilespmem:s17+$0x810]  }
0x3aa: {  	[tilespmem:s15+$0x0] =	vst.add.f32.msk $0xffff, v1  }
0x3ab: {  	s15 =	sor.u32 $0x810, s13;
	v1 =	vld [tilespmem:s2+$0x820]  }
0x3ac: {  	[tilespmem:s15+$0x0] =	vst.add.f32.msk $0xffff, v2  }
0x3ad: {  	s15 =	sor.u32 $0x810, s14;
	v2 =	vld [tilespmem:s6+$0x820]  }
0x3ae: {  	[tilespmem:s15+$0x0] =	vst.add.f32.msk $0xffff, v3  }
0x3af: {  	s15 =	sor.u32 $0x820, s12;
	v3 =	vld [tilespmem:s17+$0x820]  }
0x3b0: {  	[tilespmem:s15+$0x0] =	vst.add.f32.msk $0xffff, v1  }
0x3b1: {  	s15 =	sor.u32 $0x820, s13;
	v1 =	vld [tilespmem:s2+$0x830]  }
0x3b2: {  	[tilespmem:s15+$0x0] =	vst.add.f32.msk $0xffff, v2  }
0x3b3: {  	s15 =	sor.u32 $0x820, s14;
	v2 =	vld [tilespmem:s6+$0x830]  }
0x3b4: {  	[tilespmem:s15+$0x0] =	vst.add.f32.msk $0xffff, v3  }
0x3b5: {  	s15 =	sor.u32 $0x830, s12;
	v3 =	vld [tilespmem:s17+$0x830]  }
0x3b6: {  	[tilespmem:s15+$0x0] =	vst.add.f32.msk $0xffff, v1  }
0x3b7: {  	s15 =	sor.u32 $0x830, s13;
	v1 =	vld [tilespmem:s2+$0x840]  }
0x3b8: {  	[tilespmem:s15+$0x0] =	vst.add.f32.msk $0xffff, v2  }
0x3b9: {  	s15 =	sor.u32 $0x830, s14;
	v2 =	vld [tilespmem:s6+$0x840]  }
0x3ba: {  	[tilespmem:s15+$0x0] =	vst.add.f32.msk $0xffff, v3  }
0x3bb: {  	s15 =	sor.u32 $0x840, s12;
	v3 =	vld [tilespmem:s17+$0x840]  }
0x3bc: {  	[tilespmem:s15+$0x0] =	vst.add.f32.msk $0xffff, v1  }
0x3bd: {  	s15 =	sor.u32 $0x840, s13;
	v1 =	vld [tilespmem:s2+$0x850]  }
0x3be: {  	[tilespmem:s15+$0x0] =	vst.add.f32.msk $0xffff, v2  }
0x3bf: {  	s15 =	sor.u32 $0x840, s14;
	v2 =	vld [tilespmem:s6+$0x850]  }
0x3c0: {  	[tilespmem:s15+$0x0] =	vst.add.f32.msk $0xffff, v3  }
0x3c1: {  	s15 =	sor.u32 $0x850, s12;
	v3 =	vld [tilespmem:s17+$0x850]  }
0x3c2: {  	[tilespmem:s15+$0x0] =	vst.add.f32.msk $0xffff, v1  }
0x3c3: {  	s15 =	sor.u32 $0x850, s13;
	v1 =	vld [tilespmem:s2+$0x860]  }
0x3c4: {  	[tilespmem:s15+$0x0] =	vst.add.f32.msk $0xffff, v2  }
0x3c5: {  	s15 =	sor.u32 $0x850, s14;
	v2 =	vld [tilespmem:s6+$0x860]  }
0x3c6: {  	[tilespmem:s15+$0x0] =	vst.add.f32.msk $0xffff, v3  }
0x3c7: {  	s15 =	sor.u32 $0x860, s12;
	v3 =	vld [tilespmem:s17+$0x860]  }
0x3c8: {  	[tilespmem:s15+$0x0] =	vst.add.f32.msk $0xffff, v1  }
0x3c9: {  	s15 =	sor.u32 $0x860, s13;
	v1 =	vld [tilespmem:s2+$0x870]  }
0x3ca: {  	[tilespmem:s15+$0x0] =	vst.add.f32.msk $0xffff, v2  }
0x3cb: {  	s15 =	sor.u32 $0x860, s14;
	v2 =	vld [tilespmem:s6+$0x870]  }
0x3cc: {  	[tilespmem:s15+$0x0] =	vst.add.f32.msk $0xffff, v3  }
0x3cd: {  	s15 =	sor.u32 $0x870, s12;
	v3 =	vld [tilespmem:s17+$0x870]  }
0x3ce: {  	[tilespmem:s15+$0x0] =	vst.add.f32.msk $0xffff, v1  }
0x3cf: {  	s15 =	sor.u32 $0x870, s13;
	v1 =	vld [tilespmem:s2+$0xC00]  }
0x3d0: {  	[tilespmem:s15+$0x0] =	vst.add.f32.msk $0xffff, v2  }
0x3d1: {  	s15 =	sor.u32 $0x870, s14;
	v2 =	vld [tilespmem:s6+$0xC00]  }
0x3d2: {  	[tilespmem:s15+$0x0] =	vst.add.f32.msk $0xffff, v3  }
0x3d3: {  	s15 =	sor.u32 $0xC00, s12;
	v3 =	vld [tilespmem:s17+$0xC00]  }
0x3d4: {  	[tilespmem:s15+$0x0] =	vst.add.f32.msk $0xffff, v1  }
0x3d5: {  	s15 =	sor.u32 $0xC00, s13;
	v1 =	vld [tilespmem:s2+$0xC10]  }
0x3d6: {  	[tilespmem:s15+$0x0] =	vst.add.f32.msk $0xffff, v2  }
0x3d7: {  	s15 =	sor.u32 $0xC00, s14;
	v2 =	vld [tilespmem:s6+$0xC10]  }
0x3d8: {  	[tilespmem:s15+$0x0] =	vst.add.f32.msk $0xffff, v3  }
0x3d9: {  	s15 =	sor.u32 $0xC10, s12;
	v3 =	vld [tilespmem:s17+$0xC10]  }
0x3da: {  	[tilespmem:s15+$0x0] =	vst.add.f32.msk $0xffff, v1  }
0x3db: {  	s15 =	sor.u32 $0xC10, s13;
	v1 =	vld [tilespmem:s2+$0xC20]  }
0x3dc: {  	[tilespmem:s15+$0x0] =	vst.add.f32.msk $0xffff, v2  }
0x3dd: {  	s15 =	sor.u32 $0xC10, s14;
	v2 =	vld [tilespmem:s6+$0xC20]  }
0x3de: {  	[tilespmem:s15+$0x0] =	vst.add.f32.msk $0xffff, v3  }
0x3df: {  	s15 =	sor.u32 $0xC20, s12;
	v3 =	vld [tilespmem:s17+$0xC20]  }
0x3e0: {  	[tilespmem:s15+$0x0] =	vst.add.f32.msk $0xffff, v1  }
0x3e1: {  	s15 =	sor.u32 $0xC20, s13;
	v1 =	vld [tilespmem:s2+$0xC30]  }
0x3e2: {  	[tilespmem:s15+$0x0] =	vst.add.f32.msk $0xffff, v2  }
0x3e3: {  	s15 =	sor.u32 $0xC20, s14;
	v2 =	vld [tilespmem:s6+$0xC30]  }
0x3e4: {  	[tilespmem:s15+$0x0] =	vst.add.f32.msk $0xffff, v3  }
0x3e5: {  	s15 =	sor.u32 $0xC30, s12;
	v3 =	vld [tilespmem:s17+$0xC30]  }
0x3e6: {  	[tilespmem:s15+$0x0] =	vst.add.f32.msk $0xffff, v1  }
0x3e7: {  	s15 =	sor.u32 $0xC30, s13;
	v1 =	vld [tilespmem:s2+$0xC40]  }
0x3e8: {  	[tilespmem:s15+$0x0] =	vst.add.f32.msk $0xffff, v2  }
0x3e9: {  	s15 =	sor.u32 $0xC30, s14;
	v2 =	vld [tilespmem:s6+$0xC40]  }
0x3ea: {  	[tilespmem:s15+$0x0] =	vst.add.f32.msk $0xffff, v3  }
0x3eb: {  	s15 =	sor.u32 $0xC40, s12;
	v3 =	vld [tilespmem:s17+$0xC40]  }
0x3ec: {  	[tilespmem:s15+$0x0] =	vst.add.f32.msk $0xffff, v1  }
0x3ed: {  	s15 =	sor.u32 $0xC40, s13;
	v1 =	vld [tilespmem:s2+$0xC50]  }
0x3ee: {  	[tilespmem:s15+$0x0] =	vst.add.f32.msk $0xffff, v2  }
0x3ef: {  	s15 =	sor.u32 $0xC40, s14;
	v2 =	vld [tilespmem:s6+$0xC50]  }
0x3f0: {  	[tilespmem:s15+$0x0] =	vst.add.f32.msk $0xffff, v3  }
0x3f1: {  	s15 =	sor.u32 $0xC50, s12;
	v3 =	vld [tilespmem:s17+$0xC50]  }
0x3f2: {  	[tilespmem:s15+$0x0] =	vst.add.f32.msk $0xffff, v1  }
0x3f3: {  	s15 =	sor.u32 $0xC50, s13;
	v1 =	vld [tilespmem:s2+$0xC60]  }
0x3f4: {  	[tilespmem:s15+$0x0] =	vst.add.f32.msk $0xffff, v2  }
0x3f5: {  	s15 =	sor.u32 $0xC50, s14;
	v2 =	vld [tilespmem:s6+$0xC60]  }
0x3f6: {  	[tilespmem:s15+$0x0] =	vst.add.f32.msk $0xffff, v3  }
0x3f7: {  	s15 =	sor.u32 $0xC60, s12;
	v3 =	vld [tilespmem:s17+$0xC60]  }
0x3f8: {  	[tilespmem:s15+$0x0] =	vst.add.f32.msk $0xffff, v1  }
0x3f9: {  	s15 =	sor.u32 $0xC60, s13;
	v1 =	vld [tilespmem:s2+$0xC70]  }
0x3fa: {  	[tilespmem:s15+$0x0] =	vst.add.f32.msk $0xffff, v2  }
0x3fb: {  	s15 =	sor.u32 $0xC60, s14;
	v2 =	vld [tilespmem:s6+$0xC70]  }
0x3fc: {  	[tilespmem:s15+$0x0] =	vst.add.f32.msk $0xffff, v3  }
0x3fd: {  	s12 =	sor.u32 $0xC70, s12;
	v3 =	vld [tilespmem:s17+$0xC70]  }
0x3fe: {  	[tilespmem:s12+$0x0] =	vst.add.f32.msk $0xffff, v1  }
0x3ff: {  	s13 =	sor.u32 $0xC70, s13;
	v1 =	vld [tilespmem:s2+$0x1000]  }
0x400: {  	[tilespmem:s13+$0x0] =	vst.add.f32.msk $0xffff, v2  }
0x401: {  	s15 =	sor.u32 $0xC70, s14;
	v2 =	vld [tilespmem:s6+$0x1000]  }
0x402: {  	s12 =	sor.u32 s29, s11;
	[tilespmem:s15+$0x0] =	vst.add.f32.msk $0xffff, v3  }
0x403: {  	s14 =	sor.u32 $0x1000, s12;
	v3 =	vld [tilespmem:s17+$0x1000]  }
0x404: {  	s13 =	sor.u32 s29, s9;
	[tilespmem:s14+$0xC000] =	vst.add.f32.msk $0xffff, v1  }
0x405: {  	s15 =	sor.u32 $0x1000, s13;
	v1 =	vld [tilespmem:s2+$0x1010]  }
0x406: {  	s29 =	sor.u32 s29, s31;
	[tilespmem:s15+$0xC000] =	vst.add.f32.msk $0xffff, v2  }
0x407: {  	s15 =	sor.u32 $0x1000, s29;
	v2 =	vld [tilespmem:s6+$0x1010]  }
0x408: {  	[tilespmem:s15+$0xC000] =	vst.add.f32.msk $0xffff, v3  }
0x409: {  	s15 =	sor.u32 $0x1010, s12;
	v3 =	vld [tilespmem:s17+$0x1010]  }
0x40a: {  	[tilespmem:s15+$0xC000] =	vst.add.f32.msk $0xffff, v1  }
0x40b: {  	s15 =	sor.u32 $0x1010, s13;
	v1 =	vld [tilespmem:s2+$0x1020]  }
0x40c: {  	[tilespmem:s15+$0xC000] =	vst.add.f32.msk $0xffff, v2  }
0x40d: {  	s15 =	sor.u32 $0x1010, s29;
	v2 =	vld [tilespmem:s6+$0x1020]  }
0x40e: {  	[tilespmem:s15+$0xC000] =	vst.add.f32.msk $0xffff, v3  }
0x40f: {  	s15 =	sor.u32 $0x1020, s12;
	v3 =	vld [tilespmem:s17+$0x1020]  }
0x410: {  	[tilespmem:s15+$0xC000] =	vst.add.f32.msk $0xffff, v1  }
0x411: {  	s15 =	sor.u32 $0x1020, s13;
	v1 =	vld [tilespmem:s2+$0x1030]  }
0x412: {  	[tilespmem:s15+$0xC000] =	vst.add.f32.msk $0xffff, v2  }
0x413: {  	s15 =	sor.u32 $0x1020, s29;
	v2 =	vld [tilespmem:s6+$0x1030]  }
0x414: {  	[tilespmem:s15+$0xC000] =	vst.add.f32.msk $0xffff, v3  }
0x415: {  	s15 =	sor.u32 $0x1030, s12;
	v3 =	vld [tilespmem:s17+$0x1030]  }
0x416: {  	[tilespmem:s15+$0xC000] =	vst.add.f32.msk $0xffff, v1  }
0x417: {  	s15 =	sor.u32 $0x1030, s13;
	v1 =	vld [tilespmem:s2+$0x1040]  }
0x418: {  	[tilespmem:s15+$0xC000] =	vst.add.f32.msk $0xffff, v2  }
0x419: {  	s15 =	sor.u32 $0x1030, s29;
	v2 =	vld [tilespmem:s6+$0x1040]  }
0x41a: {  	[tilespmem:s15+$0xC000] =	vst.add.f32.msk $0xffff, v3  }
0x41b: {  	s15 =	sor.u32 $0x1040, s12;
	v3 =	vld [tilespmem:s17+$0x1040]  }
0x41c: {  	[tilespmem:s15+$0xC000] =	vst.add.f32.msk $0xffff, v1  }
0x41d: {  	s15 =	sor.u32 $0x1040, s13;
	v1 =	vld [tilespmem:s2+$0x1050]  }
0x41e: {  	[tilespmem:s15+$0xC000] =	vst.add.f32.msk $0xffff, v2  }
0x41f: {  	s15 =	sor.u32 $0x1040, s29;
	v2 =	vld [tilespmem:s6+$0x1050]  }
0x420: {  	[tilespmem:s15+$0xC000] =	vst.add.f32.msk $0xffff, v3  }
0x421: {  	s15 =	sor.u32 $0x1050, s12;
	v3 =	vld [tilespmem:s17+$0x1050]  }
0x422: {  	[tilespmem:s15+$0xC000] =	vst.add.f32.msk $0xffff, v1  }
0x423: {  	s15 =	sor.u32 $0x1050, s13;
	v1 =	vld [tilespmem:s2+$0x1060]  }
0x424: {  	[tilespmem:s15+$0xC000] =	vst.add.f32.msk $0xffff, v2  }
0x425: {  	s15 =	sor.u32 $0x1050, s29;
	v2 =	vld [tilespmem:s6+$0x1060]  }
0x426: {  	[tilespmem:s15+$0xC000] =	vst.add.f32.msk $0xffff, v3  }
0x427: {  	s15 =	sor.u32 $0x1060, s12;
	v3 =	vld [tilespmem:s17+$0x1060]  }
0x428: {  	[tilespmem:s15+$0xC000] =	vst.add.f32.msk $0xffff, v1  }
0x429: {  	s15 =	sor.u32 $0x1060, s13;
	v1 =	vld [tilespmem:s2+$0x1070]  }
0x42a: {  	[tilespmem:s15+$0xC000] =	vst.add.f32.msk $0xffff, v2  }
0x42b: {  	s15 =	sor.u32 $0x1060, s29;
	v2 =	vld [tilespmem:s6+$0x1070]  }
0x42c: {  	[tilespmem:s15+$0xC000] =	vst.add.f32.msk $0xffff, v3  }
0x42d: {  	s10 =	sor.u32 s11, s10;
	s14 =	sor.u32 $0x1070, s12;
	v3 =	vld [tilespmem:s17+$0x1070]  }
0x42e: {  	s15 =	sor.u32 $0x1400, s10;
	[tilespmem:s14+$0xC000] =	vst.add.f32.msk $0xffff, v1  }
0x42f: {  	s14 =	sor.u32 $0x1070, s13;
	v1 =	vld [tilespmem:s15+$0x0]  }
0x430: {  	[tilespmem:s14+$0xC000] =	vst.add.f32.msk $0xffff, v2  }
0x431: {  	s15 =	sor.u32 $0x1070, s29;
	v2 =	vld [tilespmem:s6+$0x1400]  }
0x432: {  	[tilespmem:s15+$0xC000] =	vst.add.f32.msk $0xffff, v3  }
0x433: {  	s14 =	sor.u32 $0x1400, s12;
	v3 =	vld [tilespmem:s17+$0x1400]  }
0x434: {  	s15 =	sor.u32 $0x1410, s10;
	[tilespmem:s14+$0xC000] =	vst.add.f32.msk $0xffff, v1  }
0x435: {  	s14 =	sor.u32 $0x1400, s13;
	v1 =	vld [tilespmem:s15+$0x0]  }
0x436: {  	[tilespmem:s14+$0xC000] =	vst.add.f32.msk $0xffff, v2  }
0x437: {  	s15 =	sor.u32 $0x1400, s29;
	v2 =	vld [tilespmem:s6+$0x1410]  }
0x438: {  	[tilespmem:s15+$0xC000] =	vst.add.f32.msk $0xffff, v3  }
0x439: {  	s14 =	sor.u32 $0x1410, s12;
	v3 =	vld [tilespmem:s17+$0x1410]  }
0x43a: {  	s15 =	sor.u32 $0x1420, s10;
	[tilespmem:s14+$0xC000] =	vst.add.f32.msk $0xffff, v1  }
0x43b: {  	s14 =	sor.u32 $0x1410, s13;
	v1 =	vld [tilespmem:s15+$0x0]  }
0x43c: {  	[tilespmem:s14+$0xC000] =	vst.add.f32.msk $0xffff, v2  }
0x43d: {  	s15 =	sor.u32 $0x1410, s29;
	v2 =	vld [tilespmem:s6+$0x1420]  }
0x43e: {  	[tilespmem:s15+$0xC000] =	vst.add.f32.msk $0xffff, v3  }
0x43f: {  	s14 =	sor.u32 $0x1420, s12;
	v3 =	vld [tilespmem:s17+$0x1420]  }
0x440: {  	s15 =	sor.u32 $0x1430, s10;
	[tilespmem:s14+$0xC000] =	vst.add.f32.msk $0xffff, v1  }
0x441: {  	s14 =	sor.u32 $0x1420, s13;
	v1 =	vld [tilespmem:s15+$0x0]  }
0x442: {  	[tilespmem:s14+$0xC000] =	vst.add.f32.msk $0xffff, v2  }
0x443: {  	s15 =	sor.u32 $0x1420, s29;
	v2 =	vld [tilespmem:s6+$0x1430]  }
0x444: {  	[tilespmem:s15+$0xC000] =	vst.add.f32.msk $0xffff, v3  }
0x445: {  	s14 =	sor.u32 $0x1430, s12;
	v3 =	vld [tilespmem:s17+$0x1430]  }
0x446: {  	s15 =	sor.u32 $0x1440, s10;
	[tilespmem:s14+$0xC000] =	vst.add.f32.msk $0xffff, v1  }
0x447: {  	s14 =	sor.u32 $0x1430, s13;
	v1 =	vld [tilespmem:s15+$0x0]  }
0x448: {  	[tilespmem:s14+$0xC000] =	vst.add.f32.msk $0xffff, v2  }
0x449: {  	s15 =	sor.u32 $0x1430, s29;
	v2 =	vld [tilespmem:s6+$0x1440]  }
0x44a: {  	[tilespmem:s15+$0xC000] =	vst.add.f32.msk $0xffff, v3  }
0x44b: {  	s14 =	sor.u32 $0x1440, s12;
	v3 =	vld [tilespmem:s17+$0x1440]  }
0x44c: {  	s15 =	sor.u32 $0x1450, s10;
	[tilespmem:s14+$0xC000] =	vst.add.f32.msk $0xffff, v1  }
0x44d: {  	s14 =	sor.u32 $0x1440, s13;
	v1 =	vld [tilespmem:s15+$0x0]  }
0x44e: {  	[tilespmem:s14+$0xC000] =	vst.add.f32.msk $0xffff, v2  }
0x44f: {  	s15 =	sor.u32 $0x1440, s29;
	v2 =	vld [tilespmem:s6+$0x1450]  }
0x450: {  	[tilespmem:s15+$0xC000] =	vst.add.f32.msk $0xffff, v3  }
0x451: {  	s14 =	sor.u32 $0x1450, s12;
	v3 =	vld [tilespmem:s17+$0x1450]  }
0x452: {  	s15 =	sor.u32 $0x1460, s10;
	[tilespmem:s14+$0xC000] =	vst.add.f32.msk $0xffff, v1  }
0x453: {  	s14 =	sor.u32 $0x1450, s13;
	v1 =	vld [tilespmem:s15+$0x0]  }
0x454: {  	[tilespmem:s14+$0xC000] =	vst.add.f32.msk $0xffff, v2  }
0x455: {  	s15 =	sor.u32 $0x1450, s29;
	v2 =	vld [tilespmem:s6+$0x1460]  }
0x456: {  	[tilespmem:s15+$0xC000] =	vst.add.f32.msk $0xffff, v3  }
0x457: {  	s14 =	sor.u32 $0x1460, s12;
	v3 =	vld [tilespmem:s17+$0x1460]  }
0x458: {  	s15 =	sor.u32 $0x1470, s10;
	[tilespmem:s14+$0xC000] =	vst.add.f32.msk $0xffff, v1  }
0x459: {  	s14 =	sor.u32 $0x1460, s13;
	v1 =	vld [tilespmem:s15+$0x0]  }
0x45a: {  	[tilespmem:s14+$0xC000] =	vst.add.f32.msk $0xffff, v2  }
0x45b: {  	s15 =	sor.u32 $0x1460, s29;
	v2 =	vld [tilespmem:s6+$0x1470]  }
0x45c: {  	[tilespmem:s15+$0xC000] =	vst.add.f32.msk $0xffff, v3  }
0x45d: {  	s11 =	sor.u32 $0x1470, s12;
	v3 =	vld [tilespmem:s17+$0x1470]  }
0x45e: {  	[tilespmem:s11+$0xC000] =	vst.add.f32.msk $0xffff, v1  }
0x45f: {  	s14 =	sor.u32 $0x1470, s13;
	s6 =	sor.u32 s9, s18;
	v1 =	vld [tilespmem:s2+$0x1800]  }
0x460: {  	s15 =	sor.u32 $0x1800, s6;
	[tilespmem:s14+$0xC000] =	vst.add.f32.msk $0xffff, v2  }
0x461: {  	s18 =	sor.u32 $0x1470, s29;
	v2 =	vld [tilespmem:s15+$0x0]  }
0x462: {  	[tilespmem:s18+$0xC000] =	vst.add.f32.msk $0xffff, v3  }
0x463: {  	s11 =	sor.u32 $0x1800, s12;
	v3 =	vld [tilespmem:s17+$0x1800]  }
0x464: {  	[tilespmem:s11+$0xC000] =	vst.add.f32.msk $0xffff, v1  }
0x465: {  	s14 =	sor.u32 $0x1800, s13;
	v1 =	vld [tilespmem:s2+$0x1810]  }
0x466: {  	s15 =	sor.u32 $0x1810, s6;
	[tilespmem:s14+$0xC000] =	vst.add.f32.msk $0xffff, v2  }
0x467: {  	s18 =	sor.u32 $0x1800, s29;
	v2 =	vld [tilespmem:s15+$0x0]  }
0x468: {  	[tilespmem:s18+$0xC000] =	vst.add.f32.msk $0xffff, v3  }
0x469: {  	s11 =	sor.u32 $0x1810, s12;
	v3 =	vld [tilespmem:s17+$0x1810]  }
0x46a: {  	[tilespmem:s11+$0xC000] =	vst.add.f32.msk $0xffff, v1  }
0x46b: {  	s14 =	sor.u32 $0x1810, s13;
	v1 =	vld [tilespmem:s2+$0x1820]  }
0x46c: {  	s15 =	sor.u32 $0x1820, s6;
	[tilespmem:s14+$0xC000] =	vst.add.f32.msk $0xffff, v2  }
0x46d: {  	s18 =	sor.u32 $0x1810, s29;
	v2 =	vld [tilespmem:s15+$0x0]  }
0x46e: {  	[tilespmem:s18+$0xC000] =	vst.add.f32.msk $0xffff, v3  }
0x46f: {  	s11 =	sor.u32 $0x1820, s12;
	v3 =	vld [tilespmem:s17+$0x1820]  }
0x470: {  	[tilespmem:s11+$0xC000] =	vst.add.f32.msk $0xffff, v1  }
0x471: {  	s14 =	sor.u32 $0x1820, s13;
	v1 =	vld [tilespmem:s2+$0x1830]  }
0x472: {  	s15 =	sor.u32 $0x1830, s6;
	[tilespmem:s14+$0xC000] =	vst.add.f32.msk $0xffff, v2  }
0x473: {  	s18 =	sor.u32 $0x1820, s29;
	v2 =	vld [tilespmem:s15+$0x0]  }
0x474: {  	[tilespmem:s18+$0xC000] =	vst.add.f32.msk $0xffff, v3  }
0x475: {  	s11 =	sor.u32 $0x1830, s12;
	v3 =	vld [tilespmem:s17+$0x1830]  }
0x476: {  	[tilespmem:s11+$0xC000] =	vst.add.f32.msk $0xffff, v1  }
0x477: {  	s14 =	sor.u32 $0x1830, s13;
	v1 =	vld [tilespmem:s2+$0x1840]  }
0x478: {  	s15 =	sor.u32 $0x1840, s6;
	[tilespmem:s14+$0xC000] =	vst.add.f32.msk $0xffff, v2  }
0x479: {  	s18 =	sor.u32 $0x1830, s29;
	v2 =	vld [tilespmem:s15+$0x0]  }
0x47a: {  	[tilespmem:s18+$0xC000] =	vst.add.f32.msk $0xffff, v3  }
0x47b: {  	s11 =	sor.u32 $0x1840, s12;
	v3 =	vld [tilespmem:s17+$0x1840]  }
0x47c: {  	[tilespmem:s11+$0xC000] =	vst.add.f32.msk $0xffff, v1  }
0x47d: {  	s14 =	sor.u32 $0x1840, s13;
	v1 =	vld [tilespmem:s2+$0x1850]  }
0x47e: {  	s15 =	sor.u32 $0x1850, s6;
	[tilespmem:s14+$0xC000] =	vst.add.f32.msk $0xffff, v2  }
0x47f: {  	s18 =	sor.u32 $0x1840, s29;
	v2 =	vld [tilespmem:s15+$0x0]  }
0x480: {  	[tilespmem:s18+$0xC000] =	vst.add.f32.msk $0xffff, v3  }
0x481: {  	s11 =	sor.u32 $0x1850, s12;
	v3 =	vld [tilespmem:s17+$0x1850]  }
0x482: {  	[tilespmem:s11+$0xC000] =	vst.add.f32.msk $0xffff, v1  }
0x483: {  	s14 =	sor.u32 $0x1850, s13;
	v1 =	vld [tilespmem:s2+$0x1860]  }
0x484: {  	s15 =	sor.u32 $0x1860, s6;
	[tilespmem:s14+$0xC000] =	vst.add.f32.msk $0xffff, v2  }
0x485: {  	s18 =	sor.u32 $0x1850, s29;
	v2 =	vld [tilespmem:s15+$0x0]  }
0x486: {  	[tilespmem:s18+$0xC000] =	vst.add.f32.msk $0xffff, v3  }
0x487: {  	s11 =	sor.u32 $0x1860, s12;
	v3 =	vld [tilespmem:s17+$0x1860]  }
0x488: {  	[tilespmem:s11+$0xC000] =	vst.add.f32.msk $0xffff, v1  }
0x489: {  	s14 =	sor.u32 $0x1860, s13;
	v1 =	vld [tilespmem:s2+$0x1870]  }
0x48a: {  	s15 =	sor.u32 $0x1870, s6;
	[tilespmem:s14+$0xC000] =	vst.add.f32.msk $0xffff, v2  }
0x48b: {  	s18 =	sor.u32 $0x1860, s29;
	v2 =	vld [tilespmem:s15+$0x0]  }
0x48c: {  	[tilespmem:s18+$0xC000] =	vst.add.f32.msk $0xffff, v3  }
0x48d: {  	s9 =	sor.u32 $0x1870, s12;
	v3 =	vld [tilespmem:s17+$0x1870]  }
0x48e: {  	s11 =	sor.u32 $0x1C00, s10;
	[tilespmem:s9+$0xC000] =	vst.add.f32.msk $0xffff, v1  }
0x48f: {  	s14 =	sor.u32 $0x1870, s13;
	v1 =	vld [tilespmem:s11+$0x0]  }
0x490: {  	s15 =	sor.u32 $0x1C00, s6;
	[tilespmem:s14+$0xC000] =	vst.add.f32.msk $0xffff, v2  }
0x491: {  	s2 =	sor.u32 s31, s30;
	s17 =	sor.u32 $0x1870, s29;
	v2 =	vld [tilespmem:s15+$0x0]  }
0x492: {  	s18 =	sor.u32 $0x1C00, s2;
	[tilespmem:s17+$0xC000] =	vst.add.f32.msk $0xffff, v3  }
0x493: {  	s30 =	sor.u32 $0x1C00, s12;
	v3 =	vld [tilespmem:s18+$0x0]  }
0x494: {  	s31 =	sor.u32 $0x1C10, s10;
	[tilespmem:s30+$0xC000] =	vst.add.f32.msk $0xffff, v1  }
0x495: {  	s11 =	sor.u32 $0x1C00, s13;
	v1 =	vld [tilespmem:s31+$0x0]  }
0x496: {  	s14 =	sor.u32 $0x1C10, s6;
	[tilespmem:s11+$0xC000] =	vst.add.f32.msk $0xffff, v2  }
0x497: {  	s15 =	sor.u32 $0x1C00, s29;
	v2 =	vld [tilespmem:s14+$0x0]  }
0x498: {  	s17 =	sor.u32 $0x1C10, s2;
	[tilespmem:s15+$0xC000] =	vst.add.f32.msk $0xffff, v3  }
0x499: {  	s18 =	sor.u32 $0x1C10, s12;
	v3 =	vld [tilespmem:s17+$0x0]  }
0x49a: {  	s30 =	sor.u32 $0x1C20, s10;
	[tilespmem:s18+$0xC000] =	vst.add.f32.msk $0xffff, v1  }
0x49b: {  	s31 =	sor.u32 $0x1C10, s13;
	v1 =	vld [tilespmem:s30+$0x0]  }
0x49c: {  	s11 =	sor.u32 $0x1C20, s6;
	[tilespmem:s31+$0xC000] =	vst.add.f32.msk $0xffff, v2  }
0x49d: {  	s14 =	sor.u32 $0x1C10, s29;
	v2 =	vld [tilespmem:s11+$0x0]  }
0x49e: {  	s15 =	sor.u32 $0x1C20, s2;
	[tilespmem:s14+$0xC000] =	vst.add.f32.msk $0xffff, v3  }
0x49f: {  	s17 =	sor.u32 $0x1C20, s12;
	v3 =	vld [tilespmem:s15+$0x0]  }
0x4a0: {  	s18 =	sor.u32 $0x1C30, s10;
	[tilespmem:s17+$0xC000] =	vst.add.f32.msk $0xffff, v1  }
0x4a1: {  	s30 =	sor.u32 $0x1C20, s13;
	v1 =	vld [tilespmem:s18+$0x0]  }
0x4a2: {  	s31 =	sor.u32 $0x1C30, s6;
	[tilespmem:s30+$0xC000] =	vst.add.f32.msk $0xffff, v2  }
0x4a3: {  	s11 =	sor.u32 $0x1C20, s29;
	v2 =	vld [tilespmem:s31+$0x0]  }
0x4a4: {  	s14 =	sor.u32 $0x1C30, s2;
	[tilespmem:s11+$0xC000] =	vst.add.f32.msk $0xffff, v3  }
0x4a5: {  	s15 =	sor.u32 $0x1C30, s12;
	v3 =	vld [tilespmem:s14+$0x0]  }
0x4a6: {  	s17 =	sor.u32 $0x1C40, s10;
	[tilespmem:s15+$0xC000] =	vst.add.f32.msk $0xffff, v1  }
0x4a7: {  	s18 =	sor.u32 $0x1C30, s13;
	v1 =	vld [tilespmem:s17+$0x0]  }
0x4a8: {  	s30 =	sor.u32 $0x1C40, s6;
	[tilespmem:s18+$0xC000] =	vst.add.f32.msk $0xffff, v2  }
0x4a9: {  	s31 =	sor.u32 $0x1C30, s29;
	v2 =	vld [tilespmem:s30+$0x0]  }
0x4aa: {  	s11 =	sor.u32 $0x1C40, s2;
	[tilespmem:s31+$0xC000] =	vst.add.f32.msk $0xffff, v3  }
0x4ab: {  	s14 =	sor.u32 $0x1C40, s12;
	v3 =	vld [tilespmem:s11+$0x0]  }
0x4ac: {  	s15 =	sor.u32 $0x1C50, s10;
	[tilespmem:s14+$0xC000] =	vst.add.f32.msk $0xffff, v1  }
0x4ad: {  	s17 =	sor.u32 $0x1C40, s13;
	v1 =	vld [tilespmem:s15+$0x0]  }
0x4ae: {  	s18 =	sor.u32 $0x1C50, s6;
	[tilespmem:s17+$0xC000] =	vst.add.f32.msk $0xffff, v2  }
0x4af: {  	s30 =	sor.u32 $0x1C40, s29;
	v2 =	vld [tilespmem:s18+$0x0]  }
0x4b0: {  	s31 =	sor.u32 $0x1C50, s2;
	[tilespmem:s30+$0xC000] =	vst.add.f32.msk $0xffff, v3  }
0x4b1: {  	s11 =	sor.u32 $0x1C50, s12;
	v3 =	vld [tilespmem:s31+$0x0]  }
0x4b2: {  	s14 =	sor.u32 $0x1C60, s10;
	[tilespmem:s11+$0xC000] =	vst.add.f32.msk $0xffff, v1  }
0x4b3: {  	s15 =	sor.u32 $0x1C50, s13;
	v1 =	vld [tilespmem:s14+$0x0]  }
0x4b4: {  	s17 =	sor.u32 $0x1C60, s6;
	[tilespmem:s15+$0xC000] =	vst.add.f32.msk $0xffff, v2  }
0x4b5: {  	s18 =	sor.u32 $0x1C50, s29;
	v2 =	vld [tilespmem:s17+$0x0]  }
0x4b6: {  	s30 =	sor.u32 $0x1C60, s2;
	[tilespmem:s18+$0xC000] =	vst.add.f32.msk $0xffff, v3  }
0x4b7: {  	s31 =	sor.u32 $0x1C60, s12;
	v3 =	vld [tilespmem:s30+$0x0]  }
0x4b8: {  	s11 =	sor.u32 $0x1C70, s10;
	[tilespmem:s31+$0xC000] =	vst.add.f32.msk $0xffff, v1  }
0x4b9: {  	s14 =	sor.u32 $0x1C60, s13;
	v1 =	vld [tilespmem:s11+$0x0]  }
0x4ba: {  	s6 =	sor.u32 $0x1C70, s6;
	[tilespmem:s14+$0xC000] =	vst.add.f32.msk $0xffff, v2  }
0x4bb: {  	s15 =	sor.u32 $0x1C60, s29;
	v2 =	vld [tilespmem:s6+$0x0]  }
0x4bc: {  	s2 =	sor.u32 $0x1C70, s2;
	[tilespmem:s15+$0xC000] =	vst.add.f32.msk $0xffff, v3  }
0x4bd: {  	p1 =	slt.u32 s26, $0xC;
	v3 =	vld [tilespmem:s2+$0x0]  }
.Ltmp1:
0x4be: {  	s17 =	sor.u32 $0x1C70, s28;
	(pc) =	sbr.rel @p1 .LBB2_5-.Ltmp1, $4  }
0x4bf: {  	s18 =	sor.u32 $0x1C70, s12;
	[tilespmem:s17+$0xC000] =	vst.add.f32.msk $0xffff, v0  }
0x4c0: {  	s28 =	sor.u32 $0x1C70, s13;
	[tilespmem:s18+$0xC000] =	vst.add.f32.msk $0xffff, v1  }
0x4c1: {  	s30 =	sor.u32 $0x1C70, s29;
	s31 =	sadd.s32 $0x4, s26;
	[tilespmem:s28+$0xC000] =	vst.add.f32.msk $0xffff, v2  }
0x4c2: {  	s26 =	smov.u32 s31;
	[tilespmem:s30+$0xC000] =	vst.add.f32.msk $0xffff, v3  }
0x4c3: {  	s2 =	rddreg [dreg:$0x8]  }
0x4c4: {  	s6 =	simm.s32 $0xC000;
	s2 =	sadd.s32 s8, s2  }
0x4c5: {  	[hbm4b:s2+s3] =	stream.linear.scatter [tilespmem:s6], [sflag:$0x7], $0x4000, $0x38;
	[tilespmem:$0x18000] =	vst v63  }
0x4c6: {  	_ =	swait.ge [sflag:s24], $0x4000  }
0x4c7: {  	[sflag:s24] =	ssyncset.done $0x0  }
0x4c8: {  	s2 =	simm.s32 @!p0 $0x6;
	[sflag:s24] =	ssyncadd.s32 $0xFFFFC000  }
0x4c9: {  	_ =	swait.ge @!p0 [sflag:s2], $0x4000  }
0x4ca: {  	[sflag:s2] =	ssyncset.done @!p0 $0x0  }
0x4cb: {  	[sflag:s2] =	ssyncadd.s32 @!p0 $0xFFFFC000;
	s2 =	rddreg [dreg:$0x9]  }
0x4cc: {  	s6 =	simm.s32 @!p0 $0x0;
	s2 =	sadd.s32 @!p0 s7, s2;
	s7 =	simm.s32 @!p0 $0x8000  }
0x4cd: {  	[tilespmem:s7], [sflag:$0x2] =	stream.linear.gather @!p0 [hbm4b:s2+s6], $0x4000, $0x38;
	[tilespmem:$0x18000] =	vst v63  }
0x4ce: {  	s7 =	simm.s32 $0x0  }
.LBB2_7:
0x4cf: {  	s2 =	sor.u32 s1, s7  }
0x4d0: {  	s28 =	sshll.u32 s7, $0x7;
	s6 =	sshll.u32 s2, $0xA  }
0x4d1: {  	s2 =	sand.u32 $0x200, s28;
	s9 =	sand.u32 $0x6000, s6  }
0x4d2: {  	s9 =	sor.u32 s2, s9  }
0x4d3: {  	v0 =	vld [tilespmem:s9+$0x0]  }
0x4d4: {  	s28 =	sshll.u32 s7, $0xA  }
0x4d5: {  	s10 =	sand.u32 $0x2000, s28  }
0x4d6: {  	s14 =	sor.u32 $0x10000, s10  }
0x4d7: {  	s10 =	sor.u32 s2, s14  }
0x4d8: {  	[tilespmem:s10+$0x0] =	vst.add.f32.msk $0xffff, v0  }
0x4d9: {  	v0 =	vld [tilespmem:s9+$0x10];
	_ =	sdelay $0x3  }
0x4da: {  	s11 =	sor.u32 $0x10, s10  }
0x4db: {  	[tilespmem:s11+$0x0] =	vst.add.f32.msk $0xffff, v0  }
0x4dc: {  	v0 =	vld [tilespmem:s9+$0x20];
	_ =	sdelay $0x3  }
0x4dd: {  	s29 =	sor.u32 $0x20, s10  }
0x4de: {  	[tilespmem:s29+$0x0] =	vst.add.f32.msk $0xffff, v0  }
0x4df: {  	v0 =	vld [tilespmem:s9+$0x30];
	_ =	sdelay $0x3  }
0x4e0: {  	s30 =	sor.u32 $0x30, s10  }
0x4e1: {  	[tilespmem:s30+$0x0] =	vst.add.f32.msk $0xffff, v0  }
0x4e2: {  	v0 =	vld [tilespmem:s9+$0x40];
	_ =	sdelay $0x3  }
0x4e3: {  	s31 =	sor.u32 $0x40, s10  }
0x4e4: {  	[tilespmem:s31+$0x0] =	vst.add.f32.msk $0xffff, v0  }
0x4e5: {  	v0 =	vld [tilespmem:s9+$0x50];
	_ =	sdelay $0x3  }
0x4e6: {  	s12 =	sor.u32 $0x50, s10  }
0x4e7: {  	[tilespmem:s12+$0x0] =	vst.add.f32.msk $0xffff, v0  }
0x4e8: {  	v0 =	vld [tilespmem:s9+$0x60];
	_ =	sdelay $0x3  }
0x4e9: {  	s13 =	sor.u32 $0x60, s10  }
0x4ea: {  	[tilespmem:s13+$0x0] =	vst.add.f32.msk $0xffff, v0  }
0x4eb: {  	v0 =	vld [tilespmem:s9+$0x70];
	_ =	sdelay $0x3  }
0x4ec: {  	s15 =	sor.u32 $0x70, s10  }
0x4ed: {  	[tilespmem:s15+$0x0] =	vst.add.f32.msk $0xffff, v0  }
0x4ee: {  	v0 =	vld [tilespmem:s9+$0x400];
	_ =	sdelay $0x3  }
0x4ef: {  	s17 =	sor.u32 $0x400, s10  }
0x4f0: {  	[tilespmem:s17+$0x0] =	vst.add.f32.msk $0xffff, v0  }
0x4f1: {  	v0 =	vld [tilespmem:s9+$0x410];
	_ =	sdelay $0x3  }
0x4f2: {  	s18 =	sor.u32 $0x410, s10  }
0x4f3: {  	[tilespmem:s18+$0x0] =	vst.add.f32.msk $0xffff, v0  }
0x4f4: {  	v0 =	vld [tilespmem:s9+$0x420];
	_ =	sdelay $0x3  }
0x4f5: {  	s26 =	sor.u32 $0x420, s10  }
0x4f6: {  	[tilespmem:s26+$0x0] =	vst.add.f32.msk $0xffff, v0  }
0x4f7: {  	v0 =	vld [tilespmem:s9+$0x430];
	_ =	sdelay $0x3  }
0x4f8: {  	s29 =	sor.u32 $0x430, s10  }
0x4f9: {  	[tilespmem:s29+$0x0] =	vst.add.f32.msk $0xffff, v0  }
0x4fa: {  	v0 =	vld [tilespmem:s9+$0x440];
	_ =	sdelay $0x3  }
0x4fb: {  	s30 =	sor.u32 $0x440, s10  }
0x4fc: {  	[tilespmem:s30+$0x0] =	vst.add.f32.msk $0xffff, v0  }
0x4fd: {  	v0 =	vld [tilespmem:s9+$0x450];
	_ =	sdelay $0x3  }
0x4fe: {  	s31 =	sor.u32 $0x450, s10  }
0x4ff: {  	[tilespmem:s31+$0x0] =	vst.add.f32.msk $0xffff, v0  }
0x500: {  	v0 =	vld [tilespmem:s9+$0x460];
	_ =	sdelay $0x3  }
0x501: {  	s12 =	sor.u32 $0x460, s10  }
0x502: {  	[tilespmem:s12+$0x0] =	vst.add.f32.msk $0xffff, v0  }
0x503: {  	v0 =	vld [tilespmem:s9+$0x470];
	_ =	sdelay $0x3  }
0x504: {  	s13 =	sor.u32 $0x470, s10  }
0x505: {  	[tilespmem:s13+$0x0] =	vst.add.f32.msk $0xffff, v0  }
0x506: {  	v0 =	vld [tilespmem:s9+$0x800];
	_ =	sdelay $0x3  }
0x507: {  	s15 =	sor.u32 $0x800, s10  }
0x508: {  	[tilespmem:s15+$0x0] =	vst.add.f32.msk $0xffff, v0  }
0x509: {  	v0 =	vld [tilespmem:s9+$0x810];
	_ =	sdelay $0x3  }
0x50a: {  	s17 =	sor.u32 $0x810, s10  }
0x50b: {  	[tilespmem:s17+$0x0] =	vst.add.f32.msk $0xffff, v0  }
0x50c: {  	v0 =	vld [tilespmem:s9+$0x820];
	_ =	sdelay $0x3  }
0x50d: {  	s18 =	sor.u32 $0x820, s10  }
0x50e: {  	[tilespmem:s18+$0x0] =	vst.add.f32.msk $0xffff, v0  }
0x50f: {  	v0 =	vld [tilespmem:s9+$0x830];
	_ =	sdelay $0x3  }
0x510: {  	s26 =	sor.u32 $0x830, s10  }
0x511: {  	[tilespmem:s26+$0x0] =	vst.add.f32.msk $0xffff, v0  }
0x512: {  	v0 =	vld [tilespmem:s9+$0x840];
	_ =	sdelay $0x3  }
0x513: {  	s29 =	sor.u32 $0x840, s10  }
0x514: {  	[tilespmem:s29+$0x0] =	vst.add.f32.msk $0xffff, v0  }
0x515: {  	v0 =	vld [tilespmem:s9+$0x850];
	_ =	sdelay $0x3  }
0x516: {  	s30 =	sor.u32 $0x850, s10  }
0x517: {  	[tilespmem:s30+$0x0] =	vst.add.f32.msk $0xffff, v0  }
0x518: {  	v0 =	vld [tilespmem:s9+$0x860];
	_ =	sdelay $0x3  }
0x519: {  	s31 =	sor.u32 $0x860, s10  }
0x51a: {  	[tilespmem:s31+$0x0] =	vst.add.f32.msk $0xffff, v0  }
0x51b: {  	v0 =	vld [tilespmem:s9+$0x870];
	_ =	sdelay $0x3  }
0x51c: {  	s12 =	sor.u32 $0x870, s10  }
0x51d: {  	[tilespmem:s12+$0x0] =	vst.add.f32.msk $0xffff, v0  }
0x51e: {  	v0 =	vld [tilespmem:s9+$0xC00];
	_ =	sdelay $0x3  }
0x51f: {  	s13 =	sor.u32 $0xC00, s10  }
0x520: {  	[tilespmem:s13+$0x0] =	vst.add.f32.msk $0xffff, v0  }
0x521: {  	v0 =	vld [tilespmem:s9+$0xC10];
	_ =	sdelay $0x3  }
0x522: {  	s15 =	sor.u32 $0xC10, s10  }
0x523: {  	[tilespmem:s15+$0x0] =	vst.add.f32.msk $0xffff, v0  }
0x524: {  	v0 =	vld [tilespmem:s9+$0xC20];
	_ =	sdelay $0x3  }
0x525: {  	s17 =	sor.u32 $0xC20, s10  }
0x526: {  	[tilespmem:s17+$0x0] =	vst.add.f32.msk $0xffff, v0  }
0x527: {  	v0 =	vld [tilespmem:s9+$0xC30];
	_ =	sdelay $0x3  }
0x528: {  	s18 =	sor.u32 $0xC30, s10  }
0x529: {  	[tilespmem:s18+$0x0] =	vst.add.f32.msk $0xffff, v0  }
0x52a: {  	v0 =	vld [tilespmem:s9+$0xC40];
	_ =	sdelay $0x3  }
0x52b: {  	s26 =	sor.u32 $0xC40, s10  }
0x52c: {  	[tilespmem:s26+$0x0] =	vst.add.f32.msk $0xffff, v0  }
0x52d: {  	v0 =	vld [tilespmem:s9+$0xC50];
	_ =	sdelay $0x3  }
0x52e: {  	s29 =	sor.u32 $0xC50, s10  }
0x52f: {  	[tilespmem:s29+$0x0] =	vst.add.f32.msk $0xffff, v0  }
0x530: {  	v0 =	vld [tilespmem:s9+$0xC60];
	_ =	sdelay $0x3  }
0x531: {  	s30 =	sor.u32 $0xC60, s10  }
0x532: {  	[tilespmem:s30+$0x0] =	vst.add.f32.msk $0xffff, v0  }
0x533: {  	v0 =	vld [tilespmem:s9+$0xC70];
	_ =	sdelay $0x3  }
0x534: {  	s31 =	sor.u32 $0xC70, s10;
	s12 =	sor.u32 s2, s6  }
0x535: {  	s6 =	sor.u32 $0x1000, s12;
	[tilespmem:s31+$0x0] =	vst.add.f32.msk $0xffff, v0  }
0x536: {  	v0 =	vld [tilespmem:s6+$0x0];
	_ =	sdelay $0x2  }
0x537: {  	s26 =	sor.u32 s28, s2  }
0x538: {  	s2 =	sor.u32 $0x1000, s26  }
0x539: {  	s9 =	sor.u32 $0x1010, s12;
	[tilespmem:s2+$0x10000] =	vst.add.f32.msk $0xffff, v0  }
0x53a: {  	v0 =	vld [tilespmem:s9+$0x0];
	_ =	sdelay $0x3  }
0x53b: {  	s10 =	sor.u32 $0x1010, s26  }
0x53c: {  	s11 =	sor.u32 $0x1020, s12;
	[tilespmem:s10+$0x10000] =	vst.add.f32.msk $0xffff, v0  }
0x53d: {  	v0 =	vld [tilespmem:s11+$0x0];
	_ =	sdelay $0x3  }
0x53e: {  	s13 =	sor.u32 $0x1020, s26  }
0x53f: {  	s15 =	sor.u32 $0x1030, s12;
	[tilespmem:s13+$0x10000] =	vst.add.f32.msk $0xffff, v0  }
0x540: {  	v0 =	vld [tilespmem:s15+$0x0];
	_ =	sdelay $0x3  }
0x541: {  	s17 =	sor.u32 $0x1030, s26  }
0x542: {  	s18 =	sor.u32 $0x1040, s12;
	[tilespmem:s17+$0x10000] =	vst.add.f32.msk $0xffff, v0  }
0x543: {  	v0 =	vld [tilespmem:s18+$0x0];
	_ =	sdelay $0x3  }
0x544: {  	s29 =	sor.u32 $0x1040, s26  }
0x545: {  	s30 =	sor.u32 $0x1050, s12;
	[tilespmem:s29+$0x10000] =	vst.add.f32.msk $0xffff, v0  }
0x546: {  	v0 =	vld [tilespmem:s30+$0x0];
	_ =	sdelay $0x3  }
0x547: {  	s31 =	sor.u32 $0x1050, s26  }
0x548: {  	s6 =	sor.u32 $0x1060, s12;
	[tilespmem:s31+$0x10000] =	vst.add.f32.msk $0xffff, v0  }
0x549: {  	v0 =	vld [tilespmem:s6+$0x0];
	_ =	sdelay $0x3  }
0x54a: {  	s9 =	sor.u32 $0x1060, s26  }
0x54b: {  	s10 =	sor.u32 $0x1070, s12;
	[tilespmem:s9+$0x10000] =	vst.add.f32.msk $0xffff, v0  }
0x54c: {  	v0 =	vld [tilespmem:s10+$0x0];
	_ =	sdelay $0x3  }
0x54d: {  	s11 =	sor.u32 $0x1070, s26  }
0x54e: {  	s13 =	sor.u32 $0x1400, s12;
	[tilespmem:s11+$0x10000] =	vst.add.f32.msk $0xffff, v0  }
0x54f: {  	v0 =	vld [tilespmem:s13+$0x0];
	_ =	sdelay $0x3  }
0x550: {  	s15 =	sor.u32 $0x1400, s26  }
0x551: {  	s17 =	sor.u32 $0x1410, s12;
	[tilespmem:s15+$0x10000] =	vst.add.f32.msk $0xffff, v0  }
0x552: {  	v0 =	vld [tilespmem:s17+$0x0];
	_ =	sdelay $0x3  }
0x553: {  	s18 =	sor.u32 $0x1410, s26  }
0x554: {  	s29 =	sor.u32 $0x1420, s12;
	[tilespmem:s18+$0x10000] =	vst.add.f32.msk $0xffff, v0  }
0x555: {  	v0 =	vld [tilespmem:s29+$0x0];
	_ =	sdelay $0x3  }
0x556: {  	s30 =	sor.u32 $0x1420, s26  }
0x557: {  	s31 =	sor.u32 $0x1430, s12;
	[tilespmem:s30+$0x10000] =	vst.add.f32.msk $0xffff, v0  }
0x558: {  	v0 =	vld [tilespmem:s31+$0x0];
	_ =	sdelay $0x3  }
0x559: {  	s6 =	sor.u32 $0x1430, s26  }
0x55a: {  	s9 =	sor.u32 $0x1440, s12;
	[tilespmem:s6+$0x10000] =	vst.add.f32.msk $0xffff, v0  }
0x55b: {  	v0 =	vld [tilespmem:s9+$0x0];
	_ =	sdelay $0x3  }
0x55c: {  	s10 =	sor.u32 $0x1440, s26  }
0x55d: {  	s11 =	sor.u32 $0x1450, s12;
	[tilespmem:s10+$0x10000] =	vst.add.f32.msk $0xffff, v0  }
0x55e: {  	v0 =	vld [tilespmem:s11+$0x0];
	_ =	sdelay $0x3  }
0x55f: {  	s13 =	sor.u32 $0x1450, s26  }
0x560: {  	s15 =	sor.u32 $0x1460, s12;
	[tilespmem:s13+$0x10000] =	vst.add.f32.msk $0xffff, v0  }
0x561: {  	v0 =	vld [tilespmem:s15+$0x0];
	_ =	sdelay $0x3  }
0x562: {  	s17 =	sor.u32 $0x1460, s26  }
0x563: {  	s18 =	sor.u32 $0x1470, s12;
	[tilespmem:s17+$0x10000] =	vst.add.f32.msk $0xffff, v0  }
0x564: {  	v0 =	vld [tilespmem:s18+$0x0];
	_ =	sdelay $0x3  }
0x565: {  	s29 =	sor.u32 $0x1470, s26  }
0x566: {  	s30 =	sor.u32 $0x1800, s12;
	[tilespmem:s29+$0x10000] =	vst.add.f32.msk $0xffff, v0  }
0x567: {  	v0 =	vld [tilespmem:s30+$0x0];
	_ =	sdelay $0x3  }
0x568: {  	s31 =	sor.u32 $0x1800, s26  }
0x569: {  	s6 =	sor.u32 $0x1810, s12;
	[tilespmem:s31+$0x10000] =	vst.add.f32.msk $0xffff, v0  }
0x56a: {  	v0 =	vld [tilespmem:s6+$0x0];
	_ =	sdelay $0x3  }
0x56b: {  	s9 =	sor.u32 $0x1810, s26  }
0x56c: {  	s10 =	sor.u32 $0x1820, s12;
	[tilespmem:s9+$0x10000] =	vst.add.f32.msk $0xffff, v0  }
0x56d: {  	v0 =	vld [tilespmem:s10+$0x0];
	_ =	sdelay $0x3  }
0x56e: {  	s11 =	sor.u32 $0x1820, s26  }
0x56f: {  	s13 =	sor.u32 $0x1830, s12;
	[tilespmem:s11+$0x10000] =	vst.add.f32.msk $0xffff, v0  }
0x570: {  	v0 =	vld [tilespmem:s13+$0x0];
	_ =	sdelay $0x3  }
0x571: {  	s15 =	sor.u32 $0x1830, s26  }
0x572: {  	s17 =	sor.u32 $0x1840, s12;
	[tilespmem:s15+$0x10000] =	vst.add.f32.msk $0xffff, v0  }
0x573: {  	v0 =	vld [tilespmem:s17+$0x0];
	_ =	sdelay $0x3  }
0x574: {  	s18 =	sor.u32 $0x1840, s26  }
0x575: {  	s29 =	sor.u32 $0x1850, s12;
	[tilespmem:s18+$0x10000] =	vst.add.f32.msk $0xffff, v0  }
0x576: {  	v0 =	vld [tilespmem:s29+$0x0];
	_ =	sdelay $0x3  }
0x577: {  	s30 =	sor.u32 $0x1850, s26  }
0x578: {  	s31 =	sor.u32 $0x1860, s12;
	[tilespmem:s30+$0x10000] =	vst.add.f32.msk $0xffff, v0  }
0x579: {  	v0 =	vld [tilespmem:s31+$0x0];
	_ =	sdelay $0x3  }
0x57a: {  	s6 =	sor.u32 $0x1860, s26  }
0x57b: {  	s9 =	sor.u32 $0x1870, s12;
	[tilespmem:s6+$0x10000] =	vst.add.f32.msk $0xffff, v0  }
0x57c: {  	v0 =	vld [tilespmem:s9+$0x0];
	_ =	sdelay $0x3  }
0x57d: {  	s10 =	sor.u32 $0x1870, s26  }
0x57e: {  	s11 =	sor.u32 $0x1C00, s12;
	[tilespmem:s10+$0x10000] =	vst.add.f32.msk $0xffff, v0  }
0x57f: {  	v0 =	vld [tilespmem:s11+$0x0];
	_ =	sdelay $0x3  }
0x580: {  	s13 =	sor.u32 $0x1C00, s26  }
0x581: {  	s15 =	sor.u32 $0x1C10, s12;
	[tilespmem:s13+$0x10000] =	vst.add.f32.msk $0xffff, v0  }
0x582: {  	v0 =	vld [tilespmem:s15+$0x0];
	_ =	sdelay $0x3  }
0x583: {  	s17 =	sor.u32 $0x1C10, s26  }
0x584: {  	s18 =	sor.u32 $0x1C20, s12;
	[tilespmem:s17+$0x10000] =	vst.add.f32.msk $0xffff, v0  }
0x585: {  	v0 =	vld [tilespmem:s18+$0x0];
	_ =	sdelay $0x3  }
0x586: {  	s29 =	sor.u32 $0x1C20, s26  }
0x587: {  	s30 =	sor.u32 $0x1C30, s12;
	[tilespmem:s29+$0x10000] =	vst.add.f32.msk $0xffff, v0  }
0x588: {  	v0 =	vld [tilespmem:s30+$0x0];
	_ =	sdelay $0x3  }
0x589: {  	s31 =	sor.u32 $0x1C30, s26  }
0x58a: {  	s6 =	sor.u32 $0x1C40, s12;
	[tilespmem:s31+$0x10000] =	vst.add.f32.msk $0xffff, v0  }
0x58b: {  	v0 =	vld [tilespmem:s6+$0x0];
	_ =	sdelay $0x3  }
0x58c: {  	s9 =	sor.u32 $0x1C40, s26  }
0x58d: {  	s10 =	sor.u32 $0x1C50, s12;
	[tilespmem:s9+$0x10000] =	vst.add.f32.msk $0xffff, v0  }
0x58e: {  	v0 =	vld [tilespmem:s10+$0x0];
	_ =	sdelay $0x2  }
0x58f: {  	s11 =	sor.u32 $0x1C50, s26;
	s13 =	sor.u32 $0x1, s7  }
0x590: {  	s15 =	sor.u32 $0x1C60, s12;
	s17 =	sor.u32 s1, s13;
	s30 =	sor.u32 $0x2, s7  }
0x591: {  	s18 =	sshll.u32 s13, $0x7;
	s9 =	sshll.u32 s30, $0x7;
	s10 =	sshll.u32 s17, $0xA;
	[tilespmem:s11+$0x10000] =	vst.add.f32.msk $0xffff, v0  }
0x592: {  	s31 =	sor.u32 s1, s30;
	s9 =	sand.u32 $0x300, s9;
	s29 =	sand.u32 $0x6000, s10;
	v0 =	vld [tilespmem:s15+$0x0]  }
0x593: {  	s11 =	sand.u32 $0x280, s18;
	s18 =	sshll.u32 s31, $0xA;
	s15 =	sor.u32 $0x3, s7  }
0x594: {  	s2 =	sor.u32 s11, s29;
	s17 =	sand.u32 $0x6000, s18;
	s29 =	sor.u32 s1, s15  }
0x595: {  	v1 =	vld [tilespmem:s2+$0x0];
	s6 =	sor.u32 s9, s17;
	s15 =	sshll.u32 s15, $0x7;
	s29 =	sshll.u32 s29, $0xA  }
0x596: {  	s13 =	sor.u32 $0x1C60, s26;
	v2 =	vld [tilespmem:s6+$0x0];
	s30 =	sand.u32 $0x380, s15;
	s17 =	sand.u32 $0x6000, s29  }
0x597: {  	s17 =	sor.u32 s30, s17;
	[tilespmem:s13+$0x10000] =	vst.add.f32.msk $0xffff, v0  }
0x598: {  	s12 =	sor.u32 $0x1C70, s12;
	v3 =	vld [tilespmem:s17+$0x0]  }
0x599: {  	v0 =	vld [tilespmem:s12+$0x0];
	s12 =	sor.u32 s11, s14  }
0x59a: {  	[tilespmem:s12+$0x0] =	vst.add.f32.msk $0xffff, v1  }
0x59b: {  	s13 =	sor.u32 s9, s14;
	v1 =	vld [tilespmem:s2+$0x10]  }
0x59c: {  	[tilespmem:s13+$0x0] =	vst.add.f32.msk $0xffff, v2  }
0x59d: {  	s14 =	sor.u32 s30, s14;
	v2 =	vld [tilespmem:s6+$0x10]  }
0x59e: {  	[tilespmem:s14+$0x0] =	vst.add.f32.msk $0xffff, v3  }
0x59f: {  	s31 =	sor.u32 $0x10, s12;
	v3 =	vld [tilespmem:s17+$0x10]  }
0x5a0: {  	[tilespmem:s31+$0x0] =	vst.add.f32.msk $0xffff, v1  }
0x5a1: {  	s31 =	sor.u32 $0x10, s13;
	v1 =	vld [tilespmem:s2+$0x20]  }
0x5a2: {  	[tilespmem:s31+$0x0] =	vst.add.f32.msk $0xffff, v2  }
0x5a3: {  	s31 =	sor.u32 $0x10, s14;
	v2 =	vld [tilespmem:s6+$0x20]  }
0x5a4: {  	[tilespmem:s31+$0x0] =	vst.add.f32.msk $0xffff, v3  }
0x5a5: {  	s31 =	sor.u32 $0x20, s12;
	v3 =	vld [tilespmem:s17+$0x20]  }
0x5a6: {  	[tilespmem:s31+$0x0] =	vst.add.f32.msk $0xffff, v1  }
0x5a7: {  	s31 =	sor.u32 $0x20, s13;
	v1 =	vld [tilespmem:s2+$0x30]  }
0x5a8: {  	[tilespmem:s31+$0x0] =	vst.add.f32.msk $0xffff, v2  }
0x5a9: {  	s31 =	sor.u32 $0x20, s14;
	v2 =	vld [tilespmem:s6+$0x30]  }
0x5aa: {  	[tilespmem:s31+$0x0] =	vst.add.f32.msk $0xffff, v3  }
0x5ab: {  	s31 =	sor.u32 $0x30, s12;
	v3 =	vld [tilespmem:s17+$0x30]  }
0x5ac: {  	[tilespmem:s31+$0x0] =	vst.add.f32.msk $0xffff, v1  }
0x5ad: {  	s31 =	sor.u32 $0x30, s13;
	v1 =	vld [tilespmem:s2+$0x40]  }
0x5ae: {  	[tilespmem:s31+$0x0] =	vst.add.f32.msk $0xffff, v2  }
0x5af: {  	s31 =	sor.u32 $0x30, s14;
	v2 =	vld [tilespmem:s6+$0x40]  }
0x5b0: {  	[tilespmem:s31+$0x0] =	vst.add.f32.msk $0xffff, v3  }
0x5b1: {  	s31 =	sor.u32 $0x40, s12;
	v3 =	vld [tilespmem:s17+$0x40]  }
0x5b2: {  	[tilespmem:s31+$0x0] =	vst.add.f32.msk $0xffff, v1  }
0x5b3: {  	s31 =	sor.u32 $0x40, s13;
	v1 =	vld [tilespmem:s2+$0x50]  }
0x5b4: {  	[tilespmem:s31+$0x0] =	vst.add.f32.msk $0xffff, v2  }
0x5b5: {  	s31 =	sor.u32 $0x40, s14;
	v2 =	vld [tilespmem:s6+$0x50]  }
0x5b6: {  	[tilespmem:s31+$0x0] =	vst.add.f32.msk $0xffff, v3  }
0x5b7: {  	s31 =	sor.u32 $0x50, s12;
	v3 =	vld [tilespmem:s17+$0x50]  }
0x5b8: {  	[tilespmem:s31+$0x0] =	vst.add.f32.msk $0xffff, v1  }
0x5b9: {  	s31 =	sor.u32 $0x50, s13;
	v1 =	vld [tilespmem:s2+$0x60]  }
0x5ba: {  	[tilespmem:s31+$0x0] =	vst.add.f32.msk $0xffff, v2  }
0x5bb: {  	s31 =	sor.u32 $0x50, s14;
	v2 =	vld [tilespmem:s6+$0x60]  }
0x5bc: {  	[tilespmem:s31+$0x0] =	vst.add.f32.msk $0xffff, v3  }
0x5bd: {  	s31 =	sor.u32 $0x60, s12;
	v3 =	vld [tilespmem:s17+$0x60]  }
0x5be: {  	[tilespmem:s31+$0x0] =	vst.add.f32.msk $0xffff, v1  }
0x5bf: {  	s31 =	sor.u32 $0x60, s13;
	v1 =	vld [tilespmem:s2+$0x70]  }
0x5c0: {  	[tilespmem:s31+$0x0] =	vst.add.f32.msk $0xffff, v2  }
0x5c1: {  	s31 =	sor.u32 $0x60, s14;
	v2 =	vld [tilespmem:s6+$0x70]  }
0x5c2: {  	[tilespmem:s31+$0x0] =	vst.add.f32.msk $0xffff, v3  }
0x5c3: {  	s31 =	sor.u32 $0x70, s12;
	v3 =	vld [tilespmem:s17+$0x70]  }
0x5c4: {  	[tilespmem:s31+$0x0] =	vst.add.f32.msk $0xffff, v1  }
0x5c5: {  	s31 =	sor.u32 $0x70, s13;
	v1 =	vld [tilespmem:s2+$0x400]  }
0x5c6: {  	[tilespmem:s31+$0x0] =	vst.add.f32.msk $0xffff, v2  }
0x5c7: {  	s31 =	sor.u32 $0x70, s14;
	v2 =	vld [tilespmem:s6+$0x400]  }
0x5c8: {  	[tilespmem:s31+$0x0] =	vst.add.f32.msk $0xffff, v3  }
0x5c9: {  	s31 =	sor.u32 $0x400, s12;
	v3 =	vld [tilespmem:s17+$0x400]  }
0x5ca: {  	[tilespmem:s31+$0x0] =	vst.add.f32.msk $0xffff, v1  }
0x5cb: {  	s31 =	sor.u32 $0x400, s13;
	v1 =	vld [tilespmem:s2+$0x410]  }
0x5cc: {  	[tilespmem:s31+$0x0] =	vst.add.f32.msk $0xffff, v2  }
0x5cd: {  	s31 =	sor.u32 $0x400, s14;
	v2 =	vld [tilespmem:s6+$0x410]  }
0x5ce: {  	[tilespmem:s31+$0x0] =	vst.add.f32.msk $0xffff, v3  }
0x5cf: {  	s31 =	sor.u32 $0x410, s12;
	v3 =	vld [tilespmem:s17+$0x410]  }
0x5d0: {  	[tilespmem:s31+$0x0] =	vst.add.f32.msk $0xffff, v1  }
0x5d1: {  	s31 =	sor.u32 $0x410, s13;
	v1 =	vld [tilespmem:s2+$0x420]  }
0x5d2: {  	[tilespmem:s31+$0x0] =	vst.add.f32.msk $0xffff, v2  }
0x5d3: {  	s31 =	sor.u32 $0x410, s14;
	v2 =	vld [tilespmem:s6+$0x420]  }
0x5d4: {  	[tilespmem:s31+$0x0] =	vst.add.f32.msk $0xffff, v3  }
0x5d5: {  	s31 =	sor.u32 $0x420, s12;
	v3 =	vld [tilespmem:s17+$0x420]  }
0x5d6: {  	[tilespmem:s31+$0x0] =	vst.add.f32.msk $0xffff, v1  }
0x5d7: {  	s31 =	sor.u32 $0x420, s13;
	v1 =	vld [tilespmem:s2+$0x430]  }
0x5d8: {  	[tilespmem:s31+$0x0] =	vst.add.f32.msk $0xffff, v2  }
0x5d9: {  	s31 =	sor.u32 $0x420, s14;
	v2 =	vld [tilespmem:s6+$0x430]  }
0x5da: {  	[tilespmem:s31+$0x0] =	vst.add.f32.msk $0xffff, v3  }
0x5db: {  	s31 =	sor.u32 $0x430, s12;
	v3 =	vld [tilespmem:s17+$0x430]  }
0x5dc: {  	[tilespmem:s31+$0x0] =	vst.add.f32.msk $0xffff, v1  }
0x5dd: {  	s31 =	sor.u32 $0x430, s13;
	v1 =	vld [tilespmem:s2+$0x440]  }
0x5de: {  	[tilespmem:s31+$0x0] =	vst.add.f32.msk $0xffff, v2  }
0x5df: {  	s31 =	sor.u32 $0x430, s14;
	v2 =	vld [tilespmem:s6+$0x440]  }
0x5e0: {  	[tilespmem:s31+$0x0] =	vst.add.f32.msk $0xffff, v3  }
0x5e1: {  	s31 =	sor.u32 $0x440, s12;
	v3 =	vld [tilespmem:s17+$0x440]  }
0x5e2: {  	[tilespmem:s31+$0x0] =	vst.add.f32.msk $0xffff, v1  }
0x5e3: {  	s31 =	sor.u32 $0x440, s13;
	v1 =	vld [tilespmem:s2+$0x450]  }
0x5e4: {  	[tilespmem:s31+$0x0] =	vst.add.f32.msk $0xffff, v2  }
0x5e5: {  	s31 =	sor.u32 $0x440, s14;
	v2 =	vld [tilespmem:s6+$0x450]  }
0x5e6: {  	[tilespmem:s31+$0x0] =	vst.add.f32.msk $0xffff, v3  }
0x5e7: {  	s31 =	sor.u32 $0x450, s12;
	v3 =	vld [tilespmem:s17+$0x450]  }
0x5e8: {  	[tilespmem:s31+$0x0] =	vst.add.f32.msk $0xffff, v1  }
0x5e9: {  	s31 =	sor.u32 $0x450, s13;
	v1 =	vld [tilespmem:s2+$0x460]  }
0x5ea: {  	[tilespmem:s31+$0x0] =	vst.add.f32.msk $0xffff, v2  }
0x5eb: {  	s31 =	sor.u32 $0x450, s14;
	v2 =	vld [tilespmem:s6+$0x460]  }
0x5ec: {  	[tilespmem:s31+$0x0] =	vst.add.f32.msk $0xffff, v3  }
0x5ed: {  	s31 =	sor.u32 $0x460, s12;
	v3 =	vld [tilespmem:s17+$0x460]  }
0x5ee: {  	[tilespmem:s31+$0x0] =	vst.add.f32.msk $0xffff, v1  }
0x5ef: {  	s31 =	sor.u32 $0x460, s13;
	v1 =	vld [tilespmem:s2+$0x470]  }
0x5f0: {  	[tilespmem:s31+$0x0] =	vst.add.f32.msk $0xffff, v2  }
0x5f1: {  	s31 =	sor.u32 $0x460, s14;
	v2 =	vld [tilespmem:s6+$0x470]  }
0x5f2: {  	[tilespmem:s31+$0x0] =	vst.add.f32.msk $0xffff, v3  }
0x5f3: {  	s31 =	sor.u32 $0x470, s12;
	v3 =	vld [tilespmem:s17+$0x470]  }
0x5f4: {  	[tilespmem:s31+$0x0] =	vst.add.f32.msk $0xffff, v1  }
0x5f5: {  	s31 =	sor.u32 $0x470, s13;
	v1 =	vld [tilespmem:s2+$0x800]  }
0x5f6: {  	[tilespmem:s31+$0x0] =	vst.add.f32.msk $0xffff, v2  }
0x5f7: {  	s31 =	sor.u32 $0x470, s14;
	v2 =	vld [tilespmem:s6+$0x800]  }
0x5f8: {  	[tilespmem:s31+$0x0] =	vst.add.f32.msk $0xffff, v3  }
0x5f9: {  	s31 =	sor.u32 $0x800, s12;
	v3 =	vld [tilespmem:s17+$0x800]  }
0x5fa: {  	[tilespmem:s31+$0x0] =	vst.add.f32.msk $0xffff, v1  }
0x5fb: {  	s31 =	sor.u32 $0x800, s13;
	v1 =	vld [tilespmem:s2+$0x810]  }
0x5fc: {  	[tilespmem:s31+$0x0] =	vst.add.f32.msk $0xffff, v2  }
0x5fd: {  	s31 =	sor.u32 $0x800, s14;
	v2 =	vld [tilespmem:s6+$0x810]  }
0x5fe: {  	[tilespmem:s31+$0x0] =	vst.add.f32.msk $0xffff, v3  }
0x5ff: {  	s31 =	sor.u32 $0x810, s12;
	v3 =	vld [tilespmem:s17+$0x810]  }
0x600: {  	[tilespmem:s31+$0x0] =	vst.add.f32.msk $0xffff, v1  }
0x601: {  	s31 =	sor.u32 $0x810, s13;
	v1 =	vld [tilespmem:s2+$0x820]  }
0x602: {  	[tilespmem:s31+$0x0] =	vst.add.f32.msk $0xffff, v2  }
0x603: {  	s31 =	sor.u32 $0x810, s14;
	v2 =	vld [tilespmem:s6+$0x820]  }
0x604: {  	[tilespmem:s31+$0x0] =	vst.add.f32.msk $0xffff, v3  }
0x605: {  	s31 =	sor.u32 $0x820, s12;
	v3 =	vld [tilespmem:s17+$0x820]  }
0x606: {  	[tilespmem:s31+$0x0] =	vst.add.f32.msk $0xffff, v1  }
0x607: {  	s31 =	sor.u32 $0x820, s13;
	v1 =	vld [tilespmem:s2+$0x830]  }
0x608: {  	[tilespmem:s31+$0x0] =	vst.add.f32.msk $0xffff, v2  }
0x609: {  	s31 =	sor.u32 $0x820, s14;
	v2 =	vld [tilespmem:s6+$0x830]  }
0x60a: {  	[tilespmem:s31+$0x0] =	vst.add.f32.msk $0xffff, v3  }
0x60b: {  	s31 =	sor.u32 $0x830, s12;
	v3 =	vld [tilespmem:s17+$0x830]  }
0x60c: {  	[tilespmem:s31+$0x0] =	vst.add.f32.msk $0xffff, v1  }
0x60d: {  	s31 =	sor.u32 $0x830, s13;
	v1 =	vld [tilespmem:s2+$0x840]  }
0x60e: {  	[tilespmem:s31+$0x0] =	vst.add.f32.msk $0xffff, v2  }
0x60f: {  	s31 =	sor.u32 $0x830, s14;
	v2 =	vld [tilespmem:s6+$0x840]  }
0x610: {  	[tilespmem:s31+$0x0] =	vst.add.f32.msk $0xffff, v3  }
0x611: {  	s31 =	sor.u32 $0x840, s12;
	v3 =	vld [tilespmem:s17+$0x840]  }
0x612: {  	[tilespmem:s31+$0x0] =	vst.add.f32.msk $0xffff, v1  }
0x613: {  	s31 =	sor.u32 $0x840, s13;
	v1 =	vld [tilespmem:s2+$0x850]  }
0x614: {  	[tilespmem:s31+$0x0] =	vst.add.f32.msk $0xffff, v2  }
0x615: {  	s31 =	sor.u32 $0x840, s14;
	v2 =	vld [tilespmem:s6+$0x850]  }
0x616: {  	[tilespmem:s31+$0x0] =	vst.add.f32.msk $0xffff, v3  }
0x617: {  	s31 =	sor.u32 $0x850, s12;
	v3 =	vld [tilespmem:s17+$0x850]  }
0x618: {  	[tilespmem:s31+$0x0] =	vst.add.f32.msk $0xffff, v1  }
0x619: {  	s31 =	sor.u32 $0x850, s13;
	v1 =	vld [tilespmem:s2+$0x860]  }
0x61a: {  	[tilespmem:s31+$0x0] =	vst.add.f32.msk $0xffff, v2  }
0x61b: {  	s31 =	sor.u32 $0x850, s14;
	v2 =	vld [tilespmem:s6+$0x860]  }
0x61c: {  	[tilespmem:s31+$0x0] =	vst.add.f32.msk $0xffff, v3  }
0x61d: {  	s31 =	sor.u32 $0x860, s12;
	v3 =	vld [tilespmem:s17+$0x860]  }
0x61e: {  	[tilespmem:s31+$0x0] =	vst.add.f32.msk $0xffff, v1  }
0x61f: {  	s31 =	sor.u32 $0x860, s13;
	v1 =	vld [tilespmem:s2+$0x870]  }
0x620: {  	[tilespmem:s31+$0x0] =	vst.add.f32.msk $0xffff, v2  }
0x621: {  	s31 =	sor.u32 $0x860, s14;
	v2 =	vld [tilespmem:s6+$0x870]  }
0x622: {  	[tilespmem:s31+$0x0] =	vst.add.f32.msk $0xffff, v3  }
0x623: {  	s31 =	sor.u32 $0x870, s12;
	v3 =	vld [tilespmem:s17+$0x870]  }
0x624: {  	[tilespmem:s31+$0x0] =	vst.add.f32.msk $0xffff, v1  }
0x625: {  	s31 =	sor.u32 $0x870, s13;
	v1 =	vld [tilespmem:s2+$0xC00]  }
0x626: {  	[tilespmem:s31+$0x0] =	vst.add.f32.msk $0xffff, v2  }
0x627: {  	s31 =	sor.u32 $0x870, s14;
	v2 =	vld [tilespmem:s6+$0xC00]  }
0x628: {  	[tilespmem:s31+$0x0] =	vst.add.f32.msk $0xffff, v3  }
0x629: {  	s31 =	sor.u32 $0xC00, s12;
	v3 =	vld [tilespmem:s17+$0xC00]  }
0x62a: {  	[tilespmem:s31+$0x0] =	vst.add.f32.msk $0xffff, v1  }
0x62b: {  	s31 =	sor.u32 $0xC00, s13;
	v1 =	vld [tilespmem:s2+$0xC10]  }
0x62c: {  	[tilespmem:s31+$0x0] =	vst.add.f32.msk $0xffff, v2  }
0x62d: {  	s31 =	sor.u32 $0xC00, s14;
	v2 =	vld [tilespmem:s6+$0xC10]  }
0x62e: {  	[tilespmem:s31+$0x0] =	vst.add.f32.msk $0xffff, v3  }
0x62f: {  	s31 =	sor.u32 $0xC10, s12;
	v3 =	vld [tilespmem:s17+$0xC10]  }
0x630: {  	[tilespmem:s31+$0x0] =	vst.add.f32.msk $0xffff, v1  }
0x631: {  	s31 =	sor.u32 $0xC10, s13;
	v1 =	vld [tilespmem:s2+$0xC20]  }
0x632: {  	[tilespmem:s31+$0x0] =	vst.add.f32.msk $0xffff, v2  }
0x633: {  	s31 =	sor.u32 $0xC10, s14;
	v2 =	vld [tilespmem:s6+$0xC20]  }
0x634: {  	[tilespmem:s31+$0x0] =	vst.add.f32.msk $0xffff, v3  }
0x635: {  	s31 =	sor.u32 $0xC20, s12;
	v3 =	vld [tilespmem:s17+$0xC20]  }
0x636: {  	[tilespmem:s31+$0x0] =	vst.add.f32.msk $0xffff, v1  }
0x637: {  	s31 =	sor.u32 $0xC20, s13;
	v1 =	vld [tilespmem:s2+$0xC30]  }
0x638: {  	[tilespmem:s31+$0x0] =	vst.add.f32.msk $0xffff, v2  }
0x639: {  	s31 =	sor.u32 $0xC20, s14;
	v2 =	vld [tilespmem:s6+$0xC30]  }
0x63a: {  	[tilespmem:s31+$0x0] =	vst.add.f32.msk $0xffff, v3  }
0x63b: {  	s31 =	sor.u32 $0xC30, s12;
	v3 =	vld [tilespmem:s17+$0xC30]  }
0x63c: {  	[tilespmem:s31+$0x0] =	vst.add.f32.msk $0xffff, v1  }
0x63d: {  	s31 =	sor.u32 $0xC30, s13;
	v1 =	vld [tilespmem:s2+$0xC40]  }
0x63e: {  	[tilespmem:s31+$0x0] =	vst.add.f32.msk $0xffff, v2  }
0x63f: {  	s31 =	sor.u32 $0xC30, s14;
	v2 =	vld [tilespmem:s6+$0xC40]  }
0x640: {  	[tilespmem:s31+$0x0] =	vst.add.f32.msk $0xffff, v3  }
0x641: {  	s31 =	sor.u32 $0xC40, s12;
	v3 =	vld [tilespmem:s17+$0xC40]  }
0x642: {  	[tilespmem:s31+$0x0] =	vst.add.f32.msk $0xffff, v1  }
0x643: {  	s31 =	sor.u32 $0xC40, s13;
	v1 =	vld [tilespmem:s2+$0xC50]  }
0x644: {  	[tilespmem:s31+$0x0] =	vst.add.f32.msk $0xffff, v2  }
0x645: {  	s31 =	sor.u32 $0xC40, s14;
	v2 =	vld [tilespmem:s6+$0xC50]  }
0x646: {  	[tilespmem:s31+$0x0] =	vst.add.f32.msk $0xffff, v3  }
0x647: {  	s31 =	sor.u32 $0xC50, s12;
	v3 =	vld [tilespmem:s17+$0xC50]  }
0x648: {  	[tilespmem:s31+$0x0] =	vst.add.f32.msk $0xffff, v1  }
0x649: {  	s31 =	sor.u32 $0xC50, s13;
	v1 =	vld [tilespmem:s2+$0xC60]  }
0x64a: {  	[tilespmem:s31+$0x0] =	vst.add.f32.msk $0xffff, v2  }
0x64b: {  	s31 =	sor.u32 $0xC50, s14;
	v2 =	vld [tilespmem:s6+$0xC60]  }
0x64c: {  	[tilespmem:s31+$0x0] =	vst.add.f32.msk $0xffff, v3  }
0x64d: {  	s31 =	sor.u32 $0xC60, s12;
	v3 =	vld [tilespmem:s17+$0xC60]  }
0x64e: {  	[tilespmem:s31+$0x0] =	vst.add.f32.msk $0xffff, v1  }
0x64f: {  	s31 =	sor.u32 $0xC60, s13;
	v1 =	vld [tilespmem:s2+$0xC70]  }
0x650: {  	[tilespmem:s31+$0x0] =	vst.add.f32.msk $0xffff, v2  }
0x651: {  	s31 =	sor.u32 $0xC60, s14;
	v2 =	vld [tilespmem:s6+$0xC70]  }
0x652: {  	[tilespmem:s31+$0x0] =	vst.add.f32.msk $0xffff, v3  }
0x653: {  	s12 =	sor.u32 $0xC70, s12;
	v3 =	vld [tilespmem:s17+$0xC70]  }
0x654: {  	[tilespmem:s12+$0x0] =	vst.add.f32.msk $0xffff, v1  }
0x655: {  	s13 =	sor.u32 $0xC70, s13;
	v1 =	vld [tilespmem:s2+$0x1000]  }
0x656: {  	[tilespmem:s13+$0x0] =	vst.add.f32.msk $0xffff, v2  }
0x657: {  	s14 =	sor.u32 $0xC70, s14;
	v2 =	vld [tilespmem:s6+$0x1000]  }
0x658: {  	s12 =	sor.u32 s28, s11;
	[tilespmem:s14+$0x0] =	vst.add.f32.msk $0xffff, v3  }
0x659: {  	s15 =	sor.u32 $0x1000, s12;
	v3 =	vld [tilespmem:s17+$0x1000]  }
0x65a: {  	s13 =	sor.u32 s28, s9;
	[tilespmem:s15+$0x10000] =	vst.add.f32.msk $0xffff, v1  }
0x65b: {  	s31 =	sor.u32 $0x1000, s13;
	v1 =	vld [tilespmem:s2+$0x1010]  }
0x65c: {  	s28 =	sor.u32 s28, s30;
	[tilespmem:s31+$0x10000] =	vst.add.f32.msk $0xffff, v2  }
0x65d: {  	s15 =	sor.u32 $0x1000, s28;
	v2 =	vld [tilespmem:s6+$0x1010]  }
0x65e: {  	[tilespmem:s15+$0x10000] =	vst.add.f32.msk $0xffff, v3  }
0x65f: {  	s31 =	sor.u32 $0x1010, s12;
	v3 =	vld [tilespmem:s17+$0x1010]  }
0x660: {  	[tilespmem:s31+$0x10000] =	vst.add.f32.msk $0xffff, v1  }
0x661: {  	s15 =	sor.u32 $0x1010, s13;
	v1 =	vld [tilespmem:s2+$0x1020]  }
0x662: {  	[tilespmem:s15+$0x10000] =	vst.add.f32.msk $0xffff, v2  }
0x663: {  	s31 =	sor.u32 $0x1010, s28;
	v2 =	vld [tilespmem:s6+$0x1020]  }
0x664: {  	[tilespmem:s31+$0x10000] =	vst.add.f32.msk $0xffff, v3  }
0x665: {  	s15 =	sor.u32 $0x1020, s12;
	v3 =	vld [tilespmem:s17+$0x1020]  }
0x666: {  	[tilespmem:s15+$0x10000] =	vst.add.f32.msk $0xffff, v1  }
0x667: {  	s31 =	sor.u32 $0x1020, s13;
	v1 =	vld [tilespmem:s2+$0x1030]  }
0x668: {  	[tilespmem:s31+$0x10000] =	vst.add.f32.msk $0xffff, v2  }
0x669: {  	s15 =	sor.u32 $0x1020, s28;
	v2 =	vld [tilespmem:s6+$0x1030]  }
0x66a: {  	[tilespmem:s15+$0x10000] =	vst.add.f32.msk $0xffff, v3  }
0x66b: {  	s31 =	sor.u32 $0x1030, s12;
	v3 =	vld [tilespmem:s17+$0x1030]  }
0x66c: {  	[tilespmem:s31+$0x10000] =	vst.add.f32.msk $0xffff, v1  }
0x66d: {  	s15 =	sor.u32 $0x1030, s13;
	v1 =	vld [tilespmem:s2+$0x1040]  }
0x66e: {  	[tilespmem:s15+$0x10000] =	vst.add.f32.msk $0xffff, v2  }
0x66f: {  	s31 =	sor.u32 $0x1030, s28;
	v2 =	vld [tilespmem:s6+$0x1040]  }
0x670: {  	[tilespmem:s31+$0x10000] =	vst.add.f32.msk $0xffff, v3  }
0x671: {  	s15 =	sor.u32 $0x1040, s12;
	v3 =	vld [tilespmem:s17+$0x1040]  }
0x672: {  	[tilespmem:s15+$0x10000] =	vst.add.f32.msk $0xffff, v1  }
0x673: {  	s31 =	sor.u32 $0x1040, s13;
	v1 =	vld [tilespmem:s2+$0x1050]  }
0x674: {  	[tilespmem:s31+$0x10000] =	vst.add.f32.msk $0xffff, v2  }
0x675: {  	s15 =	sor.u32 $0x1040, s28;
	v2 =	vld [tilespmem:s6+$0x1050]  }
0x676: {  	[tilespmem:s15+$0x10000] =	vst.add.f32.msk $0xffff, v3  }
0x677: {  	s31 =	sor.u32 $0x1050, s12;
	v3 =	vld [tilespmem:s17+$0x1050]  }
0x678: {  	[tilespmem:s31+$0x10000] =	vst.add.f32.msk $0xffff, v1  }
0x679: {  	s15 =	sor.u32 $0x1050, s13;
	v1 =	vld [tilespmem:s2+$0x1060]  }
0x67a: {  	[tilespmem:s15+$0x10000] =	vst.add.f32.msk $0xffff, v2  }
0x67b: {  	s31 =	sor.u32 $0x1050, s28;
	v2 =	vld [tilespmem:s6+$0x1060]  }
0x67c: {  	[tilespmem:s31+$0x10000] =	vst.add.f32.msk $0xffff, v3  }
0x67d: {  	s15 =	sor.u32 $0x1060, s12;
	v3 =	vld [tilespmem:s17+$0x1060]  }
0x67e: {  	[tilespmem:s15+$0x10000] =	vst.add.f32.msk $0xffff, v1  }
0x67f: {  	s31 =	sor.u32 $0x1060, s13;
	v1 =	vld [tilespmem:s2+$0x1070]  }
0x680: {  	[tilespmem:s31+$0x10000] =	vst.add.f32.msk $0xffff, v2  }
0x681: {  	s15 =	sor.u32 $0x1060, s28;
	v2 =	vld [tilespmem:s6+$0x1070]  }
0x682: {  	[tilespmem:s15+$0x10000] =	vst.add.f32.msk $0xffff, v3  }
0x683: {  	s10 =	sor.u32 s11, s10;
	s31 =	sor.u32 $0x1070, s12;
	v3 =	vld [tilespmem:s17+$0x1070]  }
0x684: {  	s14 =	sor.u32 $0x1400, s10;
	[tilespmem:s31+$0x10000] =	vst.add.f32.msk $0xffff, v1  }
0x685: {  	s15 =	sor.u32 $0x1070, s13;
	v1 =	vld [tilespmem:s14+$0x0]  }
0x686: {  	[tilespmem:s15+$0x10000] =	vst.add.f32.msk $0xffff, v2  }
0x687: {  	s31 =	sor.u32 $0x1070, s28;
	v2 =	vld [tilespmem:s6+$0x1400]  }
0x688: {  	[tilespmem:s31+$0x10000] =	vst.add.f32.msk $0xffff, v3  }
0x689: {  	s14 =	sor.u32 $0x1400, s12;
	v3 =	vld [tilespmem:s17+$0x1400]  }
0x68a: {  	s15 =	sor.u32 $0x1410, s10;
	[tilespmem:s14+$0x10000] =	vst.add.f32.msk $0xffff, v1  }
0x68b: {  	s31 =	sor.u32 $0x1400, s13;
	v1 =	vld [tilespmem:s15+$0x0]  }
0x68c: {  	[tilespmem:s31+$0x10000] =	vst.add.f32.msk $0xffff, v2  }
0x68d: {  	s14 =	sor.u32 $0x1400, s28;
	v2 =	vld [tilespmem:s6+$0x1410]  }
0x68e: {  	[tilespmem:s14+$0x10000] =	vst.add.f32.msk $0xffff, v3  }
0x68f: {  	s15 =	sor.u32 $0x1410, s12;
	v3 =	vld [tilespmem:s17+$0x1410]  }
0x690: {  	s31 =	sor.u32 $0x1420, s10;
	[tilespmem:s15+$0x10000] =	vst.add.f32.msk $0xffff, v1  }
0x691: {  	s14 =	sor.u32 $0x1410, s13;
	v1 =	vld [tilespmem:s31+$0x0]  }
0x692: {  	[tilespmem:s14+$0x10000] =	vst.add.f32.msk $0xffff, v2  }
0x693: {  	s15 =	sor.u32 $0x1410, s28;
	v2 =	vld [tilespmem:s6+$0x1420]  }
0x694: {  	[tilespmem:s15+$0x10000] =	vst.add.f32.msk $0xffff, v3  }
0x695: {  	s31 =	sor.u32 $0x1420, s12;
	v3 =	vld [tilespmem:s17+$0x1420]  }
0x696: {  	s14 =	sor.u32 $0x1430, s10;
	[tilespmem:s31+$0x10000] =	vst.add.f32.msk $0xffff, v1  }
0x697: {  	s15 =	sor.u32 $0x1420, s13;
	v1 =	vld [tilespmem:s14+$0x0]  }
0x698: {  	[tilespmem:s15+$0x10000] =	vst.add.f32.msk $0xffff, v2  }
0x699: {  	s31 =	sor.u32 $0x1420, s28;
	v2 =	vld [tilespmem:s6+$0x1430]  }
0x69a: {  	[tilespmem:s31+$0x10000] =	vst.add.f32.msk $0xffff, v3  }
0x69b: {  	s14 =	sor.u32 $0x1430, s12;
	v3 =	vld [tilespmem:s17+$0x1430]  }
0x69c: {  	s15 =	sor.u32 $0x1440, s10;
	[tilespmem:s14+$0x10000] =	vst.add.f32.msk $0xffff, v1  }
0x69d: {  	s31 =	sor.u32 $0x1430, s13;
	v1 =	vld [tilespmem:s15+$0x0]  }
0x69e: {  	[tilespmem:s31+$0x10000] =	vst.add.f32.msk $0xffff, v2  }
0x69f: {  	s14 =	sor.u32 $0x1430, s28;
	v2 =	vld [tilespmem:s6+$0x1440]  }
0x6a0: {  	[tilespmem:s14+$0x10000] =	vst.add.f32.msk $0xffff, v3  }
0x6a1: {  	s15 =	sor.u32 $0x1440, s12;
	v3 =	vld [tilespmem:s17+$0x1440]  }
0x6a2: {  	s31 =	sor.u32 $0x1450, s10;
	[tilespmem:s15+$0x10000] =	vst.add.f32.msk $0xffff, v1  }
0x6a3: {  	s14 =	sor.u32 $0x1440, s13;
	v1 =	vld [tilespmem:s31+$0x0]  }
0x6a4: {  	[tilespmem:s14+$0x10000] =	vst.add.f32.msk $0xffff, v2  }
0x6a5: {  	s15 =	sor.u32 $0x1440, s28;
	v2 =	vld [tilespmem:s6+$0x1450]  }
0x6a6: {  	[tilespmem:s15+$0x10000] =	vst.add.f32.msk $0xffff, v3  }
0x6a7: {  	s31 =	sor.u32 $0x1450, s12;
	v3 =	vld [tilespmem:s17+$0x1450]  }
0x6a8: {  	s14 =	sor.u32 $0x1460, s10;
	[tilespmem:s31+$0x10000] =	vst.add.f32.msk $0xffff, v1  }
0x6a9: {  	s15 =	sor.u32 $0x1450, s13;
	v1 =	vld [tilespmem:s14+$0x0]  }
0x6aa: {  	[tilespmem:s15+$0x10000] =	vst.add.f32.msk $0xffff, v2  }
0x6ab: {  	s31 =	sor.u32 $0x1450, s28;
	v2 =	vld [tilespmem:s6+$0x1460]  }
0x6ac: {  	[tilespmem:s31+$0x10000] =	vst.add.f32.msk $0xffff, v3  }
0x6ad: {  	s14 =	sor.u32 $0x1460, s12;
	v3 =	vld [tilespmem:s17+$0x1460]  }
0x6ae: {  	s15 =	sor.u32 $0x1470, s10;
	[tilespmem:s14+$0x10000] =	vst.add.f32.msk $0xffff, v1  }
0x6af: {  	s31 =	sor.u32 $0x1460, s13;
	v1 =	vld [tilespmem:s15+$0x0]  }
0x6b0: {  	[tilespmem:s31+$0x10000] =	vst.add.f32.msk $0xffff, v2  }
0x6b1: {  	s14 =	sor.u32 $0x1460, s28;
	v2 =	vld [tilespmem:s6+$0x1470]  }
0x6b2: {  	[tilespmem:s14+$0x10000] =	vst.add.f32.msk $0xffff, v3  }
0x6b3: {  	s15 =	sor.u32 $0x1470, s12;
	v3 =	vld [tilespmem:s17+$0x1470]  }
0x6b4: {  	[tilespmem:s15+$0x10000] =	vst.add.f32.msk $0xffff, v1  }
0x6b5: {  	s6 =	sor.u32 s9, s18;
	s18 =	sor.u32 $0x1470, s13;
	v1 =	vld [tilespmem:s2+$0x1800]  }
0x6b6: {  	s31 =	sor.u32 $0x1800, s6;
	[tilespmem:s18+$0x10000] =	vst.add.f32.msk $0xffff, v2  }
0x6b7: {  	s11 =	sor.u32 $0x1470, s28;
	v2 =	vld [tilespmem:s31+$0x0]  }
0x6b8: {  	[tilespmem:s11+$0x10000] =	vst.add.f32.msk $0xffff, v3  }
0x6b9: {  	s14 =	sor.u32 $0x1800, s12;
	v3 =	vld [tilespmem:s17+$0x1800]  }
0x6ba: {  	[tilespmem:s14+$0x10000] =	vst.add.f32.msk $0xffff, v1  }
0x6bb: {  	s15 =	sor.u32 $0x1800, s13;
	v1 =	vld [tilespmem:s2+$0x1810]  }
0x6bc: {  	s18 =	sor.u32 $0x1810, s6;
	[tilespmem:s15+$0x10000] =	vst.add.f32.msk $0xffff, v2  }
0x6bd: {  	s31 =	sor.u32 $0x1800, s28;
	v2 =	vld [tilespmem:s18+$0x0]  }
0x6be: {  	[tilespmem:s31+$0x10000] =	vst.add.f32.msk $0xffff, v3  }
0x6bf: {  	s11 =	sor.u32 $0x1810, s12;
	v3 =	vld [tilespmem:s17+$0x1810]  }
0x6c0: {  	[tilespmem:s11+$0x10000] =	vst.add.f32.msk $0xffff, v1  }
0x6c1: {  	s14 =	sor.u32 $0x1810, s13;
	v1 =	vld [tilespmem:s2+$0x1820]  }
0x6c2: {  	s15 =	sor.u32 $0x1820, s6;
	[tilespmem:s14+$0x10000] =	vst.add.f32.msk $0xffff, v2  }
0x6c3: {  	s18 =	sor.u32 $0x1810, s28;
	v2 =	vld [tilespmem:s15+$0x0]  }
0x6c4: {  	[tilespmem:s18+$0x10000] =	vst.add.f32.msk $0xffff, v3  }
0x6c5: {  	s31 =	sor.u32 $0x1820, s12;
	v3 =	vld [tilespmem:s17+$0x1820]  }
0x6c6: {  	[tilespmem:s31+$0x10000] =	vst.add.f32.msk $0xffff, v1  }
0x6c7: {  	s11 =	sor.u32 $0x1820, s13;
	v1 =	vld [tilespmem:s2+$0x1830]  }
0x6c8: {  	s14 =	sor.u32 $0x1830, s6;
	[tilespmem:s11+$0x10000] =	vst.add.f32.msk $0xffff, v2  }
0x6c9: {  	s15 =	sor.u32 $0x1820, s28;
	v2 =	vld [tilespmem:s14+$0x0]  }
0x6ca: {  	[tilespmem:s15+$0x10000] =	vst.add.f32.msk $0xffff, v3  }
0x6cb: {  	s18 =	sor.u32 $0x1830, s12;
	v3 =	vld [tilespmem:s17+$0x1830]  }
0x6cc: {  	[tilespmem:s18+$0x10000] =	vst.add.f32.msk $0xffff, v1  }
0x6cd: {  	s31 =	sor.u32 $0x1830, s13;
	v1 =	vld [tilespmem:s2+$0x1840]  }
0x6ce: {  	s11 =	sor.u32 $0x1840, s6;
	[tilespmem:s31+$0x10000] =	vst.add.f32.msk $0xffff, v2  }
0x6cf: {  	s14 =	sor.u32 $0x1830, s28;
	v2 =	vld [tilespmem:s11+$0x0]  }
0x6d0: {  	[tilespmem:s14+$0x10000] =	vst.add.f32.msk $0xffff, v3  }
0x6d1: {  	s15 =	sor.u32 $0x1840, s12;
	v3 =	vld [tilespmem:s17+$0x1840]  }
0x6d2: {  	[tilespmem:s15+$0x10000] =	vst.add.f32.msk $0xffff, v1  }
0x6d3: {  	s18 =	sor.u32 $0x1840, s13;
	v1 =	vld [tilespmem:s2+$0x1850]  }
0x6d4: {  	s31 =	sor.u32 $0x1850, s6;
	[tilespmem:s18+$0x10000] =	vst.add.f32.msk $0xffff, v2  }
0x6d5: {  	s11 =	sor.u32 $0x1840, s28;
	v2 =	vld [tilespmem:s31+$0x0]  }
0x6d6: {  	[tilespmem:s11+$0x10000] =	vst.add.f32.msk $0xffff, v3  }
0x6d7: {  	s14 =	sor.u32 $0x1850, s12;
	v3 =	vld [tilespmem:s17+$0x1850]  }
0x6d8: {  	[tilespmem:s14+$0x10000] =	vst.add.f32.msk $0xffff, v1  }
0x6d9: {  	s15 =	sor.u32 $0x1850, s13;
	v1 =	vld [tilespmem:s2+$0x1860]  }
0x6da: {  	s18 =	sor.u32 $0x1860, s6;
	[tilespmem:s15+$0x10000] =	vst.add.f32.msk $0xffff, v2  }
0x6db: {  	s31 =	sor.u32 $0x1850, s28;
	v2 =	vld [tilespmem:s18+$0x0]  }
0x6dc: {  	[tilespmem:s31+$0x10000] =	vst.add.f32.msk $0xffff, v3  }
0x6dd: {  	s11 =	sor.u32 $0x1860, s12;
	v3 =	vld [tilespmem:s17+$0x1860]  }
0x6de: {  	[tilespmem:s11+$0x10000] =	vst.add.f32.msk $0xffff, v1  }
0x6df: {  	s14 =	sor.u32 $0x1860, s13;
	v1 =	vld [tilespmem:s2+$0x1870]  }
0x6e0: {  	s15 =	sor.u32 $0x1870, s6;
	[tilespmem:s14+$0x10000] =	vst.add.f32.msk $0xffff, v2  }
0x6e1: {  	s18 =	sor.u32 $0x1860, s28;
	v2 =	vld [tilespmem:s15+$0x0]  }
0x6e2: {  	[tilespmem:s18+$0x10000] =	vst.add.f32.msk $0xffff, v3  }
0x6e3: {  	s31 =	sor.u32 $0x1870, s12;
	v3 =	vld [tilespmem:s17+$0x1870]  }
0x6e4: {  	s9 =	sor.u32 $0x1C00, s10;
	[tilespmem:s31+$0x10000] =	vst.add.f32.msk $0xffff, v1  }
0x6e5: {  	s11 =	sor.u32 $0x1870, s13;
	v1 =	vld [tilespmem:s9+$0x0]  }
0x6e6: {  	s14 =	sor.u32 $0x1C00, s6;
	[tilespmem:s11+$0x10000] =	vst.add.f32.msk $0xffff, v2  }
0x6e7: {  	s2 =	sor.u32 s30, s29;
	s15 =	sor.u32 $0x1870, s28;
	v2 =	vld [tilespmem:s14+$0x0]  }
0x6e8: {  	s17 =	sor.u32 $0x1C00, s2;
	[tilespmem:s15+$0x10000] =	vst.add.f32.msk $0xffff, v3  }
0x6e9: {  	s18 =	sor.u32 $0x1C00, s12;
	v3 =	vld [tilespmem:s17+$0x0]  }
0x6ea: {  	s29 =	sor.u32 $0x1C10, s10;
	[tilespmem:s18+$0x10000] =	vst.add.f32.msk $0xffff, v1  }
0x6eb: {  	s30 =	sor.u32 $0x1C00, s13;
	v1 =	vld [tilespmem:s29+$0x0]  }
0x6ec: {  	s31 =	sor.u32 $0x1C10, s6;
	[tilespmem:s30+$0x10000] =	vst.add.f32.msk $0xffff, v2  }
0x6ed: {  	s11 =	sor.u32 $0x1C00, s28;
	v2 =	vld [tilespmem:s31+$0x0]  }
0x6ee: {  	s14 =	sor.u32 $0x1C10, s2;
	[tilespmem:s11+$0x10000] =	vst.add.f32.msk $0xffff, v3  }
0x6ef: {  	s15 =	sor.u32 $0x1C10, s12;
	v3 =	vld [tilespmem:s14+$0x0]  }
0x6f0: {  	s17 =	sor.u32 $0x1C20, s10;
	[tilespmem:s15+$0x10000] =	vst.add.f32.msk $0xffff, v1  }
0x6f1: {  	s18 =	sor.u32 $0x1C10, s13;
	v1 =	vld [tilespmem:s17+$0x0]  }
0x6f2: {  	s29 =	sor.u32 $0x1C20, s6;
	[tilespmem:s18+$0x10000] =	vst.add.f32.msk $0xffff, v2  }
0x6f3: {  	s30 =	sor.u32 $0x1C10, s28;
	v2 =	vld [tilespmem:s29+$0x0]  }
0x6f4: {  	s31 =	sor.u32 $0x1C20, s2;
	[tilespmem:s30+$0x10000] =	vst.add.f32.msk $0xffff, v3  }
0x6f5: {  	s11 =	sor.u32 $0x1C20, s12;
	v3 =	vld [tilespmem:s31+$0x0]  }
0x6f6: {  	s14 =	sor.u32 $0x1C30, s10;
	[tilespmem:s11+$0x10000] =	vst.add.f32.msk $0xffff, v1  }
0x6f7: {  	s15 =	sor.u32 $0x1C20, s13;
	v1 =	vld [tilespmem:s14+$0x0]  }
0x6f8: {  	s17 =	sor.u32 $0x1C30, s6;
	[tilespmem:s15+$0x10000] =	vst.add.f32.msk $0xffff, v2  }
0x6f9: {  	s18 =	sor.u32 $0x1C20, s28;
	v2 =	vld [tilespmem:s17+$0x0]  }
0x6fa: {  	s29 =	sor.u32 $0x1C30, s2;
	[tilespmem:s18+$0x10000] =	vst.add.f32.msk $0xffff, v3  }
0x6fb: {  	s30 =	sor.u32 $0x1C30, s12;
	v3 =	vld [tilespmem:s29+$0x0]  }
0x6fc: {  	s31 =	sor.u32 $0x1C40, s10;
	[tilespmem:s30+$0x10000] =	vst.add.f32.msk $0xffff, v1  }
0x6fd: {  	s11 =	sor.u32 $0x1C30, s13;
	v1 =	vld [tilespmem:s31+$0x0]  }
0x6fe: {  	s14 =	sor.u32 $0x1C40, s6;
	[tilespmem:s11+$0x10000] =	vst.add.f32.msk $0xffff, v2  }
0x6ff: {  	s15 =	sor.u32 $0x1C30, s28;
	v2 =	vld [tilespmem:s14+$0x0]  }
0x700: {  	s17 =	sor.u32 $0x1C40, s2;
	[tilespmem:s15+$0x10000] =	vst.add.f32.msk $0xffff, v3  }
0x701: {  	s18 =	sor.u32 $0x1C40, s12;
	v3 =	vld [tilespmem:s17+$0x0]  }
0x702: {  	s29 =	sor.u32 $0x1C50, s10;
	[tilespmem:s18+$0x10000] =	vst.add.f32.msk $0xffff, v1  }
0x703: {  	s30 =	sor.u32 $0x1C40, s13;
	v1 =	vld [tilespmem:s29+$0x0]  }
0x704: {  	s31 =	sor.u32 $0x1C50, s6;
	[tilespmem:s30+$0x10000] =	vst.add.f32.msk $0xffff, v2  }
0x705: {  	s11 =	sor.u32 $0x1C40, s28;
	v2 =	vld [tilespmem:s31+$0x0]  }
0x706: {  	s14 =	sor.u32 $0x1C50, s2;
	[tilespmem:s11+$0x10000] =	vst.add.f32.msk $0xffff, v3  }
0x707: {  	s15 =	sor.u32 $0x1C50, s12;
	v3 =	vld [tilespmem:s14+$0x0]  }
0x708: {  	s17 =	sor.u32 $0x1C60, s10;
	[tilespmem:s15+$0x10000] =	vst.add.f32.msk $0xffff, v1  }
0x709: {  	s18 =	sor.u32 $0x1C50, s13;
	v1 =	vld [tilespmem:s17+$0x0]  }
0x70a: {  	s29 =	sor.u32 $0x1C60, s6;
	[tilespmem:s18+$0x10000] =	vst.add.f32.msk $0xffff, v2  }
0x70b: {  	s30 =	sor.u32 $0x1C50, s28;
	v2 =	vld [tilespmem:s29+$0x0]  }
0x70c: {  	s31 =	sor.u32 $0x1C60, s2;
	[tilespmem:s30+$0x10000] =	vst.add.f32.msk $0xffff, v3  }
0x70d: {  	s11 =	sor.u32 $0x1C60, s12;
	v3 =	vld [tilespmem:s31+$0x0]  }
0x70e: {  	s14 =	sor.u32 $0x1C70, s10;
	[tilespmem:s11+$0x10000] =	vst.add.f32.msk $0xffff, v1  }
0x70f: {  	s15 =	sor.u32 $0x1C60, s13;
	v1 =	vld [tilespmem:s14+$0x0]  }
0x710: {  	s6 =	sor.u32 $0x1C70, s6;
	[tilespmem:s15+$0x10000] =	vst.add.f32.msk $0xffff, v2  }
0x711: {  	s17 =	sor.u32 $0x1C60, s28;
	v2 =	vld [tilespmem:s6+$0x0]  }
0x712: {  	s2 =	sor.u32 $0x1C70, s2;
	[tilespmem:s17+$0x10000] =	vst.add.f32.msk $0xffff, v3  }
0x713: {  	p1 =	slt.u32 s7, $0xC;
	v3 =	vld [tilespmem:s2+$0x0]  }
.Ltmp2:
0x714: {  	s18 =	sor.u32 $0x1C70, s26;
	(pc) =	sbr.rel @p1 .LBB2_7-.Ltmp2, $4  }
0x715: {  	s26 =	sor.u32 $0x1C70, s12;
	[tilespmem:s18+$0x10000] =	vst.add.f32.msk $0xffff, v0  }
0x716: {  	s29 =	sor.u32 $0x1C70, s13;
	[tilespmem:s26+$0x10000] =	vst.add.f32.msk $0xffff, v1  }
0x717: {  	s30 =	sor.u32 $0x1C70, s28;
	s31 =	sadd.s32 $0x4, s7;
	[tilespmem:s29+$0x10000] =	vst.add.f32.msk $0xffff, v2  }
0x718: {  	s7 =	smov.u32 s31;
	[tilespmem:s30+$0x10000] =	vst.add.f32.msk $0xffff, v3  }
0x719: {  	s2 =	rddreg [dreg:$0xa]  }
0x71a: {  	s30 =	simm.s32 $0x10000;
	s2 =	sadd.s32 s8, s2  }
0x71b: {  	[hbm4b:s2+s3] =	stream.linear.scatter [tilespmem:s30], [sflag:$0x8], $0x4000, $0x38;
	[tilespmem:$0x18000] =	vst v63  }
0x71c: {  	_ =	swait.ge [sflag:s25], $0x4000  }
0x71d: {  	[sflag:s25] =	ssyncset.done $0x0  }
0x71e: {  	s2 =	simm.s32 @!p0 $0x7;
	[sflag:s25] =	ssyncadd.s32 $0xFFFFC000  }
0x71f: {  	_ =	swait.ge @!p0 [sflag:s2], $0x4000  }
0x720: {  	s6 =	rddreg [dreg:$0xb]  }
0x721: {  	[sflag:s2] =	ssyncset.done @!p0 $0x0;
	s6 =	sadd.s32 @!p0 s16, s6  }
0x722: {  	[sflag:s2] =	ssyncadd.s32 @!p0 $0xFFFFC000;
	s2 =	sshll.u32 @!p0 s6, $0x7  }
0x723: {  	s7 =	simm.s32 @!p0 $0xC000;
	s6 =	simm.s32 @!p0 $0x0;
	s2 =	sadd.s32 @!p0 s2, s21  }
0x724: {  	[tilespmem:s7], [sflag:$0x3] =	stream.linear.gather @!p0 [hbm4b:s2+s6], $0x4000, $0x38;
	[tilespmem:$0x18000] =	vst v63  }
0x725: {  	s7 =	simm.s32 $0x0  }
.LBB2_9:
0x726: {  	s2 =	sor.u32 s1, s7  }
0x727: {  	s26 =	sshll.u32 s7, $0x7;
	s6 =	sshll.u32 s2, $0xA  }
0x728: {  	s2 =	sand.u32 $0x200, s26;
	s9 =	sand.u32 $0x6000, s6  }
0x729: {  	s9 =	sor.u32 s2, s9  }
0x72a: {  	v0 =	vld [tilespmem:s9+$0x0]  }
0x72b: {  	s26 =	sshll.u32 s7, $0xA  }
0x72c: {  	s10 =	sand.u32 $0x2000, s26  }
0x72d: {  	s14 =	sor.u32 $0x14000, s10  }
0x72e: {  	s10 =	sor.u32 s2, s14  }
0x72f: {  	[tilespmem:s10+$0x0] =	vst.add.f32.msk $0xffff, v0  }
0x730: {  	v0 =	vld [tilespmem:s9+$0x10];
	_ =	sdelay $0x3  }
0x731: {  	s11 =	sor.u32 $0x10, s10  }
0x732: {  	[tilespmem:s11+$0x0] =	vst.add.f32.msk $0xffff, v0  }
0x733: {  	v0 =	vld [tilespmem:s9+$0x20];
	_ =	sdelay $0x3  }
0x734: {  	s28 =	sor.u32 $0x20, s10  }
0x735: {  	[tilespmem:s28+$0x0] =	vst.add.f32.msk $0xffff, v0  }
0x736: {  	v0 =	vld [tilespmem:s9+$0x30];
	_ =	sdelay $0x3  }
0x737: {  	s29 =	sor.u32 $0x30, s10  }
0x738: {  	[tilespmem:s29+$0x0] =	vst.add.f32.msk $0xffff, v0  }
0x739: {  	v0 =	vld [tilespmem:s9+$0x40];
	_ =	sdelay $0x3  }
0x73a: {  	s31 =	sor.u32 $0x40, s10  }
0x73b: {  	[tilespmem:s31+$0x0] =	vst.add.f32.msk $0xffff, v0  }
0x73c: {  	v0 =	vld [tilespmem:s9+$0x50];
	_ =	sdelay $0x3  }
0x73d: {  	s12 =	sor.u32 $0x50, s10  }
0x73e: {  	[tilespmem:s12+$0x0] =	vst.add.f32.msk $0xffff, v0  }
0x73f: {  	v0 =	vld [tilespmem:s9+$0x60];
	_ =	sdelay $0x3  }
0x740: {  	s13 =	sor.u32 $0x60, s10  }
0x741: {  	[tilespmem:s13+$0x0] =	vst.add.f32.msk $0xffff, v0  }
0x742: {  	v0 =	vld [tilespmem:s9+$0x70];
	_ =	sdelay $0x3  }
0x743: {  	s15 =	sor.u32 $0x70, s10  }
0x744: {  	[tilespmem:s15+$0x0] =	vst.add.f32.msk $0xffff, v0  }
0x745: {  	v0 =	vld [tilespmem:s9+$0x400];
	_ =	sdelay $0x3  }
0x746: {  	s16 =	sor.u32 $0x400, s10  }
0x747: {  	[tilespmem:s16+$0x0] =	vst.add.f32.msk $0xffff, v0  }
0x748: {  	v0 =	vld [tilespmem:s9+$0x410];
	_ =	sdelay $0x3  }
0x749: {  	s17 =	sor.u32 $0x410, s10  }
0x74a: {  	[tilespmem:s17+$0x0] =	vst.add.f32.msk $0xffff, v0  }
0x74b: {  	v0 =	vld [tilespmem:s9+$0x420];
	_ =	sdelay $0x3  }
0x74c: {  	s18 =	sor.u32 $0x420, s10  }
0x74d: {  	[tilespmem:s18+$0x0] =	vst.add.f32.msk $0xffff, v0  }
0x74e: {  	v0 =	vld [tilespmem:s9+$0x430];
	_ =	sdelay $0x3  }
0x74f: {  	s28 =	sor.u32 $0x430, s10  }
0x750: {  	[tilespmem:s28+$0x0] =	vst.add.f32.msk $0xffff, v0  }
0x751: {  	v0 =	vld [tilespmem:s9+$0x440];
	_ =	sdelay $0x3  }
0x752: {  	s29 =	sor.u32 $0x440, s10  }
0x753: {  	[tilespmem:s29+$0x0] =	vst.add.f32.msk $0xffff, v0  }
0x754: {  	v0 =	vld [tilespmem:s9+$0x450];
	_ =	sdelay $0x3  }
0x755: {  	s31 =	sor.u32 $0x450, s10  }
0x756: {  	[tilespmem:s31+$0x0] =	vst.add.f32.msk $0xffff, v0  }
0x757: {  	v0 =	vld [tilespmem:s9+$0x460];
	_ =	sdelay $0x3  }
0x758: {  	s12 =	sor.u32 $0x460, s10  }
0x759: {  	[tilespmem:s12+$0x0] =	vst.add.f32.msk $0xffff, v0  }
0x75a: {  	v0 =	vld [tilespmem:s9+$0x470];
	_ =	sdelay $0x3  }
0x75b: {  	s13 =	sor.u32 $0x470, s10  }
0x75c: {  	[tilespmem:s13+$0x0] =	vst.add.f32.msk $0xffff, v0  }
0x75d: {  	v0 =	vld [tilespmem:s9+$0x800];
	_ =	sdelay $0x3  }
0x75e: {  	s15 =	sor.u32 $0x800, s10  }
0x75f: {  	[tilespmem:s15+$0x0] =	vst.add.f32.msk $0xffff, v0  }
0x760: {  	v0 =	vld [tilespmem:s9+$0x810];
	_ =	sdelay $0x3  }
0x761: {  	s16 =	sor.u32 $0x810, s10  }
0x762: {  	[tilespmem:s16+$0x0] =	vst.add.f32.msk $0xffff, v0  }
0x763: {  	v0 =	vld [tilespmem:s9+$0x820];
	_ =	sdelay $0x3  }
0x764: {  	s17 =	sor.u32 $0x820, s10  }
0x765: {  	[tilespmem:s17+$0x0] =	vst.add.f32.msk $0xffff, v0  }
0x766: {  	v0 =	vld [tilespmem:s9+$0x830];
	_ =	sdelay $0x3  }
0x767: {  	s18 =	sor.u32 $0x830, s10  }
0x768: {  	[tilespmem:s18+$0x0] =	vst.add.f32.msk $0xffff, v0  }
0x769: {  	v0 =	vld [tilespmem:s9+$0x840];
	_ =	sdelay $0x3  }
0x76a: {  	s28 =	sor.u32 $0x840, s10  }
0x76b: {  	[tilespmem:s28+$0x0] =	vst.add.f32.msk $0xffff, v0  }
0x76c: {  	v0 =	vld [tilespmem:s9+$0x850];
	_ =	sdelay $0x3  }
0x76d: {  	s29 =	sor.u32 $0x850, s10  }
0x76e: {  	[tilespmem:s29+$0x0] =	vst.add.f32.msk $0xffff, v0  }
0x76f: {  	v0 =	vld [tilespmem:s9+$0x860];
	_ =	sdelay $0x3  }
0x770: {  	s31 =	sor.u32 $0x860, s10  }
0x771: {  	[tilespmem:s31+$0x0] =	vst.add.f32.msk $0xffff, v0  }
0x772: {  	v0 =	vld [tilespmem:s9+$0x870];
	_ =	sdelay $0x3  }
0x773: {  	s12 =	sor.u32 $0x870, s10  }
0x774: {  	[tilespmem:s12+$0x0] =	vst.add.f32.msk $0xffff, v0  }
0x775: {  	v0 =	vld [tilespmem:s9+$0xC00];
	_ =	sdelay $0x3  }
0x776: {  	s13 =	sor.u32 $0xC00, s10  }
0x777: {  	[tilespmem:s13+$0x0] =	vst.add.f32.msk $0xffff, v0  }
0x778: {  	v0 =	vld [tilespmem:s9+$0xC10];
	_ =	sdelay $0x3  }
0x779: {  	s15 =	sor.u32 $0xC10, s10  }
0x77a: {  	[tilespmem:s15+$0x0] =	vst.add.f32.msk $0xffff, v0  }
0x77b: {  	v0 =	vld [tilespmem:s9+$0xC20];
	_ =	sdelay $0x3  }
0x77c: {  	s16 =	sor.u32 $0xC20, s10  }
0x77d: {  	[tilespmem:s16+$0x0] =	vst.add.f32.msk $0xffff, v0  }
0x77e: {  	v0 =	vld [tilespmem:s9+$0xC30];
	_ =	sdelay $0x3  }
0x77f: {  	s17 =	sor.u32 $0xC30, s10  }
0x780: {  	[tilespmem:s17+$0x0] =	vst.add.f32.msk $0xffff, v0  }
0x781: {  	v0 =	vld [tilespmem:s9+$0xC40];
	_ =	sdelay $0x3  }
0x782: {  	s18 =	sor.u32 $0xC40, s10  }
0x783: {  	[tilespmem:s18+$0x0] =	vst.add.f32.msk $0xffff, v0  }
0x784: {  	v0 =	vld [tilespmem:s9+$0xC50];
	_ =	sdelay $0x3  }
0x785: {  	s28 =	sor.u32 $0xC50, s10  }
0x786: {  	[tilespmem:s28+$0x0] =	vst.add.f32.msk $0xffff, v0  }
0x787: {  	v0 =	vld [tilespmem:s9+$0xC60];
	_ =	sdelay $0x3  }
0x788: {  	s29 =	sor.u32 $0xC60, s10  }
0x789: {  	[tilespmem:s29+$0x0] =	vst.add.f32.msk $0xffff, v0  }
0x78a: {  	v0 =	vld [tilespmem:s9+$0xC70];
	_ =	sdelay $0x3  }
0x78b: {  	s31 =	sor.u32 $0xC70, s10;
	s12 =	sor.u32 s2, s6  }
0x78c: {  	s6 =	sor.u32 $0x1000, s12;
	[tilespmem:s31+$0x0] =	vst.add.f32.msk $0xffff, v0  }
0x78d: {  	v0 =	vld [tilespmem:s6+$0x0];
	_ =	sdelay $0x2  }
0x78e: {  	s16 =	sor.u32 s26, s2  }
0x78f: {  	s2 =	sor.u32 $0x1000, s16  }
0x790: {  	s9 =	sor.u32 $0x1010, s12;
	[tilespmem:s2+$0x14000] =	vst.add.f32.msk $0xffff, v0  }
0x791: {  	v0 =	vld [tilespmem:s9+$0x0];
	_ =	sdelay $0x3  }
0x792: {  	s10 =	sor.u32 $0x1010, s16  }
0x793: {  	s11 =	sor.u32 $0x1020, s12;
	[tilespmem:s10+$0x14000] =	vst.add.f32.msk $0xffff, v0  }
0x794: {  	v0 =	vld [tilespmem:s11+$0x0];
	_ =	sdelay $0x3  }
0x795: {  	s13 =	sor.u32 $0x1020, s16  }
0x796: {  	s15 =	sor.u32 $0x1030, s12;
	[tilespmem:s13+$0x14000] =	vst.add.f32.msk $0xffff, v0  }
0x797: {  	v0 =	vld [tilespmem:s15+$0x0];
	_ =	sdelay $0x3  }
0x798: {  	s17 =	sor.u32 $0x1030, s16  }
0x799: {  	s18 =	sor.u32 $0x1040, s12;
	[tilespmem:s17+$0x14000] =	vst.add.f32.msk $0xffff, v0  }
0x79a: {  	v0 =	vld [tilespmem:s18+$0x0];
	_ =	sdelay $0x3  }
0x79b: {  	s28 =	sor.u32 $0x1040, s16  }
0x79c: {  	s29 =	sor.u32 $0x1050, s12;
	[tilespmem:s28+$0x14000] =	vst.add.f32.msk $0xffff, v0  }
0x79d: {  	v0 =	vld [tilespmem:s29+$0x0];
	_ =	sdelay $0x3  }
0x79e: {  	s31 =	sor.u32 $0x1050, s16  }
0x79f: {  	s6 =	sor.u32 $0x1060, s12;
	[tilespmem:s31+$0x14000] =	vst.add.f32.msk $0xffff, v0  }
0x7a0: {  	v0 =	vld [tilespmem:s6+$0x0];
	_ =	sdelay $0x3  }
0x7a1: {  	s9 =	sor.u32 $0x1060, s16  }
0x7a2: {  	s10 =	sor.u32 $0x1070, s12;
	[tilespmem:s9+$0x14000] =	vst.add.f32.msk $0xffff, v0  }
0x7a3: {  	v0 =	vld [tilespmem:s10+$0x0];
	_ =	sdelay $0x3  }
0x7a4: {  	s11 =	sor.u32 $0x1070, s16  }
0x7a5: {  	s13 =	sor.u32 $0x1400, s12;
	[tilespmem:s11+$0x14000] =	vst.add.f32.msk $0xffff, v0  }
0x7a6: {  	v0 =	vld [tilespmem:s13+$0x0];
	_ =	sdelay $0x3  }
0x7a7: {  	s15 =	sor.u32 $0x1400, s16  }
0x7a8: {  	s17 =	sor.u32 $0x1410, s12;
	[tilespmem:s15+$0x14000] =	vst.add.f32.msk $0xffff, v0  }
0x7a9: {  	v0 =	vld [tilespmem:s17+$0x0];
	_ =	sdelay $0x3  }
0x7aa: {  	s18 =	sor.u32 $0x1410, s16  }
0x7ab: {  	s28 =	sor.u32 $0x1420, s12;
	[tilespmem:s18+$0x14000] =	vst.add.f32.msk $0xffff, v0  }
0x7ac: {  	v0 =	vld [tilespmem:s28+$0x0];
	_ =	sdelay $0x3  }
0x7ad: {  	s29 =	sor.u32 $0x1420, s16  }
0x7ae: {  	s31 =	sor.u32 $0x1430, s12;
	[tilespmem:s29+$0x14000] =	vst.add.f32.msk $0xffff, v0  }
0x7af: {  	v0 =	vld [tilespmem:s31+$0x0];
	_ =	sdelay $0x3  }
0x7b0: {  	s6 =	sor.u32 $0x1430, s16  }
0x7b1: {  	s9 =	sor.u32 $0x1440, s12;
	[tilespmem:s6+$0x14000] =	vst.add.f32.msk $0xffff, v0  }
0x7b2: {  	v0 =	vld [tilespmem:s9+$0x0];
	_ =	sdelay $0x3  }
0x7b3: {  	s10 =	sor.u32 $0x1440, s16  }
0x7b4: {  	s11 =	sor.u32 $0x1450, s12;
	[tilespmem:s10+$0x14000] =	vst.add.f32.msk $0xffff, v0  }
0x7b5: {  	v0 =	vld [tilespmem:s11+$0x0];
	_ =	sdelay $0x3  }
0x7b6: {  	s13 =	sor.u32 $0x1450, s16  }
0x7b7: {  	s15 =	sor.u32 $0x1460, s12;
	[tilespmem:s13+$0x14000] =	vst.add.f32.msk $0xffff, v0  }
0x7b8: {  	v0 =	vld [tilespmem:s15+$0x0];
	_ =	sdelay $0x3  }
0x7b9: {  	s17 =	sor.u32 $0x1460, s16  }
0x7ba: {  	s18 =	sor.u32 $0x1470, s12;
	[tilespmem:s17+$0x14000] =	vst.add.f32.msk $0xffff, v0  }
0x7bb: {  	v0 =	vld [tilespmem:s18+$0x0];
	_ =	sdelay $0x3  }
0x7bc: {  	s28 =	sor.u32 $0x1470, s16  }
0x7bd: {  	s29 =	sor.u32 $0x1800, s12;
	[tilespmem:s28+$0x14000] =	vst.add.f32.msk $0xffff, v0  }
0x7be: {  	v0 =	vld [tilespmem:s29+$0x0];
	_ =	sdelay $0x3  }
0x7bf: {  	s31 =	sor.u32 $0x1800, s16  }
0x7c0: {  	s6 =	sor.u32 $0x1810, s12;
	[tilespmem:s31+$0x14000] =	vst.add.f32.msk $0xffff, v0  }
0x7c1: {  	v0 =	vld [tilespmem:s6+$0x0];
	_ =	sdelay $0x3  }
0x7c2: {  	s9 =	sor.u32 $0x1810, s16  }
0x7c3: {  	s10 =	sor.u32 $0x1820, s12;
	[tilespmem:s9+$0x14000] =	vst.add.f32.msk $0xffff, v0  }
0x7c4: {  	v0 =	vld [tilespmem:s10+$0x0];
	_ =	sdelay $0x3  }
0x7c5: {  	s11 =	sor.u32 $0x1820, s16  }
0x7c6: {  	s13 =	sor.u32 $0x1830, s12;
	[tilespmem:s11+$0x14000] =	vst.add.f32.msk $0xffff, v0  }
0x7c7: {  	v0 =	vld [tilespmem:s13+$0x0];
	_ =	sdelay $0x3  }
0x7c8: {  	s15 =	sor.u32 $0x1830, s16  }
0x7c9: {  	s17 =	sor.u32 $0x1840, s12;
	[tilespmem:s15+$0x14000] =	vst.add.f32.msk $0xffff, v0  }
0x7ca: {  	v0 =	vld [tilespmem:s17+$0x0];
	_ =	sdelay $0x3  }
0x7cb: {  	s18 =	sor.u32 $0x1840, s16  }
0x7cc: {  	s28 =	sor.u32 $0x1850, s12;
	[tilespmem:s18+$0x14000] =	vst.add.f32.msk $0xffff, v0  }
0x7cd: {  	v0 =	vld [tilespmem:s28+$0x0];
	_ =	sdelay $0x3  }
0x7ce: {  	s29 =	sor.u32 $0x1850, s16  }
0x7cf: {  	s31 =	sor.u32 $0x1860, s12;
	[tilespmem:s29+$0x14000] =	vst.add.f32.msk $0xffff, v0  }
0x7d0: {  	v0 =	vld [tilespmem:s31+$0x0];
	_ =	sdelay $0x3  }
0x7d1: {  	s6 =	sor.u32 $0x1860, s16  }
0x7d2: {  	s9 =	sor.u32 $0x1870, s12;
	[tilespmem:s6+$0x14000] =	vst.add.f32.msk $0xffff, v0  }
0x7d3: {  	v0 =	vld [tilespmem:s9+$0x0];
	_ =	sdelay $0x3  }
0x7d4: {  	s10 =	sor.u32 $0x1870, s16  }
0x7d5: {  	s11 =	sor.u32 $0x1C00, s12;
	[tilespmem:s10+$0x14000] =	vst.add.f32.msk $0xffff, v0  }
0x7d6: {  	v0 =	vld [tilespmem:s11+$0x0];
	_ =	sdelay $0x3  }
0x7d7: {  	s13 =	sor.u32 $0x1C00, s16  }
0x7d8: {  	s15 =	sor.u32 $0x1C10, s12;
	[tilespmem:s13+$0x14000] =	vst.add.f32.msk $0xffff, v0  }
0x7d9: {  	v0 =	vld [tilespmem:s15+$0x0];
	_ =	sdelay $0x3  }
0x7da: {  	s17 =	sor.u32 $0x1C10, s16  }
0x7db: {  	s18 =	sor.u32 $0x1C20, s12;
	[tilespmem:s17+$0x14000] =	vst.add.f32.msk $0xffff, v0  }
0x7dc: {  	v0 =	vld [tilespmem:s18+$0x0];
	_ =	sdelay $0x3  }
0x7dd: {  	s28 =	sor.u32 $0x1C20, s16  }
0x7de: {  	s29 =	sor.u32 $0x1C30, s12;
	[tilespmem:s28+$0x14000] =	vst.add.f32.msk $0xffff, v0  }
0x7df: {  	v0 =	vld [tilespmem:s29+$0x0];
	_ =	sdelay $0x3  }
0x7e0: {  	s31 =	sor.u32 $0x1C30, s16  }
0x7e1: {  	s6 =	sor.u32 $0x1C40, s12;
	[tilespmem:s31+$0x14000] =	vst.add.f32.msk $0xffff, v0  }
0x7e2: {  	v0 =	vld [tilespmem:s6+$0x0];
	_ =	sdelay $0x3  }
0x7e3: {  	s9 =	sor.u32 $0x1C40, s16  }
0x7e4: {  	s10 =	sor.u32 $0x1C50, s12;
	[tilespmem:s9+$0x14000] =	vst.add.f32.msk $0xffff, v0  }
0x7e5: {  	v0 =	vld [tilespmem:s10+$0x0];
	_ =	sdelay $0x2  }
0x7e6: {  	s11 =	sor.u32 $0x1C50, s16;
	s13 =	sor.u32 $0x1, s7  }
0x7e7: {  	s15 =	sor.u32 $0x1C60, s12;
	s17 =	sor.u32 s1, s13;
	s29 =	sor.u32 $0x2, s7  }
0x7e8: {  	s18 =	sshll.u32 s13, $0x7;
	s9 =	sshll.u32 s29, $0x7;
	s10 =	sshll.u32 s17, $0xA;
	[tilespmem:s11+$0x14000] =	vst.add.f32.msk $0xffff, v0  }
0x7e9: {  	s31 =	sor.u32 s1, s29;
	s9 =	sand.u32 $0x300, s9;
	s28 =	sand.u32 $0x6000, s10;
	v0 =	vld [tilespmem:s15+$0x0]  }
0x7ea: {  	s11 =	sand.u32 $0x280, s18;
	s18 =	sshll.u32 s31, $0xA;
	s15 =	sor.u32 $0x3, s7  }
0x7eb: {  	s2 =	sor.u32 s11, s28;
	s17 =	sand.u32 $0x6000, s18;
	s28 =	sor.u32 s1, s15  }
0x7ec: {  	v1 =	vld [tilespmem:s2+$0x0];
	s6 =	sor.u32 s9, s17;
	s15 =	sshll.u32 s15, $0x7;
	s28 =	sshll.u32 s28, $0xA  }
0x7ed: {  	s13 =	sor.u32 $0x1C60, s16;
	v2 =	vld [tilespmem:s6+$0x0];
	s29 =	sand.u32 $0x380, s15;
	s17 =	sand.u32 $0x6000, s28  }
0x7ee: {  	s17 =	sor.u32 s29, s17;
	[tilespmem:s13+$0x14000] =	vst.add.f32.msk $0xffff, v0  }
0x7ef: {  	s12 =	sor.u32 $0x1C70, s12;
	v3 =	vld [tilespmem:s17+$0x0]  }
0x7f0: {  	v0 =	vld [tilespmem:s12+$0x0];
	s12 =	sor.u32 s11, s14  }
0x7f1: {  	[tilespmem:s12+$0x0] =	vst.add.f32.msk $0xffff, v1  }
0x7f2: {  	s13 =	sor.u32 s9, s14;
	v1 =	vld [tilespmem:s2+$0x10]  }
0x7f3: {  	[tilespmem:s13+$0x0] =	vst.add.f32.msk $0xffff, v2  }
0x7f4: {  	s14 =	sor.u32 s29, s14;
	v2 =	vld [tilespmem:s6+$0x10]  }
0x7f5: {  	[tilespmem:s14+$0x0] =	vst.add.f32.msk $0xffff, v3  }
0x7f6: {  	s31 =	sor.u32 $0x10, s12;
	v3 =	vld [tilespmem:s17+$0x10]  }
0x7f7: {  	[tilespmem:s31+$0x0] =	vst.add.f32.msk $0xffff, v1  }
0x7f8: {  	s31 =	sor.u32 $0x10, s13;
	v1 =	vld [tilespmem:s2+$0x20]  }
0x7f9: {  	[tilespmem:s31+$0x0] =	vst.add.f32.msk $0xffff, v2  }
0x7fa: {  	s31 =	sor.u32 $0x10, s14;
	v2 =	vld [tilespmem:s6+$0x20]  }
0x7fb: {  	[tilespmem:s31+$0x0] =	vst.add.f32.msk $0xffff, v3  }
0x7fc: {  	s31 =	sor.u32 $0x20, s12;
	v3 =	vld [tilespmem:s17+$0x20]  }
0x7fd: {  	[tilespmem:s31+$0x0] =	vst.add.f32.msk $0xffff, v1  }
0x7fe: {  	s31 =	sor.u32 $0x20, s13;
	v1 =	vld [tilespmem:s2+$0x30]  }
0x7ff: {  	[tilespmem:s31+$0x0] =	vst.add.f32.msk $0xffff, v2  }
0x800: {  	s31 =	sor.u32 $0x20, s14;
	v2 =	vld [tilespmem:s6+$0x30]  }
0x801: {  	[tilespmem:s31+$0x0] =	vst.add.f32.msk $0xffff, v3  }
0x802: {  	s31 =	sor.u32 $0x30, s12;
	v3 =	vld [tilespmem:s17+$0x30]  }
0x803: {  	[tilespmem:s31+$0x0] =	vst.add.f32.msk $0xffff, v1  }
0x804: {  	s31 =	sor.u32 $0x30, s13;
	v1 =	vld [tilespmem:s2+$0x40]  }
0x805: {  	[tilespmem:s31+$0x0] =	vst.add.f32.msk $0xffff, v2  }
0x806: {  	s31 =	sor.u32 $0x30, s14;
	v2 =	vld [tilespmem:s6+$0x40]  }
0x807: {  	[tilespmem:s31+$0x0] =	vst.add.f32.msk $0xffff, v3  }
0x808: {  	s31 =	sor.u32 $0x40, s12;
	v3 =	vld [tilespmem:s17+$0x40]  }
0x809: {  	[tilespmem:s31+$0x0] =	vst.add.f32.msk $0xffff, v1  }
0x80a: {  	s31 =	sor.u32 $0x40, s13;
	v1 =	vld [tilespmem:s2+$0x50]  }
0x80b: {  	[tilespmem:s31+$0x0] =	vst.add.f32.msk $0xffff, v2  }
0x80c: {  	s31 =	sor.u32 $0x40, s14;
	v2 =	vld [tilespmem:s6+$0x50]  }
0x80d: {  	[tilespmem:s31+$0x0] =	vst.add.f32.msk $0xffff, v3  }
0x80e: {  	s31 =	sor.u32 $0x50, s12;
	v3 =	vld [tilespmem:s17+$0x50]  }
0x80f: {  	[tilespmem:s31+$0x0] =	vst.add.f32.msk $0xffff, v1  }
0x810: {  	s31 =	sor.u32 $0x50, s13;
	v1 =	vld [tilespmem:s2+$0x60]  }
0x811: {  	[tilespmem:s31+$0x0] =	vst.add.f32.msk $0xffff, v2  }
0x812: {  	s31 =	sor.u32 $0x50, s14;
	v2 =	vld [tilespmem:s6+$0x60]  }
0x813: {  	[tilespmem:s31+$0x0] =	vst.add.f32.msk $0xffff, v3  }
0x814: {  	s31 =	sor.u32 $0x60, s12;
	v3 =	vld [tilespmem:s17+$0x60]  }
0x815: {  	[tilespmem:s31+$0x0] =	vst.add.f32.msk $0xffff, v1  }
0x816: {  	s31 =	sor.u32 $0x60, s13;
	v1 =	vld [tilespmem:s2+$0x70]  }
0x817: {  	[tilespmem:s31+$0x0] =	vst.add.f32.msk $0xffff, v2  }
0x818: {  	s31 =	sor.u32 $0x60, s14;
	v2 =	vld [tilespmem:s6+$0x70]  }
0x819: {  	[tilespmem:s31+$0x0] =	vst.add.f32.msk $0xffff, v3  }
0x81a: {  	s31 =	sor.u32 $0x70, s12;
	v3 =	vld [tilespmem:s17+$0x70]  }
0x81b: {  	[tilespmem:s31+$0x0] =	vst.add.f32.msk $0xffff, v1  }
0x81c: {  	s31 =	sor.u32 $0x70, s13;
	v1 =	vld [tilespmem:s2+$0x400]  }
0x81d: {  	[tilespmem:s31+$0x0] =	vst.add.f32.msk $0xffff, v2  }
0x81e: {  	s31 =	sor.u32 $0x70, s14;
	v2 =	vld [tilespmem:s6+$0x400]  }
0x81f: {  	[tilespmem:s31+$0x0] =	vst.add.f32.msk $0xffff, v3  }
0x820: {  	s31 =	sor.u32 $0x400, s12;
	v3 =	vld [tilespmem:s17+$0x400]  }
0x821: {  	[tilespmem:s31+$0x0] =	vst.add.f32.msk $0xffff, v1  }
0x822: {  	s31 =	sor.u32 $0x400, s13;
	v1 =	vld [tilespmem:s2+$0x410]  }
0x823: {  	[tilespmem:s31+$0x0] =	vst.add.f32.msk $0xffff, v2  }
0x824: {  	s31 =	sor.u32 $0x400, s14;
	v2 =	vld [tilespmem:s6+$0x410]  }
0x825: {  	[tilespmem:s31+$0x0] =	vst.add.f32.msk $0xffff, v3  }
0x826: {  	s31 =	sor.u32 $0x410, s12;
	v3 =	vld [tilespmem:s17+$0x410]  }
0x827: {  	[tilespmem:s31+$0x0] =	vst.add.f32.msk $0xffff, v1  }
0x828: {  	s31 =	sor.u32 $0x410, s13;
	v1 =	vld [tilespmem:s2+$0x420]  }
0x829: {  	[tilespmem:s31+$0x0] =	vst.add.f32.msk $0xffff, v2  }
0x82a: {  	s31 =	sor.u32 $0x410, s14;
	v2 =	vld [tilespmem:s6+$0x420]  }
0x82b: {  	[tilespmem:s31+$0x0] =	vst.add.f32.msk $0xffff, v3  }
0x82c: {  	s31 =	sor.u32 $0x420, s12;
	v3 =	vld [tilespmem:s17+$0x420]  }
0x82d: {  	[tilespmem:s31+$0x0] =	vst.add.f32.msk $0xffff, v1  }
0x82e: {  	s31 =	sor.u32 $0x420, s13;
	v1 =	vld [tilespmem:s2+$0x430]  }
0x82f: {  	[tilespmem:s31+$0x0] =	vst.add.f32.msk $0xffff, v2  }
0x830: {  	s31 =	sor.u32 $0x420, s14;
	v2 =	vld [tilespmem:s6+$0x430]  }
0x831: {  	[tilespmem:s31+$0x0] =	vst.add.f32.msk $0xffff, v3  }
0x832: {  	s31 =	sor.u32 $0x430, s12;
	v3 =	vld [tilespmem:s17+$0x430]  }
0x833: {  	[tilespmem:s31+$0x0] =	vst.add.f32.msk $0xffff, v1  }
0x834: {  	s31 =	sor.u32 $0x430, s13;
	v1 =	vld [tilespmem:s2+$0x440]  }
0x835: {  	[tilespmem:s31+$0x0] =	vst.add.f32.msk $0xffff, v2  }
0x836: {  	s31 =	sor.u32 $0x430, s14;
	v2 =	vld [tilespmem:s6+$0x440]  }
0x837: {  	[tilespmem:s31+$0x0] =	vst.add.f32.msk $0xffff, v3  }
0x838: {  	s31 =	sor.u32 $0x440, s12;
	v3 =	vld [tilespmem:s17+$0x440]  }
0x839: {  	[tilespmem:s31+$0x0] =	vst.add.f32.msk $0xffff, v1  }
0x83a: {  	s31 =	sor.u32 $0x440, s13;
	v1 =	vld [tilespmem:s2+$0x450]  }
0x83b: {  	[tilespmem:s31+$0x0] =	vst.add.f32.msk $0xffff, v2  }
0x83c: {  	s31 =	sor.u32 $0x440, s14;
	v2 =	vld [tilespmem:s6+$0x450]  }
0x83d: {  	[tilespmem:s31+$0x0] =	vst.add.f32.msk $0xffff, v3  }
0x83e: {  	s31 =	sor.u32 $0x450, s12;
	v3 =	vld [tilespmem:s17+$0x450]  }
0x83f: {  	[tilespmem:s31+$0x0] =	vst.add.f32.msk $0xffff, v1  }
0x840: {  	s31 =	sor.u32 $0x450, s13;
	v1 =	vld [tilespmem:s2+$0x460]  }
0x841: {  	[tilespmem:s31+$0x0] =	vst.add.f32.msk $0xffff, v2  }
0x842: {  	s31 =	sor.u32 $0x450, s14;
	v2 =	vld [tilespmem:s6+$0x460]  }
0x843: {  	[tilespmem:s31+$0x0] =	vst.add.f32.msk $0xffff, v3  }
0x844: {  	s31 =	sor.u32 $0x460, s12;
	v3 =	vld [tilespmem:s17+$0x460]  }
0x845: {  	[tilespmem:s31+$0x0] =	vst.add.f32.msk $0xffff, v1  }
0x846: {  	s31 =	sor.u32 $0x460, s13;
	v1 =	vld [tilespmem:s2+$0x470]  }
0x847: {  	[tilespmem:s31+$0x0] =	vst.add.f32.msk $0xffff, v2  }
0x848: {  	s31 =	sor.u32 $0x460, s14;
	v2 =	vld [tilespmem:s6+$0x470]  }
0x849: {  	[tilespmem:s31+$0x0] =	vst.add.f32.msk $0xffff, v3  }
0x84a: {  	s31 =	sor.u32 $0x470, s12;
	v3 =	vld [tilespmem:s17+$0x470]  }
0x84b: {  	[tilespmem:s31+$0x0] =	vst.add.f32.msk $0xffff, v1  }
0x84c: {  	s31 =	sor.u32 $0x470, s13;
	v1 =	vld [tilespmem:s2+$0x800]  }
0x84d: {  	[tilespmem:s31+$0x0] =	vst.add.f32.msk $0xffff, v2  }
0x84e: {  	s31 =	sor.u32 $0x470, s14;
	v2 =	vld [tilespmem:s6+$0x800]  }
0x84f: {  	[tilespmem:s31+$0x0] =	vst.add.f32.msk $0xffff, v3  }
0x850: {  	s31 =	sor.u32 $0x800, s12;
	v3 =	vld [tilespmem:s17+$0x800]  }
0x851: {  	[tilespmem:s31+$0x0] =	vst.add.f32.msk $0xffff, v1  }
0x852: {  	s31 =	sor.u32 $0x800, s13;
	v1 =	vld [tilespmem:s2+$0x810]  }
0x853: {  	[tilespmem:s31+$0x0] =	vst.add.f32.msk $0xffff, v2  }
0x854: {  	s31 =	sor.u32 $0x800, s14;
	v2 =	vld [tilespmem:s6+$0x810]  }
0x855: {  	[tilespmem:s31+$0x0] =	vst.add.f32.msk $0xffff, v3  }
0x856: {  	s31 =	sor.u32 $0x810, s12;
	v3 =	vld [tilespmem:s17+$0x810]  }
0x857: {  	[tilespmem:s31+$0x0] =	vst.add.f32.msk $0xffff, v1  }
0x858: {  	s31 =	sor.u32 $0x810, s13;
	v1 =	vld [tilespmem:s2+$0x820]  }
0x859: {  	[tilespmem:s31+$0x0] =	vst.add.f32.msk $0xffff, v2  }
0x85a: {  	s31 =	sor.u32 $0x810, s14;
	v2 =	vld [tilespmem:s6+$0x820]  }
0x85b: {  	[tilespmem:s31+$0x0] =	vst.add.f32.msk $0xffff, v3  }
0x85c: {  	s31 =	sor.u32 $0x820, s12;
	v3 =	vld [tilespmem:s17+$0x820]  }
0x85d: {  	[tilespmem:s31+$0x0] =	vst.add.f32.msk $0xffff, v1  }
0x85e: {  	s31 =	sor.u32 $0x820, s13;
	v1 =	vld [tilespmem:s2+$0x830]  }
0x85f: {  	[tilespmem:s31+$0x0] =	vst.add.f32.msk $0xffff, v2  }
0x860: {  	s31 =	sor.u32 $0x820, s14;
	v2 =	vld [tilespmem:s6+$0x830]  }
0x861: {  	[tilespmem:s31+$0x0] =	vst.add.f32.msk $0xffff, v3  }
0x862: {  	s31 =	sor.u32 $0x830, s12;
	v3 =	vld [tilespmem:s17+$0x830]  }
0x863: {  	[tilespmem:s31+$0x0] =	vst.add.f32.msk $0xffff, v1  }
0x864: {  	s31 =	sor.u32 $0x830, s13;
	v1 =	vld [tilespmem:s2+$0x840]  }
0x865: {  	[tilespmem:s31+$0x0] =	vst.add.f32.msk $0xffff, v2  }
0x866: {  	s31 =	sor.u32 $0x830, s14;
	v2 =	vld [tilespmem:s6+$0x840]  }
0x867: {  	[tilespmem:s31+$0x0] =	vst.add.f32.msk $0xffff, v3  }
0x868: {  	s31 =	sor.u32 $0x840, s12;
	v3 =	vld [tilespmem:s17+$0x840]  }
0x869: {  	[tilespmem:s31+$0x0] =	vst.add.f32.msk $0xffff, v1  }
0x86a: {  	s31 =	sor.u32 $0x840, s13;
	v1 =	vld [tilespmem:s2+$0x850]  }
0x86b: {  	[tilespmem:s31+$0x0] =	vst.add.f32.msk $0xffff, v2  }
0x86c: {  	s31 =	sor.u32 $0x840, s14;
	v2 =	vld [tilespmem:s6+$0x850]  }
0x86d: {  	[tilespmem:s31+$0x0] =	vst.add.f32.msk $0xffff, v3  }
0x86e: {  	s31 =	sor.u32 $0x850, s12;
	v3 =	vld [tilespmem:s17+$0x850]  }
0x86f: {  	[tilespmem:s31+$0x0] =	vst.add.f32.msk $0xffff, v1  }
0x870: {  	s31 =	sor.u32 $0x850, s13;
	v1 =	vld [tilespmem:s2+$0x860]  }
0x871: {  	[tilespmem:s31+$0x0] =	vst.add.f32.msk $0xffff, v2  }
0x872: {  	s31 =	sor.u32 $0x850, s14;
	v2 =	vld [tilespmem:s6+$0x860]  }
0x873: {  	[tilespmem:s31+$0x0] =	vst.add.f32.msk $0xffff, v3  }
0x874: {  	s31 =	sor.u32 $0x860, s12;
	v3 =	vld [tilespmem:s17+$0x860]  }
0x875: {  	[tilespmem:s31+$0x0] =	vst.add.f32.msk $0xffff, v1  }
0x876: {  	s31 =	sor.u32 $0x860, s13;
	v1 =	vld [tilespmem:s2+$0x870]  }
0x877: {  	[tilespmem:s31+$0x0] =	vst.add.f32.msk $0xffff, v2  }
0x878: {  	s31 =	sor.u32 $0x860, s14;
	v2 =	vld [tilespmem:s6+$0x870]  }
0x879: {  	[tilespmem:s31+$0x0] =	vst.add.f32.msk $0xffff, v3  }
0x87a: {  	s31 =	sor.u32 $0x870, s12;
	v3 =	vld [tilespmem:s17+$0x870]  }
0x87b: {  	[tilespmem:s31+$0x0] =	vst.add.f32.msk $0xffff, v1  }
0x87c: {  	s31 =	sor.u32 $0x870, s13;
	v1 =	vld [tilespmem:s2+$0xC00]  }
0x87d: {  	[tilespmem:s31+$0x0] =	vst.add.f32.msk $0xffff, v2  }
0x87e: {  	s31 =	sor.u32 $0x870, s14;
	v2 =	vld [tilespmem:s6+$0xC00]  }
0x87f: {  	[tilespmem:s31+$0x0] =	vst.add.f32.msk $0xffff, v3  }
0x880: {  	s31 =	sor.u32 $0xC00, s12;
	v3 =	vld [tilespmem:s17+$0xC00]  }
0x881: {  	[tilespmem:s31+$0x0] =	vst.add.f32.msk $0xffff, v1  }
0x882: {  	s31 =	sor.u32 $0xC00, s13;
	v1 =	vld [tilespmem:s2+$0xC10]  }
0x883: {  	[tilespmem:s31+$0x0] =	vst.add.f32.msk $0xffff, v2  }
0x884: {  	s31 =	sor.u32 $0xC00, s14;
	v2 =	vld [tilespmem:s6+$0xC10]  }
0x885: {  	[tilespmem:s31+$0x0] =	vst.add.f32.msk $0xffff, v3  }
0x886: {  	s31 =	sor.u32 $0xC10, s12;
	v3 =	vld [tilespmem:s17+$0xC10]  }
0x887: {  	[tilespmem:s31+$0x0] =	vst.add.f32.msk $0xffff, v1  }
0x888: {  	s31 =	sor.u32 $0xC10, s13;
	v1 =	vld [tilespmem:s2+$0xC20]  }
0x889: {  	[tilespmem:s31+$0x0] =	vst.add.f32.msk $0xffff, v2  }
0x88a: {  	s31 =	sor.u32 $0xC10, s14;
	v2 =	vld [tilespmem:s6+$0xC20]  }
0x88b: {  	[tilespmem:s31+$0x0] =	vst.add.f32.msk $0xffff, v3  }
0x88c: {  	s31 =	sor.u32 $0xC20, s12;
	v3 =	vld [tilespmem:s17+$0xC20]  }
0x88d: {  	[tilespmem:s31+$0x0] =	vst.add.f32.msk $0xffff, v1  }
0x88e: {  	s31 =	sor.u32 $0xC20, s13;
	v1 =	vld [tilespmem:s2+$0xC30]  }
0x88f: {  	[tilespmem:s31+$0x0] =	vst.add.f32.msk $0xffff, v2  }
0x890: {  	s31 =	sor.u32 $0xC20, s14;
	v2 =	vld [tilespmem:s6+$0xC30]  }
0x891: {  	[tilespmem:s31+$0x0] =	vst.add.f32.msk $0xffff, v3  }
0x892: {  	s31 =	sor.u32 $0xC30, s12;
	v3 =	vld [tilespmem:s17+$0xC30]  }
0x893: {  	[tilespmem:s31+$0x0] =	vst.add.f32.msk $0xffff, v1  }
0x894: {  	s31 =	sor.u32 $0xC30, s13;
	v1 =	vld [tilespmem:s2+$0xC40]  }
0x895: {  	[tilespmem:s31+$0x0] =	vst.add.f32.msk $0xffff, v2  }
0x896: {  	s31 =	sor.u32 $0xC30, s14;
	v2 =	vld [tilespmem:s6+$0xC40]  }
0x897: {  	[tilespmem:s31+$0x0] =	vst.add.f32.msk $0xffff, v3  }
0x898: {  	s31 =	sor.u32 $0xC40, s12;
	v3 =	vld [tilespmem:s17+$0xC40]  }
0x899: {  	[tilespmem:s31+$0x0] =	vst.add.f32.msk $0xffff, v1  }
0x89a: {  	s31 =	sor.u32 $0xC40, s13;
	v1 =	vld [tilespmem:s2+$0xC50]  }
0x89b: {  	[tilespmem:s31+$0x0] =	vst.add.f32.msk $0xffff, v2  }
0x89c: {  	s31 =	sor.u32 $0xC40, s14;
	v2 =	vld [tilespmem:s6+$0xC50]  }
0x89d: {  	[tilespmem:s31+$0x0] =	vst.add.f32.msk $0xffff, v3  }
0x89e: {  	s31 =	sor.u32 $0xC50, s12;
	v3 =	vld [tilespmem:s17+$0xC50]  }
0x89f: {  	[tilespmem:s31+$0x0] =	vst.add.f32.msk $0xffff, v1  }
0x8a0: {  	s31 =	sor.u32 $0xC50, s13;
	v1 =	vld [tilespmem:s2+$0xC60]  }
0x8a1: {  	[tilespmem:s31+$0x0] =	vst.add.f32.msk $0xffff, v2  }
0x8a2: {  	s31 =	sor.u32 $0xC50, s14;
	v2 =	vld [tilespmem:s6+$0xC60]  }
0x8a3: {  	[tilespmem:s31+$0x0] =	vst.add.f32.msk $0xffff, v3  }
0x8a4: {  	s31 =	sor.u32 $0xC60, s12;
	v3 =	vld [tilespmem:s17+$0xC60]  }
0x8a5: {  	[tilespmem:s31+$0x0] =	vst.add.f32.msk $0xffff, v1  }
0x8a6: {  	s31 =	sor.u32 $0xC60, s13;
	v1 =	vld [tilespmem:s2+$0xC70]  }
0x8a7: {  	[tilespmem:s31+$0x0] =	vst.add.f32.msk $0xffff, v2  }
0x8a8: {  	s31 =	sor.u32 $0xC60, s14;
	v2 =	vld [tilespmem:s6+$0xC70]  }
0x8a9: {  	[tilespmem:s31+$0x0] =	vst.add.f32.msk $0xffff, v3  }
0x8aa: {  	s12 =	sor.u32 $0xC70, s12;
	v3 =	vld [tilespmem:s17+$0xC70]  }
0x8ab: {  	[tilespmem:s12+$0x0] =	vst.add.f32.msk $0xffff, v1  }
0x8ac: {  	s13 =	sor.u32 $0xC70, s13;
	v1 =	vld [tilespmem:s2+$0x1000]  }
0x8ad: {  	[tilespmem:s13+$0x0] =	vst.add.f32.msk $0xffff, v2  }
0x8ae: {  	s14 =	sor.u32 $0xC70, s14;
	v2 =	vld [tilespmem:s6+$0x1000]  }
0x8af: {  	s12 =	sor.u32 s26, s11;
	[tilespmem:s14+$0x0] =	vst.add.f32.msk $0xffff, v3  }
0x8b0: {  	s15 =	sor.u32 $0x1000, s12;
	v3 =	vld [tilespmem:s17+$0x1000]  }
0x8b1: {  	s13 =	sor.u32 s26, s9;
	[tilespmem:s15+$0x14000] =	vst.add.f32.msk $0xffff, v1  }
0x8b2: {  	s31 =	sor.u32 $0x1000, s13;
	v1 =	vld [tilespmem:s2+$0x1010]  }
0x8b3: {  	s26 =	sor.u32 s26, s29;
	[tilespmem:s31+$0x14000] =	vst.add.f32.msk $0xffff, v2  }
0x8b4: {  	s15 =	sor.u32 $0x1000, s26;
	v2 =	vld [tilespmem:s6+$0x1010]  }
0x8b5: {  	[tilespmem:s15+$0x14000] =	vst.add.f32.msk $0xffff, v3  }
0x8b6: {  	s31 =	sor.u32 $0x1010, s12;
	v3 =	vld [tilespmem:s17+$0x1010]  }
0x8b7: {  	[tilespmem:s31+$0x14000] =	vst.add.f32.msk $0xffff, v1  }
0x8b8: {  	s15 =	sor.u32 $0x1010, s13;
	v1 =	vld [tilespmem:s2+$0x1020]  }
0x8b9: {  	[tilespmem:s15+$0x14000] =	vst.add.f32.msk $0xffff, v2  }
0x8ba: {  	s31 =	sor.u32 $0x1010, s26;
	v2 =	vld [tilespmem:s6+$0x1020]  }
0x8bb: {  	[tilespmem:s31+$0x14000] =	vst.add.f32.msk $0xffff, v3  }
0x8bc: {  	s15 =	sor.u32 $0x1020, s12;
	v3 =	vld [tilespmem:s17+$0x1020]  }
0x8bd: {  	[tilespmem:s15+$0x14000] =	vst.add.f32.msk $0xffff, v1  }
0x8be: {  	s31 =	sor.u32 $0x1020, s13;
	v1 =	vld [tilespmem:s2+$0x1030]  }
0x8bf: {  	[tilespmem:s31+$0x14000] =	vst.add.f32.msk $0xffff, v2  }
0x8c0: {  	s15 =	sor.u32 $0x1020, s26;
	v2 =	vld [tilespmem:s6+$0x1030]  }
0x8c1: {  	[tilespmem:s15+$0x14000] =	vst.add.f32.msk $0xffff, v3  }
0x8c2: {  	s31 =	sor.u32 $0x1030, s12;
	v3 =	vld [tilespmem:s17+$0x1030]  }
0x8c3: {  	[tilespmem:s31+$0x14000] =	vst.add.f32.msk $0xffff, v1  }
0x8c4: {  	s15 =	sor.u32 $0x1030, s13;
	v1 =	vld [tilespmem:s2+$0x1040]  }
0x8c5: {  	[tilespmem:s15+$0x14000] =	vst.add.f32.msk $0xffff, v2  }
0x8c6: {  	s31 =	sor.u32 $0x1030, s26;
	v2 =	vld [tilespmem:s6+$0x1040]  }
0x8c7: {  	[tilespmem:s31+$0x14000] =	vst.add.f32.msk $0xffff, v3  }
0x8c8: {  	s15 =	sor.u32 $0x1040, s12;
	v3 =	vld [tilespmem:s17+$0x1040]  }
0x8c9: {  	[tilespmem:s15+$0x14000] =	vst.add.f32.msk $0xffff, v1  }
0x8ca: {  	s31 =	sor.u32 $0x1040, s13;
	v1 =	vld [tilespmem:s2+$0x1050]  }
0x8cb: {  	[tilespmem:s31+$0x14000] =	vst.add.f32.msk $0xffff, v2  }
0x8cc: {  	s15 =	sor.u32 $0x1040, s26;
	v2 =	vld [tilespmem:s6+$0x1050]  }
0x8cd: {  	[tilespmem:s15+$0x14000] =	vst.add.f32.msk $0xffff, v3  }
0x8ce: {  	s31 =	sor.u32 $0x1050, s12;
	v3 =	vld [tilespmem:s17+$0x1050]  }
0x8cf: {  	[tilespmem:s31+$0x14000] =	vst.add.f32.msk $0xffff, v1  }
0x8d0: {  	s15 =	sor.u32 $0x1050, s13;
	v1 =	vld [tilespmem:s2+$0x1060]  }
0x8d1: {  	[tilespmem:s15+$0x14000] =	vst.add.f32.msk $0xffff, v2  }
0x8d2: {  	s31 =	sor.u32 $0x1050, s26;
	v2 =	vld [tilespmem:s6+$0x1060]  }
0x8d3: {  	[tilespmem:s31+$0x14000] =	vst.add.f32.msk $0xffff, v3  }
0x8d4: {  	s15 =	sor.u32 $0x1060, s12;
	v3 =	vld [tilespmem:s17+$0x1060]  }
0x8d5: {  	[tilespmem:s15+$0x14000] =	vst.add.f32.msk $0xffff, v1  }
0x8d6: {  	s31 =	sor.u32 $0x1060, s13;
	v1 =	vld [tilespmem:s2+$0x1070]  }
0x8d7: {  	[tilespmem:s31+$0x14000] =	vst.add.f32.msk $0xffff, v2  }
0x8d8: {  	s15 =	sor.u32 $0x1060, s26;
	v2 =	vld [tilespmem:s6+$0x1070]  }
0x8d9: {  	[tilespmem:s15+$0x14000] =	vst.add.f32.msk $0xffff, v3  }
0x8da: {  	s10 =	sor.u32 s11, s10;
	s31 =	sor.u32 $0x1070, s12;
	v3 =	vld [tilespmem:s17+$0x1070]  }
0x8db: {  	s14 =	sor.u32 $0x1400, s10;
	[tilespmem:s31+$0x14000] =	vst.add.f32.msk $0xffff, v1  }
0x8dc: {  	s15 =	sor.u32 $0x1070, s13;
	v1 =	vld [tilespmem:s14+$0x0]  }
0x8dd: {  	[tilespmem:s15+$0x14000] =	vst.add.f32.msk $0xffff, v2  }
0x8de: {  	s31 =	sor.u32 $0x1070, s26;
	v2 =	vld [tilespmem:s6+$0x1400]  }
0x8df: {  	[tilespmem:s31+$0x14000] =	vst.add.f32.msk $0xffff, v3  }
0x8e0: {  	s14 =	sor.u32 $0x1400, s12;
	v3 =	vld [tilespmem:s17+$0x1400]  }
0x8e1: {  	s15 =	sor.u32 $0x1410, s10;
	[tilespmem:s14+$0x14000] =	vst.add.f32.msk $0xffff, v1  }
0x8e2: {  	s31 =	sor.u32 $0x1400, s13;
	v1 =	vld [tilespmem:s15+$0x0]  }
0x8e3: {  	[tilespmem:s31+$0x14000] =	vst.add.f32.msk $0xffff, v2  }
0x8e4: {  	s14 =	sor.u32 $0x1400, s26;
	v2 =	vld [tilespmem:s6+$0x1410]  }
0x8e5: {  	[tilespmem:s14+$0x14000] =	vst.add.f32.msk $0xffff, v3  }
0x8e6: {  	s15 =	sor.u32 $0x1410, s12;
	v3 =	vld [tilespmem:s17+$0x1410]  }
0x8e7: {  	s31 =	sor.u32 $0x1420, s10;
	[tilespmem:s15+$0x14000] =	vst.add.f32.msk $0xffff, v1  }
0x8e8: {  	s14 =	sor.u32 $0x1410, s13;
	v1 =	vld [tilespmem:s31+$0x0]  }
0x8e9: {  	[tilespmem:s14+$0x14000] =	vst.add.f32.msk $0xffff, v2  }
0x8ea: {  	s15 =	sor.u32 $0x1410, s26;
	v2 =	vld [tilespmem:s6+$0x1420]  }
0x8eb: {  	[tilespmem:s15+$0x14000] =	vst.add.f32.msk $0xffff, v3  }
0x8ec: {  	s31 =	sor.u32 $0x1420, s12;
	v3 =	vld [tilespmem:s17+$0x1420]  }
0x8ed: {  	s14 =	sor.u32 $0x1430, s10;
	[tilespmem:s31+$0x14000] =	vst.add.f32.msk $0xffff, v1  }
0x8ee: {  	s15 =	sor.u32 $0x1420, s13;
	v1 =	vld [tilespmem:s14+$0x0]  }
0x8ef: {  	[tilespmem:s15+$0x14000] =	vst.add.f32.msk $0xffff, v2  }
0x8f0: {  	s31 =	sor.u32 $0x1420, s26;
	v2 =	vld [tilespmem:s6+$0x1430]  }
0x8f1: {  	[tilespmem:s31+$0x14000] =	vst.add.f32.msk $0xffff, v3  }
0x8f2: {  	s14 =	sor.u32 $0x1430, s12;
	v3 =	vld [tilespmem:s17+$0x1430]  }
0x8f3: {  	s15 =	sor.u32 $0x1440, s10;
	[tilespmem:s14+$0x14000] =	vst.add.f32.msk $0xffff, v1  }
0x8f4: {  	s31 =	sor.u32 $0x1430, s13;
	v1 =	vld [tilespmem:s15+$0x0]  }
0x8f5: {  	[tilespmem:s31+$0x14000] =	vst.add.f32.msk $0xffff, v2  }
0x8f6: {  	s14 =	sor.u32 $0x1430, s26;
	v2 =	vld [tilespmem:s6+$0x1440]  }
0x8f7: {  	[tilespmem:s14+$0x14000] =	vst.add.f32.msk $0xffff, v3  }
0x8f8: {  	s15 =	sor.u32 $0x1440, s12;
	v3 =	vld [tilespmem:s17+$0x1440]  }
0x8f9: {  	s31 =	sor.u32 $0x1450, s10;
	[tilespmem:s15+$0x14000] =	vst.add.f32.msk $0xffff, v1  }
0x8fa: {  	s14 =	sor.u32 $0x1440, s13;
	v1 =	vld [tilespmem:s31+$0x0]  }
0x8fb: {  	[tilespmem:s14+$0x14000] =	vst.add.f32.msk $0xffff, v2  }
0x8fc: {  	s15 =	sor.u32 $0x1440, s26;
	v2 =	vld [tilespmem:s6+$0x1450]  }
0x8fd: {  	[tilespmem:s15+$0x14000] =	vst.add.f32.msk $0xffff, v3  }
0x8fe: {  	s31 =	sor.u32 $0x1450, s12;
	v3 =	vld [tilespmem:s17+$0x1450]  }
0x8ff: {  	s14 =	sor.u32 $0x1460, s10;
	[tilespmem:s31+$0x14000] =	vst.add.f32.msk $0xffff, v1  }
0x900: {  	s15 =	sor.u32 $0x1450, s13;
	v1 =	vld [tilespmem:s14+$0x0]  }
0x901: {  	[tilespmem:s15+$0x14000] =	vst.add.f32.msk $0xffff, v2  }
0x902: {  	s31 =	sor.u32 $0x1450, s26;
	v2 =	vld [tilespmem:s6+$0x1460]  }
0x903: {  	[tilespmem:s31+$0x14000] =	vst.add.f32.msk $0xffff, v3  }
0x904: {  	s14 =	sor.u32 $0x1460, s12;
	v3 =	vld [tilespmem:s17+$0x1460]  }
0x905: {  	s15 =	sor.u32 $0x1470, s10;
	[tilespmem:s14+$0x14000] =	vst.add.f32.msk $0xffff, v1  }
0x906: {  	s31 =	sor.u32 $0x1460, s13;
	v1 =	vld [tilespmem:s15+$0x0]  }
0x907: {  	[tilespmem:s31+$0x14000] =	vst.add.f32.msk $0xffff, v2  }
0x908: {  	s11 =	sor.u32 $0x1460, s26;
	v2 =	vld [tilespmem:s6+$0x1470]  }
0x909: {  	[tilespmem:s11+$0x14000] =	vst.add.f32.msk $0xffff, v3  }
0x90a: {  	s14 =	sor.u32 $0x1470, s12;
	v3 =	vld [tilespmem:s17+$0x1470]  }
0x90b: {  	[tilespmem:s14+$0x14000] =	vst.add.f32.msk $0xffff, v1  }
0x90c: {  	s15 =	sor.u32 $0x1470, s13;
	s6 =	sor.u32 s9, s18;
	v1 =	vld [tilespmem:s2+$0x1800]  }
0x90d: {  	s18 =	sor.u32 $0x1800, s6;
	[tilespmem:s15+$0x14000] =	vst.add.f32.msk $0xffff, v2  }
0x90e: {  	s31 =	sor.u32 $0x1470, s26;
	v2 =	vld [tilespmem:s18+$0x0]  }
0x90f: {  	[tilespmem:s31+$0x14000] =	vst.add.f32.msk $0xffff, v3  }
0x910: {  	s11 =	sor.u32 $0x1800, s12;
	v3 =	vld [tilespmem:s17+$0x1800]  }
0x911: {  	[tilespmem:s11+$0x14000] =	vst.add.f32.msk $0xffff, v1  }
0x912: {  	s14 =	sor.u32 $0x1800, s13;
	v1 =	vld [tilespmem:s2+$0x1810]  }
0x913: {  	s15 =	sor.u32 $0x1810, s6;
	[tilespmem:s14+$0x14000] =	vst.add.f32.msk $0xffff, v2  }
0x914: {  	s18 =	sor.u32 $0x1800, s26;
	v2 =	vld [tilespmem:s15+$0x0]  }
0x915: {  	[tilespmem:s18+$0x14000] =	vst.add.f32.msk $0xffff, v3  }
0x916: {  	s31 =	sor.u32 $0x1810, s12;
	v3 =	vld [tilespmem:s17+$0x1810]  }
0x917: {  	[tilespmem:s31+$0x14000] =	vst.add.f32.msk $0xffff, v1  }
0x918: {  	s11 =	sor.u32 $0x1810, s13;
	v1 =	vld [tilespmem:s2+$0x1820]  }
0x919: {  	s14 =	sor.u32 $0x1820, s6;
	[tilespmem:s11+$0x14000] =	vst.add.f32.msk $0xffff, v2  }
0x91a: {  	s15 =	sor.u32 $0x1810, s26;
	v2 =	vld [tilespmem:s14+$0x0]  }
0x91b: {  	[tilespmem:s15+$0x14000] =	vst.add.f32.msk $0xffff, v3  }
0x91c: {  	s18 =	sor.u32 $0x1820, s12;
	v3 =	vld [tilespmem:s17+$0x1820]  }
0x91d: {  	[tilespmem:s18+$0x14000] =	vst.add.f32.msk $0xffff, v1  }
0x91e: {  	s31 =	sor.u32 $0x1820, s13;
	v1 =	vld [tilespmem:s2+$0x1830]  }
0x91f: {  	s11 =	sor.u32 $0x1830, s6;
	[tilespmem:s31+$0x14000] =	vst.add.f32.msk $0xffff, v2  }
0x920: {  	s14 =	sor.u32 $0x1820, s26;
	v2 =	vld [tilespmem:s11+$0x0]  }
0x921: {  	[tilespmem:s14+$0x14000] =	vst.add.f32.msk $0xffff, v3  }
0x922: {  	s15 =	sor.u32 $0x1830, s12;
	v3 =	vld [tilespmem:s17+$0x1830]  }
0x923: {  	[tilespmem:s15+$0x14000] =	vst.add.f32.msk $0xffff, v1  }
0x924: {  	s18 =	sor.u32 $0x1830, s13;
	v1 =	vld [tilespmem:s2+$0x1840]  }
0x925: {  	s31 =	sor.u32 $0x1840, s6;
	[tilespmem:s18+$0x14000] =	vst.add.f32.msk $0xffff, v2  }
0x926: {  	s11 =	sor.u32 $0x1830, s26;
	v2 =	vld [tilespmem:s31+$0x0]  }
0x927: {  	[tilespmem:s11+$0x14000] =	vst.add.f32.msk $0xffff, v3  }
0x928: {  	s14 =	sor.u32 $0x1840, s12;
	v3 =	vld [tilespmem:s17+$0x1840]  }
0x929: {  	[tilespmem:s14+$0x14000] =	vst.add.f32.msk $0xffff, v1  }
0x92a: {  	s15 =	sor.u32 $0x1840, s13;
	v1 =	vld [tilespmem:s2+$0x1850]  }
0x92b: {  	s18 =	sor.u32 $0x1850, s6;
	[tilespmem:s15+$0x14000] =	vst.add.f32.msk $0xffff, v2  }
0x92c: {  	s31 =	sor.u32 $0x1840, s26;
	v2 =	vld [tilespmem:s18+$0x0]  }
0x92d: {  	[tilespmem:s31+$0x14000] =	vst.add.f32.msk $0xffff, v3  }
0x92e: {  	s11 =	sor.u32 $0x1850, s12;
	v3 =	vld [tilespmem:s17+$0x1850]  }
0x92f: {  	[tilespmem:s11+$0x14000] =	vst.add.f32.msk $0xffff, v1  }
0x930: {  	s14 =	sor.u32 $0x1850, s13;
	v1 =	vld [tilespmem:s2+$0x1860]  }
0x931: {  	s15 =	sor.u32 $0x1860, s6;
	[tilespmem:s14+$0x14000] =	vst.add.f32.msk $0xffff, v2  }
0x932: {  	s18 =	sor.u32 $0x1850, s26;
	v2 =	vld [tilespmem:s15+$0x0]  }
0x933: {  	[tilespmem:s18+$0x14000] =	vst.add.f32.msk $0xffff, v3  }
0x934: {  	s31 =	sor.u32 $0x1860, s12;
	v3 =	vld [tilespmem:s17+$0x1860]  }
0x935: {  	[tilespmem:s31+$0x14000] =	vst.add.f32.msk $0xffff, v1  }
0x936: {  	s11 =	sor.u32 $0x1860, s13;
	v1 =	vld [tilespmem:s2+$0x1870]  }
0x937: {  	s14 =	sor.u32 $0x1870, s6;
	[tilespmem:s11+$0x14000] =	vst.add.f32.msk $0xffff, v2  }
0x938: {  	s15 =	sor.u32 $0x1860, s26;
	v2 =	vld [tilespmem:s14+$0x0]  }
0x939: {  	[tilespmem:s15+$0x14000] =	vst.add.f32.msk $0xffff, v3  }
0x93a: {  	s18 =	sor.u32 $0x1870, s12;
	v3 =	vld [tilespmem:s17+$0x1870]  }
0x93b: {  	s31 =	sor.u32 $0x1C00, s10;
	[tilespmem:s18+$0x14000] =	vst.add.f32.msk $0xffff, v1  }
0x93c: {  	s9 =	sor.u32 $0x1870, s13;
	v1 =	vld [tilespmem:s31+$0x0]  }
0x93d: {  	s11 =	sor.u32 $0x1C00, s6;
	[tilespmem:s9+$0x14000] =	vst.add.f32.msk $0xffff, v2  }
0x93e: {  	s2 =	sor.u32 s29, s28;
	s14 =	sor.u32 $0x1870, s26;
	v2 =	vld [tilespmem:s11+$0x0]  }
0x93f: {  	s15 =	sor.u32 $0x1C00, s2;
	[tilespmem:s14+$0x14000] =	vst.add.f32.msk $0xffff, v3  }
0x940: {  	s17 =	sor.u32 $0x1C00, s12;
	v3 =	vld [tilespmem:s15+$0x0]  }
0x941: {  	s18 =	sor.u32 $0x1C10, s10;
	[tilespmem:s17+$0x14000] =	vst.add.f32.msk $0xffff, v1  }
0x942: {  	s28 =	sor.u32 $0x1C00, s13;
	v1 =	vld [tilespmem:s18+$0x0]  }
0x943: {  	s29 =	sor.u32 $0x1C10, s6;
	[tilespmem:s28+$0x14000] =	vst.add.f32.msk $0xffff, v2  }
0x944: {  	s31 =	sor.u32 $0x1C00, s26;
	v2 =	vld [tilespmem:s29+$0x0]  }
0x945: {  	s11 =	sor.u32 $0x1C10, s2;
	[tilespmem:s31+$0x14000] =	vst.add.f32.msk $0xffff, v3  }
0x946: {  	s14 =	sor.u32 $0x1C10, s12;
	v3 =	vld [tilespmem:s11+$0x0]  }
0x947: {  	s15 =	sor.u32 $0x1C20, s10;
	[tilespmem:s14+$0x14000] =	vst.add.f32.msk $0xffff, v1  }
0x948: {  	s17 =	sor.u32 $0x1C10, s13;
	v1 =	vld [tilespmem:s15+$0x0]  }
0x949: {  	s18 =	sor.u32 $0x1C20, s6;
	[tilespmem:s17+$0x14000] =	vst.add.f32.msk $0xffff, v2  }
0x94a: {  	s28 =	sor.u32 $0x1C10, s26;
	v2 =	vld [tilespmem:s18+$0x0]  }
0x94b: {  	s29 =	sor.u32 $0x1C20, s2;
	[tilespmem:s28+$0x14000] =	vst.add.f32.msk $0xffff, v3  }
0x94c: {  	s31 =	sor.u32 $0x1C20, s12;
	v3 =	vld [tilespmem:s29+$0x0]  }
0x94d: {  	s11 =	sor.u32 $0x1C30, s10;
	[tilespmem:s31+$0x14000] =	vst.add.f32.msk $0xffff, v1  }
0x94e: {  	s14 =	sor.u32 $0x1C20, s13;
	v1 =	vld [tilespmem:s11+$0x0]  }
0x94f: {  	s15 =	sor.u32 $0x1C30, s6;
	[tilespmem:s14+$0x14000] =	vst.add.f32.msk $0xffff, v2  }
0x950: {  	s17 =	sor.u32 $0x1C20, s26;
	v2 =	vld [tilespmem:s15+$0x0]  }
0x951: {  	s18 =	sor.u32 $0x1C30, s2;
	[tilespmem:s17+$0x14000] =	vst.add.f32.msk $0xffff, v3  }
0x952: {  	s28 =	sor.u32 $0x1C30, s12;
	v3 =	vld [tilespmem:s18+$0x0]  }
0x953: {  	s29 =	sor.u32 $0x1C40, s10;
	[tilespmem:s28+$0x14000] =	vst.add.f32.msk $0xffff, v1  }
0x954: {  	s31 =	sor.u32 $0x1C30, s13;
	v1 =	vld [tilespmem:s29+$0x0]  }
0x955: {  	s11 =	sor.u32 $0x1C40, s6;
	[tilespmem:s31+$0x14000] =	vst.add.f32.msk $0xffff, v2  }
0x956: {  	s14 =	sor.u32 $0x1C30, s26;
	v2 =	vld [tilespmem:s11+$0x0]  }
0x957: {  	s15 =	sor.u32 $0x1C40, s2;
	[tilespmem:s14+$0x14000] =	vst.add.f32.msk $0xffff, v3  }
0x958: {  	s17 =	sor.u32 $0x1C40, s12;
	v3 =	vld [tilespmem:s15+$0x0]  }
0x959: {  	s18 =	sor.u32 $0x1C50, s10;
	[tilespmem:s17+$0x14000] =	vst.add.f32.msk $0xffff, v1  }
0x95a: {  	s28 =	sor.u32 $0x1C40, s13;
	v1 =	vld [tilespmem:s18+$0x0]  }
0x95b: {  	s29 =	sor.u32 $0x1C50, s6;
	[tilespmem:s28+$0x14000] =	vst.add.f32.msk $0xffff, v2  }
0x95c: {  	s31 =	sor.u32 $0x1C40, s26;
	v2 =	vld [tilespmem:s29+$0x0]  }
0x95d: {  	s11 =	sor.u32 $0x1C50, s2;
	[tilespmem:s31+$0x14000] =	vst.add.f32.msk $0xffff, v3  }
0x95e: {  	s14 =	sor.u32 $0x1C50, s12;
	v3 =	vld [tilespmem:s11+$0x0]  }
0x95f: {  	s15 =	sor.u32 $0x1C60, s10;
	[tilespmem:s14+$0x14000] =	vst.add.f32.msk $0xffff, v1  }
0x960: {  	s17 =	sor.u32 $0x1C50, s13;
	v1 =	vld [tilespmem:s15+$0x0]  }
0x961: {  	s18 =	sor.u32 $0x1C60, s6;
	[tilespmem:s17+$0x14000] =	vst.add.f32.msk $0xffff, v2  }
0x962: {  	s28 =	sor.u32 $0x1C50, s26;
	v2 =	vld [tilespmem:s18+$0x0]  }
0x963: {  	s29 =	sor.u32 $0x1C60, s2;
	[tilespmem:s28+$0x14000] =	vst.add.f32.msk $0xffff, v3  }
0x964: {  	s31 =	sor.u32 $0x1C60, s12;
	v3 =	vld [tilespmem:s29+$0x0]  }
0x965: {  	s11 =	sor.u32 $0x1C70, s10;
	[tilespmem:s31+$0x14000] =	vst.add.f32.msk $0xffff, v1  }
0x966: {  	s14 =	sor.u32 $0x1C60, s13;
	v1 =	vld [tilespmem:s11+$0x0]  }
0x967: {  	s6 =	sor.u32 $0x1C70, s6;
	[tilespmem:s14+$0x14000] =	vst.add.f32.msk $0xffff, v2  }
0x968: {  	s15 =	sor.u32 $0x1C60, s26;
	v2 =	vld [tilespmem:s6+$0x0]  }
0x969: {  	s2 =	sor.u32 $0x1C70, s2;
	[tilespmem:s15+$0x14000] =	vst.add.f32.msk $0xffff, v3  }
0x96a: {  	p0 =	slt.u32 s7, $0xC;
	v3 =	vld [tilespmem:s2+$0x0]  }
.Ltmp3:
0x96b: {  	s17 =	sor.u32 $0x1C70, s16;
	(pc) =	sbr.rel @p0 .LBB2_9-.Ltmp3, $4  }
0x96c: {  	[tilespmem:s17+$0x14000] =	vst.add.f32.msk $0xffff, v0;
	s18 =	sor.u32 $0x1C70, s12  }
0x96d: {  	s28 =	sor.u32 $0x1C70, s13;
	[tilespmem:s18+$0x14000] =	vst.add.f32.msk $0xffff, v1  }
0x96e: {  	s29 =	sor.u32 $0x1C70, s26;
	s31 =	sadd.s32 $0x4, s7;
	[tilespmem:s28+$0x14000] =	vst.add.f32.msk $0xffff, v2  }
0x96f: {  	s7 =	smov.u32 s31;
	[tilespmem:s29+$0x14000] =	vst.add.f32.msk $0xffff, v3  }
0x970: {  	p0 =	sne.s32 s0, $0x10  }
.Ltmp4:
0x971: {  	_ = 	snop;
	(pc) =	sbr.rel @p0 .LBB2_2-.Ltmp4, $4  }
0x972: {  	_ = 	snop  }
0x973: {  	s1 =	rddreg [dreg:$0xc]  }
0x974: {  	s1 =	sadd.s32 s8, s1  }
0x975: {  	[hbm4b:s1+s3] =	stream.linear.scatter [tilespmem:s23], [sflag:$0x9], $0x4000, $0x38;
	[tilespmem:$0x18000] =	vst v63  }
0x976: {  	s0 =	simm.s32 $0x6  }
0x977: {  	_ =	swait.ge [sflag:s0], $0x4000  }
0x978: {  	[sflag:s0] =	ssyncset.done $0x0  }
0x979: {  	s28 =	simm.s32 $0x7;
	[sflag:s0] =	ssyncadd.s32 $0xFFFFC000  }
0x97a: {  	_ =	swait.ge [sflag:s28], $0x4000  }
0x97b: {  	[sflag:s28] =	ssyncset.done $0x0  }
0x97c: {  	s29 =	simm.s32 $0x8;
	[sflag:s28] =	ssyncadd.s32 $0xFFFFC000  }
0x97d: {  	_ =	swait.ge [sflag:s29], $0x4000  }
0x97e: {  	[sflag:s29] =	ssyncset.done $0x0  }
0x97f: {  	s1 =	simm.s32 $0x9;
	[sflag:s29] =	ssyncadd.s32 $0xFFFFC000  }
0x980: {  	_ =	swait.ge [sflag:s1], $0x4000  }
0x981: {  	s2 =	rddreg [dreg:$0xe]  }
0x982: {  	s31 =	rddreg [dreg:$0xd];
	s2 =	sadd.s32 $0x1, s2  }
0x983: {  	p0 =	sne.s32 s2, s31  }
.Ltmp5:
0x984: {  	_ = 	snop;
	(pc) =	sbr.rel @p0 .LBB2_1-.Ltmp5, $3  }
0x985: {  	_ =	sdelay $0x1  }
0x986: {  	[sflag:s1] =	ssyncset.done $0x0  }
0x987: {  	[sflag:s1] =	ssyncadd.s32 $0xFFFFC000  }
0x988: {  	_ =	sfence.sel $0x180000  }
0x989: {  	[bflag:$0x0] =	sbarrier.arrive $0xFFFF  }
0x98a: {  	_ =	strace $0x90000047  }
0x98b: {  	s0 =	stileid.u32;
	[bflag:$0x2] =	sbarrier.arrive $0xFFFF  }
0x98c: {  	p0 =	sne.s32 s0, $0x0;
	s0 =	rddreg [dreg:$0x3]  }
0x98d: {  	s0 =	sadd.s32 @!p0 $0x100000, s0  }
0x98e: {  	[sflag:s0] =	ssyncadd.tile.s32 @!p0 $0x1;
	_ =	shalt  }
.Lfunc_end2:
_tile_overlayer_lowered:
.L_overlay_start_2:
0x98f: {  	(tag) =	ssettag $0x2  }
0x990: {  	s0 =	rddreg [dreg:$0x0];
	s2 =	stileid.u32  }
0x991: {  	s1 =	rddreg [dreg:$0x1];
	p0 =	sne.s32 s2, $0x0  }
0x992: {  	s3 =	rddreg [dreg:$0x2];
	[bflag:$0x3] =	sbarrier.arrive $0xFFFF;
	s2 =	simm.s32 @!p0 $0x1C0A  }
0x993: {  	[timem:s3], [sflag:s2] =	dma.local @!p0 [hbm:s0], s1  }
0x994: {  	s0 =	simm.s32 @!p0 $0xA  }
0x995: {  	_ =	swait.ge @!p0 [sflag:s0], s1  }
0x996: {  	s1 =	ssub.s32 @!p0 $0x0, s1;
	[sflag:s0] =	ssyncset.done @!p0 $0x0  }
0x997: {  	[sflag:s0] =	ssyncadd.s32 @!p0 s1  }
0x998: {  	[bflag:$0x3] =	sbarrier.arrive $0xFFFF  }
0x999: {  	_ =	shalt  }

</sc_bundles>
